<compile_context>
chip_gen: v7x
topology: tpu7x:2x2x1
jax: 0.10.2.dev20260603
libtpu: 0.0.44.dev20260713+nightly
codegen_flags: <defaults>
</compile_context>

<pallas_src>
import functools

import jax
import jax.numpy as jnp
from jax import lax
from jax.experimental import pallas as pl
from jax.experimental.pallas import tpu as pltpu
from jax.experimental.pallas import tpu_sc as plsc

BATCH = 4096
SEQ = 200
HIDDEN = 64
NC = 2
NS = 16
NW = NC * NS
SEQ_PER_W = BATCH // NW
NITERS = SEQ_PER_W // 4
HALF = SEQ // 2

C1 = -1.5957691216057308
C2 = C1 * 0.044715


def _gelu_vec(x):
    return x / (1.0 + jnp.exp(x * (C1 + C2 * (x * x))))


def _body(seq_hbm, wt_hbm, pt_hbm, out_hbm, idx_v, rows_v, pos_v,
          gs0, gs1, gs2, gs3, ws0, ws1, ws2, ws3):
    wid = lax.axis_index("s") * NC + lax.axis_index("c")
    pltpu.sync_copy(pt_hbm, pos_v)
    pltpu.sync_copy(seq_hbm.at[wid], idx_v)

    gsems = (gs0, gs1, gs2, gs3)
    wsems = (ws0, ws1, ws2, ws3)

    def issue_gather(g, buf):
        for j in range(2):
            pltpu.async_copy(
                wt_hbm.at[idx_v.at[g, j]],
                rows_v.at[buf, pl.ds(j * HALF, HALF)],
                gsems[buf])

    def wait_gather(buf):
        for j in range(2):
            pltpu.make_async_copy(
                wt_hbm.at[idx_v.at[0, j]],
                rows_v.at[buf, pl.ds(j * HALF, HALF)],
                gsems[buf]).wait()

    def issue_wb(g, buf):
        pltpu.async_copy(rows_v.at[buf], out_hbm.at[wid * SEQ_PER_W + g],
                         wsems[buf])

    def wait_wb(buf):
        pltpu.make_async_copy(rows_v.at[buf], out_hbm.at[0], wsems[buf]).wait()

    def compute(buf):
        def body(i, c):
            for rr in range(4):
                r = i * 4 + rr
                for cc in range(HIDDEN // 16):
                    sl = pl.ds(cc * 16, 16)
                    x = rows_v[buf, r, sl] + pos_v[r, sl]
                    rows_v[buf, r, sl] = _gelu_vec(x)
            return c
        lax.fori_loop(0, SEQ // 4, body, 0)

    issue_gather(0, 0)
    issue_gather(1, 1)

    def step(t, carry):
        g0 = 4 * t

        @pl.when(t > 0)
        def _():
            wait_wb(2)
        issue_gather(g0 + 2, 2)

        @pl.when(t > 0)
        def _():
            wait_wb(3)
        issue_gather(g0 + 3, 3)

        wait_gather(0)
        compute(0)
        issue_wb(g0, 0)

        wait_gather(1)
        compute(1)
        issue_wb(g0 + 1, 1)

        wait_gather(2)
        compute(2)
        issue_wb(g0 + 2, 2)

        @pl.when(t < NITERS - 1)
        def _():
            wait_wb(0)
            issue_gather(g0 + 4, 0)

        wait_gather(3)
        compute(3)
        issue_wb(g0 + 3, 3)

        @pl.when(t < NITERS - 1)
        def _():
            wait_wb(1)
            issue_gather(g0 + 5, 1)

        return carry

    lax.fori_loop(0, NITERS, step, 0)
    wait_wb(0)
    wait_wb(1)
    wait_wb(2)
    wait_wb(3)


def kernel(input_seq, word_table, pos_table):
    seq4 = input_seq.astype(jnp.int32).reshape(NW, SEQ_PER_W, 2, HALF)
    mesh = plsc.VectorSubcoreMesh(core_axis_name="c", subcore_axis_name="s")
    run = functools.partial(
        pl.kernel,
        mesh=mesh,
        out_type=jax.ShapeDtypeStruct((BATCH, SEQ, HIDDEN), jnp.float32),
        compiler_params=pltpu.CompilerParams(use_tc_tiling_on_sc=False),
        scratch_types=[
            pltpu.VMEM((SEQ_PER_W, 2, HALF), jnp.int32),
            pltpu.VMEM((4, SEQ, HIDDEN), jnp.float32),
            pltpu.VMEM((SEQ, HIDDEN), jnp.float32),
            pltpu.SemaphoreType.DMA,
            pltpu.SemaphoreType.DMA,
            pltpu.SemaphoreType.DMA,
            pltpu.SemaphoreType.DMA,
            pltpu.SemaphoreType.DMA,
            pltpu.SemaphoreType.DMA,
            pltpu.SemaphoreType.DMA,
            pltpu.SemaphoreType.DMA,
        ],
    )(_body)
    return run(seq4, word_table, pos_table)

# --- scband reference (transcript-rebuilt; emitter-appended) ---
"""Pipeline reference for scband-positional-embedding-26104811225154 (READ-ONLY COPY).

The authoritative reference and input builder live on the scoring server;
editing this copy changes nothing except your own understanding.
"""

import jax, jax.numpy as jnp
import numpy as np

VOCAB = 1000000
HIDDEN = 64
MAX_SEQ = 200
BATCH = 4096
SEQ = 200

def setup_inputs(seed: int = 0) -> dict:
    key = jax.random.key(seed)
    k1, k2, k3 = jax.random.split(key, 3)
    input_seq = jax.random.randint(k1, (BATCH, SEQ), 0, VOCAB, dtype=jnp.int64 if jax.config.jax_enable_x64 else jnp.int32)
    word_table = jax.random.normal(k2, (VOCAB, HIDDEN), dtype=jnp.float32)
    pos_table = jax.random.normal(k3, (MAX_SEQ, HIDDEN), dtype=jnp.float32)
    return {"input_seq": input_seq, "word_table": word_table, "pos_table": pos_table}

def reference(input_seq, word_table, pos_table):
    # position indices for last dim of input_seq
    position = jnp.arange(input_seq.shape[-1], dtype=jnp.int32)[None, :]  # [1, L]
    w_embedding = jnp.take(word_table, input_seq, axis=0)                  # [B, L, H]
    p_embedding = jnp.take(pos_table, position, axis=0)                    # [1, L, H]
    embedding = w_embedding + p_embedding
    # torch nn.GELU default is exact (erf-based); dropout is identity in eval mode
    return jax.nn.gelu(embedding, approximate=False)

if __name__ == "__main__":
    import jax
    _d = setup_inputs()
    print(jax.jit(kernel)(*tuple(_d.values())))

</pallas_src>

<mosaic_0001>
#map = affine_map<(d0, d1) -> (0, 0, 0, 0)>
#map1 = affine_map<(d0, d1) -> (0, 0)>
#map2 = affine_map<(d0, d1) -> (0, 0, 0)>
module attributes {stable_mosaic.version = 14 : i64} {
  func.func @_body(%arg0: i32, %arg1: i32, %arg2: memref<32x128x2x100xi32, #tpu.memory_space<hbm>>, %arg3: memref<1000000x64xf32, #tpu.memory_space<hbm>>, %arg4: memref<200x64xf32, #tpu.memory_space<hbm>>, %arg5: memref<4096x200x64xf32, #tpu.memory_space<hbm>>, %arg6: memref<128x2x100xi32, #tpu.memory_space<vmem>>, %arg7: memref<4x200x64xf32, #tpu.memory_space<vmem>>, %arg8: memref<200x64xf32, #tpu.memory_space<vmem>>, %arg9: memref<!tpu.dma_semaphore, #tpu.memory_space<semaphore_mem>>, %arg10: memref<!tpu.dma_semaphore, #tpu.memory_space<semaphore_mem>>, %arg11: memref<!tpu.dma_semaphore, #tpu.memory_space<semaphore_mem>>, %arg12: memref<!tpu.dma_semaphore, #tpu.memory_space<semaphore_mem>>, %arg13: memref<!tpu.dma_semaphore, #tpu.memory_space<semaphore_mem>>, %arg14: memref<!tpu.dma_semaphore, #tpu.memory_space<semaphore_mem>>, %arg15: memref<!tpu.dma_semaphore, #tpu.memory_space<semaphore_mem>>, %arg16: memref<!tpu.dma_semaphore, #tpu.memory_space<semaphore_mem>>) attributes {dimension_semantics = [#tpu.dimension_semantics<core_parallel>, #tpu.dimension_semantics<subcore_parallel>], iteration_bounds = array<i64: 2, 16>, scalar_prefetch = 0 : i64, scratch_operands = 11 : i64, tpu.core_type = #tpu.core_type<sc_vector_subcore>, window_params = [{transform_indices = #map}, {transform_indices = #map1}, {transform_indices = #map1}, {transform_indices = #map2}]} {
    %mul3A = arith.constant 2 : i32
    %mul3A_0 = arith.muli %arg1, %mul3A : i32
    %add3A = arith.addi %mul3A_0, %arg0 : i32
    "tpu.region"() ({
      %run_scoped3A = tpu.sem_alloc : memref<!tpu.dma_semaphore, #tpu.memory_space<semaphore_mem>>
      tpu.enqueue_dma source(%arg4 : memref<200x64xf32, #tpu.memory_space<hbm>>) target(%arg8 : memref<200x64xf32, #tpu.memory_space<vmem>>) target_semaphore(%run_scoped3A : memref<!tpu.dma_semaphore, #tpu.memory_space<semaphore_mem>>)
      tpu.wait_dma2 semaphore(%run_scoped3A : memref<!tpu.dma_semaphore, #tpu.memory_space<semaphore_mem>>) src(%arg4 : memref<200x64xf32, #tpu.memory_space<hbm>>) dst(%arg8 : memref<200x64xf32, #tpu.memory_space<vmem>>)
      tpu.yield
    }) : () -> ()
    "tpu.region"() ({
      %run_scoped3A = tpu.sem_alloc : memref<!tpu.dma_semaphore, #tpu.memory_space<semaphore_mem>>
      %dma_start3A_128 = arith.constant 0 : i32
      %dma_start3A_129 = arith.constant 0 : i32
      %dma_start3A_130 = arith.constant 0 : i32
      %dma_start3A_131 = tpu.memref_slice %arg2[%add3A, %dma_start3A_128, %dma_start3A_129, %dma_start3A_130] : memref<32x128x2x100xi32, #tpu.memory_space<hbm>> -> memref<1x128x2x100xi32, #tpu.memory_space<hbm>>
      %dma_start3A_132 = tpu.memref_squeeze %dma_start3A_131 : memref<1x128x2x100xi32, #tpu.memory_space<hbm>> -> memref<128x2x100xi32, #tpu.memory_space<hbm>>
      %dma_start3A_133 = arith.constant 0 : i32
      %dma_start3A_134 = arith.constant 0 : i32
      %dma_start3A_135 = arith.constant 0 : i32
      %dma_start3A_136 = tpu.memref_slice %arg2[%add3A, %dma_start3A_133, %dma_start3A_134, %dma_start3A_135] : memref<32x128x2x100xi32, #tpu.memory_space<hbm>> -> memref<1x128x2x100xi32, #tpu.memory_space<hbm>>
      %dma_start3A_137 = tpu.memref_squeeze %dma_start3A_136 : memref<1x128x2x100xi32, #tpu.memory_space<hbm>> -> memref<128x2x100xi32, #tpu.memory_space<hbm>>
      tpu.enqueue_dma source(%dma_start3A_137 : memref<128x2x100xi32, #tpu.memory_space<hbm>>) target(%arg6 : memref<128x2x100xi32, #tpu.memory_space<vmem>>) target_semaphore(%run_scoped3A : memref<!tpu.dma_semaphore, #tpu.memory_space<semaphore_mem>>)
      %dma_wait3A_138 = arith.constant 0 : i32
      %dma_wait3A_139 = arith.constant 0 : i32
      %dma_wait3A_140 = arith.constant 0 : i32
      %dma_wait3A_141 = tpu.memref_slice %arg2[%add3A, %dma_wait3A_138, %dma_wait3A_139, %dma_wait3A_140] : memref<32x128x2x100xi32, #tpu.memory_space<hbm>> -> memref<1x128x2x100xi32, #tpu.memory_space<hbm>>
      %dma_wait3A_142 = tpu.memref_squeeze %dma_wait3A_141 : memref<1x128x2x100xi32, #tpu.memory_space<hbm>> -> memref<128x2x100xi32, #tpu.memory_space<hbm>>
      %dma_wait3A_143 = arith.constant 0 : i32
      %dma_wait3A_144 = arith.constant 0 : i32
      %dma_wait3A_145 = arith.constant 0 : i32
      %dma_wait3A_146 = tpu.memref_slice %arg2[%add3A, %dma_wait3A_143, %dma_wait3A_144, %dma_wait3A_145] : memref<32x128x2x100xi32, #tpu.memory_space<hbm>> -> memref<1x128x2x100xi32, #tpu.memory_space<hbm>>
      %dma_wait3A_147 = tpu.memref_squeeze %dma_wait3A_146 : memref<1x128x2x100xi32, #tpu.memory_space<hbm>> -> memref<128x2x100xi32, #tpu.memory_space<hbm>>
      tpu.wait_dma2 semaphore(%run_scoped3A : memref<!tpu.dma_semaphore, #tpu.memory_space<semaphore_mem>>) src(%dma_wait3A_147 : memref<128x2x100xi32, #tpu.memory_space<hbm>>) dst(%arg6 : memref<128x2x100xi32, #tpu.memory_space<vmem>>)
      tpu.yield
    }) : () -> ()
    %dma_start3A = arith.constant 0 : i32
    %dma_start3A_1 = arith.constant 0 : i32
    %dma_start3A_2 = arith.constant 0 : i32
    %dma_start3A_3 = arith.constant 0 : i32
    %dma_start3A_4 = arith.constant 0 : i32
    %dma_start3A_5 = tpu.memref_slice %arg7[%dma_start3A_2, %dma_start3A_3, %dma_start3A_4] : memref<4x200x64xf32, #tpu.memory_space<vmem>> -> memref<1x100x64xf32, #tpu.memory_space<vmem>>
    %dma_start3A_6 = tpu.memref_squeeze %dma_start3A_5 : memref<1x100x64xf32, #tpu.memory_space<vmem>> -> memref<100x64xf32, #tpu.memory_space<vmem>>
    %dma_start3A_7 = arith.constant 0 : i32
    %dma_start3A_8 = tpu.memref_slice %arg6[%dma_start3A, %dma_start3A_1, %dma_start3A_7] : memref<128x2x100xi32, #tpu.memory_space<vmem>> -> memref<1x1x100xi32, #tpu.memory_space<vmem>>
    %dma_start3A_9 = tpu.memref_squeeze %dma_start3A_8 : memref<1x1x100xi32, #tpu.memory_space<vmem>> -> memref<100xi32, #tpu.memory_space<vmem>>
    %dma_start3A_10 = arith.constant 0 : i32
    %dma_start3A_11 = arith.constant 0 : i32
    %dma_start3A_12 = tpu.memref_slice %arg3[%dma_start3A_10, %dma_start3A_11] : memref<1000000x64xf32, #tpu.memory_space<hbm>> -> memref<1000000x64xf32, #tpu.memory_space<hbm>>
    tpu.enqueue_indirect_dma source(%dma_start3A_12 : memref<1000000x64xf32, #tpu.memory_space<hbm>>) target(%dma_start3A_6 : memref<100x64xf32, #tpu.memory_space<vmem>>) offsets(%dma_start3A_9 : memref<100xi32, #tpu.memory_space<vmem>>) semaphore(%arg9 : memref<!tpu.dma_semaphore, #tpu.memory_space<semaphore_mem>>)
    %dma_start3A_13 = arith.constant 0 : i32
    %dma_start3A_14 = arith.constant 1 : i32
    %dma_start3A_15 = arith.constant 0 : i32
    %dma_start3A_16 = arith.constant 100 : i32
    %dma_start3A_17 = arith.constant 0 : i32
    %dma_start3A_18 = tpu.memref_slice %arg7[%dma_start3A_15, %dma_start3A_16, %dma_start3A_17] : memref<4x200x64xf32, #tpu.memory_space<vmem>> -> memref<1x100x64xf32, #tpu.memory_space<vmem>>
    %dma_start3A_19 = tpu.memref_squeeze %dma_start3A_18 : memref<1x100x64xf32, #tpu.memory_space<vmem>> -> memref<100x64xf32, #tpu.memory_space<vmem>>
    %dma_start3A_20 = arith.constant 0 : i32
    %dma_start3A_21 = tpu.memref_slice %arg6[%dma_start3A_13, %dma_start3A_14, %dma_start3A_20] : memref<128x2x100xi32, #tpu.memory_space<vmem>> -> memref<1x1x100xi32, #tpu.memory_space<vmem>>
    %dma_start3A_22 = tpu.memref_squeeze %dma_start3A_21 : memref<1x1x100xi32, #tpu.memory_space<vmem>> -> memref<100xi32, #tpu.memory_space<vmem>>
    %dma_start3A_23 = arith.constant 0 : i32
    %dma_start3A_24 = arith.constant 0 : i32
    %dma_start3A_25 = tpu.memref_slice %arg3[%dma_start3A_23, %dma_start3A_24] : memref<1000000x64xf32, #tpu.memory_space<hbm>> -> memref<1000000x64xf32, #tpu.memory_space<hbm>>
    tpu.enqueue_indirect_dma source(%dma_start3A_25 : memref<1000000x64xf32, #tpu.memory_space<hbm>>) target(%dma_start3A_19 : memref<100x64xf32, #tpu.memory_space<vmem>>) offsets(%dma_start3A_22 : memref<100xi32, #tpu.memory_space<vmem>>) semaphore(%arg9 : memref<!tpu.dma_semaphore, #tpu.memory_space<semaphore_mem>>)
    %dma_start3A_26 = arith.constant 1 : i32
    %dma_start3A_27 = arith.constant 0 : i32
    %dma_start3A_28 = arith.constant 1 : i32
    %dma_start3A_29 = arith.constant 0 : i32
    %dma_start3A_30 = arith.constant 0 : i32
    %dma_start3A_31 = tpu.memref_slice %arg7[%dma_start3A_28, %dma_start3A_29, %dma_start3A_30] : memref<4x200x64xf32, #tpu.memory_space<vmem>> -> memref<1x100x64xf32, #tpu.memory_space<vmem>>
    %dma_start3A_32 = tpu.memref_squeeze %dma_start3A_31 : memref<1x100x64xf32, #tpu.memory_space<vmem>> -> memref<100x64xf32, #tpu.memory_space<vmem>>
    %dma_start3A_33 = arith.constant 0 : i32
    %dma_start3A_34 = tpu.memref_slice %arg6[%dma_start3A_26, %dma_start3A_27, %dma_start3A_33] : memref<128x2x100xi32, #tpu.memory_space<vmem>> -> memref<1x1x100xi32, #tpu.memory_space<vmem>>
    %dma_start3A_35 = tpu.memref_squeeze %dma_start3A_34 : memref<1x1x100xi32, #tpu.memory_space<vmem>> -> memref<100xi32, #tpu.memory_space<vmem>>
    %dma_start3A_36 = arith.constant 0 : i32
    %dma_start3A_37 = arith.constant 0 : i32
    %dma_start3A_38 = tpu.memref_slice %arg3[%dma_start3A_36, %dma_start3A_37] : memref<1000000x64xf32, #tpu.memory_space<hbm>> -> memref<1000000x64xf32, #tpu.memory_space<hbm>>
    tpu.enqueue_indirect_dma source(%dma_start3A_38 : memref<1000000x64xf32, #tpu.memory_space<hbm>>) target(%dma_start3A_32 : memref<100x64xf32, #tpu.memory_space<vmem>>) offsets(%dma_start3A_35 : memref<100xi32, #tpu.memory_space<vmem>>) semaphore(%arg10 : memref<!tpu.dma_semaphore, #tpu.memory_space<semaphore_mem>>)
    %dma_start3A_39 = arith.constant 1 : i32
    %dma_start3A_40 = arith.constant 1 : i32
    %dma_start3A_41 = arith.constant 1 : i32
    %dma_start3A_42 = arith.constant 100 : i32
    %dma_start3A_43 = arith.constant 0 : i32
    %dma_start3A_44 = tpu.memref_slice %arg7[%dma_start3A_41, %dma_start3A_42, %dma_start3A_43] : memref<4x200x64xf32, #tpu.memory_space<vmem>> -> memref<1x100x64xf32, #tpu.memory_space<vmem>>
    %dma_start3A_45 = tpu.memref_squeeze %dma_start3A_44 : memref<1x100x64xf32, #tpu.memory_space<vmem>> -> memref<100x64xf32, #tpu.memory_space<vmem>>
    %dma_start3A_46 = arith.constant 0 : i32
    %dma_start3A_47 = tpu.memref_slice %arg6[%dma_start3A_39, %dma_start3A_40, %dma_start3A_46] : memref<128x2x100xi32, #tpu.memory_space<vmem>> -> memref<1x1x100xi32, #tpu.memory_space<vmem>>
    %dma_start3A_48 = tpu.memref_squeeze %dma_start3A_47 : memref<1x1x100xi32, #tpu.memory_space<vmem>> -> memref<100xi32, #tpu.memory_space<vmem>>
    %dma_start3A_49 = arith.constant 0 : i32
    %dma_start3A_50 = arith.constant 0 : i32
    %dma_start3A_51 = tpu.memref_slice %arg3[%dma_start3A_49, %dma_start3A_50] : memref<1000000x64xf32, #tpu.memory_space<hbm>> -> memref<1000000x64xf32, #tpu.memory_space<hbm>>
    tpu.enqueue_indirect_dma source(%dma_start3A_51 : memref<1000000x64xf32, #tpu.memory_space<hbm>>) target(%dma_start3A_45 : memref<100x64xf32, #tpu.memory_space<vmem>>) offsets(%dma_start3A_48 : memref<100xi32, #tpu.memory_space<vmem>>) semaphore(%arg10 : memref<!tpu.dma_semaphore, #tpu.memory_space<semaphore_mem>>)
    %scan3A = arith.constant 0 : i32
    %scan3A_52 = arith.constant 0 : i32
    %scan3A_53 = arith.constant 32 : i32
    %scan3A_54 = arith.addi %scan3A_52, %scan3A_53 : i32
    %scan3A_55 = arith.constant 1 : i32
    scf.for %scan3A_128 = %scan3A_52 to %scan3A_54 step %scan3A_55  : i32 {
      %mul3A_129 = arith.constant 4 : i32
      %mul3A_130 = arith.muli %mul3A_129, %scan3A_128 : i32
      %gt3A = arith.constant 0 : i32
      %gt3A_131 = arith.cmpi sgt, %scan3A_128, %gt3A : i32
      %convert_element_type3A = arith.extui %gt3A_131 : i1 to i32
      %cond3A = arith.constant 0 : i32
      %cond3A_132 = arith.cmpi ne, %convert_element_type3A, %cond3A : i32
      scf.if %cond3A_132 {
        %dma_wait3A_413 = arith.constant 2 : i32
        %dma_wait3A_414 = arith.constant 0 : i32
        %dma_wait3A_415 = arith.constant 0 : i32
        %dma_wait3A_416 = arith.constant 0 : i32
        %dma_wait3A_417 = tpu.memref_slice %arg7[%dma_wait3A_413, %dma_wait3A_415, %dma_wait3A_416] : memref<4x200x64xf32, #tpu.memory_space<vmem>> -> memref<1x200x64xf32, #tpu.memory_space<vmem>>
        %dma_wait3A_418 = tpu.memref_squeeze %dma_wait3A_417 : memref<1x200x64xf32, #tpu.memory_space<vmem>> -> memref<200x64xf32, #tpu.memory_space<vmem>>
        %dma_wait3A_419 = arith.constant 0 : i32
        %dma_wait3A_420 = arith.constant 0 : i32
        %dma_wait3A_421 = tpu.memref_slice %arg5[%dma_wait3A_414, %dma_wait3A_419, %dma_wait3A_420] : memref<4096x200x64xf32, #tpu.memory_space<hbm>> -> memref<1x200x64xf32, #tpu.memory_space<hbm>>
        %dma_wait3A_422 = tpu.memref_squeeze %dma_wait3A_421 : memref<1x200x64xf32, #tpu.memory_space<hbm>> -> memref<200x64xf32, #tpu.memory_space<hbm>>
        %dma_wait3A_423 = arith.constant 0 : i32
        %dma_wait3A_424 = arith.constant 0 : i32
        %dma_wait3A_425 = tpu.memref_slice %arg5[%dma_wait3A_414, %dma_wait3A_423, %dma_wait3A_424] : memref<4096x200x64xf32, #tpu.memory_space<hbm>> -> memref<1x200x64xf32, #tpu.memory_space<hbm>>
        %dma_wait3A_426 = tpu.memref_squeeze %dma_wait3A_425 : memref<1x200x64xf32, #tpu.memory_space<hbm>> -> memref<200x64xf32, #tpu.memory_space<hbm>>
        %dma_wait3A_427 = arith.constant 0 : i32
        %dma_wait3A_428 = arith.constant 0 : i32
        %dma_wait3A_429 = tpu.memref_slice %arg7[%dma_wait3A_413, %dma_wait3A_427, %dma_wait3A_428] : memref<4x200x64xf32, #tpu.memory_space<vmem>> -> memref<1x200x64xf32, #tpu.memory_space<vmem>>
        %dma_wait3A_430 = tpu.memref_squeeze %dma_wait3A_429 : memref<1x200x64xf32, #tpu.memory_space<vmem>> -> memref<200x64xf32, #tpu.memory_space<vmem>>
        tpu.wait_dma2 semaphore(%arg15 : memref<!tpu.dma_semaphore, #tpu.memory_space<semaphore_mem>>) src(%dma_wait3A_430 : memref<200x64xf32, #tpu.memory_space<vmem>>) dst(%dma_wait3A_426 : memref<200x64xf32, #tpu.memory_space<hbm>>)
      } else {
      }
      %add3A_133 = arith.constant 2 : i32
      %add3A_134 = arith.addi %mul3A_130, %add3A_133 : i32
      %dma_start3A_135 = arith.constant 0 : i32
      %dma_start3A_136 = arith.constant 2 : i32
      %dma_start3A_137 = arith.constant 0 : i32
      %dma_start3A_138 = arith.constant 0 : i32
      %dma_start3A_139 = tpu.memref_slice %arg7[%dma_start3A_136, %dma_start3A_137, %dma_start3A_138] : memref<4x200x64xf32, #tpu.memory_space<vmem>> -> memref<1x100x64xf32, #tpu.memory_space<vmem>>
      %dma_start3A_140 = tpu.memref_squeeze %dma_start3A_139 : memref<1x100x64xf32, #tpu.memory_space<vmem>> -> memref<100x64xf32, #tpu.memory_space<vmem>>
      %dma_start3A_141 = arith.constant 0 : i32
      %dma_start3A_142 = tpu.memref_slice %arg6[%add3A_134, %dma_start3A_135, %dma_start3A_141] : memref<128x2x100xi32, #tpu.memory_space<vmem>> -> memref<1x1x100xi32, #tpu.memory_space<vmem>>
      %dma_start3A_143 = tpu.memref_squeeze %dma_start3A_142 : memref<1x1x100xi32, #tpu.memory_space<vmem>> -> memref<100xi32, #tpu.memory_space<vmem>>
      %dma_start3A_144 = arith.constant 0 : i32
      %dma_start3A_145 = arith.constant 0 : i32
      %dma_start3A_146 = tpu.memref_slice %arg3[%dma_start3A_144, %dma_start3A_145] : memref<1000000x64xf32, #tpu.memory_space<hbm>> -> memref<1000000x64xf32, #tpu.memory_space<hbm>>
      tpu.enqueue_indirect_dma source(%dma_start3A_146 : memref<1000000x64xf32, #tpu.memory_space<hbm>>) target(%dma_start3A_140 : memref<100x64xf32, #tpu.memory_space<vmem>>) offsets(%dma_start3A_143 : memref<100xi32, #tpu.memory_space<vmem>>) semaphore(%arg11 : memref<!tpu.dma_semaphore, #tpu.memory_space<semaphore_mem>>)
      %dma_start3A_147 = arith.constant 1 : i32
      %dma_start3A_148 = arith.constant 2 : i32
      %dma_start3A_149 = arith.constant 100 : i32
      %dma_start3A_150 = arith.constant 0 : i32
      %dma_start3A_151 = tpu.memref_slice %arg7[%dma_start3A_148, %dma_start3A_149, %dma_start3A_150] : memref<4x200x64xf32, #tpu.memory_space<vmem>> -> memref<1x100x64xf32, #tpu.memory_space<vmem>>
      %dma_start3A_152 = tpu.memref_squeeze %dma_start3A_151 : memref<1x100x64xf32, #tpu.memory_space<vmem>> -> memref<100x64xf32, #tpu.memory_space<vmem>>
      %dma_start3A_153 = arith.constant 0 : i32
      %dma_start3A_154 = tpu.memref_slice %arg6[%add3A_134, %dma_start3A_147, %dma_start3A_153] : memref<128x2x100xi32, #tpu.memory_space<vmem>> -> memref<1x1x100xi32, #tpu.memory_space<vmem>>
      %dma_start3A_155 = tpu.memref_squeeze %dma_start3A_154 : memref<1x1x100xi32, #tpu.memory_space<vmem>> -> memref<100xi32, #tpu.memory_space<vmem>>
      %dma_start3A_156 = arith.constant 0 : i32
      %dma_start3A_157 = arith.constant 0 : i32
      %dma_start3A_158 = tpu.memref_slice %arg3[%dma_start3A_156, %dma_start3A_157] : memref<1000000x64xf32, #tpu.memory_space<hbm>> -> memref<1000000x64xf32, #tpu.memory_space<hbm>>
      tpu.enqueue_indirect_dma source(%dma_start3A_158 : memref<1000000x64xf32, #tpu.memory_space<hbm>>) target(%dma_start3A_152 : memref<100x64xf32, #tpu.memory_space<vmem>>) offsets(%dma_start3A_155 : memref<100xi32, #tpu.memory_space<vmem>>) semaphore(%arg11 : memref<!tpu.dma_semaphore, #tpu.memory_space<semaphore_mem>>)
      %gt3A_159 = arith.constant 0 : i32
      %gt3A_160 = arith.cmpi sgt, %scan3A_128, %gt3A_159 : i32
      %convert_element_type3A_161 = arith.extui %gt3A_160 : i1 to i32
      %cond3A_162 = arith.constant 0 : i32
      %cond3A_163 = arith.cmpi ne, %convert_element_type3A_161, %cond3A_162 : i32
      scf.if %cond3A_163 {
        %dma_wait3A_413 = arith.constant 3 : i32
        %dma_wait3A_414 = arith.constant 0 : i32
        %dma_wait3A_415 = arith.constant 0 : i32
        %dma_wait3A_416 = arith.constant 0 : i32
        %dma_wait3A_417 = tpu.memref_slice %arg7[%dma_wait3A_413, %dma_wait3A_415, %dma_wait3A_416] : memref<4x200x64xf32, #tpu.memory_space<vmem>> -> memref<1x200x64xf32, #tpu.memory_space<vmem>>
        %dma_wait3A_418 = tpu.memref_squeeze %dma_wait3A_417 : memref<1x200x64xf32, #tpu.memory_space<vmem>> -> memref<200x64xf32, #tpu.memory_space<vmem>>
        %dma_wait3A_419 = arith.constant 0 : i32
        %dma_wait3A_420 = arith.constant 0 : i32
        %dma_wait3A_421 = tpu.memref_slice %arg5[%dma_wait3A_414, %dma_wait3A_419, %dma_wait3A_420] : memref<4096x200x64xf32, #tpu.memory_space<hbm>> -> memref<1x200x64xf32, #tpu.memory_space<hbm>>
        %dma_wait3A_422 = tpu.memref_squeeze %dma_wait3A_421 : memref<1x200x64xf32, #tpu.memory_space<hbm>> -> memref<200x64xf32, #tpu.memory_space<hbm>>
        %dma_wait3A_423 = arith.constant 0 : i32
        %dma_wait3A_424 = arith.constant 0 : i32
        %dma_wait3A_425 = tpu.memref_slice %arg5[%dma_wait3A_414, %dma_wait3A_423, %dma_wait3A_424] : memref<4096x200x64xf32, #tpu.memory_space<hbm>> -> memref<1x200x64xf32, #tpu.memory_space<hbm>>
        %dma_wait3A_426 = tpu.memref_squeeze %dma_wait3A_425 : memref<1x200x64xf32, #tpu.memory_space<hbm>> -> memref<200x64xf32, #tpu.memory_space<hbm>>
        %dma_wait3A_427 = arith.constant 0 : i32
        %dma_wait3A_428 = arith.constant 0 : i32
        %dma_wait3A_429 = tpu.memref_slice %arg7[%dma_wait3A_413, %dma_wait3A_427, %dma_wait3A_428] : memref<4x200x64xf32, #tpu.memory_space<vmem>> -> memref<1x200x64xf32, #tpu.memory_space<vmem>>
        %dma_wait3A_430 = tpu.memref_squeeze %dma_wait3A_429 : memref<1x200x64xf32, #tpu.memory_space<vmem>> -> memref<200x64xf32, #tpu.memory_space<vmem>>
        tpu.wait_dma2 semaphore(%arg16 : memref<!tpu.dma_semaphore, #tpu.memory_space<semaphore_mem>>) src(%dma_wait3A_430 : memref<200x64xf32, #tpu.memory_space<vmem>>) dst(%dma_wait3A_426 : memref<200x64xf32, #tpu.memory_space<hbm>>)
      } else {
      }
      %add3A_164 = arith.constant 3 : i32
      %add3A_165 = arith.addi %mul3A_130, %add3A_164 : i32
      %dma_start3A_166 = arith.constant 0 : i32
      %dma_start3A_167 = arith.constant 3 : i32
      %dma_start3A_168 = arith.constant 0 : i32
      %dma_start3A_169 = arith.constant 0 : i32
      %dma_start3A_170 = tpu.memref_slice %arg7[%dma_start3A_167, %dma_start3A_168, %dma_start3A_169] : memref<4x200x64xf32, #tpu.memory_space<vmem>> -> memref<1x100x64xf32, #tpu.memory_space<vmem>>
      %dma_start3A_171 = tpu.memref_squeeze %dma_start3A_170 : memref<1x100x64xf32, #tpu.memory_space<vmem>> -> memref<100x64xf32, #tpu.memory_space<vmem>>
      %dma_start3A_172 = arith.constant 0 : i32
      %dma_start3A_173 = tpu.memref_slice %arg6[%add3A_165, %dma_start3A_166, %dma_start3A_172] : memref<128x2x100xi32, #tpu.memory_space<vmem>> -> memref<1x1x100xi32, #tpu.memory_space<vmem>>
      %dma_start3A_174 = tpu.memref_squeeze %dma_start3A_173 : memref<1x1x100xi32, #tpu.memory_space<vmem>> -> memref<100xi32, #tpu.memory_space<vmem>>
      %dma_start3A_175 = arith.constant 0 : i32
      %dma_start3A_176 = arith.constant 0 : i32
      %dma_start3A_177 = tpu.memref_slice %arg3[%dma_start3A_175, %dma_start3A_176] : memref<1000000x64xf32, #tpu.memory_space<hbm>> -> memref<1000000x64xf32, #tpu.memory_space<hbm>>
      tpu.enqueue_indirect_dma source(%dma_start3A_177 : memref<1000000x64xf32, #tpu.memory_space<hbm>>) target(%dma_start3A_171 : memref<100x64xf32, #tpu.memory_space<vmem>>) offsets(%dma_start3A_174 : memref<100xi32, #tpu.memory_space<vmem>>) semaphore(%arg12 : memref<!tpu.dma_semaphore, #tpu.memory_space<semaphore_mem>>)
      %dma_start3A_178 = arith.constant 1 : i32
      %dma_start3A_179 = arith.constant 3 : i32
      %dma_start3A_180 = arith.constant 100 : i32
      %dma_start3A_181 = arith.constant 0 : i32
      %dma_start3A_182 = tpu.memref_slice %arg7[%dma_start3A_179, %dma_start3A_180, %dma_start3A_181] : memref<4x200x64xf32, #tpu.memory_space<vmem>> -> memref<1x100x64xf32, #tpu.memory_space<vmem>>
      %dma_start3A_183 = tpu.memref_squeeze %dma_start3A_182 : memref<1x100x64xf32, #tpu.memory_space<vmem>> -> memref<100x64xf32, #tpu.memory_space<vmem>>
      %dma_start3A_184 = arith.constant 0 : i32
      %dma_start3A_185 = tpu.memref_slice %arg6[%add3A_165, %dma_start3A_178, %dma_start3A_184] : memref<128x2x100xi32, #tpu.memory_space<vmem>> -> memref<1x1x100xi32, #tpu.memory_space<vmem>>
      %dma_start3A_186 = tpu.memref_squeeze %dma_start3A_185 : memref<1x1x100xi32, #tpu.memory_space<vmem>> -> memref<100xi32, #tpu.memory_space<vmem>>
      %dma_start3A_187 = arith.constant 0 : i32
      %dma_start3A_188 = arith.constant 0 : i32
      %dma_start3A_189 = tpu.memref_slice %arg3[%dma_start3A_187, %dma_start3A_188] : memref<1000000x64xf32, #tpu.memory_space<hbm>> -> memref<1000000x64xf32, #tpu.memory_space<hbm>>
      tpu.enqueue_indirect_dma source(%dma_start3A_189 : memref<1000000x64xf32, #tpu.memory_space<hbm>>) target(%dma_start3A_183 : memref<100x64xf32, #tpu.memory_space<vmem>>) offsets(%dma_start3A_186 : memref<100xi32, #tpu.memory_space<vmem>>) semaphore(%arg12 : memref<!tpu.dma_semaphore, #tpu.memory_space<semaphore_mem>>)
      %dma_wait3A_190 = arith.constant 0 : i32
      %dma_wait3A_191 = arith.constant 0 : i32
      %dma_wait3A_192 = arith.constant 0 : i32
      %dma_wait3A_193 = arith.constant 0 : i32
      %dma_wait3A_194 = arith.constant 0 : i32
      %dma_wait3A_195 = tpu.memref_slice %arg7[%dma_wait3A_192, %dma_wait3A_193, %dma_wait3A_194] : memref<4x200x64xf32, #tpu.memory_space<vmem>> -> memref<1x100x64xf32, #tpu.memory_space<vmem>>
      %dma_wait3A_196 = tpu.memref_squeeze %dma_wait3A_195 : memref<1x100x64xf32, #tpu.memory_space<vmem>> -> memref<100x64xf32, #tpu.memory_space<vmem>>
      %dma_wait3A_197 = arith.constant 0 : i32
      %dma_wait3A_198 = tpu.memref_slice %arg6[%dma_wait3A_190, %dma_wait3A_191, %dma_wait3A_197] : memref<128x2x100xi32, #tpu.memory_space<vmem>> -> memref<1x1x100xi32, #tpu.memory_space<vmem>>
      %dma_wait3A_199 = tpu.memref_squeeze %dma_wait3A_198 : memref<1x1x100xi32, #tpu.memory_space<vmem>> -> memref<100xi32, #tpu.memory_space<vmem>>
      %dma_wait3A_200 = arith.constant 0 : i32
      %dma_wait3A_201 = arith.constant 0 : i32
      %dma_wait3A_202 = tpu.memref_slice %arg3[%dma_wait3A_200, %dma_wait3A_201] : memref<1000000x64xf32, #tpu.memory_space<hbm>> -> memref<1000000x64xf32, #tpu.memory_space<hbm>>
      tpu.wait_indirect_dma semaphore(%arg9 : memref<!tpu.dma_semaphore, #tpu.memory_space<semaphore_mem>>) src(%dma_wait3A_202 : memref<1000000x64xf32, #tpu.memory_space<hbm>>) dst(%dma_wait3A_196 : memref<100x64xf32, #tpu.memory_space<vmem>>)
      %dma_wait3A_203 = arith.constant 0 : i32
      %dma_wait3A_204 = arith.constant 1 : i32
      %dma_wait3A_205 = arith.constant 0 : i32
      %dma_wait3A_206 = arith.constant 100 : i32
      %dma_wait3A_207 = arith.constant 0 : i32
      %dma_wait3A_208 = tpu.memref_slice %arg7[%dma_wait3A_205, %dma_wait3A_206, %dma_wait3A_207] : memref<4x200x64xf32, #tpu.memory_space<vmem>> -> memref<1x100x64xf32, #tpu.memory_space<vmem>>
      %dma_wait3A_209 = tpu.memref_squeeze %dma_wait3A_208 : memref<1x100x64xf32, #tpu.memory_space<vmem>> -> memref<100x64xf32, #tpu.memory_space<vmem>>
      %dma_wait3A_210 = arith.constant 0 : i32
      %dma_wait3A_211 = tpu.memref_slice %arg6[%dma_wait3A_203, %dma_wait3A_204, %dma_wait3A_210] : memref<128x2x100xi32, #tpu.memory_space<vmem>> -> memref<1x1x100xi32, #tpu.memory_space<vmem>>
      %dma_wait3A_212 = tpu.memref_squeeze %dma_wait3A_211 : memref<1x1x100xi32, #tpu.memory_space<vmem>> -> memref<100xi32, #tpu.memory_space<vmem>>
      %dma_wait3A_213 = arith.constant 0 : i32
      %dma_wait3A_214 = arith.constant 0 : i32
      %dma_wait3A_215 = tpu.memref_slice %arg3[%dma_wait3A_213, %dma_wait3A_214] : memref<1000000x64xf32, #tpu.memory_space<hbm>> -> memref<1000000x64xf32, #tpu.memory_space<hbm>>
      tpu.wait_indirect_dma semaphore(%arg9 : memref<!tpu.dma_semaphore, #tpu.memory_space<semaphore_mem>>) src(%dma_wait3A_215 : memref<1000000x64xf32, #tpu.memory_space<hbm>>) dst(%dma_wait3A_209 : memref<100x64xf32, #tpu.memory_space<vmem>>)
      %scan3A_216 = arith.constant 0 : i32
      %scan3A_217 = arith.constant 0 : i32
      %scan3A_218 = arith.constant 50 : i32
      %scan3A_219 = arith.addi %scan3A_217, %scan3A_218 : i32
      %scan3A_220 = arith.constant 1 : i32
      scf.for %scan3A_413 = %scan3A_217 to %scan3A_219 step %scan3A_220  : i32 {
        %mul3A_414 = arith.constant 4 : i32
        %mul3A_415 = arith.muli %scan3A_413, %mul3A_414 : i32
        %add3A_416 = arith.constant 0 : i32
        %add3A_417 = arith.addi %mul3A_415, %add3A_416 : i32
        %get3A = arith.constant 0 : i32
        %get3A_418 = arith.index_cast %get3A : i32 to index
        %get3A_419 = arith.index_cast %add3A_417 : i32 to index
        %get3A_420 = arith.constant 0 : index
        %get3A_421 = tpu.vector_load %arg7[%get3A_418, %get3A_419, %get3A_420] {strides = array<i32>} : memref<4x200x64xf32, #tpu.memory_space<vmem>>, vector<1x1x16xf32>,
        %get3A_422 = vector.shape_cast %get3A_421 : vector<1x1x16xf32> to vector<16xf32>
        %get3A_423 = arith.index_cast %add3A_417 : i32 to index
        %get3A_424 = arith.constant 0 : index
        %get3A_425 = tpu.vector_load %arg8[%get3A_423, %get3A_424] {strides = array<i32>} : memref<200x64xf32, #tpu.memory_space<vmem>>, vector<1x16xf32>,
        %get3A_426 = vector.shape_cast %get3A_425 : vector<1x16xf32> to vector<16xf32>
        %add3A_427 = arith.addf %get3A_422, %get3A_426 : vector<16xf32>
        %mul3A_428 = arith.mulf %add3A_427, %add3A_427 : vector<16xf32>
        %mul3A_429 = arith.constant -0.0713548139 : f32
        %mul3A_430 = vector.broadcast %mul3A_429 : f32 to vector<16xf32>
        %mul3A_431 = arith.mulf %mul3A_430, %mul3A_428 : vector<16xf32>
        %add3A_432 = arith.constant -1.59576917 : f32
        %add3A_433 = vector.broadcast %add3A_432 : f32 to vector<16xf32>
        %add3A_434 = arith.addf %add3A_433, %mul3A_431 : vector<16xf32>
        %mul3A_435 = arith.mulf %add3A_427, %add3A_434 : vector<16xf32>
        %exp3A = math.exp %mul3A_435 : vector<16xf32>
        %add3A_436 = arith.constant 1.000000e+00 : f32
        %add3A_437 = vector.broadcast %add3A_436 : f32 to vector<16xf32>
        %add3A_438 = arith.addf %add3A_437, %exp3A : vector<16xf32>
        %div3A = arith.divf %add3A_427, %add3A_438 : vector<16xf32>
        %swap3A = arith.constant 0 : i32
        %swap3A_439 = arith.index_cast %swap3A : i32 to index
        %swap3A_440 = arith.index_cast %add3A_417 : i32 to index
        %swap3A_441 = arith.constant 0 : index
        %swap3A_442 = tpu.vector_load %arg7[%swap3A_439, %swap3A_440, %swap3A_441] {strides = array<i32>} : memref<4x200x64xf32, #tpu.memory_space<vmem>>, vector<1x1x16xf32>,
        %swap3A_443 = vector.shape_cast %swap3A_442 : vector<1x1x16xf32> to vector<16xf32>
        %swap3A_444 = vector.shape_cast %div3A : vector<16xf32> to vector<1x1x16xf32>
        tpu.vector_store %arg7[%swap3A_439, %swap3A_440, %swap3A_441], %swap3A_444 {strides = array<i32>} : memref<4x200x64xf32, #tpu.memory_space<vmem>>, vector<1x1x16xf32>,
        %get3A_445 = arith.constant 0 : i32
        %get3A_446 = arith.index_cast %get3A_445 : i32 to index
        %get3A_447 = arith.index_cast %add3A_417 : i32 to index
        %get3A_448 = arith.constant 16 : index
        %get3A_449 = tpu.vector_load %arg7[%get3A_446, %get3A_447, %get3A_448] {strides = array<i32>} : memref<4x200x64xf32, #tpu.memory_space<vmem>>, vector<1x1x16xf32>,
        %get3A_450 = vector.shape_cast %get3A_449 : vector<1x1x16xf32> to vector<16xf32>
        %get3A_451 = arith.index_cast %add3A_417 : i32 to index
        %get3A_452 = arith.constant 16 : index
        %get3A_453 = tpu.vector_load %arg8[%get3A_451, %get3A_452] {strides = array<i32>} : memref<200x64xf32, #tpu.memory_space<vmem>>, vector<1x16xf32>,
        %get3A_454 = vector.shape_cast %get3A_453 : vector<1x16xf32> to vector<16xf32>
        %add3A_455 = arith.addf %get3A_450, %get3A_454 : vector<16xf32>
        %mul3A_456 = arith.mulf %add3A_455, %add3A_455 : vector<16xf32>
        %mul3A_457 = arith.constant -0.0713548139 : f32
        %mul3A_458 = vector.broadcast %mul3A_457 : f32 to vector<16xf32>
        %mul3A_459 = arith.mulf %mul3A_458, %mul3A_456 : vector<16xf32>
        %add3A_460 = arith.constant -1.59576917 : f32
        %add3A_461 = vector.broadcast %add3A_460 : f32 to vector<16xf32>
        %add3A_462 = arith.addf %add3A_461, %mul3A_459 : vector<16xf32>
        %mul3A_463 = arith.mulf %add3A_455, %add3A_462 : vector<16xf32>
        %exp3A_464 = math.exp %mul3A_463 : vector<16xf32>
        %add3A_465 = arith.constant 1.000000e+00 : f32
        %add3A_466 = vector.broadcast %add3A_465 : f32 to vector<16xf32>
        %add3A_467 = arith.addf %add3A_466, %exp3A_464 : vector<16xf32>
        %div3A_468 = arith.divf %add3A_455, %add3A_467 : vector<16xf32>
        %swap3A_469 = arith.constant 0 : i32
        %swap3A_470 = arith.index_cast %swap3A_469 : i32 to index
        %swap3A_471 = arith.index_cast %add3A_417 : i32 to index
        %swap3A_472 = arith.constant 16 : index
        %swap3A_473 = tpu.vector_load %arg7[%swap3A_470, %swap3A_471, %swap3A_472] {strides = array<i32>} : memref<4x200x64xf32, #tpu.memory_space<vmem>>, vector<1x1x16xf32>,
        %swap3A_474 = vector.shape_cast %swap3A_473 : vector<1x1x16xf32> to vector<16xf32>
        %swap3A_475 = vector.shape_cast %div3A_468 : vector<16xf32> to vector<1x1x16xf32>
        tpu.vector_store %arg7[%swap3A_470, %swap3A_471, %swap3A_472], %swap3A_475 {strides = array<i32>} : memref<4x200x64xf32, #tpu.memory_space<vmem>>, vector<1x1x16xf32>,
        %get3A_476 = arith.constant 0 : i32
        %get3A_477 = arith.index_cast %get3A_476 : i32 to index
        %get3A_478 = arith.index_cast %add3A_417 : i32 to index
        %get3A_479 = arith.constant 32 : index
        %get3A_480 = tpu.vector_load %arg7[%get3A_477, %get3A_478, %get3A_479] {strides = array<i32>} : memref<4x200x64xf32, #tpu.memory_space<vmem>>, vector<1x1x16xf32>,
        %get3A_481 = vector.shape_cast %get3A_480 : vector<1x1x16xf32> to vector<16xf32>
        %get3A_482 = arith.index_cast %add3A_417 : i32 to index
        %get3A_483 = arith.constant 32 : index
        %get3A_484 = tpu.vector_load %arg8[%get3A_482, %get3A_483] {strides = array<i32>} : memref<200x64xf32, #tpu.memory_space<vmem>>, vector<1x16xf32>,
        %get3A_485 = vector.shape_cast %get3A_484 : vector<1x16xf32> to vector<16xf32>
        %add3A_486 = arith.addf %get3A_481, %get3A_485 : vector<16xf32>
        %mul3A_487 = arith.mulf %add3A_486, %add3A_486 : vector<16xf32>
        %mul3A_488 = arith.constant -0.0713548139 : f32
        %mul3A_489 = vector.broadcast %mul3A_488 : f32 to vector<16xf32>
        %mul3A_490 = arith.mulf %mul3A_489, %mul3A_487 : vector<16xf32>
        %add3A_491 = arith.constant -1.59576917 : f32
        %add3A_492 = vector.broadcast %add3A_491 : f32 to vector<16xf32>
        %add3A_493 = arith.addf %add3A_492, %mul3A_490 : vector<16xf32>
        %mul3A_494 = arith.mulf %add3A_486, %add3A_493 : vector<16xf32>
        %exp3A_495 = math.exp %mul3A_494 : vector<16xf32>
        %add3A_496 = arith.constant 1.000000e+00 : f32
        %add3A_497 = vector.broadcast %add3A_496 : f32 to vector<16xf32>
        %add3A_498 = arith.addf %add3A_497, %exp3A_495 : vector<16xf32>
        %div3A_499 = arith.divf %add3A_486, %add3A_498 : vector<16xf32>
        %swap3A_500 = arith.constant 0 : i32
        %swap3A_501 = arith.index_cast %swap3A_500 : i32 to index
        %swap3A_502 = arith.index_cast %add3A_417 : i32 to index
        %swap3A_503 = arith.constant 32 : index
        %swap3A_504 = tpu.vector_load %arg7[%swap3A_501, %swap3A_502, %swap3A_503] {strides = array<i32>} : memref<4x200x64xf32, #tpu.memory_space<vmem>>, vector<1x1x16xf32>,
        %swap3A_505 = vector.shape_cast %swap3A_504 : vector<1x1x16xf32> to vector<16xf32>
        %swap3A_506 = vector.shape_cast %div3A_499 : vector<16xf32> to vector<1x1x16xf32>
        tpu.vector_store %arg7[%swap3A_501, %swap3A_502, %swap3A_503], %swap3A_506 {strides = array<i32>} : memref<4x200x64xf32, #tpu.memory_space<vmem>>, vector<1x1x16xf32>,
        %get3A_507 = arith.constant 0 : i32
        %get3A_508 = arith.index_cast %get3A_507 : i32 to index
        %get3A_509 = arith.index_cast %add3A_417 : i32 to index
        %get3A_510 = arith.constant 48 : index
        %get3A_511 = tpu.vector_load %arg7[%get3A_508, %get3A_509, %get3A_510] {strides = array<i32>} : memref<4x200x64xf32, #tpu.memory_space<vmem>>, vector<1x1x16xf32>,
        %get3A_512 = vector.shape_cast %get3A_511 : vector<1x1x16xf32> to vector<16xf32>
        %get3A_513 = arith.index_cast %add3A_417 : i32 to index
        %get3A_514 = arith.constant 48 : index
        %get3A_515 = tpu.vector_load %arg8[%get3A_513, %get3A_514] {strides = array<i32>} : memref<200x64xf32, #tpu.memory_space<vmem>>, vector<1x16xf32>,
        %get3A_516 = vector.shape_cast %get3A_515 : vector<1x16xf32> to vector<16xf32>
        %add3A_517 = arith.addf %get3A_512, %get3A_516 : vector<16xf32>
        %mul3A_518 = arith.mulf %add3A_517, %add3A_517 : vector<16xf32>
        %mul3A_519 = arith.constant -0.0713548139 : f32
        %mul3A_520 = vector.broadcast %mul3A_519 : f32 to vector<16xf32>
        %mul3A_521 = arith.mulf %mul3A_520, %mul3A_518 : vector<16xf32>
        %add3A_522 = arith.constant -1.59576917 : f32
        %add3A_523 = vector.broadcast %add3A_522 : f32 to vector<16xf32>
        %add3A_524 = arith.addf %add3A_523, %mul3A_521 : vector<16xf32>
        %mul3A_525 = arith.mulf %add3A_517, %add3A_524 : vector<16xf32>
        %exp3A_526 = math.exp %mul3A_525 : vector<16xf32>
        %add3A_527 = arith.constant 1.000000e+00 : f32
        %add3A_528 = vector.broadcast %add3A_527 : f32 to vector<16xf32>
        %add3A_529 = arith.addf %add3A_528, %exp3A_526 : vector<16xf32>
        %div3A_530 = arith.divf %add3A_517, %add3A_529 : vector<16xf32>
        %swap3A_531 = arith.constant 0 : i32
        %swap3A_532 = arith.index_cast %swap3A_531 : i32 to index
        %swap3A_533 = arith.index_cast %add3A_417 : i32 to index
        %swap3A_534 = arith.constant 48 : index
        %swap3A_535 = tpu.vector_load %arg7[%swap3A_532, %swap3A_533, %swap3A_534] {strides = array<i32>} : memref<4x200x64xf32, #tpu.memory_space<vmem>>, vector<1x1x16xf32>,
        %swap3A_536 = vector.shape_cast %swap3A_535 : vector<1x1x16xf32> to vector<16xf32>
        %swap3A_537 = vector.shape_cast %div3A_530 : vector<16xf32> to vector<1x1x16xf32>
        tpu.vector_store %arg7[%swap3A_532, %swap3A_533, %swap3A_534], %swap3A_537 {strides = array<i32>} : memref<4x200x64xf32, #tpu.memory_space<vmem>>, vector<1x1x16xf32>,
        %mul3A_538 = arith.constant 4 : i32
        %mul3A_539 = arith.muli %scan3A_413, %mul3A_538 : i32
        %add3A_540 = arith.constant 1 : i32
        %add3A_541 = arith.addi %mul3A_539, %add3A_540 : i32
        %get3A_542 = arith.constant 0 : i32
        %get3A_543 = arith.index_cast %get3A_542 : i32 to index
        %get3A_544 = arith.index_cast %add3A_541 : i32 to index
        %get3A_545 = arith.constant 0 : index
        %get3A_546 = tpu.vector_load %arg7[%get3A_543, %get3A_544, %get3A_545] {strides = array<i32>} : memref<4x200x64xf32, #tpu.memory_space<vmem>>, vector<1x1x16xf32>,
        %get3A_547 = vector.shape_cast %get3A_546 : vector<1x1x16xf32> to vector<16xf32>
        %get3A_548 = arith.index_cast %add3A_541 : i32 to index
        %get3A_549 = arith.constant 0 : index
        %get3A_550 = tpu.vector_load %arg8[%get3A_548, %get3A_549] {strides = array<i32>} : memref<200x64xf32, #tpu.memory_space<vmem>>, vector<1x16xf32>,
        %get3A_551 = vector.shape_cast %get3A_550 : vector<1x16xf32> to vector<16xf32>
        %add3A_552 = arith.addf %get3A_547, %get3A_551 : vector<16xf32>
        %mul3A_553 = arith.mulf %add3A_552, %add3A_552 : vector<16xf32>
        %mul3A_554 = arith.constant -0.0713548139 : f32
        %mul3A_555 = vector.broadcast %mul3A_554 : f32 to vector<16xf32>
        %mul3A_556 = arith.mulf %mul3A_555, %mul3A_553 : vector<16xf32>
        %add3A_557 = arith.constant -1.59576917 : f32
        %add3A_558 = vector.broadcast %add3A_557 : f32 to vector<16xf32>
        %add3A_559 = arith.addf %add3A_558, %mul3A_556 : vector<16xf32>
        %mul3A_560 = arith.mulf %add3A_552, %add3A_559 : vector<16xf32>
        %exp3A_561 = math.exp %mul3A_560 : vector<16xf32>
        %add3A_562 = arith.constant 1.000000e+00 : f32
        %add3A_563 = vector.broadcast %add3A_562 : f32 to vector<16xf32>
        %add3A_564 = arith.addf %add3A_563, %exp3A_561 : vector<16xf32>
        %div3A_565 = arith.divf %add3A_552, %add3A_564 : vector<16xf32>
        %swap3A_566 = arith.constant 0 : i32
        %swap3A_567 = arith.index_cast %swap3A_566 : i32 to index
        %swap3A_568 = arith.index_cast %add3A_541 : i32 to index
        %swap3A_569 = arith.constant 0 : index
        %swap3A_570 = tpu.vector_load %arg7[%swap3A_567, %swap3A_568, %swap3A_569] {strides = array<i32>} : memref<4x200x64xf32, #tpu.memory_space<vmem>>, vector<1x1x16xf32>,
        %swap3A_571 = vector.shape_cast %swap3A_570 : vector<1x1x16xf32> to vector<16xf32>
        %swap3A_572 = vector.shape_cast %div3A_565 : vector<16xf32> to vector<1x1x16xf32>
        tpu.vector_store %arg7[%swap3A_567, %swap3A_568, %swap3A_569], %swap3A_572 {strides = array<i32>} : memref<4x200x64xf32, #tpu.memory_space<vmem>>, vector<1x1x16xf32>,
        %get3A_573 = arith.constant 0 : i32
        %get3A_574 = arith.index_cast %get3A_573 : i32 to index
        %get3A_575 = arith.index_cast %add3A_541 : i32 to index
        %get3A_576 = arith.constant 16 : index
        %get3A_577 = tpu.vector_load %arg7[%get3A_574, %get3A_575, %get3A_576] {strides = array<i32>} : memref<4x200x64xf32, #tpu.memory_space<vmem>>, vector<1x1x16xf32>,
        %get3A_578 = vector.shape_cast %get3A_577 : vector<1x1x16xf32> to vector<16xf32>
        %get3A_579 = arith.index_cast %add3A_541 : i32 to index
        %get3A_580 = arith.constant 16 : index
        %get3A_581 = tpu.vector_load %arg8[%get3A_579, %get3A_580] {strides = array<i32>} : memref<200x64xf32, #tpu.memory_space<vmem>>, vector<1x16xf32>,
        %get3A_582 = vector.shape_cast %get3A_581 : vector<1x16xf32> to vector<16xf32>
        %add3A_583 = arith.addf %get3A_578, %get3A_582 : vector<16xf32>
        %mul3A_584 = arith.mulf %add3A_583, %add3A_583 : vector<16xf32>
        %mul3A_585 = arith.constant -0.0713548139 : f32
        %mul3A_586 = vector.broadcast %mul3A_585 : f32 to vector<16xf32>
        %mul3A_587 = arith.mulf %mul3A_586, %mul3A_584 : vector<16xf32>
        %add3A_588 = arith.constant -1.59576917 : f32
        %add3A_589 = vector.broadcast %add3A_588 : f32 to vector<16xf32>
        %add3A_590 = arith.addf %add3A_589, %mul3A_587 : vector<16xf32>
        %mul3A_591 = arith.mulf %add3A_583, %add3A_590 : vector<16xf32>
        %exp3A_592 = math.exp %mul3A_591 : vector<16xf32>
        %add3A_593 = arith.constant 1.000000e+00 : f32
        %add3A_594 = vector.broadcast %add3A_593 : f32 to vector<16xf32>
        %add3A_595 = arith.addf %add3A_594, %exp3A_592 : vector<16xf32>
        %div3A_596 = arith.divf %add3A_583, %add3A_595 : vector<16xf32>
        %swap3A_597 = arith.constant 0 : i32
        %swap3A_598 = arith.index_cast %swap3A_597 : i32 to index
        %swap3A_599 = arith.index_cast %add3A_541 : i32 to index
        %swap3A_600 = arith.constant 16 : index
        %swap3A_601 = tpu.vector_load %arg7[%swap3A_598, %swap3A_599, %swap3A_600] {strides = array<i32>} : memref<4x200x64xf32, #tpu.memory_space<vmem>>, vector<1x1x16xf32>,
        %swap3A_602 = vector.shape_cast %swap3A_601 : vector<1x1x16xf32> to vector<16xf32>
        %swap3A_603 = vector.shape_cast %div3A_596 : vector<16xf32> to vector<1x1x16xf32>
        tpu.vector_store %arg7[%swap3A_598, %swap3A_599, %swap3A_600], %swap3A_603 {strides = array<i32>} : memref<4x200x64xf32, #tpu.memory_space<vmem>>, vector<1x1x16xf32>,
        %get3A_604 = arith.constant 0 : i32
        %get3A_605 = arith.index_cast %get3A_604 : i32 to index
        %get3A_606 = arith.index_cast %add3A_541 : i32 to index
        %get3A_607 = arith.constant 32 : index
        %get3A_608 = tpu.vector_load %arg7[%get3A_605, %get3A_606, %get3A_607] {strides = array<i32>} : memref<4x200x64xf32, #tpu.memory_space<vmem>>, vector<1x1x16xf32>,
        %get3A_609 = vector.shape_cast %get3A_608 : vector<1x1x16xf32> to vector<16xf32>
        %get3A_610 = arith.index_cast %add3A_541 : i32 to index
        %get3A_611 = arith.constant 32 : index
        %get3A_612 = tpu.vector_load %arg8[%get3A_610, %get3A_611] {strides = array<i32>} : memref<200x64xf32, #tpu.memory_space<vmem>>, vector<1x16xf32>,
        %get3A_613 = vector.shape_cast %get3A_612 : vector<1x16xf32> to vector<16xf32>
        %add3A_614 = arith.addf %get3A_609, %get3A_613 : vector<16xf32>
        %mul3A_615 = arith.mulf %add3A_614, %add3A_614 : vector<16xf32>
        %mul3A_616 = arith.constant -0.0713548139 : f32
        %mul3A_617 = vector.broadcast %mul3A_616 : f32 to vector<16xf32>
        %mul3A_618 = arith.mulf %mul3A_617, %mul3A_615 : vector<16xf32>
        %add3A_619 = arith.constant -1.59576917 : f32
        %add3A_620 = vector.broadcast %add3A_619 : f32 to vector<16xf32>
        %add3A_621 = arith.addf %add3A_620, %mul3A_618 : vector<16xf32>
        %mul3A_622 = arith.mulf %add3A_614, %add3A_621 : vector<16xf32>
        %exp3A_623 = math.exp %mul3A_622 : vector<16xf32>
        %add3A_624 = arith.constant 1.000000e+00 : f32
        %add3A_625 = vector.broadcast %add3A_624 : f32 to vector<16xf32>
        %add3A_626 = arith.addf %add3A_625, %exp3A_623 : vector<16xf32>
        %div3A_627 = arith.divf %add3A_614, %add3A_626 : vector<16xf32>
        %swap3A_628 = arith.constant 0 : i32
        %swap3A_629 = arith.index_cast %swap3A_628 : i32 to index
        %swap3A_630 = arith.index_cast %add3A_541 : i32 to index
        %swap3A_631 = arith.constant 32 : index
        %swap3A_632 = tpu.vector_load %arg7[%swap3A_629, %swap3A_630, %swap3A_631] {strides = array<i32>} : memref<4x200x64xf32, #tpu.memory_space<vmem>>, vector<1x1x16xf32>,
        %swap3A_633 = vector.shape_cast %swap3A_632 : vector<1x1x16xf32> to vector<16xf32>
        %swap3A_634 = vector.shape_cast %div3A_627 : vector<16xf32> to vector<1x1x16xf32>
        tpu.vector_store %arg7[%swap3A_629, %swap3A_630, %swap3A_631], %swap3A_634 {strides = array<i32>} : memref<4x200x64xf32, #tpu.memory_space<vmem>>, vector<1x1x16xf32>,
        %get3A_635 = arith.constant 0 : i32
        %get3A_636 = arith.index_cast %get3A_635 : i32 to index
        %get3A_637 = arith.index_cast %add3A_541 : i32 to index
        %get3A_638 = arith.constant 48 : index
        %get3A_639 = tpu.vector_load %arg7[%get3A_636, %get3A_637, %get3A_638] {strides = array<i32>} : memref<4x200x64xf32, #tpu.memory_space<vmem>>, vector<1x1x16xf32>,
        %get3A_640 = vector.shape_cast %get3A_639 : vector<1x1x16xf32> to vector<16xf32>
        %get3A_641 = arith.index_cast %add3A_541 : i32 to index
        %get3A_642 = arith.constant 48 : index
        %get3A_643 = tpu.vector_load %arg8[%get3A_641, %get3A_642] {strides = array<i32>} : memref<200x64xf32, #tpu.memory_space<vmem>>, vector<1x16xf32>,
        %get3A_644 = vector.shape_cast %get3A_643 : vector<1x16xf32> to vector<16xf32>
        %add3A_645 = arith.addf %get3A_640, %get3A_644 : vector<16xf32>
        %mul3A_646 = arith.mulf %add3A_645, %add3A_645 : vector<16xf32>
        %mul3A_647 = arith.constant -0.0713548139 : f32
        %mul3A_648 = vector.broadcast %mul3A_647 : f32 to vector<16xf32>
        %mul3A_649 = arith.mulf %mul3A_648, %mul3A_646 : vector<16xf32>
        %add3A_650 = arith.constant -1.59576917 : f32
        %add3A_651 = vector.broadcast %add3A_650 : f32 to vector<16xf32>
        %add3A_652 = arith.addf %add3A_651, %mul3A_649 : vector<16xf32>
        %mul3A_653 = arith.mulf %add3A_645, %add3A_652 : vector<16xf32>
        %exp3A_654 = math.exp %mul3A_653 : vector<16xf32>
        %add3A_655 = arith.constant 1.000000e+00 : f32
        %add3A_656 = vector.broadcast %add3A_655 : f32 to vector<16xf32>
        %add3A_657 = arith.addf %add3A_656, %exp3A_654 : vector<16xf32>
        %div3A_658 = arith.divf %add3A_645, %add3A_657 : vector<16xf32>
        %swap3A_659 = arith.constant 0 : i32
        %swap3A_660 = arith.index_cast %swap3A_659 : i32 to index
        %swap3A_661 = arith.index_cast %add3A_541 : i32 to index
        %swap3A_662 = arith.constant 48 : index
        %swap3A_663 = tpu.vector_load %arg7[%swap3A_660, %swap3A_661, %swap3A_662] {strides = array<i32>} : memref<4x200x64xf32, #tpu.memory_space<vmem>>, vector<1x1x16xf32>,
        %swap3A_664 = vector.shape_cast %swap3A_663 : vector<1x1x16xf32> to vector<16xf32>
        %swap3A_665 = vector.shape_cast %div3A_658 : vector<16xf32> to vector<1x1x16xf32>
        tpu.vector_store %arg7[%swap3A_660, %swap3A_661, %swap3A_662], %swap3A_665 {strides = array<i32>} : memref<4x200x64xf32, #tpu.memory_space<vmem>>, vector<1x1x16xf32>,
        %mul3A_666 = arith.constant 4 : i32
        %mul3A_667 = arith.muli %scan3A_413, %mul3A_666 : i32
        %add3A_668 = arith.constant 2 : i32
        %add3A_669 = arith.addi %mul3A_667, %add3A_668 : i32
        %get3A_670 = arith.constant 0 : i32
        %get3A_671 = arith.index_cast %get3A_670 : i32 to index
        %get3A_672 = arith.index_cast %add3A_669 : i32 to index
        %get3A_673 = arith.constant 0 : index
        %get3A_674 = tpu.vector_load %arg7[%get3A_671, %get3A_672, %get3A_673] {strides = array<i32>} : memref<4x200x64xf32, #tpu.memory_space<vmem>>, vector<1x1x16xf32>,
        %get3A_675 = vector.shape_cast %get3A_674 : vector<1x1x16xf32> to vector<16xf32>
        %get3A_676 = arith.index_cast %add3A_669 : i32 to index
        %get3A_677 = arith.constant 0 : index
        %get3A_678 = tpu.vector_load %arg8[%get3A_676, %get3A_677] {strides = array<i32>} : memref<200x64xf32, #tpu.memory_space<vmem>>, vector<1x16xf32>,
        %get3A_679 = vector.shape_cast %get3A_678 : vector<1x16xf32> to vector<16xf32>
        %add3A_680 = arith.addf %get3A_675, %get3A_679 : vector<16xf32>
        %mul3A_681 = arith.mulf %add3A_680, %add3A_680 : vector<16xf32>
        %mul3A_682 = arith.constant -0.0713548139 : f32
        %mul3A_683 = vector.broadcast %mul3A_682 : f32 to vector<16xf32>
        %mul3A_684 = arith.mulf %mul3A_683, %mul3A_681 : vector<16xf32>
        %add3A_685 = arith.constant -1.59576917 : f32
        %add3A_686 = vector.broadcast %add3A_685 : f32 to vector<16xf32>
        %add3A_687 = arith.addf %add3A_686, %mul3A_684 : vector<16xf32>
        %mul3A_688 = arith.mulf %add3A_680, %add3A_687 : vector<16xf32>
        %exp3A_689 = math.exp %mul3A_688 : vector<16xf32>
        %add3A_690 = arith.constant 1.000000e+00 : f32
        %add3A_691 = vector.broadcast %add3A_690 : f32 to vector<16xf32>
        %add3A_692 = arith.addf %add3A_691, %exp3A_689 : vector<16xf32>
        %div3A_693 = arith.divf %add3A_680, %add3A_692 : vector<16xf32>
        %swap3A_694 = arith.constant 0 : i32
        %swap3A_695 = arith.index_cast %swap3A_694 : i32 to index
        %swap3A_696 = arith.index_cast %add3A_669 : i32 to index
        %swap3A_697 = arith.constant 0 : index
        %swap3A_698 = tpu.vector_load %arg7[%swap3A_695, %swap3A_696, %swap3A_697] {strides = array<i32>} : memref<4x200x64xf32, #tpu.memory_space<vmem>>, vector<1x1x16xf32>,
        %swap3A_699 = vector.shape_cast %swap3A_698 : vector<1x1x16xf32> to vector<16xf32>
        %swap3A_700 = vector.shape_cast %div3A_693 : vector<16xf32> to vector<1x1x16xf32>
        tpu.vector_store %arg7[%swap3A_695, %swap3A_696, %swap3A_697], %swap3A_700 {strides = array<i32>} : memref<4x200x64xf32, #tpu.memory_space<vmem>>, vector<1x1x16xf32>,
        %get3A_701 = arith.constant 0 : i32
        %get3A_702 = arith.index_cast %get3A_701 : i32 to index
        %get3A_703 = arith.index_cast %add3A_669 : i32 to index
        %get3A_704 = arith.constant 16 : index
        %get3A_705 = tpu.vector_load %arg7[%get3A_702, %get3A_703, %get3A_704] {strides = array<i32>} : memref<4x200x64xf32, #tpu.memory_space<vmem>>, vector<1x1x16xf32>,
        %get3A_706 = vector.shape_cast %get3A_705 : vector<1x1x16xf32> to vector<16xf32>
        %get3A_707 = arith.index_cast %add3A_669 : i32 to index
        %get3A_708 = arith.constant 16 : index
        %get3A_709 = tpu.vector_load %arg8[%get3A_707, %get3A_708] {strides = array<i32>} : memref<200x64xf32, #tpu.memory_space<vmem>>, vector<1x16xf32>,
        %get3A_710 = vector.shape_cast %get3A_709 : vector<1x16xf32> to vector<16xf32>
        %add3A_711 = arith.addf %get3A_706, %get3A_710 : vector<16xf32>
        %mul3A_712 = arith.mulf %add3A_711, %add3A_711 : vector<16xf32>
        %mul3A_713 = arith.constant -0.0713548139 : f32
        %mul3A_714 = vector.broadcast %mul3A_713 : f32 to vector<16xf32>
        %mul3A_715 = arith.mulf %mul3A_714, %mul3A_712 : vector<16xf32>
        %add3A_716 = arith.constant -1.59576917 : f32
        %add3A_717 = vector.broadcast %add3A_716 : f32 to vector<16xf32>
        %add3A_718 = arith.addf %add3A_717, %mul3A_715 : vector<16xf32>
        %mul3A_719 = arith.mulf %add3A_711, %add3A_718 : vector<16xf32>
        %exp3A_720 = math.exp %mul3A_719 : vector<16xf32>
        %add3A_721 = arith.constant 1.000000e+00 : f32
        %add3A_722 = vector.broadcast %add3A_721 : f32 to vector<16xf32>
        %add3A_723 = arith.addf %add3A_722, %exp3A_720 : vector<16xf32>
        %div3A_724 = arith.divf %add3A_711, %add3A_723 : vector<16xf32>
        %swap3A_725 = arith.constant 0 : i32
        %swap3A_726 = arith.index_cast %swap3A_725 : i32 to index
        %swap3A_727 = arith.index_cast %add3A_669 : i32 to index
        %swap3A_728 = arith.constant 16 : index
        %swap3A_729 = tpu.vector_load %arg7[%swap3A_726, %swap3A_727, %swap3A_728] {strides = array<i32>} : memref<4x200x64xf32, #tpu.memory_space<vmem>>, vector<1x1x16xf32>,
        %swap3A_730 = vector.shape_cast %swap3A_729 : vector<1x1x16xf32> to vector<16xf32>
        %swap3A_731 = vector.shape_cast %div3A_724 : vector<16xf32> to vector<1x1x16xf32>
        tpu.vector_store %arg7[%swap3A_726, %swap3A_727, %swap3A_728], %swap3A_731 {strides = array<i32>} : memref<4x200x64xf32, #tpu.memory_space<vmem>>, vector<1x1x16xf32>,
        %get3A_732 = arith.constant 0 : i32
        %get3A_733 = arith.index_cast %get3A_732 : i32 to index
        %get3A_734 = arith.index_cast %add3A_669 : i32 to index
        %get3A_735 = arith.constant 32 : index
        %get3A_736 = tpu.vector_load %arg7[%get3A_733, %get3A_734, %get3A_735] {strides = array<i32>} : memref<4x200x64xf32, #tpu.memory_space<vmem>>, vector<1x1x16xf32>,
        %get3A_737 = vector.shape_cast %get3A_736 : vector<1x1x16xf32> to vector<16xf32>
        %get3A_738 = arith.index_cast %add3A_669 : i32 to index
        %get3A_739 = arith.constant 32 : index
        %get3A_740 = tpu.vector_load %arg8[%get3A_738, %get3A_739] {strides = array<i32>} : memref<200x64xf32, #tpu.memory_space<vmem>>, vector<1x16xf32>,
        %get3A_741 = vector.shape_cast %get3A_740 : vector<1x16xf32> to vector<16xf32>
        %add3A_742 = arith.addf %get3A_737, %get3A_741 : vector<16xf32>
        %mul3A_743 = arith.mulf %add3A_742, %add3A_742 : vector<16xf32>
        %mul3A_744 = arith.constant -0.0713548139 : f32
        %mul3A_745 = vector.broadcast %mul3A_744 : f32 to vector<16xf32>
        %mul3A_746 = arith.mulf %mul3A_745, %mul3A_743 : vector<16xf32>
        %add3A_747 = arith.constant -1.59576917 : f32
        %add3A_748 = vector.broadcast %add3A_747 : f32 to vector<16xf32>
        %add3A_749 = arith.addf %add3A_748, %mul3A_746 : vector<16xf32>
        %mul3A_750 = arith.mulf %add3A_742, %add3A_749 : vector<16xf32>
        %exp3A_751 = math.exp %mul3A_750 : vector<16xf32>
        %add3A_752 = arith.constant 1.000000e+00 : f32
        %add3A_753 = vector.broadcast %add3A_752 : f32 to vector<16xf32>
        %add3A_754 = arith.addf %add3A_753, %exp3A_751 : vector<16xf32>
        %div3A_755 = arith.divf %add3A_742, %add3A_754 : vector<16xf32>
        %swap3A_756 = arith.constant 0 : i32
        %swap3A_757 = arith.index_cast %swap3A_756 : i32 to index
        %swap3A_758 = arith.index_cast %add3A_669 : i32 to index
        %swap3A_759 = arith.constant 32 : index
        %swap3A_760 = tpu.vector_load %arg7[%swap3A_757, %swap3A_758, %swap3A_759] {strides = array<i32>} : memref<4x200x64xf32, #tpu.memory_space<vmem>>, vector<1x1x16xf32>,
        %swap3A_761 = vector.shape_cast %swap3A_760 : vector<1x1x16xf32> to vector<16xf32>
        %swap3A_762 = vector.shape_cast %div3A_755 : vector<16xf32> to vector<1x1x16xf32>
        tpu.vector_store %arg7[%swap3A_757, %swap3A_758, %swap3A_759], %swap3A_762 {strides = array<i32>} : memref<4x200x64xf32, #tpu.memory_space<vmem>>, vector<1x1x16xf32>,
        %get3A_763 = arith.constant 0 : i32
        %get3A_764 = arith.index_cast %get3A_763 : i32 to index
        %get3A_765 = arith.index_cast %add3A_669 : i32 to index
        %get3A_766 = arith.constant 48 : index
        %get3A_767 = tpu.vector_load %arg7[%get3A_764, %get3A_765, %get3A_766] {strides = array<i32>} : memref<4x200x64xf32, #tpu.memory_space<vmem>>, vector<1x1x16xf32>,
        %get3A_768 = vector.shape_cast %get3A_767 : vector<1x1x16xf32> to vector<16xf32>
        %get3A_769 = arith.index_cast %add3A_669 : i32 to index
        %get3A_770 = arith.constant 48 : index
        %get3A_771 = tpu.vector_load %arg8[%get3A_769, %get3A_770] {strides = array<i32>} : memref<200x64xf32, #tpu.memory_space<vmem>>, vector<1x16xf32>,
        %get3A_772 = vector.shape_cast %get3A_771 : vector<1x16xf32> to vector<16xf32>
        %add3A_773 = arith.addf %get3A_768, %get3A_772 : vector<16xf32>
        %mul3A_774 = arith.mulf %add3A_773, %add3A_773 : vector<16xf32>
        %mul3A_775 = arith.constant -0.0713548139 : f32
        %mul3A_776 = vector.broadcast %mul3A_775 : f32 to vector<16xf32>
        %mul3A_777 = arith.mulf %mul3A_776, %mul3A_774 : vector<16xf32>
        %add3A_778 = arith.constant -1.59576917 : f32
        %add3A_779 = vector.broadcast %add3A_778 : f32 to vector<16xf32>
        %add3A_780 = arith.addf %add3A_779, %mul3A_777 : vector<16xf32>
        %mul3A_781 = arith.mulf %add3A_773, %add3A_780 : vector<16xf32>
        %exp3A_782 = math.exp %mul3A_781 : vector<16xf32>
        %add3A_783 = arith.constant 1.000000e+00 : f32
        %add3A_784 = vector.broadcast %add3A_783 : f32 to vector<16xf32>
        %add3A_785 = arith.addf %add3A_784, %exp3A_782 : vector<16xf32>
        %div3A_786 = arith.divf %add3A_773, %add3A_785 : vector<16xf32>
        %swap3A_787 = arith.constant 0 : i32
        %swap3A_788 = arith.index_cast %swap3A_787 : i32 to index
        %swap3A_789 = arith.index_cast %add3A_669 : i32 to index
        %swap3A_790 = arith.constant 48 : index
        %swap3A_791 = tpu.vector_load %arg7[%swap3A_788, %swap3A_789, %swap3A_790] {strides = array<i32>} : memref<4x200x64xf32, #tpu.memory_space<vmem>>, vector<1x1x16xf32>,
        %swap3A_792 = vector.shape_cast %swap3A_791 : vector<1x1x16xf32> to vector<16xf32>
        %swap3A_793 = vector.shape_cast %div3A_786 : vector<16xf32> to vector<1x1x16xf32>
        tpu.vector_store %arg7[%swap3A_788, %swap3A_789, %swap3A_790], %swap3A_793 {strides = array<i32>} : memref<4x200x64xf32, #tpu.memory_space<vmem>>, vector<1x1x16xf32>,
        %mul3A_794 = arith.constant 4 : i32
        %mul3A_795 = arith.muli %scan3A_413, %mul3A_794 : i32
        %add3A_796 = arith.constant 3 : i32
        %add3A_797 = arith.addi %mul3A_795, %add3A_796 : i32
        %get3A_798 = arith.constant 0 : i32
        %get3A_799 = arith.index_cast %get3A_798 : i32 to index
        %get3A_800 = arith.index_cast %add3A_797 : i32 to index
        %get3A_801 = arith.constant 0 : index
        %get3A_802 = tpu.vector_load %arg7[%get3A_799, %get3A_800, %get3A_801] {strides = array<i32>} : memref<4x200x64xf32, #tpu.memory_space<vmem>>, vector<1x1x16xf32>,
        %get3A_803 = vector.shape_cast %get3A_802 : vector<1x1x16xf32> to vector<16xf32>
        %get3A_804 = arith.index_cast %add3A_797 : i32 to index
        %get3A_805 = arith.constant 0 : index
        %get3A_806 = tpu.vector_load %arg8[%get3A_804, %get3A_805] {strides = array<i32>} : memref<200x64xf32, #tpu.memory_space<vmem>>, vector<1x16xf32>,
        %get3A_807 = vector.shape_cast %get3A_806 : vector<1x16xf32> to vector<16xf32>
        %add3A_808 = arith.addf %get3A_803, %get3A_807 : vector<16xf32>
        %mul3A_809 = arith.mulf %add3A_808, %add3A_808 : vector<16xf32>
        %mul3A_810 = arith.constant -0.0713548139 : f32
        %mul3A_811 = vector.broadcast %mul3A_810 : f32 to vector<16xf32>
        %mul3A_812 = arith.mulf %mul3A_811, %mul3A_809 : vector<16xf32>
        %add3A_813 = arith.constant -1.59576917 : f32
        %add3A_814 = vector.broadcast %add3A_813 : f32 to vector<16xf32>
        %add3A_815 = arith.addf %add3A_814, %mul3A_812 : vector<16xf32>
        %mul3A_816 = arith.mulf %add3A_808, %add3A_815 : vector<16xf32>
        %exp3A_817 = math.exp %mul3A_816 : vector<16xf32>
        %add3A_818 = arith.constant 1.000000e+00 : f32
        %add3A_819 = vector.broadcast %add3A_818 : f32 to vector<16xf32>
        %add3A_820 = arith.addf %add3A_819, %exp3A_817 : vector<16xf32>
        %div3A_821 = arith.divf %add3A_808, %add3A_820 : vector<16xf32>
        %swap3A_822 = arith.constant 0 : i32
        %swap3A_823 = arith.index_cast %swap3A_822 : i32 to index
        %swap3A_824 = arith.index_cast %add3A_797 : i32 to index
        %swap3A_825 = arith.constant 0 : index
        %swap3A_826 = tpu.vector_load %arg7[%swap3A_823, %swap3A_824, %swap3A_825] {strides = array<i32>} : memref<4x200x64xf32, #tpu.memory_space<vmem>>, vector<1x1x16xf32>,
        %swap3A_827 = vector.shape_cast %swap3A_826 : vector<1x1x16xf32> to vector<16xf32>
        %swap3A_828 = vector.shape_cast %div3A_821 : vector<16xf32> to vector<1x1x16xf32>
        tpu.vector_store %arg7[%swap3A_823, %swap3A_824, %swap3A_825], %swap3A_828 {strides = array<i32>} : memref<4x200x64xf32, #tpu.memory_space<vmem>>, vector<1x1x16xf32>,
        %get3A_829 = arith.constant 0 : i32
        %get3A_830 = arith.index_cast %get3A_829 : i32 to index
        %get3A_831 = arith.index_cast %add3A_797 : i32 to index
        %get3A_832 = arith.constant 16 : index
        %get3A_833 = tpu.vector_load %arg7[%get3A_830, %get3A_831, %get3A_832] {strides = array<i32>} : memref<4x200x64xf32, #tpu.memory_space<vmem>>, vector<1x1x16xf32>,
        %get3A_834 = vector.shape_cast %get3A_833 : vector<1x1x16xf32> to vector<16xf32>
        %get3A_835 = arith.index_cast %add3A_797 : i32 to index
        %get3A_836 = arith.constant 16 : index
        %get3A_837 = tpu.vector_load %arg8[%get3A_835, %get3A_836] {strides = array<i32>} : memref<200x64xf32, #tpu.memory_space<vmem>>, vector<1x16xf32>,
        %get3A_838 = vector.shape_cast %get3A_837 : vector<1x16xf32> to vector<16xf32>
        %add3A_839 = arith.addf %get3A_834, %get3A_838 : vector<16xf32>
        %mul3A_840 = arith.mulf %add3A_839, %add3A_839 : vector<16xf32>
        %mul3A_841 = arith.constant -0.0713548139 : f32
        %mul3A_842 = vector.broadcast %mul3A_841 : f32 to vector<16xf32>
        %mul3A_843 = arith.mulf %mul3A_842, %mul3A_840 : vector<16xf32>
        %add3A_844 = arith.constant -1.59576917 : f32
        %add3A_845 = vector.broadcast %add3A_844 : f32 to vector<16xf32>
        %add3A_846 = arith.addf %add3A_845, %mul3A_843 : vector<16xf32>
        %mul3A_847 = arith.mulf %add3A_839, %add3A_846 : vector<16xf32>
        %exp3A_848 = math.exp %mul3A_847 : vector<16xf32>
        %add3A_849 = arith.constant 1.000000e+00 : f32
        %add3A_850 = vector.broadcast %add3A_849 : f32 to vector<16xf32>
        %add3A_851 = arith.addf %add3A_850, %exp3A_848 : vector<16xf32>
        %div3A_852 = arith.divf %add3A_839, %add3A_851 : vector<16xf32>
        %swap3A_853 = arith.constant 0 : i32
        %swap3A_854 = arith.index_cast %swap3A_853 : i32 to index
        %swap3A_855 = arith.index_cast %add3A_797 : i32 to index
        %swap3A_856 = arith.constant 16 : index
        %swap3A_857 = tpu.vector_load %arg7[%swap3A_854, %swap3A_855, %swap3A_856] {strides = array<i32>} : memref<4x200x64xf32, #tpu.memory_space<vmem>>, vector<1x1x16xf32>,
        %swap3A_858 = vector.shape_cast %swap3A_857 : vector<1x1x16xf32> to vector<16xf32>
        %swap3A_859 = vector.shape_cast %div3A_852 : vector<16xf32> to vector<1x1x16xf32>
        tpu.vector_store %arg7[%swap3A_854, %swap3A_855, %swap3A_856], %swap3A_859 {strides = array<i32>} : memref<4x200x64xf32, #tpu.memory_space<vmem>>, vector<1x1x16xf32>,
        %get3A_860 = arith.constant 0 : i32
        %get3A_861 = arith.index_cast %get3A_860 : i32 to index
        %get3A_862 = arith.index_cast %add3A_797 : i32 to index
        %get3A_863 = arith.constant 32 : index
        %get3A_864 = tpu.vector_load %arg7[%get3A_861, %get3A_862, %get3A_863] {strides = array<i32>} : memref<4x200x64xf32, #tpu.memory_space<vmem>>, vector<1x1x16xf32>,
        %get3A_865 = vector.shape_cast %get3A_864 : vector<1x1x16xf32> to vector<16xf32>
        %get3A_866 = arith.index_cast %add3A_797 : i32 to index
        %get3A_867 = arith.constant 32 : index
        %get3A_868 = tpu.vector_load %arg8[%get3A_866, %get3A_867] {strides = array<i32>} : memref<200x64xf32, #tpu.memory_space<vmem>>, vector<1x16xf32>,
        %get3A_869 = vector.shape_cast %get3A_868 : vector<1x16xf32> to vector<16xf32>
        %add3A_870 = arith.addf %get3A_865, %get3A_869 : vector<16xf32>
        %mul3A_871 = arith.mulf %add3A_870, %add3A_870 : vector<16xf32>
        %mul3A_872 = arith.constant -0.0713548139 : f32
        %mul3A_873 = vector.broadcast %mul3A_872 : f32 to vector<16xf32>
        %mul3A_874 = arith.mulf %mul3A_873, %mul3A_871 : vector<16xf32>
        %add3A_875 = arith.constant -1.59576917 : f32
        %add3A_876 = vector.broadcast %add3A_875 : f32 to vector<16xf32>
        %add3A_877 = arith.addf %add3A_876, %mul3A_874 : vector<16xf32>
        %mul3A_878 = arith.mulf %add3A_870, %add3A_877 : vector<16xf32>
        %exp3A_879 = math.exp %mul3A_878 : vector<16xf32>
        %add3A_880 = arith.constant 1.000000e+00 : f32
        %add3A_881 = vector.broadcast %add3A_880 : f32 to vector<16xf32>
        %add3A_882 = arith.addf %add3A_881, %exp3A_879 : vector<16xf32>
        %div3A_883 = arith.divf %add3A_870, %add3A_882 : vector<16xf32>
        %swap3A_884 = arith.constant 0 : i32
        %swap3A_885 = arith.index_cast %swap3A_884 : i32 to index
        %swap3A_886 = arith.index_cast %add3A_797 : i32 to index
        %swap3A_887 = arith.constant 32 : index
        %swap3A_888 = tpu.vector_load %arg7[%swap3A_885, %swap3A_886, %swap3A_887] {strides = array<i32>} : memref<4x200x64xf32, #tpu.memory_space<vmem>>, vector<1x1x16xf32>,
        %swap3A_889 = vector.shape_cast %swap3A_888 : vector<1x1x16xf32> to vector<16xf32>
        %swap3A_890 = vector.shape_cast %div3A_883 : vector<16xf32> to vector<1x1x16xf32>
        tpu.vector_store %arg7[%swap3A_885, %swap3A_886, %swap3A_887], %swap3A_890 {strides = array<i32>} : memref<4x200x64xf32, #tpu.memory_space<vmem>>, vector<1x1x16xf32>,
        %get3A_891 = arith.constant 0 : i32
        %get3A_892 = arith.index_cast %get3A_891 : i32 to index
        %get3A_893 = arith.index_cast %add3A_797 : i32 to index
        %get3A_894 = arith.constant 48 : index
        %get3A_895 = tpu.vector_load %arg7[%get3A_892, %get3A_893, %get3A_894] {strides = array<i32>} : memref<4x200x64xf32, #tpu.memory_space<vmem>>, vector<1x1x16xf32>,
        %get3A_896 = vector.shape_cast %get3A_895 : vector<1x1x16xf32> to vector<16xf32>
        %get3A_897 = arith.index_cast %add3A_797 : i32 to index
        %get3A_898 = arith.constant 48 : index
        %get3A_899 = tpu.vector_load %arg8[%get3A_897, %get3A_898] {strides = array<i32>} : memref<200x64xf32, #tpu.memory_space<vmem>>, vector<1x16xf32>,
        %get3A_900 = vector.shape_cast %get3A_899 : vector<1x16xf32> to vector<16xf32>
        %add3A_901 = arith.addf %get3A_896, %get3A_900 : vector<16xf32>
        %mul3A_902 = arith.mulf %add3A_901, %add3A_901 : vector<16xf32>
        %mul3A_903 = arith.constant -0.0713548139 : f32
        %mul3A_904 = vector.broadcast %mul3A_903 : f32 to vector<16xf32>
        %mul3A_905 = arith.mulf %mul3A_904, %mul3A_902 : vector<16xf32>
        %add3A_906 = arith.constant -1.59576917 : f32
        %add3A_907 = vector.broadcast %add3A_906 : f32 to vector<16xf32>
        %add3A_908 = arith.addf %add3A_907, %mul3A_905 : vector<16xf32>
        %mul3A_909 = arith.mulf %add3A_901, %add3A_908 : vector<16xf32>
        %exp3A_910 = math.exp %mul3A_909 : vector<16xf32>
        %add3A_911 = arith.constant 1.000000e+00 : f32
        %add3A_912 = vector.broadcast %add3A_911 : f32 to vector<16xf32>
        %add3A_913 = arith.addf %add3A_912, %exp3A_910 : vector<16xf32>
        %div3A_914 = arith.divf %add3A_901, %add3A_913 : vector<16xf32>
        %swap3A_915 = arith.constant 0 : i32
        %swap3A_916 = arith.index_cast %swap3A_915 : i32 to index
        %swap3A_917 = arith.index_cast %add3A_797 : i32 to index
        %swap3A_918 = arith.constant 48 : index
        %swap3A_919 = tpu.vector_load %arg7[%swap3A_916, %swap3A_917, %swap3A_918] {strides = array<i32>} : memref<4x200x64xf32, #tpu.memory_space<vmem>>, vector<1x1x16xf32>,
        %swap3A_920 = vector.shape_cast %swap3A_919 : vector<1x1x16xf32> to vector<16xf32>
        %swap3A_921 = vector.shape_cast %div3A_914 : vector<16xf32> to vector<1x1x16xf32>
        tpu.vector_store %arg7[%swap3A_916, %swap3A_917, %swap3A_918], %swap3A_921 {strides = array<i32>} : memref<4x200x64xf32, #tpu.memory_space<vmem>>, vector<1x1x16xf32>,
      }
      %scan3A_221 = arith.constant 50 : i32
      %mul3A_222 = arith.constant 128 : i32
      %mul3A_223 = arith.muli %add3A, %mul3A_222 : i32
      %add3A_224 = arith.addi %mul3A_223, %mul3A_130 : i32
      %dma_start3A_225 = arith.constant 0 : i32
      %dma_start3A_226 = arith.constant 0 : i32
      %dma_start3A_227 = arith.constant 0 : i32
      %dma_start3A_228 = tpu.memref_slice %arg7[%dma_start3A_225, %dma_start3A_226, %dma_start3A_227] : memref<4x200x64xf32, #tpu.memory_space<vmem>> -> memref<1x200x64xf32, #tpu.memory_space<vmem>>
      %dma_start3A_229 = tpu.memref_squeeze %dma_start3A_228 : memref<1x200x64xf32, #tpu.memory_space<vmem>> -> memref<200x64xf32, #tpu.memory_space<vmem>>
      %dma_start3A_230 = arith.constant 0 : i32
      %dma_start3A_231 = arith.constant 0 : i32
      %dma_start3A_232 = tpu.memref_slice %arg5[%add3A_224, %dma_start3A_230, %dma_start3A_231] : memref<4096x200x64xf32, #tpu.memory_space<hbm>> -> memref<1x200x64xf32, #tpu.memory_space<hbm>>
      %dma_start3A_233 = tpu.memref_squeeze %dma_start3A_232 : memref<1x200x64xf32, #tpu.memory_space<hbm>> -> memref<200x64xf32, #tpu.memory_space<hbm>>
      %dma_start3A_234 = arith.constant 0 : i32
      %dma_start3A_235 = arith.constant 0 : i32
      %dma_start3A_236 = tpu.memref_slice %arg5[%add3A_224, %dma_start3A_234, %dma_start3A_235] : memref<4096x200x64xf32, #tpu.memory_space<hbm>> -> memref<1x200x64xf32, #tpu.memory_space<hbm>>
      %dma_start3A_237 = tpu.memref_squeeze %dma_start3A_236 : memref<1x200x64xf32, #tpu.memory_space<hbm>> -> memref<200x64xf32, #tpu.memory_space<hbm>>
      %dma_start3A_238 = arith.constant 0 : i32
      %dma_start3A_239 = arith.constant 0 : i32
      %dma_start3A_240 = tpu.memref_slice %arg7[%dma_start3A_225, %dma_start3A_238, %dma_start3A_239] : memref<4x200x64xf32, #tpu.memory_space<vmem>> -> memref<1x200x64xf32, #tpu.memory_space<vmem>>
      %dma_start3A_241 = tpu.memref_squeeze %dma_start3A_240 : memref<1x200x64xf32, #tpu.memory_space<vmem>> -> memref<200x64xf32, #tpu.memory_space<vmem>>
      tpu.enqueue_dma source(%dma_start3A_241 : memref<200x64xf32, #tpu.memory_space<vmem>>) target(%dma_start3A_237 : memref<200x64xf32, #tpu.memory_space<hbm>>) target_semaphore(%arg13 : memref<!tpu.dma_semaphore, #tpu.memory_space<semaphore_mem>>)
      %dma_wait3A_242 = arith.constant 0 : i32
      %dma_wait3A_243 = arith.constant 0 : i32
      %dma_wait3A_244 = arith.constant 1 : i32
      %dma_wait3A_245 = arith.constant 0 : i32
      %dma_wait3A_246 = arith.constant 0 : i32
      %dma_wait3A_247 = tpu.memref_slice %arg7[%dma_wait3A_244, %dma_wait3A_245, %dma_wait3A_246] : memref<4x200x64xf32, #tpu.memory_space<vmem>> -> memref<1x100x64xf32, #tpu.memory_space<vmem>>
      %dma_wait3A_248 = tpu.memref_squeeze %dma_wait3A_247 : memref<1x100x64xf32, #tpu.memory_space<vmem>> -> memref<100x64xf32, #tpu.memory_space<vmem>>
      %dma_wait3A_249 = arith.constant 0 : i32
      %dma_wait3A_250 = tpu.memref_slice %arg6[%dma_wait3A_242, %dma_wait3A_243, %dma_wait3A_249] : memref<128x2x100xi32, #tpu.memory_space<vmem>> -> memref<1x1x100xi32, #tpu.memory_space<vmem>>
      %dma_wait3A_251 = tpu.memref_squeeze %dma_wait3A_250 : memref<1x1x100xi32, #tpu.memory_space<vmem>> -> memref<100xi32, #tpu.memory_space<vmem>>
      %dma_wait3A_252 = arith.constant 0 : i32
      %dma_wait3A_253 = arith.constant 0 : i32
      %dma_wait3A_254 = tpu.memref_slice %arg3[%dma_wait3A_252, %dma_wait3A_253] : memref<1000000x64xf32, #tpu.memory_space<hbm>> -> memref<1000000x64xf32, #tpu.memory_space<hbm>>
      tpu.wait_indirect_dma semaphore(%arg10 : memref<!tpu.dma_semaphore, #tpu.memory_space<semaphore_mem>>) src(%dma_wait3A_254 : memref<1000000x64xf32, #tpu.memory_space<hbm>>) dst(%dma_wait3A_248 : memref<100x64xf32, #tpu.memory_space<vmem>>)
      %dma_wait3A_255 = arith.constant 0 : i32
      %dma_wait3A_256 = arith.constant 1 : i32
      %dma_wait3A_257 = arith.constant 1 : i32
      %dma_wait3A_258 = arith.constant 100 : i32
      %dma_wait3A_259 = arith.constant 0 : i32
      %dma_wait3A_260 = tpu.memref_slice %arg7[%dma_wait3A_257, %dma_wait3A_258, %dma_wait3A_259] : memref<4x200x64xf32, #tpu.memory_space<vmem>> -> memref<1x100x64xf32, #tpu.memory_space<vmem>>
      %dma_wait3A_261 = tpu.memref_squeeze %dma_wait3A_260 : memref<1x100x64xf32, #tpu.memory_space<vmem>> -> memref<100x64xf32, #tpu.memory_space<vmem>>
      %dma_wait3A_262 = arith.constant 0 : i32
      %dma_wait3A_263 = tpu.memref_slice %arg6[%dma_wait3A_255, %dma_wait3A_256, %dma_wait3A_262] : memref<128x2x100xi32, #tpu.memory_space<vmem>> -> memref<1x1x100xi32, #tpu.memory_space<vmem>>
      %dma_wait3A_264 = tpu.memref_squeeze %dma_wait3A_263 : memref<1x1x100xi32, #tpu.memory_space<vmem>> -> memref<100xi32, #tpu.memory_space<vmem>>
      %dma_wait3A_265 = arith.constant 0 : i32
      %dma_wait3A_266 = arith.constant 0 : i32
      %dma_wait3A_267 = tpu.memref_slice %arg3[%dma_wait3A_265, %dma_wait3A_266] : memref<1000000x64xf32, #tpu.memory_space<hbm>> -> memref<1000000x64xf32, #tpu.memory_space<hbm>>
      tpu.wait_indirect_dma semaphore(%arg10 : memref<!tpu.dma_semaphore, #tpu.memory_space<semaphore_mem>>) src(%dma_wait3A_267 : memref<1000000x64xf32, #tpu.memory_space<hbm>>) dst(%dma_wait3A_261 : memref<100x64xf32, #tpu.memory_space<vmem>>)
      %scan3A_268 = arith.constant 0 : i32
      %scan3A_269 = arith.constant 0 : i32
      %scan3A_270 = arith.constant 50 : i32
      %scan3A_271 = arith.addi %scan3A_269, %scan3A_270 : i32
      %scan3A_272 = arith.constant 1 : i32
      scf.for %scan3A_413 = %scan3A_269 to %scan3A_271 step %scan3A_272  : i32 {
        %mul3A_414 = arith.constant 4 : i32
        %mul3A_415 = arith.muli %scan3A_413, %mul3A_414 : i32
        %add3A_416 = arith.constant 0 : i32
        %add3A_417 = arith.addi %mul3A_415, %add3A_416 : i32
        %get3A = arith.constant 1 : i32
        %get3A_418 = arith.index_cast %get3A : i32 to index
        %get3A_419 = arith.index_cast %add3A_417 : i32 to index
        %get3A_420 = arith.constant 0 : index
        %get3A_421 = tpu.vector_load %arg7[%get3A_418, %get3A_419, %get3A_420] {strides = array<i32>} : memref<4x200x64xf32, #tpu.memory_space<vmem>>, vector<1x1x16xf32>,
        %get3A_422 = vector.shape_cast %get3A_421 : vector<1x1x16xf32> to vector<16xf32>
        %get3A_423 = arith.index_cast %add3A_417 : i32 to index
        %get3A_424 = arith.constant 0 : index
        %get3A_425 = tpu.vector_load %arg8[%get3A_423, %get3A_424] {strides = array<i32>} : memref<200x64xf32, #tpu.memory_space<vmem>>, vector<1x16xf32>,
        %get3A_426 = vector.shape_cast %get3A_425 : vector<1x16xf32> to vector<16xf32>
        %add3A_427 = arith.addf %get3A_422, %get3A_426 : vector<16xf32>
        %mul3A_428 = arith.mulf %add3A_427, %add3A_427 : vector<16xf32>
        %mul3A_429 = arith.constant -0.0713548139 : f32
        %mul3A_430 = vector.broadcast %mul3A_429 : f32 to vector<16xf32>
        %mul3A_431 = arith.mulf %mul3A_430, %mul3A_428 : vector<16xf32>
        %add3A_432 = arith.constant -1.59576917 : f32
        %add3A_433 = vector.broadcast %add3A_432 : f32 to vector<16xf32>
        %add3A_434 = arith.addf %add3A_433, %mul3A_431 : vector<16xf32>
        %mul3A_435 = arith.mulf %add3A_427, %add3A_434 : vector<16xf32>
        %exp3A = math.exp %mul3A_435 : vector<16xf32>
        %add3A_436 = arith.constant 1.000000e+00 : f32
        %add3A_437 = vector.broadcast %add3A_436 : f32 to vector<16xf32>
        %add3A_438 = arith.addf %add3A_437, %exp3A : vector<16xf32>
        %div3A = arith.divf %add3A_427, %add3A_438 : vector<16xf32>
        %swap3A = arith.constant 1 : i32
        %swap3A_439 = arith.index_cast %swap3A : i32 to index
        %swap3A_440 = arith.index_cast %add3A_417 : i32 to index
        %swap3A_441 = arith.constant 0 : index
        %swap3A_442 = tpu.vector_load %arg7[%swap3A_439, %swap3A_440, %swap3A_441] {strides = array<i32>} : memref<4x200x64xf32, #tpu.memory_space<vmem>>, vector<1x1x16xf32>,
        %swap3A_443 = vector.shape_cast %swap3A_442 : vector<1x1x16xf32> to vector<16xf32>
        %swap3A_444 = vector.shape_cast %div3A : vector<16xf32> to vector<1x1x16xf32>
        tpu.vector_store %arg7[%swap3A_439, %swap3A_440, %swap3A_441], %swap3A_444 {strides = array<i32>} : memref<4x200x64xf32, #tpu.memory_space<vmem>>, vector<1x1x16xf32>,
        %get3A_445 = arith.constant 1 : i32
        %get3A_446 = arith.index_cast %get3A_445 : i32 to index
        %get3A_447 = arith.index_cast %add3A_417 : i32 to index
        %get3A_448 = arith.constant 16 : index
        %get3A_449 = tpu.vector_load %arg7[%get3A_446, %get3A_447, %get3A_448] {strides = array<i32>} : memref<4x200x64xf32, #tpu.memory_space<vmem>>, vector<1x1x16xf32>,
        %get3A_450 = vector.shape_cast %get3A_449 : vector<1x1x16xf32> to vector<16xf32>
        %get3A_451 = arith.index_cast %add3A_417 : i32 to index
        %get3A_452 = arith.constant 16 : index
        %get3A_453 = tpu.vector_load %arg8[%get3A_451, %get3A_452] {strides = array<i32>} : memref<200x64xf32, #tpu.memory_space<vmem>>, vector<1x16xf32>,
        %get3A_454 = vector.shape_cast %get3A_453 : vector<1x16xf32> to vector<16xf32>
        %add3A_455 = arith.addf %get3A_450, %get3A_454 : vector<16xf32>
        %mul3A_456 = arith.mulf %add3A_455, %add3A_455 : vector<16xf32>
        %mul3A_457 = arith.constant -0.0713548139 : f32
        %mul3A_458 = vector.broadcast %mul3A_457 : f32 to vector<16xf32>
        %mul3A_459 = arith.mulf %mul3A_458, %mul3A_456 : vector<16xf32>
        %add3A_460 = arith.constant -1.59576917 : f32
        %add3A_461 = vector.broadcast %add3A_460 : f32 to vector<16xf32>
        %add3A_462 = arith.addf %add3A_461, %mul3A_459 : vector<16xf32>
        %mul3A_463 = arith.mulf %add3A_455, %add3A_462 : vector<16xf32>
        %exp3A_464 = math.exp %mul3A_463 : vector<16xf32>
        %add3A_465 = arith.constant 1.000000e+00 : f32
        %add3A_466 = vector.broadcast %add3A_465 : f32 to vector<16xf32>
        %add3A_467 = arith.addf %add3A_466, %exp3A_464 : vector<16xf32>
        %div3A_468 = arith.divf %add3A_455, %add3A_467 : vector<16xf32>
        %swap3A_469 = arith.constant 1 : i32
        %swap3A_470 = arith.index_cast %swap3A_469 : i32 to index
        %swap3A_471 = arith.index_cast %add3A_417 : i32 to index
        %swap3A_472 = arith.constant 16 : index
        %swap3A_473 = tpu.vector_load %arg7[%swap3A_470, %swap3A_471, %swap3A_472] {strides = array<i32>} : memref<4x200x64xf32, #tpu.memory_space<vmem>>, vector<1x1x16xf32>,
        %swap3A_474 = vector.shape_cast %swap3A_473 : vector<1x1x16xf32> to vector<16xf32>
        %swap3A_475 = vector.shape_cast %div3A_468 : vector<16xf32> to vector<1x1x16xf32>
        tpu.vector_store %arg7[%swap3A_470, %swap3A_471, %swap3A_472], %swap3A_475 {strides = array<i32>} : memref<4x200x64xf32, #tpu.memory_space<vmem>>, vector<1x1x16xf32>,
        %get3A_476 = arith.constant 1 : i32
        %get3A_477 = arith.index_cast %get3A_476 : i32 to index
        %get3A_478 = arith.index_cast %add3A_417 : i32 to index
        %get3A_479 = arith.constant 32 : index
        %get3A_480 = tpu.vector_load %arg7[%get3A_477, %get3A_478, %get3A_479] {strides = array<i32>} : memref<4x200x64xf32, #tpu.memory_space<vmem>>, vector<1x1x16xf32>,
        %get3A_481 = vector.shape_cast %get3A_480 : vector<1x1x16xf32> to vector<16xf32>
        %get3A_482 = arith.index_cast %add3A_417 : i32 to index
        %get3A_483 = arith.constant 32 : index
        %get3A_484 = tpu.vector_load %arg8[%get3A_482, %get3A_483] {strides = array<i32>} : memref<200x64xf32, #tpu.memory_space<vmem>>, vector<1x16xf32>,
        %get3A_485 = vector.shape_cast %get3A_484 : vector<1x16xf32> to vector<16xf32>
        %add3A_486 = arith.addf %get3A_481, %get3A_485 : vector<16xf32>
        %mul3A_487 = arith.mulf %add3A_486, %add3A_486 : vector<16xf32>
        %mul3A_488 = arith.constant -0.0713548139 : f32
        %mul3A_489 = vector.broadcast %mul3A_488 : f32 to vector<16xf32>
        %mul3A_490 = arith.mulf %mul3A_489, %mul3A_487 : vector<16xf32>
        %add3A_491 = arith.constant -1.59576917 : f32
        %add3A_492 = vector.broadcast %add3A_491 : f32 to vector<16xf32>
        %add3A_493 = arith.addf %add3A_492, %mul3A_490 : vector<16xf32>
        %mul3A_494 = arith.mulf %add3A_486, %add3A_493 : vector<16xf32>
        %exp3A_495 = math.exp %mul3A_494 : vector<16xf32>
        %add3A_496 = arith.constant 1.000000e+00 : f32
        %add3A_497 = vector.broadcast %add3A_496 : f32 to vector<16xf32>
        %add3A_498 = arith.addf %add3A_497, %exp3A_495 : vector<16xf32>
        %div3A_499 = arith.divf %add3A_486, %add3A_498 : vector<16xf32>
        %swap3A_500 = arith.constant 1 : i32
        %swap3A_501 = arith.index_cast %swap3A_500 : i32 to index
        %swap3A_502 = arith.index_cast %add3A_417 : i32 to index
        %swap3A_503 = arith.constant 32 : index
        %swap3A_504 = tpu.vector_load %arg7[%swap3A_501, %swap3A_502, %swap3A_503] {strides = array<i32>} : memref<4x200x64xf32, #tpu.memory_space<vmem>>, vector<1x1x16xf32>,
        %swap3A_505 = vector.shape_cast %swap3A_504 : vector<1x1x16xf32> to vector<16xf32>
        %swap3A_506 = vector.shape_cast %div3A_499 : vector<16xf32> to vector<1x1x16xf32>
        tpu.vector_store %arg7[%swap3A_501, %swap3A_502, %swap3A_503], %swap3A_506 {strides = array<i32>} : memref<4x200x64xf32, #tpu.memory_space<vmem>>, vector<1x1x16xf32>,
        %get3A_507 = arith.constant 1 : i32
        %get3A_508 = arith.index_cast %get3A_507 : i32 to index
        %get3A_509 = arith.index_cast %add3A_417 : i32 to index
        %get3A_510 = arith.constant 48 : index
        %get3A_511 = tpu.vector_load %arg7[%get3A_508, %get3A_509, %get3A_510] {strides = array<i32>} : memref<4x200x64xf32, #tpu.memory_space<vmem>>, vector<1x1x16xf32>,
        %get3A_512 = vector.shape_cast %get3A_511 : vector<1x1x16xf32> to vector<16xf32>
        %get3A_513 = arith.index_cast %add3A_417 : i32 to index
        %get3A_514 = arith.constant 48 : index
        %get3A_515 = tpu.vector_load %arg8[%get3A_513, %get3A_514] {strides = array<i32>} : memref<200x64xf32, #tpu.memory_space<vmem>>, vector<1x16xf32>,
        %get3A_516 = vector.shape_cast %get3A_515 : vector<1x16xf32> to vector<16xf32>
        %add3A_517 = arith.addf %get3A_512, %get3A_516 : vector<16xf32>
        %mul3A_518 = arith.mulf %add3A_517, %add3A_517 : vector<16xf32>
        %mul3A_519 = arith.constant -0.0713548139 : f32
        %mul3A_520 = vector.broadcast %mul3A_519 : f32 to vector<16xf32>
        %mul3A_521 = arith.mulf %mul3A_520, %mul3A_518 : vector<16xf32>
        %add3A_522 = arith.constant -1.59576917 : f32
        %add3A_523 = vector.broadcast %add3A_522 : f32 to vector<16xf32>
        %add3A_524 = arith.addf %add3A_523, %mul3A_521 : vector<16xf32>
        %mul3A_525 = arith.mulf %add3A_517, %add3A_524 : vector<16xf32>
        %exp3A_526 = math.exp %mul3A_525 : vector<16xf32>
        %add3A_527 = arith.constant 1.000000e+00 : f32
        %add3A_528 = vector.broadcast %add3A_527 : f32 to vector<16xf32>
        %add3A_529 = arith.addf %add3A_528, %exp3A_526 : vector<16xf32>
        %div3A_530 = arith.divf %add3A_517, %add3A_529 : vector<16xf32>
        %swap3A_531 = arith.constant 1 : i32
        %swap3A_532 = arith.index_cast %swap3A_531 : i32 to index
        %swap3A_533 = arith.index_cast %add3A_417 : i32 to index
        %swap3A_534 = arith.constant 48 : index
        %swap3A_535 = tpu.vector_load %arg7[%swap3A_532, %swap3A_533, %swap3A_534] {strides = array<i32>} : memref<4x200x64xf32, #tpu.memory_space<vmem>>, vector<1x1x16xf32>,
        %swap3A_536 = vector.shape_cast %swap3A_535 : vector<1x1x16xf32> to vector<16xf32>
        %swap3A_537 = vector.shape_cast %div3A_530 : vector<16xf32> to vector<1x1x16xf32>
        tpu.vector_store %arg7[%swap3A_532, %swap3A_533, %swap3A_534], %swap3A_537 {strides = array<i32>} : memref<4x200x64xf32, #tpu.memory_space<vmem>>, vector<1x1x16xf32>,
        %mul3A_538 = arith.constant 4 : i32
        %mul3A_539 = arith.muli %scan3A_413, %mul3A_538 : i32
        %add3A_540 = arith.constant 1 : i32
        %add3A_541 = arith.addi %mul3A_539, %add3A_540 : i32
        %get3A_542 = arith.constant 1 : i32
        %get3A_543 = arith.index_cast %get3A_542 : i32 to index
        %get3A_544 = arith.index_cast %add3A_541 : i32 to index
        %get3A_545 = arith.constant 0 : index
        %get3A_546 = tpu.vector_load %arg7[%get3A_543, %get3A_544, %get3A_545] {strides = array<i32>} : memref<4x200x64xf32, #tpu.memory_space<vmem>>, vector<1x1x16xf32>,
        %get3A_547 = vector.shape_cast %get3A_546 : vector<1x1x16xf32> to vector<16xf32>
        %get3A_548 = arith.index_cast %add3A_541 : i32 to index
        %get3A_549 = arith.constant 0 : index
        %get3A_550 = tpu.vector_load %arg8[%get3A_548, %get3A_549] {strides = array<i32>} : memref<200x64xf32, #tpu.memory_space<vmem>>, vector<1x16xf32>,
        %get3A_551 = vector.shape_cast %get3A_550 : vector<1x16xf32> to vector<16xf32>
        %add3A_552 = arith.addf %get3A_547, %get3A_551 : vector<16xf32>
        %mul3A_553 = arith.mulf %add3A_552, %add3A_552 : vector<16xf32>
        %mul3A_554 = arith.constant -0.0713548139 : f32
        %mul3A_555 = vector.broadcast %mul3A_554 : f32 to vector<16xf32>
        %mul3A_556 = arith.mulf %mul3A_555, %mul3A_553 : vector<16xf32>
        %add3A_557 = arith.constant -1.59576917 : f32
        %add3A_558 = vector.broadcast %add3A_557 : f32 to vector<16xf32>
        %add3A_559 = arith.addf %add3A_558, %mul3A_556 : vector<16xf32>
        %mul3A_560 = arith.mulf %add3A_552, %add3A_559 : vector<16xf32>
        %exp3A_561 = math.exp %mul3A_560 : vector<16xf32>
        %add3A_562 = arith.constant 1.000000e+00 : f32
        %add3A_563 = vector.broadcast %add3A_562 : f32 to vector<16xf32>
        %add3A_564 = arith.addf %add3A_563, %exp3A_561 : vector<16xf32>
        %div3A_565 = arith.divf %add3A_552, %add3A_564 : vector<16xf32>
        %swap3A_566 = arith.constant 1 : i32
        %swap3A_567 = arith.index_cast %swap3A_566 : i32 to index
        %swap3A_568 = arith.index_cast %add3A_541 : i32 to index
        %swap3A_569 = arith.constant 0 : index
        %swap3A_570 = tpu.vector_load %arg7[%swap3A_567, %swap3A_568, %swap3A_569] {strides = array<i32>} : memref<4x200x64xf32, #tpu.memory_space<vmem>>, vector<1x1x16xf32>,
        %swap3A_571 = vector.shape_cast %swap3A_570 : vector<1x1x16xf32> to vector<16xf32>
        %swap3A_572 = vector.shape_cast %div3A_565 : vector<16xf32> to vector<1x1x16xf32>
        tpu.vector_store %arg7[%swap3A_567, %swap3A_568, %swap3A_569], %swap3A_572 {strides = array<i32>} : memref<4x200x64xf32, #tpu.memory_space<vmem>>, vector<1x1x16xf32>,
        %get3A_573 = arith.constant 1 : i32
        %get3A_574 = arith.index_cast %get3A_573 : i32 to index
        %get3A_575 = arith.index_cast %add3A_541 : i32 to index
        %get3A_576 = arith.constant 16 : index
        %get3A_577 = tpu.vector_load %arg7[%get3A_574, %get3A_575, %get3A_576] {strides = array<i32>} : memref<4x200x64xf32, #tpu.memory_space<vmem>>, vector<1x1x16xf32>,
        %get3A_578 = vector.shape_cast %get3A_577 : vector<1x1x16xf32> to vector<16xf32>
        %get3A_579 = arith.index_cast %add3A_541 : i32 to index
        %get3A_580 = arith.constant 16 : index
        %get3A_581 = tpu.vector_load %arg8[%get3A_579, %get3A_580] {strides = array<i32>} : memref<200x64xf32, #tpu.memory_space<vmem>>, vector<1x16xf32>,
        %get3A_582 = vector.shape_cast %get3A_581 : vector<1x16xf32> to vector<16xf32>
        %add3A_583 = arith.addf %get3A_578, %get3A_582 : vector<16xf32>
        %mul3A_584 = arith.mulf %add3A_583, %add3A_583 : vector<16xf32>
        %mul3A_585 = arith.constant -0.0713548139 : f32
        %mul3A_586 = vector.broadcast %mul3A_585 : f32 to vector<16xf32>
        %mul3A_587 = arith.mulf %mul3A_586, %mul3A_584 : vector<16xf32>
        %add3A_588 = arith.constant -1.59576917 : f32
        %add3A_589 = vector.broadcast %add3A_588 : f32 to vector<16xf32>
        %add3A_590 = arith.addf %add3A_589, %mul3A_587 : vector<16xf32>
        %mul3A_591 = arith.mulf %add3A_583, %add3A_590 : vector<16xf32>
        %exp3A_592 = math.exp %mul3A_591 : vector<16xf32>
        %add3A_593 = arith.constant 1.000000e+00 : f32
        %add3A_594 = vector.broadcast %add3A_593 : f32 to vector<16xf32>
        %add3A_595 = arith.addf %add3A_594, %exp3A_592 : vector<16xf32>
        %div3A_596 = arith.divf %add3A_583, %add3A_595 : vector<16xf32>
        %swap3A_597 = arith.constant 1 : i32
        %swap3A_598 = arith.index_cast %swap3A_597 : i32 to index
        %swap3A_599 = arith.index_cast %add3A_541 : i32 to index
        %swap3A_600 = arith.constant 16 : index
        %swap3A_601 = tpu.vector_load %arg7[%swap3A_598, %swap3A_599, %swap3A_600] {strides = array<i32>} : memref<4x200x64xf32, #tpu.memory_space<vmem>>, vector<1x1x16xf32>,
        %swap3A_602 = vector.shape_cast %swap3A_601 : vector<1x1x16xf32> to vector<16xf32>
        %swap3A_603 = vector.shape_cast %div3A_596 : vector<16xf32> to vector<1x1x16xf32>
        tpu.vector_store %arg7[%swap3A_598, %swap3A_599, %swap3A_600], %swap3A_603 {strides = array<i32>} : memref<4x200x64xf32, #tpu.memory_space<vmem>>, vector<1x1x16xf32>,
        %get3A_604 = arith.constant 1 : i32
        %get3A_605 = arith.index_cast %get3A_604 : i32 to index
        %get3A_606 = arith.index_cast %add3A_541 : i32 to index
        %get3A_607 = arith.constant 32 : index
        %get3A_608 = tpu.vector_load %arg7[%get3A_605, %get3A_606, %get3A_607] {strides = array<i32>} : memref<4x200x64xf32, #tpu.memory_space<vmem>>, vector<1x1x16xf32>,
        %get3A_609 = vector.shape_cast %get3A_608 : vector<1x1x16xf32> to vector<16xf32>
        %get3A_610 = arith.index_cast %add3A_541 : i32 to index
        %get3A_611 = arith.constant 32 : index
        %get3A_612 = tpu.vector_load %arg8[%get3A_610, %get3A_611] {strides = array<i32>} : memref<200x64xf32, #tpu.memory_space<vmem>>, vector<1x16xf32>,
        %get3A_613 = vector.shape_cast %get3A_612 : vector<1x16xf32> to vector<16xf32>
        %add3A_614 = arith.addf %get3A_609, %get3A_613 : vector<16xf32>
        %mul3A_615 = arith.mulf %add3A_614, %add3A_614 : vector<16xf32>
        %mul3A_616 = arith.constant -0.0713548139 : f32
        %mul3A_617 = vector.broadcast %mul3A_616 : f32 to vector<16xf32>
        %mul3A_618 = arith.mulf %mul3A_617, %mul3A_615 : vector<16xf32>
        %add3A_619 = arith.constant -1.59576917 : f32
        %add3A_620 = vector.broadcast %add3A_619 : f32 to vector<16xf32>
        %add3A_621 = arith.addf %add3A_620, %mul3A_618 : vector<16xf32>
        %mul3A_622 = arith.mulf %add3A_614, %add3A_621 : vector<16xf32>
        %exp3A_623 = math.exp %mul3A_622 : vector<16xf32>
        %add3A_624 = arith.constant 1.000000e+00 : f32
        %add3A_625 = vector.broadcast %add3A_624 : f32 to vector<16xf32>
        %add3A_626 = arith.addf %add3A_625, %exp3A_623 : vector<16xf32>
        %div3A_627 = arith.divf %add3A_614, %add3A_626 : vector<16xf32>
        %swap3A_628 = arith.constant 1 : i32
        %swap3A_629 = arith.index_cast %swap3A_628 : i32 to index
        %swap3A_630 = arith.index_cast %add3A_541 : i32 to index
        %swap3A_631 = arith.constant 32 : index
        %swap3A_632 = tpu.vector_load %arg7[%swap3A_629, %swap3A_630, %swap3A_631] {strides = array<i32>} : memref<4x200x64xf32, #tpu.memory_space<vmem>>, vector<1x1x16xf32>,
        %swap3A_633 = vector.shape_cast %swap3A_632 : vector<1x1x16xf32> to vector<16xf32>
        %swap3A_634 = vector.shape_cast %div3A_627 : vector<16xf32> to vector<1x1x16xf32>
        tpu.vector_store %arg7[%swap3A_629, %swap3A_630, %swap3A_631], %swap3A_634 {strides = array<i32>} : memref<4x200x64xf32, #tpu.memory_space<vmem>>, vector<1x1x16xf32>,
        %get3A_635 = arith.constant 1 : i32
        %get3A_636 = arith.index_cast %get3A_635 : i32 to index
        %get3A_637 = arith.index_cast %add3A_541 : i32 to index
        %get3A_638 = arith.constant 48 : index
        %get3A_639 = tpu.vector_load %arg7[%get3A_636, %get3A_637, %get3A_638] {strides = array<i32>} : memref<4x200x64xf32, #tpu.memory_space<vmem>>, vector<1x1x16xf32>,
        %get3A_640 = vector.shape_cast %get3A_639 : vector<1x1x16xf32> to vector<16xf32>
        %get3A_641 = arith.index_cast %add3A_541 : i32 to index
        %get3A_642 = arith.constant 48 : index
        %get3A_643 = tpu.vector_load %arg8[%get3A_641, %get3A_642] {strides = array<i32>} : memref<200x64xf32, #tpu.memory_space<vmem>>, vector<1x16xf32>,
        %get3A_644 = vector.shape_cast %get3A_643 : vector<1x16xf32> to vector<16xf32>
        %add3A_645 = arith.addf %get3A_640, %get3A_644 : vector<16xf32>
        %mul3A_646 = arith.mulf %add3A_645, %add3A_645 : vector<16xf32>
        %mul3A_647 = arith.constant -0.0713548139 : f32
        %mul3A_648 = vector.broadcast %mul3A_647 : f32 to vector<16xf32>
        %mul3A_649 = arith.mulf %mul3A_648, %mul3A_646 : vector<16xf32>
        %add3A_650 = arith.constant -1.59576917 : f32
        %add3A_651 = vector.broadcast %add3A_650 : f32 to vector<16xf32>
        %add3A_652 = arith.addf %add3A_651, %mul3A_649 : vector<16xf32>
        %mul3A_653 = arith.mulf %add3A_645, %add3A_652 : vector<16xf32>
        %exp3A_654 = math.exp %mul3A_653 : vector<16xf32>
        %add3A_655 = arith.constant 1.000000e+00 : f32
        %add3A_656 = vector.broadcast %add3A_655 : f32 to vector<16xf32>
        %add3A_657 = arith.addf %add3A_656, %exp3A_654 : vector<16xf32>
        %div3A_658 = arith.divf %add3A_645, %add3A_657 : vector<16xf32>
        %swap3A_659 = arith.constant 1 : i32
        %swap3A_660 = arith.index_cast %swap3A_659 : i32 to index
        %swap3A_661 = arith.index_cast %add3A_541 : i32 to index
        %swap3A_662 = arith.constant 48 : index
        %swap3A_663 = tpu.vector_load %arg7[%swap3A_660, %swap3A_661, %swap3A_662] {strides = array<i32>} : memref<4x200x64xf32, #tpu.memory_space<vmem>>, vector<1x1x16xf32>,
        %swap3A_664 = vector.shape_cast %swap3A_663 : vector<1x1x16xf32> to vector<16xf32>
        %swap3A_665 = vector.shape_cast %div3A_658 : vector<16xf32> to vector<1x1x16xf32>
        tpu.vector_store %arg7[%swap3A_660, %swap3A_661, %swap3A_662], %swap3A_665 {strides = array<i32>} : memref<4x200x64xf32, #tpu.memory_space<vmem>>, vector<1x1x16xf32>,
        %mul3A_666 = arith.constant 4 : i32
        %mul3A_667 = arith.muli %scan3A_413, %mul3A_666 : i32
        %add3A_668 = arith.constant 2 : i32
        %add3A_669 = arith.addi %mul3A_667, %add3A_668 : i32
        %get3A_670 = arith.constant 1 : i32
        %get3A_671 = arith.index_cast %get3A_670 : i32 to index
        %get3A_672 = arith.index_cast %add3A_669 : i32 to index
        %get3A_673 = arith.constant 0 : index
        %get3A_674 = tpu.vector_load %arg7[%get3A_671, %get3A_672, %get3A_673] {strides = array<i32>} : memref<4x200x64xf32, #tpu.memory_space<vmem>>, vector<1x1x16xf32>,
        %get3A_675 = vector.shape_cast %get3A_674 : vector<1x1x16xf32> to vector<16xf32>
        %get3A_676 = arith.index_cast %add3A_669 : i32 to index
        %get3A_677 = arith.constant 0 : index
        %get3A_678 = tpu.vector_load %arg8[%get3A_676, %get3A_677] {strides = array<i32>} : memref<200x64xf32, #tpu.memory_space<vmem>>, vector<1x16xf32>,
        %get3A_679 = vector.shape_cast %get3A_678 : vector<1x16xf32> to vector<16xf32>
        %add3A_680 = arith.addf %get3A_675, %get3A_679 : vector<16xf32>
        %mul3A_681 = arith.mulf %add3A_680, %add3A_680 : vector<16xf32>
        %mul3A_682 = arith.constant -0.0713548139 : f32
        %mul3A_683 = vector.broadcast %mul3A_682 : f32 to vector<16xf32>
        %mul3A_684 = arith.mulf %mul3A_683, %mul3A_681 : vector<16xf32>
        %add3A_685 = arith.constant -1.59576917 : f32
        %add3A_686 = vector.broadcast %add3A_685 : f32 to vector<16xf32>
        %add3A_687 = arith.addf %add3A_686, %mul3A_684 : vector<16xf32>
        %mul3A_688 = arith.mulf %add3A_680, %add3A_687 : vector<16xf32>
        %exp3A_689 = math.exp %mul3A_688 : vector<16xf32>
        %add3A_690 = arith.constant 1.000000e+00 : f32
        %add3A_691 = vector.broadcast %add3A_690 : f32 to vector<16xf32>
        %add3A_692 = arith.addf %add3A_691, %exp3A_689 : vector<16xf32>
        %div3A_693 = arith.divf %add3A_680, %add3A_692 : vector<16xf32>
        %swap3A_694 = arith.constant 1 : i32
        %swap3A_695 = arith.index_cast %swap3A_694 : i32 to index
        %swap3A_696 = arith.index_cast %add3A_669 : i32 to index
        %swap3A_697 = arith.constant 0 : index
        %swap3A_698 = tpu.vector_load %arg7[%swap3A_695, %swap3A_696, %swap3A_697] {strides = array<i32>} : memref<4x200x64xf32, #tpu.memory_space<vmem>>, vector<1x1x16xf32>,
        %swap3A_699 = vector.shape_cast %swap3A_698 : vector<1x1x16xf32> to vector<16xf32>
        %swap3A_700 = vector.shape_cast %div3A_693 : vector<16xf32> to vector<1x1x16xf32>
        tpu.vector_store %arg7[%swap3A_695, %swap3A_696, %swap3A_697], %swap3A_700 {strides = array<i32>} : memref<4x200x64xf32, #tpu.memory_space<vmem>>, vector<1x1x16xf32>,
        %get3A_701 = arith.constant 1 : i32
        %get3A_702 = arith.index_cast %get3A_701 : i32 to index
        %get3A_703 = arith.index_cast %add3A_669 : i32 to index
        %get3A_704 = arith.constant 16 : index
        %get3A_705 = tpu.vector_load %arg7[%get3A_702, %get3A_703, %get3A_704] {strides = array<i32>} : memref<4x200x64xf32, #tpu.memory_space<vmem>>, vector<1x1x16xf32>,
        %get3A_706 = vector.shape_cast %get3A_705 : vector<1x1x16xf32> to vector<16xf32>
        %get3A_707 = arith.index_cast %add3A_669 : i32 to index
        %get3A_708 = arith.constant 16 : index
        %get3A_709 = tpu.vector_load %arg8[%get3A_707, %get3A_708] {strides = array<i32>} : memref<200x64xf32, #tpu.memory_space<vmem>>, vector<1x16xf32>,
        %get3A_710 = vector.shape_cast %get3A_709 : vector<1x16xf32> to vector<16xf32>
        %add3A_711 = arith.addf %get3A_706, %get3A_710 : vector<16xf32>
        %mul3A_712 = arith.mulf %add3A_711, %add3A_711 : vector<16xf32>
        %mul3A_713 = arith.constant -0.0713548139 : f32
        %mul3A_714 = vector.broadcast %mul3A_713 : f32 to vector<16xf32>
        %mul3A_715 = arith.mulf %mul3A_714, %mul3A_712 : vector<16xf32>
        %add3A_716 = arith.constant -1.59576917 : f32
        %add3A_717 = vector.broadcast %add3A_716 : f32 to vector<16xf32>
        %add3A_718 = arith.addf %add3A_717, %mul3A_715 : vector<16xf32>
        %mul3A_719 = arith.mulf %add3A_711, %add3A_718 : vector<16xf32>
        %exp3A_720 = math.exp %mul3A_719 : vector<16xf32>
        %add3A_721 = arith.constant 1.000000e+00 : f32
        %add3A_722 = vector.broadcast %add3A_721 : f32 to vector<16xf32>
        %add3A_723 = arith.addf %add3A_722, %exp3A_720 : vector<16xf32>
        %div3A_724 = arith.divf %add3A_711, %add3A_723 : vector<16xf32>
        %swap3A_725 = arith.constant 1 : i32
        %swap3A_726 = arith.index_cast %swap3A_725 : i32 to index
        %swap3A_727 = arith.index_cast %add3A_669 : i32 to index
        %swap3A_728 = arith.constant 16 : index
        %swap3A_729 = tpu.vector_load %arg7[%swap3A_726, %swap3A_727, %swap3A_728] {strides = array<i32>} : memref<4x200x64xf32, #tpu.memory_space<vmem>>, vector<1x1x16xf32>,
        %swap3A_730 = vector.shape_cast %swap3A_729 : vector<1x1x16xf32> to vector<16xf32>
        %swap3A_731 = vector.shape_cast %div3A_724 : vector<16xf32> to vector<1x1x16xf32>
        tpu.vector_store %arg7[%swap3A_726, %swap3A_727, %swap3A_728], %swap3A_731 {strides = array<i32>} : memref<4x200x64xf32, #tpu.memory_space<vmem>>, vector<1x1x16xf32>,
        %get3A_732 = arith.constant 1 : i32
        %get3A_733 = arith.index_cast %get3A_732 : i32 to index
        %get3A_734 = arith.index_cast %add3A_669 : i32 to index
        %get3A_735 = arith.constant 32 : index
        %get3A_736 = tpu.vector_load %arg7[%get3A_733, %get3A_734, %get3A_735] {strides = array<i32>} : memref<4x200x64xf32, #tpu.memory_space<vmem>>, vector<1x1x16xf32>,
        %get3A_737 = vector.shape_cast %get3A_736 : vector<1x1x16xf32> to vector<16xf32>
        %get3A_738 = arith.index_cast %add3A_669 : i32 to index
        %get3A_739 = arith.constant 32 : index
        %get3A_740 = tpu.vector_load %arg8[%get3A_738, %get3A_739] {strides = array<i32>} : memref<200x64xf32, #tpu.memory_space<vmem>>, vector<1x16xf32>,
        %get3A_741 = vector.shape_cast %get3A_740 : vector<1x16xf32> to vector<16xf32>
        %add3A_742 = arith.addf %get3A_737, %get3A_741 : vector<16xf32>
        %mul3A_743 = arith.mulf %add3A_742, %add3A_742 : vector<16xf32>
        %mul3A_744 = arith.constant -0.0713548139 : f32
        %mul3A_745 = vector.broadcast %mul3A_744 : f32 to vector<16xf32>
        %mul3A_746 = arith.mulf %mul3A_745, %mul3A_743 : vector<16xf32>
        %add3A_747 = arith.constant -1.59576917 : f32
        %add3A_748 = vector.broadcast %add3A_747 : f32 to vector<16xf32>
        %add3A_749 = arith.addf %add3A_748, %mul3A_746 : vector<16xf32>
        %mul3A_750 = arith.mulf %add3A_742, %add3A_749 : vector<16xf32>
        %exp3A_751 = math.exp %mul3A_750 : vector<16xf32>
        %add3A_752 = arith.constant 1.000000e+00 : f32
        %add3A_753 = vector.broadcast %add3A_752 : f32 to vector<16xf32>
        %add3A_754 = arith.addf %add3A_753, %exp3A_751 : vector<16xf32>
        %div3A_755 = arith.divf %add3A_742, %add3A_754 : vector<16xf32>
        %swap3A_756 = arith.constant 1 : i32
        %swap3A_757 = arith.index_cast %swap3A_756 : i32 to index
        %swap3A_758 = arith.index_cast %add3A_669 : i32 to index
        %swap3A_759 = arith.constant 32 : index
        %swap3A_760 = tpu.vector_load %arg7[%swap3A_757, %swap3A_758, %swap3A_759] {strides = array<i32>} : memref<4x200x64xf32, #tpu.memory_space<vmem>>, vector<1x1x16xf32>,
        %swap3A_761 = vector.shape_cast %swap3A_760 : vector<1x1x16xf32> to vector<16xf32>
        %swap3A_762 = vector.shape_cast %div3A_755 : vector<16xf32> to vector<1x1x16xf32>
        tpu.vector_store %arg7[%swap3A_757, %swap3A_758, %swap3A_759], %swap3A_762 {strides = array<i32>} : memref<4x200x64xf32, #tpu.memory_space<vmem>>, vector<1x1x16xf32>,
        %get3A_763 = arith.constant 1 : i32
        %get3A_764 = arith.index_cast %get3A_763 : i32 to index
        %get3A_765 = arith.index_cast %add3A_669 : i32 to index
        %get3A_766 = arith.constant 48 : index
        %get3A_767 = tpu.vector_load %arg7[%get3A_764, %get3A_765, %get3A_766] {strides = array<i32>} : memref<4x200x64xf32, #tpu.memory_space<vmem>>, vector<1x1x16xf32>,
        %get3A_768 = vector.shape_cast %get3A_767 : vector<1x1x16xf32> to vector<16xf32>
        %get3A_769 = arith.index_cast %add3A_669 : i32 to index
        %get3A_770 = arith.constant 48 : index
        %get3A_771 = tpu.vector_load %arg8[%get3A_769, %get3A_770] {strides = array<i32>} : memref<200x64xf32, #tpu.memory_space<vmem>>, vector<1x16xf32>,
        %get3A_772 = vector.shape_cast %get3A_771 : vector<1x16xf32> to vector<16xf32>
        %add3A_773 = arith.addf %get3A_768, %get3A_772 : vector<16xf32>
        %mul3A_774 = arith.mulf %add3A_773, %add3A_773 : vector<16xf32>
        %mul3A_775 = arith.constant -0.0713548139 : f32
        %mul3A_776 = vector.broadcast %mul3A_775 : f32 to vector<16xf32>
        %mul3A_777 = arith.mulf %mul3A_776, %mul3A_774 : vector<16xf32>
        %add3A_778 = arith.constant -1.59576917 : f32
        %add3A_779 = vector.broadcast %add3A_778 : f32 to vector<16xf32>
        %add3A_780 = arith.addf %add3A_779, %mul3A_777 : vector<16xf32>
        %mul3A_781 = arith.mulf %add3A_773, %add3A_780 : vector<16xf32>
        %exp3A_782 = math.exp %mul3A_781 : vector<16xf32>
        %add3A_783 = arith.constant 1.000000e+00 : f32
        %add3A_784 = vector.broadcast %add3A_783 : f32 to vector<16xf32>
        %add3A_785 = arith.addf %add3A_784, %exp3A_782 : vector<16xf32>
        %div3A_786 = arith.divf %add3A_773, %add3A_785 : vector<16xf32>
        %swap3A_787 = arith.constant 1 : i32
        %swap3A_788 = arith.index_cast %swap3A_787 : i32 to index
        %swap3A_789 = arith.index_cast %add3A_669 : i32 to index
        %swap3A_790 = arith.constant 48 : index
        %swap3A_791 = tpu.vector_load %arg7[%swap3A_788, %swap3A_789, %swap3A_790] {strides = array<i32>} : memref<4x200x64xf32, #tpu.memory_space<vmem>>, vector<1x1x16xf32>,
        %swap3A_792 = vector.shape_cast %swap3A_791 : vector<1x1x16xf32> to vector<16xf32>
        %swap3A_793 = vector.shape_cast %div3A_786 : vector<16xf32> to vector<1x1x16xf32>
        tpu.vector_store %arg7[%swap3A_788, %swap3A_789, %swap3A_790], %swap3A_793 {strides = array<i32>} : memref<4x200x64xf32, #tpu.memory_space<vmem>>, vector<1x1x16xf32>,
        %mul3A_794 = arith.constant 4 : i32
        %mul3A_795 = arith.muli %scan3A_413, %mul3A_794 : i32
        %add3A_796 = arith.constant 3 : i32
        %add3A_797 = arith.addi %mul3A_795, %add3A_796 : i32
        %get3A_798 = arith.constant 1 : i32
        %get3A_799 = arith.index_cast %get3A_798 : i32 to index
        %get3A_800 = arith.index_cast %add3A_797 : i32 to index
        %get3A_801 = arith.constant 0 : index
        %get3A_802 = tpu.vector_load %arg7[%get3A_799, %get3A_800, %get3A_801] {strides = array<i32>} : memref<4x200x64xf32, #tpu.memory_space<vmem>>, vector<1x1x16xf32>,
        %get3A_803 = vector.shape_cast %get3A_802 : vector<1x1x16xf32> to vector<16xf32>
        %get3A_804 = arith.index_cast %add3A_797 : i32 to index
        %get3A_805 = arith.constant 0 : index
        %get3A_806 = tpu.vector_load %arg8[%get3A_804, %get3A_805] {strides = array<i32>} : memref<200x64xf32, #tpu.memory_space<vmem>>, vector<1x16xf32>,
        %get3A_807 = vector.shape_cast %get3A_806 : vector<1x16xf32> to vector<16xf32>
        %add3A_808 = arith.addf %get3A_803, %get3A_807 : vector<16xf32>
        %mul3A_809 = arith.mulf %add3A_808, %add3A_808 : vector<16xf32>
        %mul3A_810 = arith.constant -0.0713548139 : f32
        %mul3A_811 = vector.broadcast %mul3A_810 : f32 to vector<16xf32>
        %mul3A_812 = arith.mulf %mul3A_811, %mul3A_809 : vector<16xf32>
        %add3A_813 = arith.constant -1.59576917 : f32
        %add3A_814 = vector.broadcast %add3A_813 : f32 to vector<16xf32>
        %add3A_815 = arith.addf %add3A_814, %mul3A_812 : vector<16xf32>
        %mul3A_816 = arith.mulf %add3A_808, %add3A_815 : vector<16xf32>
        %exp3A_817 = math.exp %mul3A_816 : vector<16xf32>
        %add3A_818 = arith.constant 1.000000e+00 : f32
        %add3A_819 = vector.broadcast %add3A_818 : f32 to vector<16xf32>
        %add3A_820 = arith.addf %add3A_819, %exp3A_817 : vector<16xf32>
        %div3A_821 = arith.divf %add3A_808, %add3A_820 : vector<16xf32>
        %swap3A_822 = arith.constant 1 : i32
        %swap3A_823 = arith.index_cast %swap3A_822 : i32 to index
        %swap3A_824 = arith.index_cast %add3A_797 : i32 to index
        %swap3A_825 = arith.constant 0 : index
        %swap3A_826 = tpu.vector_load %arg7[%swap3A_823, %swap3A_824, %swap3A_825] {strides = array<i32>} : memref<4x200x64xf32, #tpu.memory_space<vmem>>, vector<1x1x16xf32>,
        %swap3A_827 = vector.shape_cast %swap3A_826 : vector<1x1x16xf32> to vector<16xf32>
        %swap3A_828 = vector.shape_cast %div3A_821 : vector<16xf32> to vector<1x1x16xf32>
        tpu.vector_store %arg7[%swap3A_823, %swap3A_824, %swap3A_825], %swap3A_828 {strides = array<i32>} : memref<4x200x64xf32, #tpu.memory_space<vmem>>, vector<1x1x16xf32>,
        %get3A_829 = arith.constant 1 : i32
        %get3A_830 = arith.index_cast %get3A_829 : i32 to index
        %get3A_831 = arith.index_cast %add3A_797 : i32 to index
        %get3A_832 = arith.constant 16 : index
        %get3A_833 = tpu.vector_load %arg7[%get3A_830, %get3A_831, %get3A_832] {strides = array<i32>} : memref<4x200x64xf32, #tpu.memory_space<vmem>>, vector<1x1x16xf32>,
        %get3A_834 = vector.shape_cast %get3A_833 : vector<1x1x16xf32> to vector<16xf32>
        %get3A_835 = arith.index_cast %add3A_797 : i32 to index
        %get3A_836 = arith.constant 16 : index
        %get3A_837 = tpu.vector_load %arg8[%get3A_835, %get3A_836] {strides = array<i32>} : memref<200x64xf32, #tpu.memory_space<vmem>>, vector<1x16xf32>,
        %get3A_838 = vector.shape_cast %get3A_837 : vector<1x16xf32> to vector<16xf32>
        %add3A_839 = arith.addf %get3A_834, %get3A_838 : vector<16xf32>
        %mul3A_840 = arith.mulf %add3A_839, %add3A_839 : vector<16xf32>
        %mul3A_841 = arith.constant -0.0713548139 : f32
        %mul3A_842 = vector.broadcast %mul3A_841 : f32 to vector<16xf32>
        %mul3A_843 = arith.mulf %mul3A_842, %mul3A_840 : vector<16xf32>
        %add3A_844 = arith.constant -1.59576917 : f32
        %add3A_845 = vector.broadcast %add3A_844 : f32 to vector<16xf32>
        %add3A_846 = arith.addf %add3A_845, %mul3A_843 : vector<16xf32>
        %mul3A_847 = arith.mulf %add3A_839, %add3A_846 : vector<16xf32>
        %exp3A_848 = math.exp %mul3A_847 : vector<16xf32>
        %add3A_849 = arith.constant 1.000000e+00 : f32
        %add3A_850 = vector.broadcast %add3A_849 : f32 to vector<16xf32>
        %add3A_851 = arith.addf %add3A_850, %exp3A_848 : vector<16xf32>
        %div3A_852 = arith.divf %add3A_839, %add3A_851 : vector<16xf32>
        %swap3A_853 = arith.constant 1 : i32
        %swap3A_854 = arith.index_cast %swap3A_853 : i32 to index
        %swap3A_855 = arith.index_cast %add3A_797 : i32 to index
        %swap3A_856 = arith.constant 16 : index
        %swap3A_857 = tpu.vector_load %arg7[%swap3A_854, %swap3A_855, %swap3A_856] {strides = array<i32>} : memref<4x200x64xf32, #tpu.memory_space<vmem>>, vector<1x1x16xf32>,
        %swap3A_858 = vector.shape_cast %swap3A_857 : vector<1x1x16xf32> to vector<16xf32>
        %swap3A_859 = vector.shape_cast %div3A_852 : vector<16xf32> to vector<1x1x16xf32>
        tpu.vector_store %arg7[%swap3A_854, %swap3A_855, %swap3A_856], %swap3A_859 {strides = array<i32>} : memref<4x200x64xf32, #tpu.memory_space<vmem>>, vector<1x1x16xf32>,
        %get3A_860 = arith.constant 1 : i32
        %get3A_861 = arith.index_cast %get3A_860 : i32 to index
        %get3A_862 = arith.index_cast %add3A_797 : i32 to index
        %get3A_863 = arith.constant 32 : index
        %get3A_864 = tpu.vector_load %arg7[%get3A_861, %get3A_862, %get3A_863] {strides = array<i32>} : memref<4x200x64xf32, #tpu.memory_space<vmem>>, vector<1x1x16xf32>,
        %get3A_865 = vector.shape_cast %get3A_864 : vector<1x1x16xf32> to vector<16xf32>
        %get3A_866 = arith.index_cast %add3A_797 : i32 to index
        %get3A_867 = arith.constant 32 : index
        %get3A_868 = tpu.vector_load %arg8[%get3A_866, %get3A_867] {strides = array<i32>} : memref<200x64xf32, #tpu.memory_space<vmem>>, vector<1x16xf32>,
        %get3A_869 = vector.shape_cast %get3A_868 : vector<1x16xf32> to vector<16xf32>
        %add3A_870 = arith.addf %get3A_865, %get3A_869 : vector<16xf32>
        %mul3A_871 = arith.mulf %add3A_870, %add3A_870 : vector<16xf32>
        %mul3A_872 = arith.constant -0.0713548139 : f32
        %mul3A_873 = vector.broadcast %mul3A_872 : f32 to vector<16xf32>
        %mul3A_874 = arith.mulf %mul3A_873, %mul3A_871 : vector<16xf32>
        %add3A_875 = arith.constant -1.59576917 : f32
        %add3A_876 = vector.broadcast %add3A_875 : f32 to vector<16xf32>
        %add3A_877 = arith.addf %add3A_876, %mul3A_874 : vector<16xf32>
        %mul3A_878 = arith.mulf %add3A_870, %add3A_877 : vector<16xf32>
        %exp3A_879 = math.exp %mul3A_878 : vector<16xf32>
        %add3A_880 = arith.constant 1.000000e+00 : f32
        %add3A_881 = vector.broadcast %add3A_880 : f32 to vector<16xf32>
        %add3A_882 = arith.addf %add3A_881, %exp3A_879 : vector<16xf32>
        %div3A_883 = arith.divf %add3A_870, %add3A_882 : vector<16xf32>
        %swap3A_884 = arith.constant 1 : i32
        %swap3A_885 = arith.index_cast %swap3A_884 : i32 to index
        %swap3A_886 = arith.index_cast %add3A_797 : i32 to index
        %swap3A_887 = arith.constant 32 : index
        %swap3A_888 = tpu.vector_load %arg7[%swap3A_885, %swap3A_886, %swap3A_887] {strides = array<i32>} : memref<4x200x64xf32, #tpu.memory_space<vmem>>, vector<1x1x16xf32>,
        %swap3A_889 = vector.shape_cast %swap3A_888 : vector<1x1x16xf32> to vector<16xf32>
        %swap3A_890 = vector.shape_cast %div3A_883 : vector<16xf32> to vector<1x1x16xf32>
        tpu.vector_store %arg7[%swap3A_885, %swap3A_886, %swap3A_887], %swap3A_890 {strides = array<i32>} : memref<4x200x64xf32, #tpu.memory_space<vmem>>, vector<1x1x16xf32>,
        %get3A_891 = arith.constant 1 : i32
        %get3A_892 = arith.index_cast %get3A_891 : i32 to index
        %get3A_893 = arith.index_cast %add3A_797 : i32 to index
        %get3A_894 = arith.constant 48 : index
        %get3A_895 = tpu.vector_load %arg7[%get3A_892, %get3A_893, %get3A_894] {strides = array<i32>} : memref<4x200x64xf32, #tpu.memory_space<vmem>>, vector<1x1x16xf32>,
        %get3A_896 = vector.shape_cast %get3A_895 : vector<1x1x16xf32> to vector<16xf32>
        %get3A_897 = arith.index_cast %add3A_797 : i32 to index
        %get3A_898 = arith.constant 48 : index
        %get3A_899 = tpu.vector_load %arg8[%get3A_897, %get3A_898] {strides = array<i32>} : memref<200x64xf32, #tpu.memory_space<vmem>>, vector<1x16xf32>,
        %get3A_900 = vector.shape_cast %get3A_899 : vector<1x16xf32> to vector<16xf32>
        %add3A_901 = arith.addf %get3A_896, %get3A_900 : vector<16xf32>
        %mul3A_902 = arith.mulf %add3A_901, %add3A_901 : vector<16xf32>
        %mul3A_903 = arith.constant -0.0713548139 : f32
        %mul3A_904 = vector.broadcast %mul3A_903 : f32 to vector<16xf32>
        %mul3A_905 = arith.mulf %mul3A_904, %mul3A_902 : vector<16xf32>
        %add3A_906 = arith.constant -1.59576917 : f32
        %add3A_907 = vector.broadcast %add3A_906 : f32 to vector<16xf32>
        %add3A_908 = arith.addf %add3A_907, %mul3A_905 : vector<16xf32>
        %mul3A_909 = arith.mulf %add3A_901, %add3A_908 : vector<16xf32>
        %exp3A_910 = math.exp %mul3A_909 : vector<16xf32>
        %add3A_911 = arith.constant 1.000000e+00 : f32
        %add3A_912 = vector.broadcast %add3A_911 : f32 to vector<16xf32>
        %add3A_913 = arith.addf %add3A_912, %exp3A_910 : vector<16xf32>
        %div3A_914 = arith.divf %add3A_901, %add3A_913 : vector<16xf32>
        %swap3A_915 = arith.constant 1 : i32
        %swap3A_916 = arith.index_cast %swap3A_915 : i32 to index
        %swap3A_917 = arith.index_cast %add3A_797 : i32 to index
        %swap3A_918 = arith.constant 48 : index
        %swap3A_919 = tpu.vector_load %arg7[%swap3A_916, %swap3A_917, %swap3A_918] {strides = array<i32>} : memref<4x200x64xf32, #tpu.memory_space<vmem>>, vector<1x1x16xf32>,
        %swap3A_920 = vector.shape_cast %swap3A_919 : vector<1x1x16xf32> to vector<16xf32>
        %swap3A_921 = vector.shape_cast %div3A_914 : vector<16xf32> to vector<1x1x16xf32>
        tpu.vector_store %arg7[%swap3A_916, %swap3A_917, %swap3A_918], %swap3A_921 {strides = array<i32>} : memref<4x200x64xf32, #tpu.memory_space<vmem>>, vector<1x1x16xf32>,
      }
      %scan3A_273 = arith.constant 50 : i32
      %add3A_274 = arith.constant 1 : i32
      %add3A_275 = arith.addi %mul3A_130, %add3A_274 : i32
      %mul3A_276 = arith.constant 128 : i32
      %mul3A_277 = arith.muli %add3A, %mul3A_276 : i32
      %add3A_278 = arith.addi %mul3A_277, %add3A_275 : i32
      %dma_start3A_279 = arith.constant 1 : i32
      %dma_start3A_280 = arith.constant 0 : i32
      %dma_start3A_281 = arith.constant 0 : i32
      %dma_start3A_282 = tpu.memref_slice %arg7[%dma_start3A_279, %dma_start3A_280, %dma_start3A_281] : memref<4x200x64xf32, #tpu.memory_space<vmem>> -> memref<1x200x64xf32, #tpu.memory_space<vmem>>
      %dma_start3A_283 = tpu.memref_squeeze %dma_start3A_282 : memref<1x200x64xf32, #tpu.memory_space<vmem>> -> memref<200x64xf32, #tpu.memory_space<vmem>>
      %dma_start3A_284 = arith.constant 0 : i32
      %dma_start3A_285 = arith.constant 0 : i32
      %dma_start3A_286 = tpu.memref_slice %arg5[%add3A_278, %dma_start3A_284, %dma_start3A_285] : memref<4096x200x64xf32, #tpu.memory_space<hbm>> -> memref<1x200x64xf32, #tpu.memory_space<hbm>>
      %dma_start3A_287 = tpu.memref_squeeze %dma_start3A_286 : memref<1x200x64xf32, #tpu.memory_space<hbm>> -> memref<200x64xf32, #tpu.memory_space<hbm>>
      %dma_start3A_288 = arith.constant 0 : i32
      %dma_start3A_289 = arith.constant 0 : i32
      %dma_start3A_290 = tpu.memref_slice %arg5[%add3A_278, %dma_start3A_288, %dma_start3A_289] : memref<4096x200x64xf32, #tpu.memory_space<hbm>> -> memref<1x200x64xf32, #tpu.memory_space<hbm>>
      %dma_start3A_291 = tpu.memref_squeeze %dma_start3A_290 : memref<1x200x64xf32, #tpu.memory_space<hbm>> -> memref<200x64xf32, #tpu.memory_space<hbm>>
      %dma_start3A_292 = arith.constant 0 : i32
      %dma_start3A_293 = arith.constant 0 : i32
      %dma_start3A_294 = tpu.memref_slice %arg7[%dma_start3A_279, %dma_start3A_292, %dma_start3A_293] : memref<4x200x64xf32, #tpu.memory_space<vmem>> -> memref<1x200x64xf32, #tpu.memory_space<vmem>>
      %dma_start3A_295 = tpu.memref_squeeze %dma_start3A_294 : memref<1x200x64xf32, #tpu.memory_space<vmem>> -> memref<200x64xf32, #tpu.memory_space<vmem>>
      tpu.enqueue_dma source(%dma_start3A_295 : memref<200x64xf32, #tpu.memory_space<vmem>>) target(%dma_start3A_291 : memref<200x64xf32, #tpu.memory_space<hbm>>) target_semaphore(%arg14 : memref<!tpu.dma_semaphore, #tpu.memory_space<semaphore_mem>>)
      %dma_wait3A_296 = arith.constant 0 : i32
      %dma_wait3A_297 = arith.constant 0 : i32
      %dma_wait3A_298 = arith.constant 2 : i32
      %dma_wait3A_299 = arith.constant 0 : i32
      %dma_wait3A_300 = arith.constant 0 : i32
      %dma_wait3A_301 = tpu.memref_slice %arg7[%dma_wait3A_298, %dma_wait3A_299, %dma_wait3A_300] : memref<4x200x64xf32, #tpu.memory_space<vmem>> -> memref<1x100x64xf32, #tpu.memory_space<vmem>>
      %dma_wait3A_302 = tpu.memref_squeeze %dma_wait3A_301 : memref<1x100x64xf32, #tpu.memory_space<vmem>> -> memref<100x64xf32, #tpu.memory_space<vmem>>
      %dma_wait3A_303 = arith.constant 0 : i32
      %dma_wait3A_304 = tpu.memref_slice %arg6[%dma_wait3A_296, %dma_wait3A_297, %dma_wait3A_303] : memref<128x2x100xi32, #tpu.memory_space<vmem>> -> memref<1x1x100xi32, #tpu.memory_space<vmem>>
      %dma_wait3A_305 = tpu.memref_squeeze %dma_wait3A_304 : memref<1x1x100xi32, #tpu.memory_space<vmem>> -> memref<100xi32, #tpu.memory_space<vmem>>
      %dma_wait3A_306 = arith.constant 0 : i32
      %dma_wait3A_307 = arith.constant 0 : i32
      %dma_wait3A_308 = tpu.memref_slice %arg3[%dma_wait3A_306, %dma_wait3A_307] : memref<1000000x64xf32, #tpu.memory_space<hbm>> -> memref<1000000x64xf32, #tpu.memory_space<hbm>>
      tpu.wait_indirect_dma semaphore(%arg11 : memref<!tpu.dma_semaphore, #tpu.memory_space<semaphore_mem>>) src(%dma_wait3A_308 : memref<1000000x64xf32, #tpu.memory_space<hbm>>) dst(%dma_wait3A_302 : memref<100x64xf32, #tpu.memory_space<vmem>>)
      %dma_wait3A_309 = arith.constant 0 : i32
      %dma_wait3A_310 = arith.constant 1 : i32
      %dma_wait3A_311 = arith.constant 2 : i32
      %dma_wait3A_312 = arith.constant 100 : i32
      %dma_wait3A_313 = arith.constant 0 : i32
      %dma_wait3A_314 = tpu.memref_slice %arg7[%dma_wait3A_311, %dma_wait3A_312, %dma_wait3A_313] : memref<4x200x64xf32, #tpu.memory_space<vmem>> -> memref<1x100x64xf32, #tpu.memory_space<vmem>>
      %dma_wait3A_315 = tpu.memref_squeeze %dma_wait3A_314 : memref<1x100x64xf32, #tpu.memory_space<vmem>> -> memref<100x64xf32, #tpu.memory_space<vmem>>
      %dma_wait3A_316 = arith.constant 0 : i32
      %dma_wait3A_317 = tpu.memref_slice %arg6[%dma_wait3A_309, %dma_wait3A_310, %dma_wait3A_316] : memref<128x2x100xi32, #tpu.memory_space<vmem>> -> memref<1x1x100xi32, #tpu.memory_space<vmem>>
      %dma_wait3A_318 = tpu.memref_squeeze %dma_wait3A_317 : memref<1x1x100xi32, #tpu.memory_space<vmem>> -> memref<100xi32, #tpu.memory_space<vmem>>
      %dma_wait3A_319 = arith.constant 0 : i32
      %dma_wait3A_320 = arith.constant 0 : i32
      %dma_wait3A_321 = tpu.memref_slice %arg3[%dma_wait3A_319, %dma_wait3A_320] : memref<1000000x64xf32, #tpu.memory_space<hbm>> -> memref<1000000x64xf32, #tpu.memory_space<hbm>>
      tpu.wait_indirect_dma semaphore(%arg11 : memref<!tpu.dma_semaphore, #tpu.memory_space<semaphore_mem>>) src(%dma_wait3A_321 : memref<1000000x64xf32, #tpu.memory_space<hbm>>) dst(%dma_wait3A_315 : memref<100x64xf32, #tpu.memory_space<vmem>>)
      %scan3A_322 = arith.constant 0 : i32
      %scan3A_323 = arith.constant 0 : i32
      %scan3A_324 = arith.constant 50 : i32
      %scan3A_325 = arith.addi %scan3A_323, %scan3A_324 : i32
      %scan3A_326 = arith.constant 1 : i32
      scf.for %scan3A_413 = %scan3A_323 to %scan3A_325 step %scan3A_326  : i32 {
        %mul3A_414 = arith.constant 4 : i32
        %mul3A_415 = arith.muli %scan3A_413, %mul3A_414 : i32
        %add3A_416 = arith.constant 0 : i32
        %add3A_417 = arith.addi %mul3A_415, %add3A_416 : i32
        %get3A = arith.constant 2 : i32
        %get3A_418 = arith.index_cast %get3A : i32 to index
        %get3A_419 = arith.index_cast %add3A_417 : i32 to index
        %get3A_420 = arith.constant 0 : index
        %get3A_421 = tpu.vector_load %arg7[%get3A_418, %get3A_419, %get3A_420] {strides = array<i32>} : memref<4x200x64xf32, #tpu.memory_space<vmem>>, vector<1x1x16xf32>,
        %get3A_422 = vector.shape_cast %get3A_421 : vector<1x1x16xf32> to vector<16xf32>
        %get3A_423 = arith.index_cast %add3A_417 : i32 to index
        %get3A_424 = arith.constant 0 : index
        %get3A_425 = tpu.vector_load %arg8[%get3A_423, %get3A_424] {strides = array<i32>} : memref<200x64xf32, #tpu.memory_space<vmem>>, vector<1x16xf32>,
        %get3A_426 = vector.shape_cast %get3A_425 : vector<1x16xf32> to vector<16xf32>
        %add3A_427 = arith.addf %get3A_422, %get3A_426 : vector<16xf32>
        %mul3A_428 = arith.mulf %add3A_427, %add3A_427 : vector<16xf32>
        %mul3A_429 = arith.constant -0.0713548139 : f32
        %mul3A_430 = vector.broadcast %mul3A_429 : f32 to vector<16xf32>
        %mul3A_431 = arith.mulf %mul3A_430, %mul3A_428 : vector<16xf32>
        %add3A_432 = arith.constant -1.59576917 : f32
        %add3A_433 = vector.broadcast %add3A_432 : f32 to vector<16xf32>
        %add3A_434 = arith.addf %add3A_433, %mul3A_431 : vector<16xf32>
        %mul3A_435 = arith.mulf %add3A_427, %add3A_434 : vector<16xf32>
        %exp3A = math.exp %mul3A_435 : vector<16xf32>
        %add3A_436 = arith.constant 1.000000e+00 : f32
        %add3A_437 = vector.broadcast %add3A_436 : f32 to vector<16xf32>
        %add3A_438 = arith.addf %add3A_437, %exp3A : vector<16xf32>
        %div3A = arith.divf %add3A_427, %add3A_438 : vector<16xf32>
        %swap3A = arith.constant 2 : i32
        %swap3A_439 = arith.index_cast %swap3A : i32 to index
        %swap3A_440 = arith.index_cast %add3A_417 : i32 to index
        %swap3A_441 = arith.constant 0 : index
        %swap3A_442 = tpu.vector_load %arg7[%swap3A_439, %swap3A_440, %swap3A_441] {strides = array<i32>} : memref<4x200x64xf32, #tpu.memory_space<vmem>>, vector<1x1x16xf32>,
        %swap3A_443 = vector.shape_cast %swap3A_442 : vector<1x1x16xf32> to vector<16xf32>
        %swap3A_444 = vector.shape_cast %div3A : vector<16xf32> to vector<1x1x16xf32>
        tpu.vector_store %arg7[%swap3A_439, %swap3A_440, %swap3A_441], %swap3A_444 {strides = array<i32>} : memref<4x200x64xf32, #tpu.memory_space<vmem>>, vector<1x1x16xf32>,
        %get3A_445 = arith.constant 2 : i32
        %get3A_446 = arith.index_cast %get3A_445 : i32 to index
        %get3A_447 = arith.index_cast %add3A_417 : i32 to index
        %get3A_448 = arith.constant 16 : index
        %get3A_449 = tpu.vector_load %arg7[%get3A_446, %get3A_447, %get3A_448] {strides = array<i32>} : memref<4x200x64xf32, #tpu.memory_space<vmem>>, vector<1x1x16xf32>,
        %get3A_450 = vector.shape_cast %get3A_449 : vector<1x1x16xf32> to vector<16xf32>
        %get3A_451 = arith.index_cast %add3A_417 : i32 to index
        %get3A_452 = arith.constant 16 : index
        %get3A_453 = tpu.vector_load %arg8[%get3A_451, %get3A_452] {strides = array<i32>} : memref<200x64xf32, #tpu.memory_space<vmem>>, vector<1x16xf32>,
        %get3A_454 = vector.shape_cast %get3A_453 : vector<1x16xf32> to vector<16xf32>
        %add3A_455 = arith.addf %get3A_450, %get3A_454 : vector<16xf32>
        %mul3A_456 = arith.mulf %add3A_455, %add3A_455 : vector<16xf32>
        %mul3A_457 = arith.constant -0.0713548139 : f32
        %mul3A_458 = vector.broadcast %mul3A_457 : f32 to vector<16xf32>
        %mul3A_459 = arith.mulf %mul3A_458, %mul3A_456 : vector<16xf32>
        %add3A_460 = arith.constant -1.59576917 : f32
        %add3A_461 = vector.broadcast %add3A_460 : f32 to vector<16xf32>
        %add3A_462 = arith.addf %add3A_461, %mul3A_459 : vector<16xf32>
        %mul3A_463 = arith.mulf %add3A_455, %add3A_462 : vector<16xf32>
        %exp3A_464 = math.exp %mul3A_463 : vector<16xf32>
        %add3A_465 = arith.constant 1.000000e+00 : f32
        %add3A_466 = vector.broadcast %add3A_465 : f32 to vector<16xf32>
        %add3A_467 = arith.addf %add3A_466, %exp3A_464 : vector<16xf32>
        %div3A_468 = arith.divf %add3A_455, %add3A_467 : vector<16xf32>
        %swap3A_469 = arith.constant 2 : i32
        %swap3A_470 = arith.index_cast %swap3A_469 : i32 to index
        %swap3A_471 = arith.index_cast %add3A_417 : i32 to index
        %swap3A_472 = arith.constant 16 : index
        %swap3A_473 = tpu.vector_load %arg7[%swap3A_470, %swap3A_471, %swap3A_472] {strides = array<i32>} : memref<4x200x64xf32, #tpu.memory_space<vmem>>, vector<1x1x16xf32>,
        %swap3A_474 = vector.shape_cast %swap3A_473 : vector<1x1x16xf32> to vector<16xf32>
        %swap3A_475 = vector.shape_cast %div3A_468 : vector<16xf32> to vector<1x1x16xf32>
        tpu.vector_store %arg7[%swap3A_470, %swap3A_471, %swap3A_472], %swap3A_475 {strides = array<i32>} : memref<4x200x64xf32, #tpu.memory_space<vmem>>, vector<1x1x16xf32>,
        %get3A_476 = arith.constant 2 : i32
        %get3A_477 = arith.index_cast %get3A_476 : i32 to index
        %get3A_478 = arith.index_cast %add3A_417 : i32 to index
        %get3A_479 = arith.constant 32 : index
        %get3A_480 = tpu.vector_load %arg7[%get3A_477, %get3A_478, %get3A_479] {strides = array<i32>} : memref<4x200x64xf32, #tpu.memory_space<vmem>>, vector<1x1x16xf32>,
        %get3A_481 = vector.shape_cast %get3A_480 : vector<1x1x16xf32> to vector<16xf32>
        %get3A_482 = arith.index_cast %add3A_417 : i32 to index
        %get3A_483 = arith.constant 32 : index
        %get3A_484 = tpu.vector_load %arg8[%get3A_482, %get3A_483] {strides = array<i32>} : memref<200x64xf32, #tpu.memory_space<vmem>>, vector<1x16xf32>,
        %get3A_485 = vector.shape_cast %get3A_484 : vector<1x16xf32> to vector<16xf32>
        %add3A_486 = arith.addf %get3A_481, %get3A_485 : vector<16xf32>
        %mul3A_487 = arith.mulf %add3A_486, %add3A_486 : vector<16xf32>
        %mul3A_488 = arith.constant -0.0713548139 : f32
        %mul3A_489 = vector.broadcast %mul3A_488 : f32 to vector<16xf32>
        %mul3A_490 = arith.mulf %mul3A_489, %mul3A_487 : vector<16xf32>
        %add3A_491 = arith.constant -1.59576917 : f32
        %add3A_492 = vector.broadcast %add3A_491 : f32 to vector<16xf32>
        %add3A_493 = arith.addf %add3A_492, %mul3A_490 : vector<16xf32>
        %mul3A_494 = arith.mulf %add3A_486, %add3A_493 : vector<16xf32>
        %exp3A_495 = math.exp %mul3A_494 : vector<16xf32>
        %add3A_496 = arith.constant 1.000000e+00 : f32
        %add3A_497 = vector.broadcast %add3A_496 : f32 to vector<16xf32>
        %add3A_498 = arith.addf %add3A_497, %exp3A_495 : vector<16xf32>
        %div3A_499 = arith.divf %add3A_486, %add3A_498 : vector<16xf32>
        %swap3A_500 = arith.constant 2 : i32
        %swap3A_501 = arith.index_cast %swap3A_500 : i32 to index
        %swap3A_502 = arith.index_cast %add3A_417 : i32 to index
        %swap3A_503 = arith.constant 32 : index
        %swap3A_504 = tpu.vector_load %arg7[%swap3A_501, %swap3A_502, %swap3A_503] {strides = array<i32>} : memref<4x200x64xf32, #tpu.memory_space<vmem>>, vector<1x1x16xf32>,
        %swap3A_505 = vector.shape_cast %swap3A_504 : vector<1x1x16xf32> to vector<16xf32>
        %swap3A_506 = vector.shape_cast %div3A_499 : vector<16xf32> to vector<1x1x16xf32>
        tpu.vector_store %arg7[%swap3A_501, %swap3A_502, %swap3A_503], %swap3A_506 {strides = array<i32>} : memref<4x200x64xf32, #tpu.memory_space<vmem>>, vector<1x1x16xf32>,
        %get3A_507 = arith.constant 2 : i32
        %get3A_508 = arith.index_cast %get3A_507 : i32 to index
        %get3A_509 = arith.index_cast %add3A_417 : i32 to index
        %get3A_510 = arith.constant 48 : index
        %get3A_511 = tpu.vector_load %arg7[%get3A_508, %get3A_509, %get3A_510] {strides = array<i32>} : memref<4x200x64xf32, #tpu.memory_space<vmem>>, vector<1x1x16xf32>,
        %get3A_512 = vector.shape_cast %get3A_511 : vector<1x1x16xf32> to vector<16xf32>
        %get3A_513 = arith.index_cast %add3A_417 : i32 to index
        %get3A_514 = arith.constant 48 : index
        %get3A_515 = tpu.vector_load %arg8[%get3A_513, %get3A_514] {strides = array<i32>} : memref<200x64xf32, #tpu.memory_space<vmem>>, vector<1x16xf32>,
        %get3A_516 = vector.shape_cast %get3A_515 : vector<1x16xf32> to vector<16xf32>
        %add3A_517 = arith.addf %get3A_512, %get3A_516 : vector<16xf32>
        %mul3A_518 = arith.mulf %add3A_517, %add3A_517 : vector<16xf32>
        %mul3A_519 = arith.constant -0.0713548139 : f32
        %mul3A_520 = vector.broadcast %mul3A_519 : f32 to vector<16xf32>
        %mul3A_521 = arith.mulf %mul3A_520, %mul3A_518 : vector<16xf32>
        %add3A_522 = arith.constant -1.59576917 : f32
        %add3A_523 = vector.broadcast %add3A_522 : f32 to vector<16xf32>
        %add3A_524 = arith.addf %add3A_523, %mul3A_521 : vector<16xf32>
        %mul3A_525 = arith.mulf %add3A_517, %add3A_524 : vector<16xf32>
        %exp3A_526 = math.exp %mul3A_525 : vector<16xf32>
        %add3A_527 = arith.constant 1.000000e+00 : f32
        %add3A_528 = vector.broadcast %add3A_527 : f32 to vector<16xf32>
        %add3A_529 = arith.addf %add3A_528, %exp3A_526 : vector<16xf32>
        %div3A_530 = arith.divf %add3A_517, %add3A_529 : vector<16xf32>
        %swap3A_531 = arith.constant 2 : i32
        %swap3A_532 = arith.index_cast %swap3A_531 : i32 to index
        %swap3A_533 = arith.index_cast %add3A_417 : i32 to index
        %swap3A_534 = arith.constant 48 : index
        %swap3A_535 = tpu.vector_load %arg7[%swap3A_532, %swap3A_533, %swap3A_534] {strides = array<i32>} : memref<4x200x64xf32, #tpu.memory_space<vmem>>, vector<1x1x16xf32>,
        %swap3A_536 = vector.shape_cast %swap3A_535 : vector<1x1x16xf32> to vector<16xf32>
        %swap3A_537 = vector.shape_cast %div3A_530 : vector<16xf32> to vector<1x1x16xf32>
        tpu.vector_store %arg7[%swap3A_532, %swap3A_533, %swap3A_534], %swap3A_537 {strides = array<i32>} : memref<4x200x64xf32, #tpu.memory_space<vmem>>, vector<1x1x16xf32>,
        %mul3A_538 = arith.constant 4 : i32
        %mul3A_539 = arith.muli %scan3A_413, %mul3A_538 : i32
        %add3A_540 = arith.constant 1 : i32
        %add3A_541 = arith.addi %mul3A_539, %add3A_540 : i32
        %get3A_542 = arith.constant 2 : i32
        %get3A_543 = arith.index_cast %get3A_542 : i32 to index
        %get3A_544 = arith.index_cast %add3A_541 : i32 to index
        %get3A_545 = arith.constant 0 : index
        %get3A_546 = tpu.vector_load %arg7[%get3A_543, %get3A_544, %get3A_545] {strides = array<i32>} : memref<4x200x64xf32, #tpu.memory_space<vmem>>, vector<1x1x16xf32>,
        %get3A_547 = vector.shape_cast %get3A_546 : vector<1x1x16xf32> to vector<16xf32>
        %get3A_548 = arith.index_cast %add3A_541 : i32 to index
        %get3A_549 = arith.constant 0 : index
        %get3A_550 = tpu.vector_load %arg8[%get3A_548, %get3A_549] {strides = array<i32>} : memref<200x64xf32, #tpu.memory_space<vmem>>, vector<1x16xf32>,
        %get3A_551 = vector.shape_cast %get3A_550 : vector<1x16xf32> to vector<16xf32>
        %add3A_552 = arith.addf %get3A_547, %get3A_551 : vector<16xf32>
        %mul3A_553 = arith.mulf %add3A_552, %add3A_552 : vector<16xf32>
        %mul3A_554 = arith.constant -0.0713548139 : f32
        %mul3A_555 = vector.broadcast %mul3A_554 : f32 to vector<16xf32>
        %mul3A_556 = arith.mulf %mul3A_555, %mul3A_553 : vector<16xf32>
        %add3A_557 = arith.constant -1.59576917 : f32
        %add3A_558 = vector.broadcast %add3A_557 : f32 to vector<16xf32>
        %add3A_559 = arith.addf %add3A_558, %mul3A_556 : vector<16xf32>
        %mul3A_560 = arith.mulf %add3A_552, %add3A_559 : vector<16xf32>
        %exp3A_561 = math.exp %mul3A_560 : vector<16xf32>
        %add3A_562 = arith.constant 1.000000e+00 : f32
        %add3A_563 = vector.broadcast %add3A_562 : f32 to vector<16xf32>
        %add3A_564 = arith.addf %add3A_563, %exp3A_561 : vector<16xf32>
        %div3A_565 = arith.divf %add3A_552, %add3A_564 : vector<16xf32>
        %swap3A_566 = arith.constant 2 : i32
        %swap3A_567 = arith.index_cast %swap3A_566 : i32 to index
        %swap3A_568 = arith.index_cast %add3A_541 : i32 to index
        %swap3A_569 = arith.constant 0 : index
        %swap3A_570 = tpu.vector_load %arg7[%swap3A_567, %swap3A_568, %swap3A_569] {strides = array<i32>} : memref<4x200x64xf32, #tpu.memory_space<vmem>>, vector<1x1x16xf32>,
        %swap3A_571 = vector.shape_cast %swap3A_570 : vector<1x1x16xf32> to vector<16xf32>
        %swap3A_572 = vector.shape_cast %div3A_565 : vector<16xf32> to vector<1x1x16xf32>
        tpu.vector_store %arg7[%swap3A_567, %swap3A_568, %swap3A_569], %swap3A_572 {strides = array<i32>} : memref<4x200x64xf32, #tpu.memory_space<vmem>>, vector<1x1x16xf32>,
        %get3A_573 = arith.constant 2 : i32
        %get3A_574 = arith.index_cast %get3A_573 : i32 to index
        %get3A_575 = arith.index_cast %add3A_541 : i32 to index
        %get3A_576 = arith.constant 16 : index
        %get3A_577 = tpu.vector_load %arg7[%get3A_574, %get3A_575, %get3A_576] {strides = array<i32>} : memref<4x200x64xf32, #tpu.memory_space<vmem>>, vector<1x1x16xf32>,
        %get3A_578 = vector.shape_cast %get3A_577 : vector<1x1x16xf32> to vector<16xf32>
        %get3A_579 = arith.index_cast %add3A_541 : i32 to index
        %get3A_580 = arith.constant 16 : index
        %get3A_581 = tpu.vector_load %arg8[%get3A_579, %get3A_580] {strides = array<i32>} : memref<200x64xf32, #tpu.memory_space<vmem>>, vector<1x16xf32>,
        %get3A_582 = vector.shape_cast %get3A_581 : vector<1x16xf32> to vector<16xf32>
        %add3A_583 = arith.addf %get3A_578, %get3A_582 : vector<16xf32>
        %mul3A_584 = arith.mulf %add3A_583, %add3A_583 : vector<16xf32>
        %mul3A_585 = arith.constant -0.0713548139 : f32
        %mul3A_586 = vector.broadcast %mul3A_585 : f32 to vector<16xf32>
        %mul3A_587 = arith.mulf %mul3A_586, %mul3A_584 : vector<16xf32>
        %add3A_588 = arith.constant -1.59576917 : f32
        %add3A_589 = vector.broadcast %add3A_588 : f32 to vector<16xf32>
        %add3A_590 = arith.addf %add3A_589, %mul3A_587 : vector<16xf32>
        %mul3A_591 = arith.mulf %add3A_583, %add3A_590 : vector<16xf32>
        %exp3A_592 = math.exp %mul3A_591 : vector<16xf32>
        %add3A_593 = arith.constant 1.000000e+00 : f32
        %add3A_594 = vector.broadcast %add3A_593 : f32 to vector<16xf32>
        %add3A_595 = arith.addf %add3A_594, %exp3A_592 : vector<16xf32>
        %div3A_596 = arith.divf %add3A_583, %add3A_595 : vector<16xf32>
        %swap3A_597 = arith.constant 2 : i32
        %swap3A_598 = arith.index_cast %swap3A_597 : i32 to index
        %swap3A_599 = arith.index_cast %add3A_541 : i32 to index
        %swap3A_600 = arith.constant 16 : index
        %swap3A_601 = tpu.vector_load %arg7[%swap3A_598, %swap3A_599, %swap3A_600] {strides = array<i32>} : memref<4x200x64xf32, #tpu.memory_space<vmem>>, vector<1x1x16xf32>,
        %swap3A_602 = vector.shape_cast %swap3A_601 : vector<1x1x16xf32> to vector<16xf32>
        %swap3A_603 = vector.shape_cast %div3A_596 : vector<16xf32> to vector<1x1x16xf32>
        tpu.vector_store %arg7[%swap3A_598, %swap3A_599, %swap3A_600], %swap3A_603 {strides = array<i32>} : memref<4x200x64xf32, #tpu.memory_space<vmem>>, vector<1x1x16xf32>,
        %get3A_604 = arith.constant 2 : i32
        %get3A_605 = arith.index_cast %get3A_604 : i32 to index
        %get3A_606 = arith.index_cast %add3A_541 : i32 to index
        %get3A_607 = arith.constant 32 : index
        %get3A_608 = tpu.vector_load %arg7[%get3A_605, %get3A_606, %get3A_607] {strides = array<i32>} : memref<4x200x64xf32, #tpu.memory_space<vmem>>, vector<1x1x16xf32>,
        %get3A_609 = vector.shape_cast %get3A_608 : vector<1x1x16xf32> to vector<16xf32>
        %get3A_610 = arith.index_cast %add3A_541 : i32 to index
        %get3A_611 = arith.constant 32 : index
        %get3A_612 = tpu.vector_load %arg8[%get3A_610, %get3A_611] {strides = array<i32>} : memref<200x64xf32, #tpu.memory_space<vmem>>, vector<1x16xf32>,
        %get3A_613 = vector.shape_cast %get3A_612 : vector<1x16xf32> to vector<16xf32>
        %add3A_614 = arith.addf %get3A_609, %get3A_613 : vector<16xf32>
        %mul3A_615 = arith.mulf %add3A_614, %add3A_614 : vector<16xf32>
        %mul3A_616 = arith.constant -0.0713548139 : f32
        %mul3A_617 = vector.broadcast %mul3A_616 : f32 to vector<16xf32>
        %mul3A_618 = arith.mulf %mul3A_617, %mul3A_615 : vector<16xf32>
        %add3A_619 = arith.constant -1.59576917 : f32
        %add3A_620 = vector.broadcast %add3A_619 : f32 to vector<16xf32>
        %add3A_621 = arith.addf %add3A_620, %mul3A_618 : vector<16xf32>
        %mul3A_622 = arith.mulf %add3A_614, %add3A_621 : vector<16xf32>
        %exp3A_623 = math.exp %mul3A_622 : vector<16xf32>
        %add3A_624 = arith.constant 1.000000e+00 : f32
        %add3A_625 = vector.broadcast %add3A_624 : f32 to vector<16xf32>
        %add3A_626 = arith.addf %add3A_625, %exp3A_623 : vector<16xf32>
        %div3A_627 = arith.divf %add3A_614, %add3A_626 : vector<16xf32>
        %swap3A_628 = arith.constant 2 : i32
        %swap3A_629 = arith.index_cast %swap3A_628 : i32 to index
        %swap3A_630 = arith.index_cast %add3A_541 : i32 to index
        %swap3A_631 = arith.constant 32 : index
        %swap3A_632 = tpu.vector_load %arg7[%swap3A_629, %swap3A_630, %swap3A_631] {strides = array<i32>} : memref<4x200x64xf32, #tpu.memory_space<vmem>>, vector<1x1x16xf32>,
        %swap3A_633 = vector.shape_cast %swap3A_632 : vector<1x1x16xf32> to vector<16xf32>
        %swap3A_634 = vector.shape_cast %div3A_627 : vector<16xf32> to vector<1x1x16xf32>
        tpu.vector_store %arg7[%swap3A_629, %swap3A_630, %swap3A_631], %swap3A_634 {strides = array<i32>} : memref<4x200x64xf32, #tpu.memory_space<vmem>>, vector<1x1x16xf32>,
        %get3A_635 = arith.constant 2 : i32
        %get3A_636 = arith.index_cast %get3A_635 : i32 to index
        %get3A_637 = arith.index_cast %add3A_541 : i32 to index
        %get3A_638 = arith.constant 48 : index
        %get3A_639 = tpu.vector_load %arg7[%get3A_636, %get3A_637, %get3A_638] {strides = array<i32>} : memref<4x200x64xf32, #tpu.memory_space<vmem>>, vector<1x1x16xf32>,
        %get3A_640 = vector.shape_cast %get3A_639 : vector<1x1x16xf32> to vector<16xf32>
        %get3A_641 = arith.index_cast %add3A_541 : i32 to index
        %get3A_642 = arith.constant 48 : index
        %get3A_643 = tpu.vector_load %arg8[%get3A_641, %get3A_642] {strides = array<i32>} : memref<200x64xf32, #tpu.memory_space<vmem>>, vector<1x16xf32>,
        %get3A_644 = vector.shape_cast %get3A_643 : vector<1x16xf32> to vector<16xf32>
        %add3A_645 = arith.addf %get3A_640, %get3A_644 : vector<16xf32>
        %mul3A_646 = arith.mulf %add3A_645, %add3A_645 : vector<16xf32>
        %mul3A_647 = arith.constant -0.0713548139 : f32
        %mul3A_648 = vector.broadcast %mul3A_647 : f32 to vector<16xf32>
        %mul3A_649 = arith.mulf %mul3A_648, %mul3A_646 : vector<16xf32>
        %add3A_650 = arith.constant -1.59576917 : f32
        %add3A_651 = vector.broadcast %add3A_650 : f32 to vector<16xf32>
        %add3A_652 = arith.addf %add3A_651, %mul3A_649 : vector<16xf32>
        %mul3A_653 = arith.mulf %add3A_645, %add3A_652 : vector<16xf32>
        %exp3A_654 = math.exp %mul3A_653 : vector<16xf32>
        %add3A_655 = arith.constant 1.000000e+00 : f32
        %add3A_656 = vector.broadcast %add3A_655 : f32 to vector<16xf32>
        %add3A_657 = arith.addf %add3A_656, %exp3A_654 : vector<16xf32>
        %div3A_658 = arith.divf %add3A_645, %add3A_657 : vector<16xf32>
        %swap3A_659 = arith.constant 2 : i32
        %swap3A_660 = arith.index_cast %swap3A_659 : i32 to index
        %swap3A_661 = arith.index_cast %add3A_541 : i32 to index
        %swap3A_662 = arith.constant 48 : index
        %swap3A_663 = tpu.vector_load %arg7[%swap3A_660, %swap3A_661, %swap3A_662] {strides = array<i32>} : memref<4x200x64xf32, #tpu.memory_space<vmem>>, vector<1x1x16xf32>,
        %swap3A_664 = vector.shape_cast %swap3A_663 : vector<1x1x16xf32> to vector<16xf32>
        %swap3A_665 = vector.shape_cast %div3A_658 : vector<16xf32> to vector<1x1x16xf32>
        tpu.vector_store %arg7[%swap3A_660, %swap3A_661, %swap3A_662], %swap3A_665 {strides = array<i32>} : memref<4x200x64xf32, #tpu.memory_space<vmem>>, vector<1x1x16xf32>,
        %mul3A_666 = arith.constant 4 : i32
        %mul3A_667 = arith.muli %scan3A_413, %mul3A_666 : i32
        %add3A_668 = arith.constant 2 : i32
        %add3A_669 = arith.addi %mul3A_667, %add3A_668 : i32
        %get3A_670 = arith.constant 2 : i32
        %get3A_671 = arith.index_cast %get3A_670 : i32 to index
        %get3A_672 = arith.index_cast %add3A_669 : i32 to index
        %get3A_673 = arith.constant 0 : index
        %get3A_674 = tpu.vector_load %arg7[%get3A_671, %get3A_672, %get3A_673] {strides = array<i32>} : memref<4x200x64xf32, #tpu.memory_space<vmem>>, vector<1x1x16xf32>,
        %get3A_675 = vector.shape_cast %get3A_674 : vector<1x1x16xf32> to vector<16xf32>
        %get3A_676 = arith.index_cast %add3A_669 : i32 to index
        %get3A_677 = arith.constant 0 : index
        %get3A_678 = tpu.vector_load %arg8[%get3A_676, %get3A_677] {strides = array<i32>} : memref<200x64xf32, #tpu.memory_space<vmem>>, vector<1x16xf32>,
        %get3A_679 = vector.shape_cast %get3A_678 : vector<1x16xf32> to vector<16xf32>
        %add3A_680 = arith.addf %get3A_675, %get3A_679 : vector<16xf32>
        %mul3A_681 = arith.mulf %add3A_680, %add3A_680 : vector<16xf32>
        %mul3A_682 = arith.constant -0.0713548139 : f32
        %mul3A_683 = vector.broadcast %mul3A_682 : f32 to vector<16xf32>
        %mul3A_684 = arith.mulf %mul3A_683, %mul3A_681 : vector<16xf32>
        %add3A_685 = arith.constant -1.59576917 : f32
        %add3A_686 = vector.broadcast %add3A_685 : f32 to vector<16xf32>
        %add3A_687 = arith.addf %add3A_686, %mul3A_684 : vector<16xf32>
        %mul3A_688 = arith.mulf %add3A_680, %add3A_687 : vector<16xf32>
        %exp3A_689 = math.exp %mul3A_688 : vector<16xf32>
        %add3A_690 = arith.constant 1.000000e+00 : f32
        %add3A_691 = vector.broadcast %add3A_690 : f32 to vector<16xf32>
        %add3A_692 = arith.addf %add3A_691, %exp3A_689 : vector<16xf32>
        %div3A_693 = arith.divf %add3A_680, %add3A_692 : vector<16xf32>
        %swap3A_694 = arith.constant 2 : i32
        %swap3A_695 = arith.index_cast %swap3A_694 : i32 to index
        %swap3A_696 = arith.index_cast %add3A_669 : i32 to index
        %swap3A_697 = arith.constant 0 : index
        %swap3A_698 = tpu.vector_load %arg7[%swap3A_695, %swap3A_696, %swap3A_697] {strides = array<i32>} : memref<4x200x64xf32, #tpu.memory_space<vmem>>, vector<1x1x16xf32>,
        %swap3A_699 = vector.shape_cast %swap3A_698 : vector<1x1x16xf32> to vector<16xf32>
        %swap3A_700 = vector.shape_cast %div3A_693 : vector<16xf32> to vector<1x1x16xf32>
        tpu.vector_store %arg7[%swap3A_695, %swap3A_696, %swap3A_697], %swap3A_700 {strides = array<i32>} : memref<4x200x64xf32, #tpu.memory_space<vmem>>, vector<1x1x16xf32>,
        %get3A_701 = arith.constant 2 : i32
        %get3A_702 = arith.index_cast %get3A_701 : i32 to index
        %get3A_703 = arith.index_cast %add3A_669 : i32 to index
        %get3A_704 = arith.constant 16 : index
        %get3A_705 = tpu.vector_load %arg7[%get3A_702, %get3A_703, %get3A_704] {strides = array<i32>} : memref<4x200x64xf32, #tpu.memory_space<vmem>>, vector<1x1x16xf32>,
        %get3A_706 = vector.shape_cast %get3A_705 : vector<1x1x16xf32> to vector<16xf32>
        %get3A_707 = arith.index_cast %add3A_669 : i32 to index
        %get3A_708 = arith.constant 16 : index
        %get3A_709 = tpu.vector_load %arg8[%get3A_707, %get3A_708] {strides = array<i32>} : memref<200x64xf32, #tpu.memory_space<vmem>>, vector<1x16xf32>,
        %get3A_710 = vector.shape_cast %get3A_709 : vector<1x16xf32> to vector<16xf32>
        %add3A_711 = arith.addf %get3A_706, %get3A_710 : vector<16xf32>
        %mul3A_712 = arith.mulf %add3A_711, %add3A_711 : vector<16xf32>
        %mul3A_713 = arith.constant -0.0713548139 : f32
        %mul3A_714 = vector.broadcast %mul3A_713 : f32 to vector<16xf32>
        %mul3A_715 = arith.mulf %mul3A_714, %mul3A_712 : vector<16xf32>
        %add3A_716 = arith.constant -1.59576917 : f32
        %add3A_717 = vector.broadcast %add3A_716 : f32 to vector<16xf32>
        %add3A_718 = arith.addf %add3A_717, %mul3A_715 : vector<16xf32>
        %mul3A_719 = arith.mulf %add3A_711, %add3A_718 : vector<16xf32>
        %exp3A_720 = math.exp %mul3A_719 : vector<16xf32>
        %add3A_721 = arith.constant 1.000000e+00 : f32
        %add3A_722 = vector.broadcast %add3A_721 : f32 to vector<16xf32>
        %add3A_723 = arith.addf %add3A_722, %exp3A_720 : vector<16xf32>
        %div3A_724 = arith.divf %add3A_711, %add3A_723 : vector<16xf32>
        %swap3A_725 = arith.constant 2 : i32
        %swap3A_726 = arith.index_cast %swap3A_725 : i32 to index
        %swap3A_727 = arith.index_cast %add3A_669 : i32 to index
        %swap3A_728 = arith.constant 16 : index
        %swap3A_729 = tpu.vector_load %arg7[%swap3A_726, %swap3A_727, %swap3A_728] {strides = array<i32>} : memref<4x200x64xf32, #tpu.memory_space<vmem>>, vector<1x1x16xf32>,
        %swap3A_730 = vector.shape_cast %swap3A_729 : vector<1x1x16xf32> to vector<16xf32>
        %swap3A_731 = vector.shape_cast %div3A_724 : vector<16xf32> to vector<1x1x16xf32>
        tpu.vector_store %arg7[%swap3A_726, %swap3A_727, %swap3A_728], %swap3A_731 {strides = array<i32>} : memref<4x200x64xf32, #tpu.memory_space<vmem>>, vector<1x1x16xf32>,
        %get3A_732 = arith.constant 2 : i32
        %get3A_733 = arith.index_cast %get3A_732 : i32 to index
        %get3A_734 = arith.index_cast %add3A_669 : i32 to index
        %get3A_735 = arith.constant 32 : index
        %get3A_736 = tpu.vector_load %arg7[%get3A_733, %get3A_734, %get3A_735] {strides = array<i32>} : memref<4x200x64xf32, #tpu.memory_space<vmem>>, vector<1x1x16xf32>,
        %get3A_737 = vector.shape_cast %get3A_736 : vector<1x1x16xf32> to vector<16xf32>
        %get3A_738 = arith.index_cast %add3A_669 : i32 to index
        %get3A_739 = arith.constant 32 : index
        %get3A_740 = tpu.vector_load %arg8[%get3A_738, %get3A_739] {strides = array<i32>} : memref<200x64xf32, #tpu.memory_space<vmem>>, vector<1x16xf32>,
        %get3A_741 = vector.shape_cast %get3A_740 : vector<1x16xf32> to vector<16xf32>
        %add3A_742 = arith.addf %get3A_737, %get3A_741 : vector<16xf32>
        %mul3A_743 = arith.mulf %add3A_742, %add3A_742 : vector<16xf32>
        %mul3A_744 = arith.constant -0.0713548139 : f32
        %mul3A_745 = vector.broadcast %mul3A_744 : f32 to vector<16xf32>
        %mul3A_746 = arith.mulf %mul3A_745, %mul3A_743 : vector<16xf32>
        %add3A_747 = arith.constant -1.59576917 : f32
        %add3A_748 = vector.broadcast %add3A_747 : f32 to vector<16xf32>
        %add3A_749 = arith.addf %add3A_748, %mul3A_746 : vector<16xf32>
        %mul3A_750 = arith.mulf %add3A_742, %add3A_749 : vector<16xf32>
        %exp3A_751 = math.exp %mul3A_750 : vector<16xf32>
        %add3A_752 = arith.constant 1.000000e+00 : f32
        %add3A_753 = vector.broadcast %add3A_752 : f32 to vector<16xf32>
        %add3A_754 = arith.addf %add3A_753, %exp3A_751 : vector<16xf32>
        %div3A_755 = arith.divf %add3A_742, %add3A_754 : vector<16xf32>
        %swap3A_756 = arith.constant 2 : i32
        %swap3A_757 = arith.index_cast %swap3A_756 : i32 to index
        %swap3A_758 = arith.index_cast %add3A_669 : i32 to index
        %swap3A_759 = arith.constant 32 : index
        %swap3A_760 = tpu.vector_load %arg7[%swap3A_757, %swap3A_758, %swap3A_759] {strides = array<i32>} : memref<4x200x64xf32, #tpu.memory_space<vmem>>, vector<1x1x16xf32>,
        %swap3A_761 = vector.shape_cast %swap3A_760 : vector<1x1x16xf32> to vector<16xf32>
        %swap3A_762 = vector.shape_cast %div3A_755 : vector<16xf32> to vector<1x1x16xf32>
        tpu.vector_store %arg7[%swap3A_757, %swap3A_758, %swap3A_759], %swap3A_762 {strides = array<i32>} : memref<4x200x64xf32, #tpu.memory_space<vmem>>, vector<1x1x16xf32>,
        %get3A_763 = arith.constant 2 : i32
        %get3A_764 = arith.index_cast %get3A_763 : i32 to index
        %get3A_765 = arith.index_cast %add3A_669 : i32 to index
        %get3A_766 = arith.constant 48 : index
        %get3A_767 = tpu.vector_load %arg7[%get3A_764, %get3A_765, %get3A_766] {strides = array<i32>} : memref<4x200x64xf32, #tpu.memory_space<vmem>>, vector<1x1x16xf32>,
        %get3A_768 = vector.shape_cast %get3A_767 : vector<1x1x16xf32> to vector<16xf32>
        %get3A_769 = arith.index_cast %add3A_669 : i32 to index
        %get3A_770 = arith.constant 48 : index
        %get3A_771 = tpu.vector_load %arg8[%get3A_769, %get3A_770] {strides = array<i32>} : memref<200x64xf32, #tpu.memory_space<vmem>>, vector<1x16xf32>,
        %get3A_772 = vector.shape_cast %get3A_771 : vector<1x16xf32> to vector<16xf32>
        %add3A_773 = arith.addf %get3A_768, %get3A_772 : vector<16xf32>
        %mul3A_774 = arith.mulf %add3A_773, %add3A_773 : vector<16xf32>
        %mul3A_775 = arith.constant -0.0713548139 : f32
        %mul3A_776 = vector.broadcast %mul3A_775 : f32 to vector<16xf32>
        %mul3A_777 = arith.mulf %mul3A_776, %mul3A_774 : vector<16xf32>
        %add3A_778 = arith.constant -1.59576917 : f32
        %add3A_779 = vector.broadcast %add3A_778 : f32 to vector<16xf32>
        %add3A_780 = arith.addf %add3A_779, %mul3A_777 : vector<16xf32>
        %mul3A_781 = arith.mulf %add3A_773, %add3A_780 : vector<16xf32>
        %exp3A_782 = math.exp %mul3A_781 : vector<16xf32>
        %add3A_783 = arith.constant 1.000000e+00 : f32
        %add3A_784 = vector.broadcast %add3A_783 : f32 to vector<16xf32>
        %add3A_785 = arith.addf %add3A_784, %exp3A_782 : vector<16xf32>
        %div3A_786 = arith.divf %add3A_773, %add3A_785 : vector<16xf32>
        %swap3A_787 = arith.constant 2 : i32
        %swap3A_788 = arith.index_cast %swap3A_787 : i32 to index
        %swap3A_789 = arith.index_cast %add3A_669 : i32 to index
        %swap3A_790 = arith.constant 48 : index
        %swap3A_791 = tpu.vector_load %arg7[%swap3A_788, %swap3A_789, %swap3A_790] {strides = array<i32>} : memref<4x200x64xf32, #tpu.memory_space<vmem>>, vector<1x1x16xf32>,
        %swap3A_792 = vector.shape_cast %swap3A_791 : vector<1x1x16xf32> to vector<16xf32>
        %swap3A_793 = vector.shape_cast %div3A_786 : vector<16xf32> to vector<1x1x16xf32>
        tpu.vector_store %arg7[%swap3A_788, %swap3A_789, %swap3A_790], %swap3A_793 {strides = array<i32>} : memref<4x200x64xf32, #tpu.memory_space<vmem>>, vector<1x1x16xf32>,
        %mul3A_794 = arith.constant 4 : i32
        %mul3A_795 = arith.muli %scan3A_413, %mul3A_794 : i32
        %add3A_796 = arith.constant 3 : i32
        %add3A_797 = arith.addi %mul3A_795, %add3A_796 : i32
        %get3A_798 = arith.constant 2 : i32
        %get3A_799 = arith.index_cast %get3A_798 : i32 to index
        %get3A_800 = arith.index_cast %add3A_797 : i32 to index
        %get3A_801 = arith.constant 0 : index
        %get3A_802 = tpu.vector_load %arg7[%get3A_799, %get3A_800, %get3A_801] {strides = array<i32>} : memref<4x200x64xf32, #tpu.memory_space<vmem>>, vector<1x1x16xf32>,
        %get3A_803 = vector.shape_cast %get3A_802 : vector<1x1x16xf32> to vector<16xf32>
        %get3A_804 = arith.index_cast %add3A_797 : i32 to index
        %get3A_805 = arith.constant 0 : index
        %get3A_806 = tpu.vector_load %arg8[%get3A_804, %get3A_805] {strides = array<i32>} : memref<200x64xf32, #tpu.memory_space<vmem>>, vector<1x16xf32>,
        %get3A_807 = vector.shape_cast %get3A_806 : vector<1x16xf32> to vector<16xf32>
        %add3A_808 = arith.addf %get3A_803, %get3A_807 : vector<16xf32>
        %mul3A_809 = arith.mulf %add3A_808, %add3A_808 : vector<16xf32>
        %mul3A_810 = arith.constant -0.0713548139 : f32
        %mul3A_811 = vector.broadcast %mul3A_810 : f32 to vector<16xf32>
        %mul3A_812 = arith.mulf %mul3A_811, %mul3A_809 : vector<16xf32>
        %add3A_813 = arith.constant -1.59576917 : f32
        %add3A_814 = vector.broadcast %add3A_813 : f32 to vector<16xf32>
        %add3A_815 = arith.addf %add3A_814, %mul3A_812 : vector<16xf32>
        %mul3A_816 = arith.mulf %add3A_808, %add3A_815 : vector<16xf32>
        %exp3A_817 = math.exp %mul3A_816 : vector<16xf32>
        %add3A_818 = arith.constant 1.000000e+00 : f32
        %add3A_819 = vector.broadcast %add3A_818 : f32 to vector<16xf32>
        %add3A_820 = arith.addf %add3A_819, %exp3A_817 : vector<16xf32>
        %div3A_821 = arith.divf %add3A_808, %add3A_820 : vector<16xf32>
        %swap3A_822 = arith.constant 2 : i32
        %swap3A_823 = arith.index_cast %swap3A_822 : i32 to index
        %swap3A_824 = arith.index_cast %add3A_797 : i32 to index
        %swap3A_825 = arith.constant 0 : index
        %swap3A_826 = tpu.vector_load %arg7[%swap3A_823, %swap3A_824, %swap3A_825] {strides = array<i32>} : memref<4x200x64xf32, #tpu.memory_space<vmem>>, vector<1x1x16xf32>,
        %swap3A_827 = vector.shape_cast %swap3A_826 : vector<1x1x16xf32> to vector<16xf32>
        %swap3A_828 = vector.shape_cast %div3A_821 : vector<16xf32> to vector<1x1x16xf32>
        tpu.vector_store %arg7[%swap3A_823, %swap3A_824, %swap3A_825], %swap3A_828 {strides = array<i32>} : memref<4x200x64xf32, #tpu.memory_space<vmem>>, vector<1x1x16xf32>,
        %get3A_829 = arith.constant 2 : i32
        %get3A_830 = arith.index_cast %get3A_829 : i32 to index
        %get3A_831 = arith.index_cast %add3A_797 : i32 to index
        %get3A_832 = arith.constant 16 : index
        %get3A_833 = tpu.vector_load %arg7[%get3A_830, %get3A_831, %get3A_832] {strides = array<i32>} : memref<4x200x64xf32, #tpu.memory_space<vmem>>, vector<1x1x16xf32>,
        %get3A_834 = vector.shape_cast %get3A_833 : vector<1x1x16xf32> to vector<16xf32>
        %get3A_835 = arith.index_cast %add3A_797 : i32 to index
        %get3A_836 = arith.constant 16 : index
        %get3A_837 = tpu.vector_load %arg8[%get3A_835, %get3A_836] {strides = array<i32>} : memref<200x64xf32, #tpu.memory_space<vmem>>, vector<1x16xf32>,
        %get3A_838 = vector.shape_cast %get3A_837 : vector<1x16xf32> to vector<16xf32>
        %add3A_839 = arith.addf %get3A_834, %get3A_838 : vector<16xf32>
        %mul3A_840 = arith.mulf %add3A_839, %add3A_839 : vector<16xf32>
        %mul3A_841 = arith.constant -0.0713548139 : f32
        %mul3A_842 = vector.broadcast %mul3A_841 : f32 to vector<16xf32>
        %mul3A_843 = arith.mulf %mul3A_842, %mul3A_840 : vector<16xf32>
        %add3A_844 = arith.constant -1.59576917 : f32
        %add3A_845 = vector.broadcast %add3A_844 : f32 to vector<16xf32>
        %add3A_846 = arith.addf %add3A_845, %mul3A_843 : vector<16xf32>
        %mul3A_847 = arith.mulf %add3A_839, %add3A_846 : vector<16xf32>
        %exp3A_848 = math.exp %mul3A_847 : vector<16xf32>
        %add3A_849 = arith.constant 1.000000e+00 : f32
        %add3A_850 = vector.broadcast %add3A_849 : f32 to vector<16xf32>
        %add3A_851 = arith.addf %add3A_850, %exp3A_848 : vector<16xf32>
        %div3A_852 = arith.divf %add3A_839, %add3A_851 : vector<16xf32>
        %swap3A_853 = arith.constant 2 : i32
        %swap3A_854 = arith.index_cast %swap3A_853 : i32 to index
        %swap3A_855 = arith.index_cast %add3A_797 : i32 to index
        %swap3A_856 = arith.constant 16 : index
        %swap3A_857 = tpu.vector_load %arg7[%swap3A_854, %swap3A_855, %swap3A_856] {strides = array<i32>} : memref<4x200x64xf32, #tpu.memory_space<vmem>>, vector<1x1x16xf32>,
        %swap3A_858 = vector.shape_cast %swap3A_857 : vector<1x1x16xf32> to vector<16xf32>
        %swap3A_859 = vector.shape_cast %div3A_852 : vector<16xf32> to vector<1x1x16xf32>
        tpu.vector_store %arg7[%swap3A_854, %swap3A_855, %swap3A_856], %swap3A_859 {strides = array<i32>} : memref<4x200x64xf32, #tpu.memory_space<vmem>>, vector<1x1x16xf32>,
        %get3A_860 = arith.constant 2 : i32
        %get3A_861 = arith.index_cast %get3A_860 : i32 to index
        %get3A_862 = arith.index_cast %add3A_797 : i32 to index
        %get3A_863 = arith.constant 32 : index
        %get3A_864 = tpu.vector_load %arg7[%get3A_861, %get3A_862, %get3A_863] {strides = array<i32>} : memref<4x200x64xf32, #tpu.memory_space<vmem>>, vector<1x1x16xf32>,
        %get3A_865 = vector.shape_cast %get3A_864 : vector<1x1x16xf32> to vector<16xf32>
        %get3A_866 = arith.index_cast %add3A_797 : i32 to index
        %get3A_867 = arith.constant 32 : index
        %get3A_868 = tpu.vector_load %arg8[%get3A_866, %get3A_867] {strides = array<i32>} : memref<200x64xf32, #tpu.memory_space<vmem>>, vector<1x16xf32>,
        %get3A_869 = vector.shape_cast %get3A_868 : vector<1x16xf32> to vector<16xf32>
        %add3A_870 = arith.addf %get3A_865, %get3A_869 : vector<16xf32>
        %mul3A_871 = arith.mulf %add3A_870, %add3A_870 : vector<16xf32>
        %mul3A_872 = arith.constant -0.0713548139 : f32
        %mul3A_873 = vector.broadcast %mul3A_872 : f32 to vector<16xf32>
        %mul3A_874 = arith.mulf %mul3A_873, %mul3A_871 : vector<16xf32>
        %add3A_875 = arith.constant -1.59576917 : f32
        %add3A_876 = vector.broadcast %add3A_875 : f32 to vector<16xf32>
        %add3A_877 = arith.addf %add3A_876, %mul3A_874 : vector<16xf32>
        %mul3A_878 = arith.mulf %add3A_870, %add3A_877 : vector<16xf32>
        %exp3A_879 = math.exp %mul3A_878 : vector<16xf32>
        %add3A_880 = arith.constant 1.000000e+00 : f32
        %add3A_881 = vector.broadcast %add3A_880 : f32 to vector<16xf32>
        %add3A_882 = arith.addf %add3A_881, %exp3A_879 : vector<16xf32>
        %div3A_883 = arith.divf %add3A_870, %add3A_882 : vector<16xf32>
        %swap3A_884 = arith.constant 2 : i32
        %swap3A_885 = arith.index_cast %swap3A_884 : i32 to index
        %swap3A_886 = arith.index_cast %add3A_797 : i32 to index
        %swap3A_887 = arith.constant 32 : index
        %swap3A_888 = tpu.vector_load %arg7[%swap3A_885, %swap3A_886, %swap3A_887] {strides = array<i32>} : memref<4x200x64xf32, #tpu.memory_space<vmem>>, vector<1x1x16xf32>,
        %swap3A_889 = vector.shape_cast %swap3A_888 : vector<1x1x16xf32> to vector<16xf32>
        %swap3A_890 = vector.shape_cast %div3A_883 : vector<16xf32> to vector<1x1x16xf32>
        tpu.vector_store %arg7[%swap3A_885, %swap3A_886, %swap3A_887], %swap3A_890 {strides = array<i32>} : memref<4x200x64xf32, #tpu.memory_space<vmem>>, vector<1x1x16xf32>,
        %get3A_891 = arith.constant 2 : i32
        %get3A_892 = arith.index_cast %get3A_891 : i32 to index
        %get3A_893 = arith.index_cast %add3A_797 : i32 to index
        %get3A_894 = arith.constant 48 : index
        %get3A_895 = tpu.vector_load %arg7[%get3A_892, %get3A_893, %get3A_894] {strides = array<i32>} : memref<4x200x64xf32, #tpu.memory_space<vmem>>, vector<1x1x16xf32>,
        %get3A_896 = vector.shape_cast %get3A_895 : vector<1x1x16xf32> to vector<16xf32>
        %get3A_897 = arith.index_cast %add3A_797 : i32 to index
        %get3A_898 = arith.constant 48 : index
        %get3A_899 = tpu.vector_load %arg8[%get3A_897, %get3A_898] {strides = array<i32>} : memref<200x64xf32, #tpu.memory_space<vmem>>, vector<1x16xf32>,
        %get3A_900 = vector.shape_cast %get3A_899 : vector<1x16xf32> to vector<16xf32>
        %add3A_901 = arith.addf %get3A_896, %get3A_900 : vector<16xf32>
        %mul3A_902 = arith.mulf %add3A_901, %add3A_901 : vector<16xf32>
        %mul3A_903 = arith.constant -0.0713548139 : f32
        %mul3A_904 = vector.broadcast %mul3A_903 : f32 to vector<16xf32>
        %mul3A_905 = arith.mulf %mul3A_904, %mul3A_902 : vector<16xf32>
        %add3A_906 = arith.constant -1.59576917 : f32
        %add3A_907 = vector.broadcast %add3A_906 : f32 to vector<16xf32>
        %add3A_908 = arith.addf %add3A_907, %mul3A_905 : vector<16xf32>
        %mul3A_909 = arith.mulf %add3A_901, %add3A_908 : vector<16xf32>
        %exp3A_910 = math.exp %mul3A_909 : vector<16xf32>
        %add3A_911 = arith.constant 1.000000e+00 : f32
        %add3A_912 = vector.broadcast %add3A_911 : f32 to vector<16xf32>
        %add3A_913 = arith.addf %add3A_912, %exp3A_910 : vector<16xf32>
        %div3A_914 = arith.divf %add3A_901, %add3A_913 : vector<16xf32>
        %swap3A_915 = arith.constant 2 : i32
        %swap3A_916 = arith.index_cast %swap3A_915 : i32 to index
        %swap3A_917 = arith.index_cast %add3A_797 : i32 to index
        %swap3A_918 = arith.constant 48 : index
        %swap3A_919 = tpu.vector_load %arg7[%swap3A_916, %swap3A_917, %swap3A_918] {strides = array<i32>} : memref<4x200x64xf32, #tpu.memory_space<vmem>>, vector<1x1x16xf32>,
        %swap3A_920 = vector.shape_cast %swap3A_919 : vector<1x1x16xf32> to vector<16xf32>
        %swap3A_921 = vector.shape_cast %div3A_914 : vector<16xf32> to vector<1x1x16xf32>
        tpu.vector_store %arg7[%swap3A_916, %swap3A_917, %swap3A_918], %swap3A_921 {strides = array<i32>} : memref<4x200x64xf32, #tpu.memory_space<vmem>>, vector<1x1x16xf32>,
      }
      %scan3A_327 = arith.constant 50 : i32
      %add3A_328 = arith.constant 2 : i32
      %add3A_329 = arith.addi %mul3A_130, %add3A_328 : i32
      %mul3A_330 = arith.constant 128 : i32
      %mul3A_331 = arith.muli %add3A, %mul3A_330 : i32
      %add3A_332 = arith.addi %mul3A_331, %add3A_329 : i32
      %dma_start3A_333 = arith.constant 2 : i32
      %dma_start3A_334 = arith.constant 0 : i32
      %dma_start3A_335 = arith.constant 0 : i32
      %dma_start3A_336 = tpu.memref_slice %arg7[%dma_start3A_333, %dma_start3A_334, %dma_start3A_335] : memref<4x200x64xf32, #tpu.memory_space<vmem>> -> memref<1x200x64xf32, #tpu.memory_space<vmem>>
      %dma_start3A_337 = tpu.memref_squeeze %dma_start3A_336 : memref<1x200x64xf32, #tpu.memory_space<vmem>> -> memref<200x64xf32, #tpu.memory_space<vmem>>
      %dma_start3A_338 = arith.constant 0 : i32
      %dma_start3A_339 = arith.constant 0 : i32
      %dma_start3A_340 = tpu.memref_slice %arg5[%add3A_332, %dma_start3A_338, %dma_start3A_339] : memref<4096x200x64xf32, #tpu.memory_space<hbm>> -> memref<1x200x64xf32, #tpu.memory_space<hbm>>
      %dma_start3A_341 = tpu.memref_squeeze %dma_start3A_340 : memref<1x200x64xf32, #tpu.memory_space<hbm>> -> memref<200x64xf32, #tpu.memory_space<hbm>>
      %dma_start3A_342 = arith.constant 0 : i32
      %dma_start3A_343 = arith.constant 0 : i32
      %dma_start3A_344 = tpu.memref_slice %arg5[%add3A_332, %dma_start3A_342, %dma_start3A_343] : memref<4096x200x64xf32, #tpu.memory_space<hbm>> -> memref<1x200x64xf32, #tpu.memory_space<hbm>>
      %dma_start3A_345 = tpu.memref_squeeze %dma_start3A_344 : memref<1x200x64xf32, #tpu.memory_space<hbm>> -> memref<200x64xf32, #tpu.memory_space<hbm>>
      %dma_start3A_346 = arith.constant 0 : i32
      %dma_start3A_347 = arith.constant 0 : i32
      %dma_start3A_348 = tpu.memref_slice %arg7[%dma_start3A_333, %dma_start3A_346, %dma_start3A_347] : memref<4x200x64xf32, #tpu.memory_space<vmem>> -> memref<1x200x64xf32, #tpu.memory_space<vmem>>
      %dma_start3A_349 = tpu.memref_squeeze %dma_start3A_348 : memref<1x200x64xf32, #tpu.memory_space<vmem>> -> memref<200x64xf32, #tpu.memory_space<vmem>>
      tpu.enqueue_dma source(%dma_start3A_349 : memref<200x64xf32, #tpu.memory_space<vmem>>) target(%dma_start3A_345 : memref<200x64xf32, #tpu.memory_space<hbm>>) target_semaphore(%arg15 : memref<!tpu.dma_semaphore, #tpu.memory_space<semaphore_mem>>)
      %lt3A = arith.constant 31 : i32
      %lt3A_350 = arith.cmpi slt, %scan3A_128, %lt3A : i32
      %convert_element_type3A_351 = arith.extui %lt3A_350 : i1 to i32
      %cond3A_352 = arith.constant 0 : i32
      %cond3A_353 = arith.cmpi ne, %convert_element_type3A_351, %cond3A_352 : i32
      scf.if %cond3A_353 {
        %dma_wait3A_413 = arith.constant 0 : i32
        %dma_wait3A_414 = arith.constant 0 : i32
        %dma_wait3A_415 = arith.constant 0 : i32
        %dma_wait3A_416 = arith.constant 0 : i32
        %dma_wait3A_417 = tpu.memref_slice %arg7[%dma_wait3A_413, %dma_wait3A_415, %dma_wait3A_416] : memref<4x200x64xf32, #tpu.memory_space<vmem>> -> memref<1x200x64xf32, #tpu.memory_space<vmem>>
        %dma_wait3A_418 = tpu.memref_squeeze %dma_wait3A_417 : memref<1x200x64xf32, #tpu.memory_space<vmem>> -> memref<200x64xf32, #tpu.memory_space<vmem>>
        %dma_wait3A_419 = arith.constant 0 : i32
        %dma_wait3A_420 = arith.constant 0 : i32
        %dma_wait3A_421 = tpu.memref_slice %arg5[%dma_wait3A_414, %dma_wait3A_419, %dma_wait3A_420] : memref<4096x200x64xf32, #tpu.memory_space<hbm>> -> memref<1x200x64xf32, #tpu.memory_space<hbm>>
        %dma_wait3A_422 = tpu.memref_squeeze %dma_wait3A_421 : memref<1x200x64xf32, #tpu.memory_space<hbm>> -> memref<200x64xf32, #tpu.memory_space<hbm>>
        %dma_wait3A_423 = arith.constant 0 : i32
        %dma_wait3A_424 = arith.constant 0 : i32
        %dma_wait3A_425 = tpu.memref_slice %arg5[%dma_wait3A_414, %dma_wait3A_423, %dma_wait3A_424] : memref<4096x200x64xf32, #tpu.memory_space<hbm>> -> memref<1x200x64xf32, #tpu.memory_space<hbm>>
        %dma_wait3A_426 = tpu.memref_squeeze %dma_wait3A_425 : memref<1x200x64xf32, #tpu.memory_space<hbm>> -> memref<200x64xf32, #tpu.memory_space<hbm>>
        %dma_wait3A_427 = arith.constant 0 : i32
        %dma_wait3A_428 = arith.constant 0 : i32
        %dma_wait3A_429 = tpu.memref_slice %arg7[%dma_wait3A_413, %dma_wait3A_427, %dma_wait3A_428] : memref<4x200x64xf32, #tpu.memory_space<vmem>> -> memref<1x200x64xf32, #tpu.memory_space<vmem>>
        %dma_wait3A_430 = tpu.memref_squeeze %dma_wait3A_429 : memref<1x200x64xf32, #tpu.memory_space<vmem>> -> memref<200x64xf32, #tpu.memory_space<vmem>>
        tpu.wait_dma2 semaphore(%arg13 : memref<!tpu.dma_semaphore, #tpu.memory_space<semaphore_mem>>) src(%dma_wait3A_430 : memref<200x64xf32, #tpu.memory_space<vmem>>) dst(%dma_wait3A_426 : memref<200x64xf32, #tpu.memory_space<hbm>>)
        %add3A_431 = arith.constant 4 : i32
        %add3A_432 = arith.addi %mul3A_130, %add3A_431 : i32
        %dma_start3A_433 = arith.constant 0 : i32
        %dma_start3A_434 = arith.constant 0 : i32
        %dma_start3A_435 = arith.constant 0 : i32
        %dma_start3A_436 = arith.constant 0 : i32
        %dma_start3A_437 = tpu.memref_slice %arg7[%dma_start3A_434, %dma_start3A_435, %dma_start3A_436] : memref<4x200x64xf32, #tpu.memory_space<vmem>> -> memref<1x100x64xf32, #tpu.memory_space<vmem>>
        %dma_start3A_438 = tpu.memref_squeeze %dma_start3A_437 : memref<1x100x64xf32, #tpu.memory_space<vmem>> -> memref<100x64xf32, #tpu.memory_space<vmem>>
        %dma_start3A_439 = arith.constant 0 : i32
        %dma_start3A_440 = tpu.memref_slice %arg6[%add3A_432, %dma_start3A_433, %dma_start3A_439] : memref<128x2x100xi32, #tpu.memory_space<vmem>> -> memref<1x1x100xi32, #tpu.memory_space<vmem>>
        %dma_start3A_441 = tpu.memref_squeeze %dma_start3A_440 : memref<1x1x100xi32, #tpu.memory_space<vmem>> -> memref<100xi32, #tpu.memory_space<vmem>>
        %dma_start3A_442 = arith.constant 0 : i32
        %dma_start3A_443 = arith.constant 0 : i32
        %dma_start3A_444 = tpu.memref_slice %arg3[%dma_start3A_442, %dma_start3A_443] : memref<1000000x64xf32, #tpu.memory_space<hbm>> -> memref<1000000x64xf32, #tpu.memory_space<hbm>>
        tpu.enqueue_indirect_dma source(%dma_start3A_444 : memref<1000000x64xf32, #tpu.memory_space<hbm>>) target(%dma_start3A_438 : memref<100x64xf32, #tpu.memory_space<vmem>>) offsets(%dma_start3A_441 : memref<100xi32, #tpu.memory_space<vmem>>) semaphore(%arg9 : memref<!tpu.dma_semaphore, #tpu.memory_space<semaphore_mem>>)
        %dma_start3A_445 = arith.constant 1 : i32
        %dma_start3A_446 = arith.constant 0 : i32
        %dma_start3A_447 = arith.constant 100 : i32
        %dma_start3A_448 = arith.constant 0 : i32
        %dma_start3A_449 = tpu.memref_slice %arg7[%dma_start3A_446, %dma_start3A_447, %dma_start3A_448] : memref<4x200x64xf32, #tpu.memory_space<vmem>> -> memref<1x100x64xf32, #tpu.memory_space<vmem>>
        %dma_start3A_450 = tpu.memref_squeeze %dma_start3A_449 : memref<1x100x64xf32, #tpu.memory_space<vmem>> -> memref<100x64xf32, #tpu.memory_space<vmem>>
        %dma_start3A_451 = arith.constant 0 : i32
        %dma_start3A_452 = tpu.memref_slice %arg6[%add3A_432, %dma_start3A_445, %dma_start3A_451] : memref<128x2x100xi32, #tpu.memory_space<vmem>> -> memref<1x1x100xi32, #tpu.memory_space<vmem>>
        %dma_start3A_453 = tpu.memref_squeeze %dma_start3A_452 : memref<1x1x100xi32, #tpu.memory_space<vmem>> -> memref<100xi32, #tpu.memory_space<vmem>>
        %dma_start3A_454 = arith.constant 0 : i32
        %dma_start3A_455 = arith.constant 0 : i32
        %dma_start3A_456 = tpu.memref_slice %arg3[%dma_start3A_454, %dma_start3A_455] : memref<1000000x64xf32, #tpu.memory_space<hbm>> -> memref<1000000x64xf32, #tpu.memory_space<hbm>>
        tpu.enqueue_indirect_dma source(%dma_start3A_456 : memref<1000000x64xf32, #tpu.memory_space<hbm>>) target(%dma_start3A_450 : memref<100x64xf32, #tpu.memory_space<vmem>>) offsets(%dma_start3A_453 : memref<100xi32, #tpu.memory_space<vmem>>) semaphore(%arg9 : memref<!tpu.dma_semaphore, #tpu.memory_space<semaphore_mem>>)
      } else {
      }
      %dma_wait3A_354 = arith.constant 0 : i32
      %dma_wait3A_355 = arith.constant 0 : i32
      %dma_wait3A_356 = arith.constant 3 : i32
      %dma_wait3A_357 = arith.constant 0 : i32
      %dma_wait3A_358 = arith.constant 0 : i32
      %dma_wait3A_359 = tpu.memref_slice %arg7[%dma_wait3A_356, %dma_wait3A_357, %dma_wait3A_358] : memref<4x200x64xf32, #tpu.memory_space<vmem>> -> memref<1x100x64xf32, #tpu.memory_space<vmem>>
      %dma_wait3A_360 = tpu.memref_squeeze %dma_wait3A_359 : memref<1x100x64xf32, #tpu.memory_space<vmem>> -> memref<100x64xf32, #tpu.memory_space<vmem>>
      %dma_wait3A_361 = arith.constant 0 : i32
      %dma_wait3A_362 = tpu.memref_slice %arg6[%dma_wait3A_354, %dma_wait3A_355, %dma_wait3A_361] : memref<128x2x100xi32, #tpu.memory_space<vmem>> -> memref<1x1x100xi32, #tpu.memory_space<vmem>>
      %dma_wait3A_363 = tpu.memref_squeeze %dma_wait3A_362 : memref<1x1x100xi32, #tpu.memory_space<vmem>> -> memref<100xi32, #tpu.memory_space<vmem>>
      %dma_wait3A_364 = arith.constant 0 : i32
      %dma_wait3A_365 = arith.constant 0 : i32
      %dma_wait3A_366 = tpu.memref_slice %arg3[%dma_wait3A_364, %dma_wait3A_365] : memref<1000000x64xf32, #tpu.memory_space<hbm>> -> memref<1000000x64xf32, #tpu.memory_space<hbm>>
      tpu.wait_indirect_dma semaphore(%arg12 : memref<!tpu.dma_semaphore, #tpu.memory_space<semaphore_mem>>) src(%dma_wait3A_366 : memref<1000000x64xf32, #tpu.memory_space<hbm>>) dst(%dma_wait3A_360 : memref<100x64xf32, #tpu.memory_space<vmem>>)
      %dma_wait3A_367 = arith.constant 0 : i32
      %dma_wait3A_368 = arith.constant 1 : i32
      %dma_wait3A_369 = arith.constant 3 : i32
      %dma_wait3A_370 = arith.constant 100 : i32
      %dma_wait3A_371 = arith.constant 0 : i32
      %dma_wait3A_372 = tpu.memref_slice %arg7[%dma_wait3A_369, %dma_wait3A_370, %dma_wait3A_371] : memref<4x200x64xf32, #tpu.memory_space<vmem>> -> memref<1x100x64xf32, #tpu.memory_space<vmem>>
      %dma_wait3A_373 = tpu.memref_squeeze %dma_wait3A_372 : memref<1x100x64xf32, #tpu.memory_space<vmem>> -> memref<100x64xf32, #tpu.memory_space<vmem>>
      %dma_wait3A_374 = arith.constant 0 : i32
      %dma_wait3A_375 = tpu.memref_slice %arg6[%dma_wait3A_367, %dma_wait3A_368, %dma_wait3A_374] : memref<128x2x100xi32, #tpu.memory_space<vmem>> -> memref<1x1x100xi32, #tpu.memory_space<vmem>>
      %dma_wait3A_376 = tpu.memref_squeeze %dma_wait3A_375 : memref<1x1x100xi32, #tpu.memory_space<vmem>> -> memref<100xi32, #tpu.memory_space<vmem>>
      %dma_wait3A_377 = arith.constant 0 : i32
      %dma_wait3A_378 = arith.constant 0 : i32
      %dma_wait3A_379 = tpu.memref_slice %arg3[%dma_wait3A_377, %dma_wait3A_378] : memref<1000000x64xf32, #tpu.memory_space<hbm>> -> memref<1000000x64xf32, #tpu.memory_space<hbm>>
      tpu.wait_indirect_dma semaphore(%arg12 : memref<!tpu.dma_semaphore, #tpu.memory_space<semaphore_mem>>) src(%dma_wait3A_379 : memref<1000000x64xf32, #tpu.memory_space<hbm>>) dst(%dma_wait3A_373 : memref<100x64xf32, #tpu.memory_space<vmem>>)
      %scan3A_380 = arith.constant 0 : i32
      %scan3A_381 = arith.constant 0 : i32
      %scan3A_382 = arith.constant 50 : i32
      %scan3A_383 = arith.addi %scan3A_381, %scan3A_382 : i32
      %scan3A_384 = arith.constant 1 : i32
      scf.for %scan3A_413 = %scan3A_381 to %scan3A_383 step %scan3A_384  : i32 {
        %mul3A_414 = arith.constant 4 : i32
        %mul3A_415 = arith.muli %scan3A_413, %mul3A_414 : i32
        %add3A_416 = arith.constant 0 : i32
        %add3A_417 = arith.addi %mul3A_415, %add3A_416 : i32
        %get3A = arith.constant 3 : i32
        %get3A_418 = arith.index_cast %get3A : i32 to index
        %get3A_419 = arith.index_cast %add3A_417 : i32 to index
        %get3A_420 = arith.constant 0 : index
        %get3A_421 = tpu.vector_load %arg7[%get3A_418, %get3A_419, %get3A_420] {strides = array<i32>} : memref<4x200x64xf32, #tpu.memory_space<vmem>>, vector<1x1x16xf32>,
        %get3A_422 = vector.shape_cast %get3A_421 : vector<1x1x16xf32> to vector<16xf32>
        %get3A_423 = arith.index_cast %add3A_417 : i32 to index
        %get3A_424 = arith.constant 0 : index
        %get3A_425 = tpu.vector_load %arg8[%get3A_423, %get3A_424] {strides = array<i32>} : memref<200x64xf32, #tpu.memory_space<vmem>>, vector<1x16xf32>,
        %get3A_426 = vector.shape_cast %get3A_425 : vector<1x16xf32> to vector<16xf32>
        %add3A_427 = arith.addf %get3A_422, %get3A_426 : vector<16xf32>
        %mul3A_428 = arith.mulf %add3A_427, %add3A_427 : vector<16xf32>
        %mul3A_429 = arith.constant -0.0713548139 : f32
        %mul3A_430 = vector.broadcast %mul3A_429 : f32 to vector<16xf32>
        %mul3A_431 = arith.mulf %mul3A_430, %mul3A_428 : vector<16xf32>
        %add3A_432 = arith.constant -1.59576917 : f32
        %add3A_433 = vector.broadcast %add3A_432 : f32 to vector<16xf32>
        %add3A_434 = arith.addf %add3A_433, %mul3A_431 : vector<16xf32>
        %mul3A_435 = arith.mulf %add3A_427, %add3A_434 : vector<16xf32>
        %exp3A = math.exp %mul3A_435 : vector<16xf32>
        %add3A_436 = arith.constant 1.000000e+00 : f32
        %add3A_437 = vector.broadcast %add3A_436 : f32 to vector<16xf32>
        %add3A_438 = arith.addf %add3A_437, %exp3A : vector<16xf32>
        %div3A = arith.divf %add3A_427, %add3A_438 : vector<16xf32>
        %swap3A = arith.constant 3 : i32
        %swap3A_439 = arith.index_cast %swap3A : i32 to index
        %swap3A_440 = arith.index_cast %add3A_417 : i32 to index
        %swap3A_441 = arith.constant 0 : index
        %swap3A_442 = tpu.vector_load %arg7[%swap3A_439, %swap3A_440, %swap3A_441] {strides = array<i32>} : memref<4x200x64xf32, #tpu.memory_space<vmem>>, vector<1x1x16xf32>,
        %swap3A_443 = vector.shape_cast %swap3A_442 : vector<1x1x16xf32> to vector<16xf32>
        %swap3A_444 = vector.shape_cast %div3A : vector<16xf32> to vector<1x1x16xf32>
        tpu.vector_store %arg7[%swap3A_439, %swap3A_440, %swap3A_441], %swap3A_444 {strides = array<i32>} : memref<4x200x64xf32, #tpu.memory_space<vmem>>, vector<1x1x16xf32>,
        %get3A_445 = arith.constant 3 : i32
        %get3A_446 = arith.index_cast %get3A_445 : i32 to index
        %get3A_447 = arith.index_cast %add3A_417 : i32 to index
        %get3A_448 = arith.constant 16 : index
        %get3A_449 = tpu.vector_load %arg7[%get3A_446, %get3A_447, %get3A_448] {strides = array<i32>} : memref<4x200x64xf32, #tpu.memory_space<vmem>>, vector<1x1x16xf32>,
        %get3A_450 = vector.shape_cast %get3A_449 : vector<1x1x16xf32> to vector<16xf32>
        %get3A_451 = arith.index_cast %add3A_417 : i32 to index
        %get3A_452 = arith.constant 16 : index
        %get3A_453 = tpu.vector_load %arg8[%get3A_451, %get3A_452] {strides = array<i32>} : memref<200x64xf32, #tpu.memory_space<vmem>>, vector<1x16xf32>,
        %get3A_454 = vector.shape_cast %get3A_453 : vector<1x16xf32> to vector<16xf32>
        %add3A_455 = arith.addf %get3A_450, %get3A_454 : vector<16xf32>
        %mul3A_456 = arith.mulf %add3A_455, %add3A_455 : vector<16xf32>
        %mul3A_457 = arith.constant -0.0713548139 : f32
        %mul3A_458 = vector.broadcast %mul3A_457 : f32 to vector<16xf32>
        %mul3A_459 = arith.mulf %mul3A_458, %mul3A_456 : vector<16xf32>
        %add3A_460 = arith.constant -1.59576917 : f32
        %add3A_461 = vector.broadcast %add3A_460 : f32 to vector<16xf32>
        %add3A_462 = arith.addf %add3A_461, %mul3A_459 : vector<16xf32>
        %mul3A_463 = arith.mulf %add3A_455, %add3A_462 : vector<16xf32>
        %exp3A_464 = math.exp %mul3A_463 : vector<16xf32>
        %add3A_465 = arith.constant 1.000000e+00 : f32
        %add3A_466 = vector.broadcast %add3A_465 : f32 to vector<16xf32>
        %add3A_467 = arith.addf %add3A_466, %exp3A_464 : vector<16xf32>
        %div3A_468 = arith.divf %add3A_455, %add3A_467 : vector<16xf32>
        %swap3A_469 = arith.constant 3 : i32
        %swap3A_470 = arith.index_cast %swap3A_469 : i32 to index
        %swap3A_471 = arith.index_cast %add3A_417 : i32 to index
        %swap3A_472 = arith.constant 16 : index
        %swap3A_473 = tpu.vector_load %arg7[%swap3A_470, %swap3A_471, %swap3A_472] {strides = array<i32>} : memref<4x200x64xf32, #tpu.memory_space<vmem>>, vector<1x1x16xf32>,
        %swap3A_474 = vector.shape_cast %swap3A_473 : vector<1x1x16xf32> to vector<16xf32>
        %swap3A_475 = vector.shape_cast %div3A_468 : vector<16xf32> to vector<1x1x16xf32>
        tpu.vector_store %arg7[%swap3A_470, %swap3A_471, %swap3A_472], %swap3A_475 {strides = array<i32>} : memref<4x200x64xf32, #tpu.memory_space<vmem>>, vector<1x1x16xf32>,
        %get3A_476 = arith.constant 3 : i32
        %get3A_477 = arith.index_cast %get3A_476 : i32 to index
        %get3A_478 = arith.index_cast %add3A_417 : i32 to index
        %get3A_479 = arith.constant 32 : index
        %get3A_480 = tpu.vector_load %arg7[%get3A_477, %get3A_478, %get3A_479] {strides = array<i32>} : memref<4x200x64xf32, #tpu.memory_space<vmem>>, vector<1x1x16xf32>,
        %get3A_481 = vector.shape_cast %get3A_480 : vector<1x1x16xf32> to vector<16xf32>
        %get3A_482 = arith.index_cast %add3A_417 : i32 to index
        %get3A_483 = arith.constant 32 : index
        %get3A_484 = tpu.vector_load %arg8[%get3A_482, %get3A_483] {strides = array<i32>} : memref<200x64xf32, #tpu.memory_space<vmem>>, vector<1x16xf32>,
        %get3A_485 = vector.shape_cast %get3A_484 : vector<1x16xf32> to vector<16xf32>
        %add3A_486 = arith.addf %get3A_481, %get3A_485 : vector<16xf32>
        %mul3A_487 = arith.mulf %add3A_486, %add3A_486 : vector<16xf32>
        %mul3A_488 = arith.constant -0.0713548139 : f32
        %mul3A_489 = vector.broadcast %mul3A_488 : f32 to vector<16xf32>
        %mul3A_490 = arith.mulf %mul3A_489, %mul3A_487 : vector<16xf32>
        %add3A_491 = arith.constant -1.59576917 : f32
        %add3A_492 = vector.broadcast %add3A_491 : f32 to vector<16xf32>
        %add3A_493 = arith.addf %add3A_492, %mul3A_490 : vector<16xf32>
        %mul3A_494 = arith.mulf %add3A_486, %add3A_493 : vector<16xf32>
        %exp3A_495 = math.exp %mul3A_494 : vector<16xf32>
        %add3A_496 = arith.constant 1.000000e+00 : f32
        %add3A_497 = vector.broadcast %add3A_496 : f32 to vector<16xf32>
        %add3A_498 = arith.addf %add3A_497, %exp3A_495 : vector<16xf32>
        %div3A_499 = arith.divf %add3A_486, %add3A_498 : vector<16xf32>
        %swap3A_500 = arith.constant 3 : i32
        %swap3A_501 = arith.index_cast %swap3A_500 : i32 to index
        %swap3A_502 = arith.index_cast %add3A_417 : i32 to index
        %swap3A_503 = arith.constant 32 : index
        %swap3A_504 = tpu.vector_load %arg7[%swap3A_501, %swap3A_502, %swap3A_503] {strides = array<i32>} : memref<4x200x64xf32, #tpu.memory_space<vmem>>, vector<1x1x16xf32>,
        %swap3A_505 = vector.shape_cast %swap3A_504 : vector<1x1x16xf32> to vector<16xf32>
        %swap3A_506 = vector.shape_cast %div3A_499 : vector<16xf32> to vector<1x1x16xf32>
        tpu.vector_store %arg7[%swap3A_501, %swap3A_502, %swap3A_503], %swap3A_506 {strides = array<i32>} : memref<4x200x64xf32, #tpu.memory_space<vmem>>, vector<1x1x16xf32>,
        %get3A_507 = arith.constant 3 : i32
        %get3A_508 = arith.index_cast %get3A_507 : i32 to index
        %get3A_509 = arith.index_cast %add3A_417 : i32 to index
        %get3A_510 = arith.constant 48 : index
        %get3A_511 = tpu.vector_load %arg7[%get3A_508, %get3A_509, %get3A_510] {strides = array<i32>} : memref<4x200x64xf32, #tpu.memory_space<vmem>>, vector<1x1x16xf32>,
        %get3A_512 = vector.shape_cast %get3A_511 : vector<1x1x16xf32> to vector<16xf32>
        %get3A_513 = arith.index_cast %add3A_417 : i32 to index
        %get3A_514 = arith.constant 48 : index
        %get3A_515 = tpu.vector_load %arg8[%get3A_513, %get3A_514] {strides = array<i32>} : memref<200x64xf32, #tpu.memory_space<vmem>>, vector<1x16xf32>,
        %get3A_516 = vector.shape_cast %get3A_515 : vector<1x16xf32> to vector<16xf32>
        %add3A_517 = arith.addf %get3A_512, %get3A_516 : vector<16xf32>
        %mul3A_518 = arith.mulf %add3A_517, %add3A_517 : vector<16xf32>
        %mul3A_519 = arith.constant -0.0713548139 : f32
        %mul3A_520 = vector.broadcast %mul3A_519 : f32 to vector<16xf32>
        %mul3A_521 = arith.mulf %mul3A_520, %mul3A_518 : vector<16xf32>
        %add3A_522 = arith.constant -1.59576917 : f32
        %add3A_523 = vector.broadcast %add3A_522 : f32 to vector<16xf32>
        %add3A_524 = arith.addf %add3A_523, %mul3A_521 : vector<16xf32>
        %mul3A_525 = arith.mulf %add3A_517, %add3A_524 : vector<16xf32>
        %exp3A_526 = math.exp %mul3A_525 : vector<16xf32>
        %add3A_527 = arith.constant 1.000000e+00 : f32
        %add3A_528 = vector.broadcast %add3A_527 : f32 to vector<16xf32>
        %add3A_529 = arith.addf %add3A_528, %exp3A_526 : vector<16xf32>
        %div3A_530 = arith.divf %add3A_517, %add3A_529 : vector<16xf32>
        %swap3A_531 = arith.constant 3 : i32
        %swap3A_532 = arith.index_cast %swap3A_531 : i32 to index
        %swap3A_533 = arith.index_cast %add3A_417 : i32 to index
        %swap3A_534 = arith.constant 48 : index
        %swap3A_535 = tpu.vector_load %arg7[%swap3A_532, %swap3A_533, %swap3A_534] {strides = array<i32>} : memref<4x200x64xf32, #tpu.memory_space<vmem>>, vector<1x1x16xf32>,
        %swap3A_536 = vector.shape_cast %swap3A_535 : vector<1x1x16xf32> to vector<16xf32>
        %swap3A_537 = vector.shape_cast %div3A_530 : vector<16xf32> to vector<1x1x16xf32>
        tpu.vector_store %arg7[%swap3A_532, %swap3A_533, %swap3A_534], %swap3A_537 {strides = array<i32>} : memref<4x200x64xf32, #tpu.memory_space<vmem>>, vector<1x1x16xf32>,
        %mul3A_538 = arith.constant 4 : i32
        %mul3A_539 = arith.muli %scan3A_413, %mul3A_538 : i32
        %add3A_540 = arith.constant 1 : i32
        %add3A_541 = arith.addi %mul3A_539, %add3A_540 : i32
        %get3A_542 = arith.constant 3 : i32
        %get3A_543 = arith.index_cast %get3A_542 : i32 to index
        %get3A_544 = arith.index_cast %add3A_541 : i32 to index
        %get3A_545 = arith.constant 0 : index
        %get3A_546 = tpu.vector_load %arg7[%get3A_543, %get3A_544, %get3A_545] {strides = array<i32>} : memref<4x200x64xf32, #tpu.memory_space<vmem>>, vector<1x1x16xf32>,
        %get3A_547 = vector.shape_cast %get3A_546 : vector<1x1x16xf32> to vector<16xf32>
        %get3A_548 = arith.index_cast %add3A_541 : i32 to index
        %get3A_549 = arith.constant 0 : index
        %get3A_550 = tpu.vector_load %arg8[%get3A_548, %get3A_549] {strides = array<i32>} : memref<200x64xf32, #tpu.memory_space<vmem>>, vector<1x16xf32>,
        %get3A_551 = vector.shape_cast %get3A_550 : vector<1x16xf32> to vector<16xf32>
        %add3A_552 = arith.addf %get3A_547, %get3A_551 : vector<16xf32>
        %mul3A_553 = arith.mulf %add3A_552, %add3A_552 : vector<16xf32>
        %mul3A_554 = arith.constant -0.0713548139 : f32
        %mul3A_555 = vector.broadcast %mul3A_554 : f32 to vector<16xf32>
        %mul3A_556 = arith.mulf %mul3A_555, %mul3A_553 : vector<16xf32>
        %add3A_557 = arith.constant -1.59576917 : f32
        %add3A_558 = vector.broadcast %add3A_557 : f32 to vector<16xf32>
        %add3A_559 = arith.addf %add3A_558, %mul3A_556 : vector<16xf32>
        %mul3A_560 = arith.mulf %add3A_552, %add3A_559 : vector<16xf32>
        %exp3A_561 = math.exp %mul3A_560 : vector<16xf32>
        %add3A_562 = arith.constant 1.000000e+00 : f32
        %add3A_563 = vector.broadcast %add3A_562 : f32 to vector<16xf32>
        %add3A_564 = arith.addf %add3A_563, %exp3A_561 : vector<16xf32>
        %div3A_565 = arith.divf %add3A_552, %add3A_564 : vector<16xf32>
        %swap3A_566 = arith.constant 3 : i32
        %swap3A_567 = arith.index_cast %swap3A_566 : i32 to index
        %swap3A_568 = arith.index_cast %add3A_541 : i32 to index
        %swap3A_569 = arith.constant 0 : index
        %swap3A_570 = tpu.vector_load %arg7[%swap3A_567, %swap3A_568, %swap3A_569] {strides = array<i32>} : memref<4x200x64xf32, #tpu.memory_space<vmem>>, vector<1x1x16xf32>,
        %swap3A_571 = vector.shape_cast %swap3A_570 : vector<1x1x16xf32> to vector<16xf32>
        %swap3A_572 = vector.shape_cast %div3A_565 : vector<16xf32> to vector<1x1x16xf32>
        tpu.vector_store %arg7[%swap3A_567, %swap3A_568, %swap3A_569], %swap3A_572 {strides = array<i32>} : memref<4x200x64xf32, #tpu.memory_space<vmem>>, vector<1x1x16xf32>,
        %get3A_573 = arith.constant 3 : i32
        %get3A_574 = arith.index_cast %get3A_573 : i32 to index
        %get3A_575 = arith.index_cast %add3A_541 : i32 to index
        %get3A_576 = arith.constant 16 : index
        %get3A_577 = tpu.vector_load %arg7[%get3A_574, %get3A_575, %get3A_576] {strides = array<i32>} : memref<4x200x64xf32, #tpu.memory_space<vmem>>, vector<1x1x16xf32>,
        %get3A_578 = vector.shape_cast %get3A_577 : vector<1x1x16xf32> to vector<16xf32>
        %get3A_579 = arith.index_cast %add3A_541 : i32 to index
        %get3A_580 = arith.constant 16 : index
        %get3A_581 = tpu.vector_load %arg8[%get3A_579, %get3A_580] {strides = array<i32>} : memref<200x64xf32, #tpu.memory_space<vmem>>, vector<1x16xf32>,
        %get3A_582 = vector.shape_cast %get3A_581 : vector<1x16xf32> to vector<16xf32>
        %add3A_583 = arith.addf %get3A_578, %get3A_582 : vector<16xf32>
        %mul3A_584 = arith.mulf %add3A_583, %add3A_583 : vector<16xf32>
        %mul3A_585 = arith.constant -0.0713548139 : f32
        %mul3A_586 = vector.broadcast %mul3A_585 : f32 to vector<16xf32>
        %mul3A_587 = arith.mulf %mul3A_586, %mul3A_584 : vector<16xf32>
        %add3A_588 = arith.constant -1.59576917 : f32
        %add3A_589 = vector.broadcast %add3A_588 : f32 to vector<16xf32>
        %add3A_590 = arith.addf %add3A_589, %mul3A_587 : vector<16xf32>
        %mul3A_591 = arith.mulf %add3A_583, %add3A_590 : vector<16xf32>
        %exp3A_592 = math.exp %mul3A_591 : vector<16xf32>
        %add3A_593 = arith.constant 1.000000e+00 : f32
        %add3A_594 = vector.broadcast %add3A_593 : f32 to vector<16xf32>
        %add3A_595 = arith.addf %add3A_594, %exp3A_592 : vector<16xf32>
        %div3A_596 = arith.divf %add3A_583, %add3A_595 : vector<16xf32>
        %swap3A_597 = arith.constant 3 : i32
        %swap3A_598 = arith.index_cast %swap3A_597 : i32 to index
        %swap3A_599 = arith.index_cast %add3A_541 : i32 to index
        %swap3A_600 = arith.constant 16 : index
        %swap3A_601 = tpu.vector_load %arg7[%swap3A_598, %swap3A_599, %swap3A_600] {strides = array<i32>} : memref<4x200x64xf32, #tpu.memory_space<vmem>>, vector<1x1x16xf32>,
        %swap3A_602 = vector.shape_cast %swap3A_601 : vector<1x1x16xf32> to vector<16xf32>
        %swap3A_603 = vector.shape_cast %div3A_596 : vector<16xf32> to vector<1x1x16xf32>
        tpu.vector_store %arg7[%swap3A_598, %swap3A_599, %swap3A_600], %swap3A_603 {strides = array<i32>} : memref<4x200x64xf32, #tpu.memory_space<vmem>>, vector<1x1x16xf32>,
        %get3A_604 = arith.constant 3 : i32
        %get3A_605 = arith.index_cast %get3A_604 : i32 to index
        %get3A_606 = arith.index_cast %add3A_541 : i32 to index
        %get3A_607 = arith.constant 32 : index
        %get3A_608 = tpu.vector_load %arg7[%get3A_605, %get3A_606, %get3A_607] {strides = array<i32>} : memref<4x200x64xf32, #tpu.memory_space<vmem>>, vector<1x1x16xf32>,
        %get3A_609 = vector.shape_cast %get3A_608 : vector<1x1x16xf32> to vector<16xf32>
        %get3A_610 = arith.index_cast %add3A_541 : i32 to index
        %get3A_611 = arith.constant 32 : index
        %get3A_612 = tpu.vector_load %arg8[%get3A_610, %get3A_611] {strides = array<i32>} : memref<200x64xf32, #tpu.memory_space<vmem>>, vector<1x16xf32>,
        %get3A_613 = vector.shape_cast %get3A_612 : vector<1x16xf32> to vector<16xf32>
        %add3A_614 = arith.addf %get3A_609, %get3A_613 : vector<16xf32>
        %mul3A_615 = arith.mulf %add3A_614, %add3A_614 : vector<16xf32>
        %mul3A_616 = arith.constant -0.0713548139 : f32
        %mul3A_617 = vector.broadcast %mul3A_616 : f32 to vector<16xf32>
        %mul3A_618 = arith.mulf %mul3A_617, %mul3A_615 : vector<16xf32>
        %add3A_619 = arith.constant -1.59576917 : f32
        %add3A_620 = vector.broadcast %add3A_619 : f32 to vector<16xf32>
        %add3A_621 = arith.addf %add3A_620, %mul3A_618 : vector<16xf32>
        %mul3A_622 = arith.mulf %add3A_614, %add3A_621 : vector<16xf32>
        %exp3A_623 = math.exp %mul3A_622 : vector<16xf32>
        %add3A_624 = arith.constant 1.000000e+00 : f32
        %add3A_625 = vector.broadcast %add3A_624 : f32 to vector<16xf32>
        %add3A_626 = arith.addf %add3A_625, %exp3A_623 : vector<16xf32>
        %div3A_627 = arith.divf %add3A_614, %add3A_626 : vector<16xf32>
        %swap3A_628 = arith.constant 3 : i32
        %swap3A_629 = arith.index_cast %swap3A_628 : i32 to index
        %swap3A_630 = arith.index_cast %add3A_541 : i32 to index
        %swap3A_631 = arith.constant 32 : index
        %swap3A_632 = tpu.vector_load %arg7[%swap3A_629, %swap3A_630, %swap3A_631] {strides = array<i32>} : memref<4x200x64xf32, #tpu.memory_space<vmem>>, vector<1x1x16xf32>,
        %swap3A_633 = vector.shape_cast %swap3A_632 : vector<1x1x16xf32> to vector<16xf32>
        %swap3A_634 = vector.shape_cast %div3A_627 : vector<16xf32> to vector<1x1x16xf32>
        tpu.vector_store %arg7[%swap3A_629, %swap3A_630, %swap3A_631], %swap3A_634 {strides = array<i32>} : memref<4x200x64xf32, #tpu.memory_space<vmem>>, vector<1x1x16xf32>,
        %get3A_635 = arith.constant 3 : i32
        %get3A_636 = arith.index_cast %get3A_635 : i32 to index
        %get3A_637 = arith.index_cast %add3A_541 : i32 to index
        %get3A_638 = arith.constant 48 : index
        %get3A_639 = tpu.vector_load %arg7[%get3A_636, %get3A_637, %get3A_638] {strides = array<i32>} : memref<4x200x64xf32, #tpu.memory_space<vmem>>, vector<1x1x16xf32>,
        %get3A_640 = vector.shape_cast %get3A_639 : vector<1x1x16xf32> to vector<16xf32>
        %get3A_641 = arith.index_cast %add3A_541 : i32 to index
        %get3A_642 = arith.constant 48 : index
        %get3A_643 = tpu.vector_load %arg8[%get3A_641, %get3A_642] {strides = array<i32>} : memref<200x64xf32, #tpu.memory_space<vmem>>, vector<1x16xf32>,
        %get3A_644 = vector.shape_cast %get3A_643 : vector<1x16xf32> to vector<16xf32>
        %add3A_645 = arith.addf %get3A_640, %get3A_644 : vector<16xf32>
        %mul3A_646 = arith.mulf %add3A_645, %add3A_645 : vector<16xf32>
        %mul3A_647 = arith.constant -0.0713548139 : f32
        %mul3A_648 = vector.broadcast %mul3A_647 : f32 to vector<16xf32>
        %mul3A_649 = arith.mulf %mul3A_648, %mul3A_646 : vector<16xf32>
        %add3A_650 = arith.constant -1.59576917 : f32
        %add3A_651 = vector.broadcast %add3A_650 : f32 to vector<16xf32>
        %add3A_652 = arith.addf %add3A_651, %mul3A_649 : vector<16xf32>
        %mul3A_653 = arith.mulf %add3A_645, %add3A_652 : vector<16xf32>
        %exp3A_654 = math.exp %mul3A_653 : vector<16xf32>
        %add3A_655 = arith.constant 1.000000e+00 : f32
        %add3A_656 = vector.broadcast %add3A_655 : f32 to vector<16xf32>
        %add3A_657 = arith.addf %add3A_656, %exp3A_654 : vector<16xf32>
        %div3A_658 = arith.divf %add3A_645, %add3A_657 : vector<16xf32>
        %swap3A_659 = arith.constant 3 : i32
        %swap3A_660 = arith.index_cast %swap3A_659 : i32 to index
        %swap3A_661 = arith.index_cast %add3A_541 : i32 to index
        %swap3A_662 = arith.constant 48 : index
        %swap3A_663 = tpu.vector_load %arg7[%swap3A_660, %swap3A_661, %swap3A_662] {strides = array<i32>} : memref<4x200x64xf32, #tpu.memory_space<vmem>>, vector<1x1x16xf32>,
        %swap3A_664 = vector.shape_cast %swap3A_663 : vector<1x1x16xf32> to vector<16xf32>
        %swap3A_665 = vector.shape_cast %div3A_658 : vector<16xf32> to vector<1x1x16xf32>
        tpu.vector_store %arg7[%swap3A_660, %swap3A_661, %swap3A_662], %swap3A_665 {strides = array<i32>} : memref<4x200x64xf32, #tpu.memory_space<vmem>>, vector<1x1x16xf32>,
        %mul3A_666 = arith.constant 4 : i32
        %mul3A_667 = arith.muli %scan3A_413, %mul3A_666 : i32
        %add3A_668 = arith.constant 2 : i32
        %add3A_669 = arith.addi %mul3A_667, %add3A_668 : i32
        %get3A_670 = arith.constant 3 : i32
        %get3A_671 = arith.index_cast %get3A_670 : i32 to index
        %get3A_672 = arith.index_cast %add3A_669 : i32 to index
        %get3A_673 = arith.constant 0 : index
        %get3A_674 = tpu.vector_load %arg7[%get3A_671, %get3A_672, %get3A_673] {strides = array<i32>} : memref<4x200x64xf32, #tpu.memory_space<vmem>>, vector<1x1x16xf32>,
        %get3A_675 = vector.shape_cast %get3A_674 : vector<1x1x16xf32> to vector<16xf32>
        %get3A_676 = arith.index_cast %add3A_669 : i32 to index
        %get3A_677 = arith.constant 0 : index
        %get3A_678 = tpu.vector_load %arg8[%get3A_676, %get3A_677] {strides = array<i32>} : memref<200x64xf32, #tpu.memory_space<vmem>>, vector<1x16xf32>,
        %get3A_679 = vector.shape_cast %get3A_678 : vector<1x16xf32> to vector<16xf32>
        %add3A_680 = arith.addf %get3A_675, %get3A_679 : vector<16xf32>
        %mul3A_681 = arith.mulf %add3A_680, %add3A_680 : vector<16xf32>
        %mul3A_682 = arith.constant -0.0713548139 : f32
        %mul3A_683 = vector.broadcast %mul3A_682 : f32 to vector<16xf32>
        %mul3A_684 = arith.mulf %mul3A_683, %mul3A_681 : vector<16xf32>
        %add3A_685 = arith.constant -1.59576917 : f32
        %add3A_686 = vector.broadcast %add3A_685 : f32 to vector<16xf32>
        %add3A_687 = arith.addf %add3A_686, %mul3A_684 : vector<16xf32>
        %mul3A_688 = arith.mulf %add3A_680, %add3A_687 : vector<16xf32>
        %exp3A_689 = math.exp %mul3A_688 : vector<16xf32>
        %add3A_690 = arith.constant 1.000000e+00 : f32
        %add3A_691 = vector.broadcast %add3A_690 : f32 to vector<16xf32>
        %add3A_692 = arith.addf %add3A_691, %exp3A_689 : vector<16xf32>
        %div3A_693 = arith.divf %add3A_680, %add3A_692 : vector<16xf32>
        %swap3A_694 = arith.constant 3 : i32
        %swap3A_695 = arith.index_cast %swap3A_694 : i32 to index
        %swap3A_696 = arith.index_cast %add3A_669 : i32 to index
        %swap3A_697 = arith.constant 0 : index
        %swap3A_698 = tpu.vector_load %arg7[%swap3A_695, %swap3A_696, %swap3A_697] {strides = array<i32>} : memref<4x200x64xf32, #tpu.memory_space<vmem>>, vector<1x1x16xf32>,
        %swap3A_699 = vector.shape_cast %swap3A_698 : vector<1x1x16xf32> to vector<16xf32>
        %swap3A_700 = vector.shape_cast %div3A_693 : vector<16xf32> to vector<1x1x16xf32>
        tpu.vector_store %arg7[%swap3A_695, %swap3A_696, %swap3A_697], %swap3A_700 {strides = array<i32>} : memref<4x200x64xf32, #tpu.memory_space<vmem>>, vector<1x1x16xf32>,
        %get3A_701 = arith.constant 3 : i32
        %get3A_702 = arith.index_cast %get3A_701 : i32 to index
        %get3A_703 = arith.index_cast %add3A_669 : i32 to index
        %get3A_704 = arith.constant 16 : index
        %get3A_705 = tpu.vector_load %arg7[%get3A_702, %get3A_703, %get3A_704] {strides = array<i32>} : memref<4x200x64xf32, #tpu.memory_space<vmem>>, vector<1x1x16xf32>,
        %get3A_706 = vector.shape_cast %get3A_705 : vector<1x1x16xf32> to vector<16xf32>
        %get3A_707 = arith.index_cast %add3A_669 : i32 to index
        %get3A_708 = arith.constant 16 : index
        %get3A_709 = tpu.vector_load %arg8[%get3A_707, %get3A_708] {strides = array<i32>} : memref<200x64xf32, #tpu.memory_space<vmem>>, vector<1x16xf32>,
        %get3A_710 = vector.shape_cast %get3A_709 : vector<1x16xf32> to vector<16xf32>
        %add3A_711 = arith.addf %get3A_706, %get3A_710 : vector<16xf32>
        %mul3A_712 = arith.mulf %add3A_711, %add3A_711 : vector<16xf32>
        %mul3A_713 = arith.constant -0.0713548139 : f32
        %mul3A_714 = vector.broadcast %mul3A_713 : f32 to vector<16xf32>
        %mul3A_715 = arith.mulf %mul3A_714, %mul3A_712 : vector<16xf32>
        %add3A_716 = arith.constant -1.59576917 : f32
        %add3A_717 = vector.broadcast %add3A_716 : f32 to vector<16xf32>
        %add3A_718 = arith.addf %add3A_717, %mul3A_715 : vector<16xf32>
        %mul3A_719 = arith.mulf %add3A_711, %add3A_718 : vector<16xf32>
        %exp3A_720 = math.exp %mul3A_719 : vector<16xf32>
        %add3A_721 = arith.constant 1.000000e+00 : f32
        %add3A_722 = vector.broadcast %add3A_721 : f32 to vector<16xf32>
        %add3A_723 = arith.addf %add3A_722, %exp3A_720 : vector<16xf32>
        %div3A_724 = arith.divf %add3A_711, %add3A_723 : vector<16xf32>
        %swap3A_725 = arith.constant 3 : i32
        %swap3A_726 = arith.index_cast %swap3A_725 : i32 to index
        %swap3A_727 = arith.index_cast %add3A_669 : i32 to index
        %swap3A_728 = arith.constant 16 : index
        %swap3A_729 = tpu.vector_load %arg7[%swap3A_726, %swap3A_727, %swap3A_728] {strides = array<i32>} : memref<4x200x64xf32, #tpu.memory_space<vmem>>, vector<1x1x16xf32>,
        %swap3A_730 = vector.shape_cast %swap3A_729 : vector<1x1x16xf32> to vector<16xf32>
        %swap3A_731 = vector.shape_cast %div3A_724 : vector<16xf32> to vector<1x1x16xf32>
        tpu.vector_store %arg7[%swap3A_726, %swap3A_727, %swap3A_728], %swap3A_731 {strides = array<i32>} : memref<4x200x64xf32, #tpu.memory_space<vmem>>, vector<1x1x16xf32>,
        %get3A_732 = arith.constant 3 : i32
        %get3A_733 = arith.index_cast %get3A_732 : i32 to index
        %get3A_734 = arith.index_cast %add3A_669 : i32 to index
        %get3A_735 = arith.constant 32 : index
        %get3A_736 = tpu.vector_load %arg7[%get3A_733, %get3A_734, %get3A_735] {strides = array<i32>} : memref<4x200x64xf32, #tpu.memory_space<vmem>>, vector<1x1x16xf32>,
        %get3A_737 = vector.shape_cast %get3A_736 : vector<1x1x16xf32> to vector<16xf32>
        %get3A_738 = arith.index_cast %add3A_669 : i32 to index
        %get3A_739 = arith.constant 32 : index
        %get3A_740 = tpu.vector_load %arg8[%get3A_738, %get3A_739] {strides = array<i32>} : memref<200x64xf32, #tpu.memory_space<vmem>>, vector<1x16xf32>,
        %get3A_741 = vector.shape_cast %get3A_740 : vector<1x16xf32> to vector<16xf32>
        %add3A_742 = arith.addf %get3A_737, %get3A_741 : vector<16xf32>
        %mul3A_743 = arith.mulf %add3A_742, %add3A_742 : vector<16xf32>
        %mul3A_744 = arith.constant -0.0713548139 : f32
        %mul3A_745 = vector.broadcast %mul3A_744 : f32 to vector<16xf32>
        %mul3A_746 = arith.mulf %mul3A_745, %mul3A_743 : vector<16xf32>
        %add3A_747 = arith.constant -1.59576917 : f32
        %add3A_748 = vector.broadcast %add3A_747 : f32 to vector<16xf32>
        %add3A_749 = arith.addf %add3A_748, %mul3A_746 : vector<16xf32>
        %mul3A_750 = arith.mulf %add3A_742, %add3A_749 : vector<16xf32>
        %exp3A_751 = math.exp %mul3A_750 : vector<16xf32>
        %add3A_752 = arith.constant 1.000000e+00 : f32
        %add3A_753 = vector.broadcast %add3A_752 : f32 to vector<16xf32>
        %add3A_754 = arith.addf %add3A_753, %exp3A_751 : vector<16xf32>
        %div3A_755 = arith.divf %add3A_742, %add3A_754 : vector<16xf32>
        %swap3A_756 = arith.constant 3 : i32
        %swap3A_757 = arith.index_cast %swap3A_756 : i32 to index
        %swap3A_758 = arith.index_cast %add3A_669 : i32 to index
        %swap3A_759 = arith.constant 32 : index
        %swap3A_760 = tpu.vector_load %arg7[%swap3A_757, %swap3A_758, %swap3A_759] {strides = array<i32>} : memref<4x200x64xf32, #tpu.memory_space<vmem>>, vector<1x1x16xf32>,
        %swap3A_761 = vector.shape_cast %swap3A_760 : vector<1x1x16xf32> to vector<16xf32>
        %swap3A_762 = vector.shape_cast %div3A_755 : vector<16xf32> to vector<1x1x16xf32>
        tpu.vector_store %arg7[%swap3A_757, %swap3A_758, %swap3A_759], %swap3A_762 {strides = array<i32>} : memref<4x200x64xf32, #tpu.memory_space<vmem>>, vector<1x1x16xf32>,
        %get3A_763 = arith.constant 3 : i32
        %get3A_764 = arith.index_cast %get3A_763 : i32 to index
        %get3A_765 = arith.index_cast %add3A_669 : i32 to index
        %get3A_766 = arith.constant 48 : index
        %get3A_767 = tpu.vector_load %arg7[%get3A_764, %get3A_765, %get3A_766] {strides = array<i32>} : memref<4x200x64xf32, #tpu.memory_space<vmem>>, vector<1x1x16xf32>,
        %get3A_768 = vector.shape_cast %get3A_767 : vector<1x1x16xf32> to vector<16xf32>
        %get3A_769 = arith.index_cast %add3A_669 : i32 to index
        %get3A_770 = arith.constant 48 : index
        %get3A_771 = tpu.vector_load %arg8[%get3A_769, %get3A_770] {strides = array<i32>} : memref<200x64xf32, #tpu.memory_space<vmem>>, vector<1x16xf32>,
        %get3A_772 = vector.shape_cast %get3A_771 : vector<1x16xf32> to vector<16xf32>
        %add3A_773 = arith.addf %get3A_768, %get3A_772 : vector<16xf32>
        %mul3A_774 = arith.mulf %add3A_773, %add3A_773 : vector<16xf32>
        %mul3A_775 = arith.constant -0.0713548139 : f32
        %mul3A_776 = vector.broadcast %mul3A_775 : f32 to vector<16xf32>
        %mul3A_777 = arith.mulf %mul3A_776, %mul3A_774 : vector<16xf32>
        %add3A_778 = arith.constant -1.59576917 : f32
        %add3A_779 = vector.broadcast %add3A_778 : f32 to vector<16xf32>
        %add3A_780 = arith.addf %add3A_779, %mul3A_777 : vector<16xf32>
        %mul3A_781 = arith.mulf %add3A_773, %add3A_780 : vector<16xf32>
        %exp3A_782 = math.exp %mul3A_781 : vector<16xf32>
        %add3A_783 = arith.constant 1.000000e+00 : f32
        %add3A_784 = vector.broadcast %add3A_783 : f32 to vector<16xf32>
        %add3A_785 = arith.addf %add3A_784, %exp3A_782 : vector<16xf32>
        %div3A_786 = arith.divf %add3A_773, %add3A_785 : vector<16xf32>
        %swap3A_787 = arith.constant 3 : i32
        %swap3A_788 = arith.index_cast %swap3A_787 : i32 to index
        %swap3A_789 = arith.index_cast %add3A_669 : i32 to index
        %swap3A_790 = arith.constant 48 : index
        %swap3A_791 = tpu.vector_load %arg7[%swap3A_788, %swap3A_789, %swap3A_790] {strides = array<i32>} : memref<4x200x64xf32, #tpu.memory_space<vmem>>, vector<1x1x16xf32>,
        %swap3A_792 = vector.shape_cast %swap3A_791 : vector<1x1x16xf32> to vector<16xf32>
        %swap3A_793 = vector.shape_cast %div3A_786 : vector<16xf32> to vector<1x1x16xf32>
        tpu.vector_store %arg7[%swap3A_788, %swap3A_789, %swap3A_790], %swap3A_793 {strides = array<i32>} : memref<4x200x64xf32, #tpu.memory_space<vmem>>, vector<1x1x16xf32>,
        %mul3A_794 = arith.constant 4 : i32
        %mul3A_795 = arith.muli %scan3A_413, %mul3A_794 : i32
        %add3A_796 = arith.constant 3 : i32
        %add3A_797 = arith.addi %mul3A_795, %add3A_796 : i32
        %get3A_798 = arith.constant 3 : i32
        %get3A_799 = arith.index_cast %get3A_798 : i32 to index
        %get3A_800 = arith.index_cast %add3A_797 : i32 to index
        %get3A_801 = arith.constant 0 : index
        %get3A_802 = tpu.vector_load %arg7[%get3A_799, %get3A_800, %get3A_801] {strides = array<i32>} : memref<4x200x64xf32, #tpu.memory_space<vmem>>, vector<1x1x16xf32>,
        %get3A_803 = vector.shape_cast %get3A_802 : vector<1x1x16xf32> to vector<16xf32>
        %get3A_804 = arith.index_cast %add3A_797 : i32 to index
        %get3A_805 = arith.constant 0 : index
        %get3A_806 = tpu.vector_load %arg8[%get3A_804, %get3A_805] {strides = array<i32>} : memref<200x64xf32, #tpu.memory_space<vmem>>, vector<1x16xf32>,
        %get3A_807 = vector.shape_cast %get3A_806 : vector<1x16xf32> to vector<16xf32>
        %add3A_808 = arith.addf %get3A_803, %get3A_807 : vector<16xf32>
        %mul3A_809 = arith.mulf %add3A_808, %add3A_808 : vector<16xf32>
        %mul3A_810 = arith.constant -0.0713548139 : f32
        %mul3A_811 = vector.broadcast %mul3A_810 : f32 to vector<16xf32>
        %mul3A_812 = arith.mulf %mul3A_811, %mul3A_809 : vector<16xf32>
        %add3A_813 = arith.constant -1.59576917 : f32
        %add3A_814 = vector.broadcast %add3A_813 : f32 to vector<16xf32>
        %add3A_815 = arith.addf %add3A_814, %mul3A_812 : vector<16xf32>
        %mul3A_816 = arith.mulf %add3A_808, %add3A_815 : vector<16xf32>
        %exp3A_817 = math.exp %mul3A_816 : vector<16xf32>
        %add3A_818 = arith.constant 1.000000e+00 : f32
        %add3A_819 = vector.broadcast %add3A_818 : f32 to vector<16xf32>
        %add3A_820 = arith.addf %add3A_819, %exp3A_817 : vector<16xf32>
        %div3A_821 = arith.divf %add3A_808, %add3A_820 : vector<16xf32>
        %swap3A_822 = arith.constant 3 : i32
        %swap3A_823 = arith.index_cast %swap3A_822 : i32 to index
        %swap3A_824 = arith.index_cast %add3A_797 : i32 to index
        %swap3A_825 = arith.constant 0 : index
        %swap3A_826 = tpu.vector_load %arg7[%swap3A_823, %swap3A_824, %swap3A_825] {strides = array<i32>} : memref<4x200x64xf32, #tpu.memory_space<vmem>>, vector<1x1x16xf32>,
        %swap3A_827 = vector.shape_cast %swap3A_826 : vector<1x1x16xf32> to vector<16xf32>
        %swap3A_828 = vector.shape_cast %div3A_821 : vector<16xf32> to vector<1x1x16xf32>
        tpu.vector_store %arg7[%swap3A_823, %swap3A_824, %swap3A_825], %swap3A_828 {strides = array<i32>} : memref<4x200x64xf32, #tpu.memory_space<vmem>>, vector<1x1x16xf32>,
        %get3A_829 = arith.constant 3 : i32
        %get3A_830 = arith.index_cast %get3A_829 : i32 to index
        %get3A_831 = arith.index_cast %add3A_797 : i32 to index
        %get3A_832 = arith.constant 16 : index
        %get3A_833 = tpu.vector_load %arg7[%get3A_830, %get3A_831, %get3A_832] {strides = array<i32>} : memref<4x200x64xf32, #tpu.memory_space<vmem>>, vector<1x1x16xf32>,
        %get3A_834 = vector.shape_cast %get3A_833 : vector<1x1x16xf32> to vector<16xf32>
        %get3A_835 = arith.index_cast %add3A_797 : i32 to index
        %get3A_836 = arith.constant 16 : index
        %get3A_837 = tpu.vector_load %arg8[%get3A_835, %get3A_836] {strides = array<i32>} : memref<200x64xf32, #tpu.memory_space<vmem>>, vector<1x16xf32>,
        %get3A_838 = vector.shape_cast %get3A_837 : vector<1x16xf32> to vector<16xf32>
        %add3A_839 = arith.addf %get3A_834, %get3A_838 : vector<16xf32>
        %mul3A_840 = arith.mulf %add3A_839, %add3A_839 : vector<16xf32>
        %mul3A_841 = arith.constant -0.0713548139 : f32
        %mul3A_842 = vector.broadcast %mul3A_841 : f32 to vector<16xf32>
        %mul3A_843 = arith.mulf %mul3A_842, %mul3A_840 : vector<16xf32>
        %add3A_844 = arith.constant -1.59576917 : f32
        %add3A_845 = vector.broadcast %add3A_844 : f32 to vector<16xf32>
        %add3A_846 = arith.addf %add3A_845, %mul3A_843 : vector<16xf32>
        %mul3A_847 = arith.mulf %add3A_839, %add3A_846 : vector<16xf32>
        %exp3A_848 = math.exp %mul3A_847 : vector<16xf32>
        %add3A_849 = arith.constant 1.000000e+00 : f32
        %add3A_850 = vector.broadcast %add3A_849 : f32 to vector<16xf32>
        %add3A_851 = arith.addf %add3A_850, %exp3A_848 : vector<16xf32>
        %div3A_852 = arith.divf %add3A_839, %add3A_851 : vector<16xf32>
        %swap3A_853 = arith.constant 3 : i32
        %swap3A_854 = arith.index_cast %swap3A_853 : i32 to index
        %swap3A_855 = arith.index_cast %add3A_797 : i32 to index
        %swap3A_856 = arith.constant 16 : index
        %swap3A_857 = tpu.vector_load %arg7[%swap3A_854, %swap3A_855, %swap3A_856] {strides = array<i32>} : memref<4x200x64xf32, #tpu.memory_space<vmem>>, vector<1x1x16xf32>,
        %swap3A_858 = vector.shape_cast %swap3A_857 : vector<1x1x16xf32> to vector<16xf32>
        %swap3A_859 = vector.shape_cast %div3A_852 : vector<16xf32> to vector<1x1x16xf32>
        tpu.vector_store %arg7[%swap3A_854, %swap3A_855, %swap3A_856], %swap3A_859 {strides = array<i32>} : memref<4x200x64xf32, #tpu.memory_space<vmem>>, vector<1x1x16xf32>,
        %get3A_860 = arith.constant 3 : i32
        %get3A_861 = arith.index_cast %get3A_860 : i32 to index
        %get3A_862 = arith.index_cast %add3A_797 : i32 to index
        %get3A_863 = arith.constant 32 : index
        %get3A_864 = tpu.vector_load %arg7[%get3A_861, %get3A_862, %get3A_863] {strides = array<i32>} : memref<4x200x64xf32, #tpu.memory_space<vmem>>, vector<1x1x16xf32>,
        %get3A_865 = vector.shape_cast %get3A_864 : vector<1x1x16xf32> to vector<16xf32>
        %get3A_866 = arith.index_cast %add3A_797 : i32 to index
        %get3A_867 = arith.constant 32 : index
        %get3A_868 = tpu.vector_load %arg8[%get3A_866, %get3A_867] {strides = array<i32>} : memref<200x64xf32, #tpu.memory_space<vmem>>, vector<1x16xf32>,
        %get3A_869 = vector.shape_cast %get3A_868 : vector<1x16xf32> to vector<16xf32>
        %add3A_870 = arith.addf %get3A_865, %get3A_869 : vector<16xf32>
        %mul3A_871 = arith.mulf %add3A_870, %add3A_870 : vector<16xf32>
        %mul3A_872 = arith.constant -0.0713548139 : f32
        %mul3A_873 = vector.broadcast %mul3A_872 : f32 to vector<16xf32>
        %mul3A_874 = arith.mulf %mul3A_873, %mul3A_871 : vector<16xf32>
        %add3A_875 = arith.constant -1.59576917 : f32
        %add3A_876 = vector.broadcast %add3A_875 : f32 to vector<16xf32>
        %add3A_877 = arith.addf %add3A_876, %mul3A_874 : vector<16xf32>
        %mul3A_878 = arith.mulf %add3A_870, %add3A_877 : vector<16xf32>
        %exp3A_879 = math.exp %mul3A_878 : vector<16xf32>
        %add3A_880 = arith.constant 1.000000e+00 : f32
        %add3A_881 = vector.broadcast %add3A_880 : f32 to vector<16xf32>
        %add3A_882 = arith.addf %add3A_881, %exp3A_879 : vector<16xf32>
        %div3A_883 = arith.divf %add3A_870, %add3A_882 : vector<16xf32>
        %swap3A_884 = arith.constant 3 : i32
        %swap3A_885 = arith.index_cast %swap3A_884 : i32 to index
        %swap3A_886 = arith.index_cast %add3A_797 : i32 to index
        %swap3A_887 = arith.constant 32 : index
        %swap3A_888 = tpu.vector_load %arg7[%swap3A_885, %swap3A_886, %swap3A_887] {strides = array<i32>} : memref<4x200x64xf32, #tpu.memory_space<vmem>>, vector<1x1x16xf32>,
        %swap3A_889 = vector.shape_cast %swap3A_888 : vector<1x1x16xf32> to vector<16xf32>
        %swap3A_890 = vector.shape_cast %div3A_883 : vector<16xf32> to vector<1x1x16xf32>
        tpu.vector_store %arg7[%swap3A_885, %swap3A_886, %swap3A_887], %swap3A_890 {strides = array<i32>} : memref<4x200x64xf32, #tpu.memory_space<vmem>>, vector<1x1x16xf32>,
        %get3A_891 = arith.constant 3 : i32
        %get3A_892 = arith.index_cast %get3A_891 : i32 to index
        %get3A_893 = arith.index_cast %add3A_797 : i32 to index
        %get3A_894 = arith.constant 48 : index
        %get3A_895 = tpu.vector_load %arg7[%get3A_892, %get3A_893, %get3A_894] {strides = array<i32>} : memref<4x200x64xf32, #tpu.memory_space<vmem>>, vector<1x1x16xf32>,
        %get3A_896 = vector.shape_cast %get3A_895 : vector<1x1x16xf32> to vector<16xf32>
        %get3A_897 = arith.index_cast %add3A_797 : i32 to index
        %get3A_898 = arith.constant 48 : index
        %get3A_899 = tpu.vector_load %arg8[%get3A_897, %get3A_898] {strides = array<i32>} : memref<200x64xf32, #tpu.memory_space<vmem>>, vector<1x16xf32>,
        %get3A_900 = vector.shape_cast %get3A_899 : vector<1x16xf32> to vector<16xf32>
        %add3A_901 = arith.addf %get3A_896, %get3A_900 : vector<16xf32>
        %mul3A_902 = arith.mulf %add3A_901, %add3A_901 : vector<16xf32>
        %mul3A_903 = arith.constant -0.0713548139 : f32
        %mul3A_904 = vector.broadcast %mul3A_903 : f32 to vector<16xf32>
        %mul3A_905 = arith.mulf %mul3A_904, %mul3A_902 : vector<16xf32>
        %add3A_906 = arith.constant -1.59576917 : f32
        %add3A_907 = vector.broadcast %add3A_906 : f32 to vector<16xf32>
        %add3A_908 = arith.addf %add3A_907, %mul3A_905 : vector<16xf32>
        %mul3A_909 = arith.mulf %add3A_901, %add3A_908 : vector<16xf32>
        %exp3A_910 = math.exp %mul3A_909 : vector<16xf32>
        %add3A_911 = arith.constant 1.000000e+00 : f32
        %add3A_912 = vector.broadcast %add3A_911 : f32 to vector<16xf32>
        %add3A_913 = arith.addf %add3A_912, %exp3A_910 : vector<16xf32>
        %div3A_914 = arith.divf %add3A_901, %add3A_913 : vector<16xf32>
        %swap3A_915 = arith.constant 3 : i32
        %swap3A_916 = arith.index_cast %swap3A_915 : i32 to index
        %swap3A_917 = arith.index_cast %add3A_797 : i32 to index
        %swap3A_918 = arith.constant 48 : index
        %swap3A_919 = tpu.vector_load %arg7[%swap3A_916, %swap3A_917, %swap3A_918] {strides = array<i32>} : memref<4x200x64xf32, #tpu.memory_space<vmem>>, vector<1x1x16xf32>,
        %swap3A_920 = vector.shape_cast %swap3A_919 : vector<1x1x16xf32> to vector<16xf32>
        %swap3A_921 = vector.shape_cast %div3A_914 : vector<16xf32> to vector<1x1x16xf32>
        tpu.vector_store %arg7[%swap3A_916, %swap3A_917, %swap3A_918], %swap3A_921 {strides = array<i32>} : memref<4x200x64xf32, #tpu.memory_space<vmem>>, vector<1x1x16xf32>,
      }
      %scan3A_385 = arith.constant 50 : i32
      %add3A_386 = arith.constant 3 : i32
      %add3A_387 = arith.addi %mul3A_130, %add3A_386 : i32
      %mul3A_388 = arith.constant 128 : i32
      %mul3A_389 = arith.muli %add3A, %mul3A_388 : i32
      %add3A_390 = arith.addi %mul3A_389, %add3A_387 : i32
      %dma_start3A_391 = arith.constant 3 : i32
      %dma_start3A_392 = arith.constant 0 : i32
      %dma_start3A_393 = arith.constant 0 : i32
      %dma_start3A_394 = tpu.memref_slice %arg7[%dma_start3A_391, %dma_start3A_392, %dma_start3A_393] : memref<4x200x64xf32, #tpu.memory_space<vmem>> -> memref<1x200x64xf32, #tpu.memory_space<vmem>>
      %dma_start3A_395 = tpu.memref_squeeze %dma_start3A_394 : memref<1x200x64xf32, #tpu.memory_space<vmem>> -> memref<200x64xf32, #tpu.memory_space<vmem>>
      %dma_start3A_396 = arith.constant 0 : i32
      %dma_start3A_397 = arith.constant 0 : i32
      %dma_start3A_398 = tpu.memref_slice %arg5[%add3A_390, %dma_start3A_396, %dma_start3A_397] : memref<4096x200x64xf32, #tpu.memory_space<hbm>> -> memref<1x200x64xf32, #tpu.memory_space<hbm>>
      %dma_start3A_399 = tpu.memref_squeeze %dma_start3A_398 : memref<1x200x64xf32, #tpu.memory_space<hbm>> -> memref<200x64xf32, #tpu.memory_space<hbm>>
      %dma_start3A_400 = arith.constant 0 : i32
      %dma_start3A_401 = arith.constant 0 : i32
      %dma_start3A_402 = tpu.memref_slice %arg5[%add3A_390, %dma_start3A_400, %dma_start3A_401] : memref<4096x200x64xf32, #tpu.memory_space<hbm>> -> memref<1x200x64xf32, #tpu.memory_space<hbm>>
      %dma_start3A_403 = tpu.memref_squeeze %dma_start3A_402 : memref<1x200x64xf32, #tpu.memory_space<hbm>> -> memref<200x64xf32, #tpu.memory_space<hbm>>
      %dma_start3A_404 = arith.constant 0 : i32
      %dma_start3A_405 = arith.constant 0 : i32
      %dma_start3A_406 = tpu.memref_slice %arg7[%dma_start3A_391, %dma_start3A_404, %dma_start3A_405] : memref<4x200x64xf32, #tpu.memory_space<vmem>> -> memref<1x200x64xf32, #tpu.memory_space<vmem>>
      %dma_start3A_407 = tpu.memref_squeeze %dma_start3A_406 : memref<1x200x64xf32, #tpu.memory_space<vmem>> -> memref<200x64xf32, #tpu.memory_space<vmem>>
      tpu.enqueue_dma source(%dma_start3A_407 : memref<200x64xf32, #tpu.memory_space<vmem>>) target(%dma_start3A_403 : memref<200x64xf32, #tpu.memory_space<hbm>>) target_semaphore(%arg16 : memref<!tpu.dma_semaphore, #tpu.memory_space<semaphore_mem>>)
      %lt3A_408 = arith.constant 31 : i32
      %lt3A_409 = arith.cmpi slt, %scan3A_128, %lt3A_408 : i32
      %convert_element_type3A_410 = arith.extui %lt3A_409 : i1 to i32
      %cond3A_411 = arith.constant 0 : i32
      %cond3A_412 = arith.cmpi ne, %convert_element_type3A_410, %cond3A_411 : i32
      scf.if %cond3A_412 {
        %dma_wait3A_413 = arith.constant 1 : i32
        %dma_wait3A_414 = arith.constant 0 : i32
        %dma_wait3A_415 = arith.constant 0 : i32
        %dma_wait3A_416 = arith.constant 0 : i32
        %dma_wait3A_417 = tpu.memref_slice %arg7[%dma_wait3A_413, %dma_wait3A_415, %dma_wait3A_416] : memref<4x200x64xf32, #tpu.memory_space<vmem>> -> memref<1x200x64xf32, #tpu.memory_space<vmem>>
        %dma_wait3A_418 = tpu.memref_squeeze %dma_wait3A_417 : memref<1x200x64xf32, #tpu.memory_space<vmem>> -> memref<200x64xf32, #tpu.memory_space<vmem>>
        %dma_wait3A_419 = arith.constant 0 : i32
        %dma_wait3A_420 = arith.constant 0 : i32
        %dma_wait3A_421 = tpu.memref_slice %arg5[%dma_wait3A_414, %dma_wait3A_419, %dma_wait3A_420] : memref<4096x200x64xf32, #tpu.memory_space<hbm>> -> memref<1x200x64xf32, #tpu.memory_space<hbm>>
        %dma_wait3A_422 = tpu.memref_squeeze %dma_wait3A_421 : memref<1x200x64xf32, #tpu.memory_space<hbm>> -> memref<200x64xf32, #tpu.memory_space<hbm>>
        %dma_wait3A_423 = arith.constant 0 : i32
        %dma_wait3A_424 = arith.constant 0 : i32
        %dma_wait3A_425 = tpu.memref_slice %arg5[%dma_wait3A_414, %dma_wait3A_423, %dma_wait3A_424] : memref<4096x200x64xf32, #tpu.memory_space<hbm>> -> memref<1x200x64xf32, #tpu.memory_space<hbm>>
        %dma_wait3A_426 = tpu.memref_squeeze %dma_wait3A_425 : memref<1x200x64xf32, #tpu.memory_space<hbm>> -> memref<200x64xf32, #tpu.memory_space<hbm>>
        %dma_wait3A_427 = arith.constant 0 : i32
        %dma_wait3A_428 = arith.constant 0 : i32
        %dma_wait3A_429 = tpu.memref_slice %arg7[%dma_wait3A_413, %dma_wait3A_427, %dma_wait3A_428] : memref<4x200x64xf32, #tpu.memory_space<vmem>> -> memref<1x200x64xf32, #tpu.memory_space<vmem>>
        %dma_wait3A_430 = tpu.memref_squeeze %dma_wait3A_429 : memref<1x200x64xf32, #tpu.memory_space<vmem>> -> memref<200x64xf32, #tpu.memory_space<vmem>>
        tpu.wait_dma2 semaphore(%arg14 : memref<!tpu.dma_semaphore, #tpu.memory_space<semaphore_mem>>) src(%dma_wait3A_430 : memref<200x64xf32, #tpu.memory_space<vmem>>) dst(%dma_wait3A_426 : memref<200x64xf32, #tpu.memory_space<hbm>>)
        %add3A_431 = arith.constant 5 : i32
        %add3A_432 = arith.addi %mul3A_130, %add3A_431 : i32
        %dma_start3A_433 = arith.constant 0 : i32
        %dma_start3A_434 = arith.constant 1 : i32
        %dma_start3A_435 = arith.constant 0 : i32
        %dma_start3A_436 = arith.constant 0 : i32
        %dma_start3A_437 = tpu.memref_slice %arg7[%dma_start3A_434, %dma_start3A_435, %dma_start3A_436] : memref<4x200x64xf32, #tpu.memory_space<vmem>> -> memref<1x100x64xf32, #tpu.memory_space<vmem>>
        %dma_start3A_438 = tpu.memref_squeeze %dma_start3A_437 : memref<1x100x64xf32, #tpu.memory_space<vmem>> -> memref<100x64xf32, #tpu.memory_space<vmem>>
        %dma_start3A_439 = arith.constant 0 : i32
        %dma_start3A_440 = tpu.memref_slice %arg6[%add3A_432, %dma_start3A_433, %dma_start3A_439] : memref<128x2x100xi32, #tpu.memory_space<vmem>> -> memref<1x1x100xi32, #tpu.memory_space<vmem>>
        %dma_start3A_441 = tpu.memref_squeeze %dma_start3A_440 : memref<1x1x100xi32, #tpu.memory_space<vmem>> -> memref<100xi32, #tpu.memory_space<vmem>>
        %dma_start3A_442 = arith.constant 0 : i32
        %dma_start3A_443 = arith.constant 0 : i32
        %dma_start3A_444 = tpu.memref_slice %arg3[%dma_start3A_442, %dma_start3A_443] : memref<1000000x64xf32, #tpu.memory_space<hbm>> -> memref<1000000x64xf32, #tpu.memory_space<hbm>>
        tpu.enqueue_indirect_dma source(%dma_start3A_444 : memref<1000000x64xf32, #tpu.memory_space<hbm>>) target(%dma_start3A_438 : memref<100x64xf32, #tpu.memory_space<vmem>>) offsets(%dma_start3A_441 : memref<100xi32, #tpu.memory_space<vmem>>) semaphore(%arg10 : memref<!tpu.dma_semaphore, #tpu.memory_space<semaphore_mem>>)
        %dma_start3A_445 = arith.constant 1 : i32
        %dma_start3A_446 = arith.constant 1 : i32
        %dma_start3A_447 = arith.constant 100 : i32
        %dma_start3A_448 = arith.constant 0 : i32
        %dma_start3A_449 = tpu.memref_slice %arg7[%dma_start3A_446, %dma_start3A_447, %dma_start3A_448] : memref<4x200x64xf32, #tpu.memory_space<vmem>> -> memref<1x100x64xf32, #tpu.memory_space<vmem>>
        %dma_start3A_450 = tpu.memref_squeeze %dma_start3A_449 : memref<1x100x64xf32, #tpu.memory_space<vmem>> -> memref<100x64xf32, #tpu.memory_space<vmem>>
        %dma_start3A_451 = arith.constant 0 : i32
        %dma_start3A_452 = tpu.memref_slice %arg6[%add3A_432, %dma_start3A_445, %dma_start3A_451] : memref<128x2x100xi32, #tpu.memory_space<vmem>> -> memref<1x1x100xi32, #tpu.memory_space<vmem>>
        %dma_start3A_453 = tpu.memref_squeeze %dma_start3A_452 : memref<1x1x100xi32, #tpu.memory_space<vmem>> -> memref<100xi32, #tpu.memory_space<vmem>>
        %dma_start3A_454 = arith.constant 0 : i32
        %dma_start3A_455 = arith.constant 0 : i32
        %dma_start3A_456 = tpu.memref_slice %arg3[%dma_start3A_454, %dma_start3A_455] : memref<1000000x64xf32, #tpu.memory_space<hbm>> -> memref<1000000x64xf32, #tpu.memory_space<hbm>>
        tpu.enqueue_indirect_dma source(%dma_start3A_456 : memref<1000000x64xf32, #tpu.memory_space<hbm>>) target(%dma_start3A_450 : memref<100x64xf32, #tpu.memory_space<vmem>>) offsets(%dma_start3A_453 : memref<100xi32, #tpu.memory_space<vmem>>) semaphore(%arg10 : memref<!tpu.dma_semaphore, #tpu.memory_space<semaphore_mem>>)
      } else {
      }
    }
    %scan3A_56 = arith.constant 32 : i32
    %dma_wait3A = arith.constant 0 : i32
    %dma_wait3A_57 = arith.constant 0 : i32
    %dma_wait3A_58 = arith.constant 0 : i32
    %dma_wait3A_59 = arith.constant 0 : i32
    %dma_wait3A_60 = tpu.memref_slice %arg7[%dma_wait3A, %dma_wait3A_58, %dma_wait3A_59] : memref<4x200x64xf32, #tpu.memory_space<vmem>> -> memref<1x200x64xf32, #tpu.memory_space<vmem>>
    %dma_wait3A_61 = tpu.memref_squeeze %dma_wait3A_60 : memref<1x200x64xf32, #tpu.memory_space<vmem>> -> memref<200x64xf32, #tpu.memory_space<vmem>>
    %dma_wait3A_62 = arith.constant 0 : i32
    %dma_wait3A_63 = arith.constant 0 : i32
    %dma_wait3A_64 = tpu.memref_slice %arg5[%dma_wait3A_57, %dma_wait3A_62, %dma_wait3A_63] : memref<4096x200x64xf32, #tpu.memory_space<hbm>> -> memref<1x200x64xf32, #tpu.memory_space<hbm>>
    %dma_wait3A_65 = tpu.memref_squeeze %dma_wait3A_64 : memref<1x200x64xf32, #tpu.memory_space<hbm>> -> memref<200x64xf32, #tpu.memory_space<hbm>>
    %dma_wait3A_66 = arith.constant 0 : i32
    %dma_wait3A_67 = arith.constant 0 : i32
    %dma_wait3A_68 = tpu.memref_slice %arg5[%dma_wait3A_57, %dma_wait3A_66, %dma_wait3A_67] : memref<4096x200x64xf32, #tpu.memory_space<hbm>> -> memref<1x200x64xf32, #tpu.memory_space<hbm>>
    %dma_wait3A_69 = tpu.memref_squeeze %dma_wait3A_68 : memref<1x200x64xf32, #tpu.memory_space<hbm>> -> memref<200x64xf32, #tpu.memory_space<hbm>>
    %dma_wait3A_70 = arith.constant 0 : i32
    %dma_wait3A_71 = arith.constant 0 : i32
    %dma_wait3A_72 = tpu.memref_slice %arg7[%dma_wait3A, %dma_wait3A_70, %dma_wait3A_71] : memref<4x200x64xf32, #tpu.memory_space<vmem>> -> memref<1x200x64xf32, #tpu.memory_space<vmem>>
    %dma_wait3A_73 = tpu.memref_squeeze %dma_wait3A_72 : memref<1x200x64xf32, #tpu.memory_space<vmem>> -> memref<200x64xf32, #tpu.memory_space<vmem>>
    tpu.wait_dma2 semaphore(%arg13 : memref<!tpu.dma_semaphore, #tpu.memory_space<semaphore_mem>>) src(%dma_wait3A_73 : memref<200x64xf32, #tpu.memory_space<vmem>>) dst(%dma_wait3A_69 : memref<200x64xf32, #tpu.memory_space<hbm>>)
    %dma_wait3A_74 = arith.constant 1 : i32
    %dma_wait3A_75 = arith.constant 0 : i32
    %dma_wait3A_76 = arith.constant 0 : i32
    %dma_wait3A_77 = arith.constant 0 : i32
    %dma_wait3A_78 = tpu.memref_slice %arg7[%dma_wait3A_74, %dma_wait3A_76, %dma_wait3A_77] : memref<4x200x64xf32, #tpu.memory_space<vmem>> -> memref<1x200x64xf32, #tpu.memory_space<vmem>>
    %dma_wait3A_79 = tpu.memref_squeeze %dma_wait3A_78 : memref<1x200x64xf32, #tpu.memory_space<vmem>> -> memref<200x64xf32, #tpu.memory_space<vmem>>
    %dma_wait3A_80 = arith.constant 0 : i32
    %dma_wait3A_81 = arith.constant 0 : i32
    %dma_wait3A_82 = tpu.memref_slice %arg5[%dma_wait3A_75, %dma_wait3A_80, %dma_wait3A_81] : memref<4096x200x64xf32, #tpu.memory_space<hbm>> -> memref<1x200x64xf32, #tpu.memory_space<hbm>>
    %dma_wait3A_83 = tpu.memref_squeeze %dma_wait3A_82 : memref<1x200x64xf32, #tpu.memory_space<hbm>> -> memref<200x64xf32, #tpu.memory_space<hbm>>
    %dma_wait3A_84 = arith.constant 0 : i32
    %dma_wait3A_85 = arith.constant 0 : i32
    %dma_wait3A_86 = tpu.memref_slice %arg5[%dma_wait3A_75, %dma_wait3A_84, %dma_wait3A_85] : memref<4096x200x64xf32, #tpu.memory_space<hbm>> -> memref<1x200x64xf32, #tpu.memory_space<hbm>>
    %dma_wait3A_87 = tpu.memref_squeeze %dma_wait3A_86 : memref<1x200x64xf32, #tpu.memory_space<hbm>> -> memref<200x64xf32, #tpu.memory_space<hbm>>
    %dma_wait3A_88 = arith.constant 0 : i32
    %dma_wait3A_89 = arith.constant 0 : i32
    %dma_wait3A_90 = tpu.memref_slice %arg7[%dma_wait3A_74, %dma_wait3A_88, %dma_wait3A_89] : memref<4x200x64xf32, #tpu.memory_space<vmem>> -> memref<1x200x64xf32, #tpu.memory_space<vmem>>
    %dma_wait3A_91 = tpu.memref_squeeze %dma_wait3A_90 : memref<1x200x64xf32, #tpu.memory_space<vmem>> -> memref<200x64xf32, #tpu.memory_space<vmem>>
    tpu.wait_dma2 semaphore(%arg14 : memref<!tpu.dma_semaphore, #tpu.memory_space<semaphore_mem>>) src(%dma_wait3A_91 : memref<200x64xf32, #tpu.memory_space<vmem>>) dst(%dma_wait3A_87 : memref<200x64xf32, #tpu.memory_space<hbm>>)
    %dma_wait3A_92 = arith.constant 2 : i32
    %dma_wait3A_93 = arith.constant 0 : i32
    %dma_wait3A_94 = arith.constant 0 : i32
    %dma_wait3A_95 = arith.constant 0 : i32
    %dma_wait3A_96 = tpu.memref_slice %arg7[%dma_wait3A_92, %dma_wait3A_94, %dma_wait3A_95] : memref<4x200x64xf32, #tpu.memory_space<vmem>> -> memref<1x200x64xf32, #tpu.memory_space<vmem>>
    %dma_wait3A_97 = tpu.memref_squeeze %dma_wait3A_96 : memref<1x200x64xf32, #tpu.memory_space<vmem>> -> memref<200x64xf32, #tpu.memory_space<vmem>>
    %dma_wait3A_98 = arith.constant 0 : i32
    %dma_wait3A_99 = arith.constant 0 : i32
    %dma_wait3A_100 = tpu.memref_slice %arg5[%dma_wait3A_93, %dma_wait3A_98, %dma_wait3A_99] : memref<4096x200x64xf32, #tpu.memory_space<hbm>> -> memref<1x200x64xf32, #tpu.memory_space<hbm>>
    %dma_wait3A_101 = tpu.memref_squeeze %dma_wait3A_100 : memref<1x200x64xf32, #tpu.memory_space<hbm>> -> memref<200x64xf32, #tpu.memory_space<hbm>>
    %dma_wait3A_102 = arith.constant 0 : i32
    %dma_wait3A_103 = arith.constant 0 : i32
    %dma_wait3A_104 = tpu.memref_slice %arg5[%dma_wait3A_93, %dma_wait3A_102, %dma_wait3A_103] : memref<4096x200x64xf32, #tpu.memory_space<hbm>> -> memref<1x200x64xf32, #tpu.memory_space<hbm>>
    %dma_wait3A_105 = tpu.memref_squeeze %dma_wait3A_104 : memref<1x200x64xf32, #tpu.memory_space<hbm>> -> memref<200x64xf32, #tpu.memory_space<hbm>>
    %dma_wait3A_106 = arith.constant 0 : i32
    %dma_wait3A_107 = arith.constant 0 : i32
    %dma_wait3A_108 = tpu.memref_slice %arg7[%dma_wait3A_92, %dma_wait3A_106, %dma_wait3A_107] : memref<4x200x64xf32, #tpu.memory_space<vmem>> -> memref<1x200x64xf32, #tpu.memory_space<vmem>>
    %dma_wait3A_109 = tpu.memref_squeeze %dma_wait3A_108 : memref<1x200x64xf32, #tpu.memory_space<vmem>> -> memref<200x64xf32, #tpu.memory_space<vmem>>
    tpu.wait_dma2 semaphore(%arg15 : memref<!tpu.dma_semaphore, #tpu.memory_space<semaphore_mem>>) src(%dma_wait3A_109 : memref<200x64xf32, #tpu.memory_space<vmem>>) dst(%dma_wait3A_105 : memref<200x64xf32, #tpu.memory_space<hbm>>)
    %dma_wait3A_110 = arith.constant 3 : i32
    %dma_wait3A_111 = arith.constant 0 : i32
    %dma_wait3A_112 = arith.constant 0 : i32
    %dma_wait3A_113 = arith.constant 0 : i32
    %dma_wait3A_114 = tpu.memref_slice %arg7[%dma_wait3A_110, %dma_wait3A_112, %dma_wait3A_113] : memref<4x200x64xf32, #tpu.memory_space<vmem>> -> memref<1x200x64xf32, #tpu.memory_space<vmem>>
    %dma_wait3A_115 = tpu.memref_squeeze %dma_wait3A_114 : memref<1x200x64xf32, #tpu.memory_space<vmem>> -> memref<200x64xf32, #tpu.memory_space<vmem>>
    %dma_wait3A_116 = arith.constant 0 : i32
    %dma_wait3A_117 = arith.constant 0 : i32
    %dma_wait3A_118 = tpu.memref_slice %arg5[%dma_wait3A_111, %dma_wait3A_116, %dma_wait3A_117] : memref<4096x200x64xf32, #tpu.memory_space<hbm>> -> memref<1x200x64xf32, #tpu.memory_space<hbm>>
    %dma_wait3A_119 = tpu.memref_squeeze %dma_wait3A_118 : memref<1x200x64xf32, #tpu.memory_space<hbm>> -> memref<200x64xf32, #tpu.memory_space<hbm>>
    %dma_wait3A_120 = arith.constant 0 : i32
    %dma_wait3A_121 = arith.constant 0 : i32
    %dma_wait3A_122 = tpu.memref_slice %arg5[%dma_wait3A_111, %dma_wait3A_120, %dma_wait3A_121] : memref<4096x200x64xf32, #tpu.memory_space<hbm>> -> memref<1x200x64xf32, #tpu.memory_space<hbm>>
    %dma_wait3A_123 = tpu.memref_squeeze %dma_wait3A_122 : memref<1x200x64xf32, #tpu.memory_space<hbm>> -> memref<200x64xf32, #tpu.memory_space<hbm>>
    %dma_wait3A_124 = arith.constant 0 : i32
    %dma_wait3A_125 = arith.constant 0 : i32
    %dma_wait3A_126 = tpu.memref_slice %arg7[%dma_wait3A_110, %dma_wait3A_124, %dma_wait3A_125] : memref<4x200x64xf32, #tpu.memory_space<vmem>> -> memref<1x200x64xf32, #tpu.memory_space<vmem>>
    %dma_wait3A_127 = tpu.memref_squeeze %dma_wait3A_126 : memref<1x200x64xf32, #tpu.memory_space<vmem>> -> memref<200x64xf32, #tpu.memory_space<vmem>>
    tpu.wait_dma2 semaphore(%arg16 : memref<!tpu.dma_semaphore, #tpu.memory_space<semaphore_mem>>) src(%dma_wait3A_127 : memref<200x64xf32, #tpu.memory_space<vmem>>) dst(%dma_wait3A_123 : memref<200x64xf32, #tpu.memory_space<hbm>>)
    return
  }
}

</mosaic_0001>

<sc_bundles>
// kernel: kernel.3.cloned.1.call-start
scs
__scs_entry_jumppad:
0x0: {  	(pc) =	sbr.rel $0x88, $3  }
0x1: {  	(tag) =	ssettag $0x0;
	lr =	simm.s32 $0x1  }
0x2: {  	[smem:$0x3F9E] =	sst lr;
	_ =	strace $0xD0000000  }
0x3: {  	_ = 	snop  }
0x4: {  	_ = 	snop  }
0x5: {  	_ = 	snop  }
0x6: {  	_ = 	snop  }
0x7: {  	_ = 	snop  }
__scs_overlays_trampoline_lowered:
0x8: {  	[smem:$0x3FAD] =	sst s0  }
0x9: {  	[smem:$0x3FAE] =	sst s1  }
0xa: {  	[smem:$0x3FAF] =	sst s2  }
0xb: {  	[smem:$0x3FB0] =	sst s3  }
0xc: {  	[smem:$0x3FB1] =	sst s4  }
0xd: {  	[smem:$0x3FB2] =	sst s5  }
0xe: {  	[smem:$0x3FB3] =	sst s6  }
0xf: {  	[smem:$0x3FB4] =	sst s7  }
0x10: {  	[smem:$0x3FB5] =	sst s8  }
0x11: {  	[smem:$0x3FB6] =	sst s9;
	s0 =	simm.s32 @!p0 $0x0  }
0x12: {  	s1 =	sld [smem:$0x3F9C];
	s0 =	simm.s32 @p0 $0x1  }
0x13: {  	[smem:$0x3FB7] =	sst s0;
	s0 =	simm.s32 @!p1 $0x0  }
0x14: {  	s2 =	sld [smem:$0x3F9B];
	s0 =	simm.s32 @p1 $0x1  }
0x15: {  	[smem:$0x3FB8] =	sst s0;
	s0 =	simm.s32 @!p2 $0x0  }
0x16: {  	s3 =	sld [smem:$0x3FDB];
	s0 =	simm.s32 @p2 $0x1  }
0x17: {  	s4 =	simm.s32 $0x1BF5;
	[smem:$0x3FBA] =	sst s0  }
0x18: {  	s0 =	sld [smem:$0x3F9D];
	_ =	swait.ge [sflag:s4], $0x0  }
0x19: {  	s7 =	sld [smem:$0x3F9E]  }
0x1a: {  	s8 =	sadd.s32 $0xFFFFE003, lr  }
0x1b: {  	s9 =	sadd.s32 $0xFFFFFEF7, lr;
	s5 =	simm.s32 $0xFFFFFFFF;
	p2 =	slt.u32 s8, $0xFFFFF086  }
0x1c: {  	p1 =	slt.u32 s9, $0xF7A;
	s5 =	simm.s32 @!p2 $0x0  }
0x1d: {  	s5 =	simm.s32 @p1 $0x1;
	p0 =	seq.s32 s7, s2  }
0x1e: {  	s7 =	smul.u32 @!p0 $0xF7A, s2;
	p2 =	seq.s32 @!p0 s5, $0x0  }
0x1f: {  	s9 =	smul.u32 $0xF7A, s1;
	s8 =	simm.s32 @!p0 $0x1BF5;
	p2 =	por !p2, p0  }
0x20: {  	[sflag:s8] =	ssyncset.s32 @!p0 $0xFFFFF086;
	s6 =	sadd.s32 @!p0 s3, s7;
	s7 =	simm.s32 @!p0 $0x108  }
0x21: {  	s3 =	sadd.s32 s3, s9;
	s6 =	sadd.s32 @!p0 $0x88, s6;
	s7 =	simm.s32 @p2 $0x1082  }
0x22: {  	[simem:s7], [sflag:s8] =	dma.local @!p0 [hbm:s6], $0xF7A  }
0x23: {  	s9 =	sor.u32 $0xD0000000, s2;
	s6 =	simm.s32 $0x108;
	_ =	swait.ge @!p0 [sflag:s8], $0x0  }
0x24: {  	s3 =	sadd.s32 $0x88, s3;
	s6 =	simm.s32 @!p1 $0x1082;
	[sflag:s4] =	ssyncset.s32 $0xFFFFF086  }
0x25: {  	[simem:s6], [sflag:s4] =	dma.local [hbm:s3], $0xF7A  }
0x26: {  	[smem:$0x3F9E] =	sst s1;
	(tag) =	ssettag s2;
	_ =	strace s9  }
0x27: {  	s1 =	sld [smem:$0x3FAE]  }
0x28: {  	s2 =	sld [smem:$0x3FAF]  }
0x29: {  	s4 =	sld [smem:$0x3FB1]  }
0x2a: {  	p0 =	seq.s32 s5, $0x0;
	s5 =	sld [smem:$0x3FB2]  }
0x2b: {  	s6 =	sld [smem:$0x3FB3]  }
0x2c: {  	s7 =	sld [smem:$0x3FB4]  }
0x2d: {  	s3 =	simm.s32 $0x108;
	s8 =	sld [smem:$0x3FB5]  }
0x2e: {  	s3 =	simm.s32 @!p0 $0x1082;
	s9 =	sld [smem:$0x3FB6]  }
0x2f: {  	lr =	sadd.s32 s0, s3;
	s0 =	sld [smem:$0x3FAD]  }
0x30: {  	s3 =	sld [smem:$0x3FB0]  }
0x31: {  	[smem:$0x3FB9] =	sst s10  }
0x32: {  	s10 =	sld [smem:$0x3FB7];
	_ =	sdelay $0x3  }
0x33: {  	p0 =	seq.s32 s10, $0x1;
	s10 =	sld [smem:$0x3FB9];
	_ =	sdelay $0x3  }
0x34: {  	[smem:$0x3FB9] =	sst s10  }
0x35: {  	s10 =	sld [smem:$0x3FB8];
	_ =	sdelay $0x3  }
0x36: {  	p1 =	seq.s32 s10, $0x1;
	s10 =	sld [smem:$0x3FB9];
	_ =	sdelay $0x3  }
0x37: {  	[smem:$0x3FB9] =	sst s10  }
0x38: {  	s10 =	sld [smem:$0x3FBA]  }
0x39: {  	_ = 	snop;
	(pc) =	sbr.ind lr, $3  }
0x3a: {  	_ = 	snop  }
0x3b: {  	_ = 	snop  }
0x3c: {  	p2 =	seq.s32 s10, $0x1;
	s10 =	sld [smem:$0x3FB9]  }
0x3d: {  	_ =	shalt  }
0x3e: {  	_ =	shalt  }
0x3f: {  	_ =	shalt  }
0x40: {  	_ =	shalt  }
0x41: {  	_ =	shalt  }
0x42: {  	_ =	shalt  }
0x43: {  	_ =	shalt  }
0x44: {  	_ =	shalt  }
0x45: {  	_ =	shalt  }
0x46: {  	_ =	shalt  }
0x47: {  	_ =	shalt  }
0x48: {  	_ =	shalt  }
0x49: {  	_ =	shalt  }
0x4a: {  	_ =	shalt  }
0x4b: {  	_ =	shalt  }
0x4c: {  	_ =	shalt  }
0x4d: {  	_ =	shalt  }
0x4e: {  	_ =	shalt  }
0x4f: {  	_ =	shalt  }
0x50: {  	_ =	shalt  }
0x51: {  	_ =	shalt  }
0x52: {  	_ =	shalt  }
0x53: {  	_ =	shalt  }
0x54: {  	_ =	shalt  }
0x55: {  	_ =	shalt  }
0x56: {  	_ =	shalt  }
0x57: {  	_ =	shalt  }
0x58: {  	_ =	shalt  }
0x59: {  	_ =	shalt  }
0x5a: {  	_ =	shalt  }
0x5b: {  	_ =	shalt  }
0x5c: {  	_ =	shalt  }
0x5d: {  	_ =	shalt  }
0x5e: {  	_ =	shalt  }
0x5f: {  	_ =	shalt  }
0x60: {  	_ =	shalt  }
0x61: {  	_ =	shalt  }
0x62: {  	_ =	shalt  }
0x63: {  	_ =	shalt  }
0x64: {  	_ =	shalt  }
0x65: {  	_ =	shalt  }
0x66: {  	_ =	shalt  }
0x67: {  	_ =	shalt  }
0x68: {  	_ =	shalt  }
0x69: {  	_ =	shalt  }
0x6a: {  	_ =	shalt  }
0x6b: {  	_ =	shalt  }
0x6c: {  	_ =	shalt  }
0x6d: {  	_ =	shalt  }
0x6e: {  	_ =	shalt  }
0x6f: {  	_ =	shalt  }
0x70: {  	_ =	shalt  }
0x71: {  	_ =	shalt  }
0x72: {  	_ =	shalt  }
0x73: {  	_ =	shalt  }
0x74: {  	_ =	shalt  }
0x75: {  	_ =	shalt  }
0x76: {  	_ =	shalt  }
0x77: {  	_ =	shalt  }
0x78: {  	_ =	shalt  }
0x79: {  	_ =	shalt  }
0x7a: {  	_ =	shalt  }
0x7b: {  	_ =	shalt  }
0x7c: {  	_ =	shalt  }
0x7d: {  	_ =	shalt  }
0x7e: {  	_ =	shalt  }
0x7f: {  	_ =	shalt  }
0x80: {  	_ =	shalt  }
0x81: {  	_ =	shalt  }
0x82: {  	_ =	shalt  }
0x83: {  	_ =	shalt  }
0x84: {  	_ =	shalt  }
0x85: {  	_ =	shalt  }
0x86: {  	_ =	shalt  }
0x87: {  	_ =	shalt  }
.Lfunc_end0:
.L_simem_size_0:
called_computation.1_lowered:
.L_overlay_start_0:
0x88: {  	s2 =	sld [smem:$0x3FD9]  }
0x89: {  	s3 =	sld [smem:$0x3FFE];
	_ =	sdelay $0x1  }
0x8a: {  	s1 =	srdreg.scid  }
0x8b: {  	s0 =	sand.u32 $0x1, s1  }
0x8c: {  	s17 =	sshll.u32 s0, $0xA;
	s2 =	sadd.s32 s3, s2  }
0x8d: {  	s2 =	sadd.s32 s2, s17  }
0x8e: {  	[smem:$0x3FC5] =	sst s2  }
0x8f: {  	_ = 	snop  }
0x90: {  	s2 =	sld [smem:$0x3FD0];
	(tm) =	ssettm $0x1  }
0x91: {  	s18 =	sld [smem:$0x3FFB];
	_ =	sdelay $0x3  }
0x92: {  	_ =	strace s18  }
0x93: {  	s3 =	sld [smem:$0x3FFC];
	_ =	sdelay $0x3  }
0x94: {  	_ =	strace s3  }
0x95: {  	s3 =	sld [smem:$0x3FFD];
	_ =	sdelay $0x3  }
0x96: {  	_ =	strace s3  }
0x97: {  	_ =	strace $0x8FFFFFFF  }
0x98: {  	s19 =	sld [smem:$0x3FDB];
	_ =	sdelay $0x1  }
0x99: {  	s4 =	simm.s32 $_scs_section_size  }
0x9a: {  	s5 =	simm.s32 $_size__tile_overlayer_lowered;
	s6 =	simm.s32 $_tile_overlayer_lowered  }
0x9b: {  	s22 =	simm.s32 $0x1BFF;
	s21 =	sshll.u32 s6, $0x1;
	s3 =	sadd.s32 s4, s19  }
0x9c: {  	s7 =	simm.s32 $0x0;
	s20 =	sshll.u32 s5, $0x1;
	s5 =	sadd.s32 s21, s3  }
0x9d: {  	[timem:s7], [sflag:s22] =	dma.local [hbm:s5], s20  }
0x9e: {  	_ =	swait.ge [sflag:s22], s20  }
0x9f: {  	s4 =	ssub.s32 $0x0, s20;
	[sflag:s22] =	ssyncset.done $0x0  }
0xa0: {  	[sflag:s22] =	ssyncadd.s32 s4;
	_ =	sdelay $0x1  }
0xa1: {  	s23 =	simm.s32 $0x1B8B  }
0xa2: {  	_ =	swait.ge [sflag:s23], $0x1  }
0xa3: {  	[sflag:s23] =	ssyncset.done $0x0  }
0xa4: {  	s25 =	simm.s32 $0x1B8E;
	s24 =	sld [smem:$0x3FFE];
	[sflag:s23] =	ssyncadd.s32 $0xFFFFFFFF  }
0xa5: {  	s26 =	simm.s32 $execute0_lowered;
	[smem:$0x3FD2] =	sst s25  }
0xa6: {  	s5 =	sshll.u32 s26, $0x1;
	_ =	strace $0x80000046;
	[dreg:$0x1] =	wrdreg $0xFFFFFFFF  }
0xa7: {  	s28 =	simm.s32 $_size_execute0_lowered;
	s3 =	sadd.s32 s3, s5;
	[dreg:$0x0] =	wrdreg $0x0  }
0xa8: {  	s5 =	sshll.u32 s28, $0x1;
	[dreg:$0x2] =	wrdreg s3  }
0xa9: {  	[dreg:$0x3] =	wrdreg s5  }
0xaa: {  	[dreg:$0x4] =	wrdreg $0xC0  }
0xab: {  	_ =	task [dreg:s7], $0x5FFFF  }
0xac: {  	[dreg:$0x1] =	wrdreg $0xFFFFFFFF  }
0xad: {  	[dreg:$0x0] =	wrdreg $0x60  }
0xae: {  	[dreg:$0x2] =	wrdreg s24  }
0xaf: {  	[dreg:$0x3] =	wrdreg s2  }
0xb0: {  	[dreg:$0x4] =	wrdreg $0x9  }
0xb1: {  	_ =	task.clear_ibuf [dreg:s7], $0x5FFFF;
	_ =	strace $0x90000046  }
0xb2: {  	s29 =	simm.s32 $0x9;
	_ =	strace $0x80000048  }
0xb3: {  	_ =	swait.ge [sflag:s29], $0x1  }
0xb4: {  	[sflag:s29] =	ssyncadd.s32 $0xFFFFFFFF  }
0xb5: {  	_ =	strace $0x90000048  }
0xb6: {  	_ =	sfence  }
0xb7: {  	s30 =	sld [smem:$0x0];
	_ =	sdelay $0x2  }
0xb8: {  	s31 =	sshll.u32 s1, $0xD;
	s1 =	sshrl.u32 s1, $0x2  }
0xb9: {  	s3 =	sand.u32 $0x4000, s31;
	s1 =	sadd.s32 s1, s30  }
0xba: {  	s0 =	sor.u32 s3, s0;
	s1 =	sshll.u32 s1, $0x11  }
0xbb: {  	s0 =	sor.u32 s1, s0  }
0xbc: {  	s0 =	sadd.s32 $0x8F2B, s0  }
0xbd: {  	[sflag:s0] =	ssyncadd.remote.s32 $0x1  }
0xbe: {  	_ =	sfence.sel $0xFFFF  }
0xbf: {  	[dreg:$0x0] =	wrdreg $0xFFFFFFFF;
	(pc) =	sbr.abs _section_cstart, $3  }
0xc0: {  	[dreg:$0x1] =	wrdreg $0xFFFFFFFF  }
0xc1: {  	_ =	task.clear_ibuf [dreg:s7], $0x2FFFF;
	_ =	strace $0x9FFFFFFF  }
0xc2: {  	(tm) =	ssettm $0x7FFFFFFF  }
0xc3: {  	_ =	shalt  }
tec
execute0_lowered:
.L_overlay_start_1:
0x0: {  	(tag) =	ssettag $0x1  }
0x1: {  	s0 =	rddreg [dreg:$0x0]  }
0x2: {  	s1 =	srdreg.scid;
	s3 =	stileid.u32  }
0x3: {  	s2 =	rddreg [dreg:$0x1];
	s10 =	simm.s32 $0x9;
	s11 =	simm.s32 $0x64  }
0x4: {  	s12 =	simm.s32 $0x6800;
	s16 =	simm.s32 $0x9A00;
	s18 =	simm.s32 $0xB300  }
0x5: {  	s19 =	simm.s32 $0xFE00;
	s20 =	simm.s32 $0x11700;
	s21 =	simm.s32 $0x1  }
0x6: {  	s22 =	simm.s32 $0x2;
	s23 =	simm.s32 $0x3;
	s24 =	simm.s32 $0xCC00  }
0x7: {  	s25 =	simm.s32 $0x4;
	s1 =	sand.u32 $0x1, s1;
	s4 =	sshll.u32 s3, $0x1  }
0x8: {  	s28 =	simm.s32 $0x6;
	s29 =	simm.s32 $0x7;
	s7 =	sor.u32 s1, s4  }
0x9: {  	s30 =	simm.s32 $0x8;
	s3 =	simm.s32 $0x0;
	s4 =	smul.u32 $0xD00, s7  }
.Ltmp0:
0xa: {  	[smem:$0x7FF] =	sst s3;
	s1 =	ssub.s32 $0x2, s1;
	(pc) =	sbr.rel .LBB2_1-.Ltmp0, $4  }
0xb: {  	s31 =	simm.s32 $0x0;
	_ =	strace $0x80000047;
	s8 =	sshrl.u32 s1, $0x1  }
0xc: {  	s7 =	sshll.u32 s7, $0x7;
	s26 =	ssub.s32 s1, s8;
	s6 =	sadd.s32 s4, s0  }
0xd: {  	s4 =	sadd.s32 $0xF43000, s0;
	s0 =	sadd.s32 $0x1AC00, s0;
	s8 =	smax.u32 s26, $0x1  }
0xe: {  	s26 =	simm.s32 $0x5;
	[dreg:$0x3] =	wrdreg s0;
	s6 =	sadd.s32 $0xC00, s6  }
.LBB2_12:
0xf: {  	_ =	swait.ge [sflag:s26], $0x3200  }
0x10: {  	[sflag:s26] =	ssyncset.done $0x0  }
0x11: {  	[sflag:s26] =	ssyncadd.s32 $0xFFFFCE00  }
0x12: {  	_ =	swait.ge [sflag:s28], $0x3200  }
0x13: {  	[sflag:s28] =	ssyncset.done $0x0  }
0x14: {  	s31 =	sadd.s32 $0x1, s31;
	[sflag:s28] =	ssyncadd.s32 $0xFFFFCE00  }
0x15: {  	p0 =	sne.s32 s31, s8;
	_ =	swait.ge [sflag:s29], $0x3200  }
.Ltmp1:
0x16: {  	[sflag:s29] =	ssyncset.done $0x0;
	(pc) =	sbr.rel @!p0 .LBB2_13-.Ltmp1, $4  }
0x17: {  	[sflag:s29] =	ssyncadd.s32 $0xFFFFCE00  }
0x18: {  	_ =	swait.ge [sflag:s30], $0x3200  }
0x19: {  	[sflag:s30] =	ssyncset.done $0x0  }
0x1a: {  	[sflag:s30] =	ssyncadd.s32 $0xFFFFCE00  }
.LBB2_1:
0x1b: {  	s0 =	rddreg [dreg:$0x3];
	s1 =	simm.s32 $0x13000  }
0x1c: {  	[tilespmem:s1], [sflag:$0x9] =	stream.linear.gather [hbm4b:s0+s3], $0x3200, $0x38;
	[tilespmem:$0x16200] =	vst v63  }
0x1d: {  	_ =	swait.ge [sflag:s10], $0x3200  }
0x1e: {  	[sflag:s10] =	ssyncset.done $0x0  }
0x1f: {  	[sflag:s10] =	ssyncadd.s32 $0xFFFFCE00  }
0x20: {  	[tilespmem:s3], [sflag:$0x9] =	stream.linear.gather [hbm4b:s6+s3], $0x6800, $0x38;
	[tilespmem:$0x16200] =	vst v63  }
0x21: {  	_ =	swait.ge [sflag:s10], $0x6800  }
0x22: {  	[sflag:s10] =	ssyncset.done $0x0  }
0x23: {  	[sflag:s10] =	ssyncadd.s32 $0xFFFF9800  }
0x24: {  	[tilespmem:s12], [sflag:$0x1] =	stream.indirect.gather [hbm4b:s4+s11], $0x40, s3, s11, $0xb8;
	[tilespmem:$0x16200] =	vst v63  }
0x25: {  	s13 =	simm.s32 $0x68;
	s14 =	simm.s32 $0x8100  }
0x26: {  	[tilespmem:s14], [sflag:$0x1] =	stream.indirect.gather [hbm4b:s4+s11], $0x40, s13, s11, $0xb8;
	[tilespmem:$0x16200] =	vst v63  }
0x27: {  	s15 =	simm.s32 $0xD0  }
0x28: {  	[tilespmem:s16], [sflag:$0x2] =	stream.indirect.gather [hbm4b:s4+s11], $0x40, s15, s11, $0xb8;
	[tilespmem:$0x16200] =	vst v63  }
0x29: {  	s17 =	simm.s32 $0x138;
	s1 =	simm.s32 $0x0  }
0x2a: {  	[tilespmem:s18], [sflag:$0x2] =	stream.indirect.gather [hbm4b:s4+s11], $0x40, s17, s11, $0xb8;
	[tilespmem:$0x16200] =	vst v63  }
.LBB2_2:
0x2b: {  	p0 =	sne.s32 s1, $0x0;
	s13 =	sshll.u32 s1, $0x2  }
0x2c: {  	s0 =	simm.s32 @p0 $0x7;
	s9 =	sor.u32 @p0 $0x2, s13  }
0x2d: {  	_ =	swait.ge @p0 [sflag:s0], $0x3200;
	s14 =	smul.u32 @p0 $0x340, s9  }
0x2e: {  	s15 =	simm.s32 @p0 $0xCC00;
	[sflag:s0] =	ssyncset.done @p0 $0x0  }
0x2f: {  	[sflag:s0] =	ssyncadd.s32 @p0 $0xFFFFCE00;
	s0 =	sshra.s32 @p0 s14, $0x2;
	s14 =	simm.s32 @p0 $0x64  }
0x30: {  	[tilespmem:s15], [sflag:$0x3] =	stream.indirect.gather @p0 [hbm4b:s4+s14], $0x40, s0, s14, $0xb8;
	[tilespmem:$0x16200] =	vst v63  }
0x31: {  	s0 =	sadd.s32 @p0 $0x68, s0;
	s15 =	simm.s32 @p0 $0xE500  }
0x32: {  	[tilespmem:s15], [sflag:$0x3] =	stream.indirect.gather @p0 [hbm4b:s4+s14], $0x40, s0, s14, $0xb8;
	[tilespmem:$0x16200] =	vst v63  }
0x33: {  	s0 =	simm.s32 @p0 $0x8  }
0x34: {  	_ =	swait.ge @p0 [sflag:s0], $0x3200  }
0x35: {  	s14 =	simm.s32 @!p0 $0x64;
	[sflag:s0] =	ssyncset.done @p0 $0x0  }
0x36: {  	s15 =	simm.s32 @!p0 $0xCC00;
	[sflag:s0] =	ssyncadd.s32 @p0 $0xFFFFCE00;
	s0 =	simm.s32 @!p0 $0x1A0  }
0x37: {  	[tilespmem:s15], [sflag:$0x3] =	stream.indirect.gather @!p0 [hbm4b:s4+s14], $0x40, s0, s14, $0xb8;
	[tilespmem:$0x16200] =	vst v63  }
0x38: {  	s0 =	sor.u32 $0x3, s13  }
0x39: {  	s17 =	simm.s32 @!p0 $0xE500;
	s15 =	simm.s32 @!p0 $0x208;
	s5 =	smul.u32 $0x340, s0  }
0x3a: {  	[tilespmem:s17], [sflag:$0x3] =	stream.indirect.gather @!p0 [hbm4b:s4+s14], $0x40, s15, s14, $0xb8;
	[tilespmem:$0x16200] =	vst v63  }
0x3b: {  	s5 =	sshra.s32 s5, $0x2  }
0x3c: {  	[tilespmem:s19], [sflag:$0x4] =	stream.indirect.gather [hbm4b:s4+s11], $0x40, s5, s11, $0xb8;
	[tilespmem:$0x16200] =	vst v63  }
0x3d: {  	s5 =	sadd.s32 $0x68, s5  }
0x3e: {  	[tilespmem:s20], [sflag:$0x4] =	stream.indirect.gather [hbm4b:s4+s11], $0x40, s5, s11, $0xb8;
	[tilespmem:$0x16200] =	vst v63  }
0x3f: {  	_ =	swait.ge [sflag:s21], $0x1900  }
0x40: {  	[sflag:s21] =	ssyncset.done $0x0  }
0x41: {  	[sflag:s21] =	ssyncadd.s32 $0xFFFFE700  }
0x42: {  	_ =	swait.ge [sflag:s21], $0x1900  }
0x43: {  	[sflag:s21] =	ssyncset.done $0x0  }
0x44: {  	s14 =	simm.s32 $0x0;
	[sflag:s21] =	ssyncadd.s32 $0xFFFFE700  }
0x45: {  	v0 =	vld [tilespmem:s14+$0x13000]  }
0x46: {  	v2 =	vld [tilespmem:s14+$0x13010]  }
0x47: {  	v1 =	vld [tilespmem:s14+$0x6800]  }
0x48: {  	v3 =	vld [tilespmem:s14+$0x6810]  }
0x49: {  	v4 =	vld [tilespmem:s14+$0x13020]  }
0x4a: {  	v6 =	vld [tilespmem:s14+$0x6820]  }
0x4b: {  	v5 =	vld [tilespmem:s14+$0x13030]  }
0x4c: {  	v7 =	vld [tilespmem:s14+$0x6830];
	v1 =	vadd.f32 v0, v1;
	_ =	sdelay $0x1  }
0x4d: {  	v0 =	vadd.f32 v2, v3;
	v8 =	vmul.f32 v1, v1  }
0x4e: {  	v3 =	vadd.f32 v4, v6  }
0x4f: {  	v4 =	vmul.f32 v0, v0;
	v8 =	vmul.f32 $7.135481390e-02, v8  }
0x50: {  	v2 =	vadd.f32 v5, v7;
	v6 =	vmul.f32 v3, v3  }
0x51: {  	v4 =	vmul.f32 $7.135481390e-02, v4;
	v5 =	vsub.f32 $-1.595769170e+00, v8  }
0x52: {  	v7 =	vmul.f32 v2, v2;
	v6 =	vmul.f32 $7.135481390e-02, v6  }
0x53: {  	v4 =	vsub.f32 $-1.595769170e+00, v4;
	v5 =	vmul.f32 v5, v1  }
0x54: {  	v7 =	vmul.f32 $7.135481390e-02, v7;
	v6 =	vsub.f32 $-1.595769170e+00, v6  }
0x55: {  	v4 =	vmul.f32 v4, v0;
	v5 =	vmul.f32 $1.442695020e+00, v5  }
0x56: {  	v6 =	vmul.f32 v6, v3  }
0x57: {  	v7 =	vsub.f32 $-1.595769170e+00, v7;
	v4 =	vmul.f32 $1.442695020e+00, v4;
	(erf) = vpow2.f32 v5  }
0x58: {  	v6 =	vmul.f32 $1.442695020e+00, v6  }
0x59: {  	v5 =	vmul.f32 v7, v2;
	v7 =	vld [tilespmem:s14+$0x13040];
	(erf) = vpow2.f32 v4  }
0x5a: {  	(erf) = vpow2.f32 v6;
	v6 =	vld [tilespmem:s14+$0x6840]  }
0x5b: {  	v5 =	vmul.f32 $1.442695020e+00, v5  }
0x5c: {  	v8 =	vld [tilespmem:s14+$0x6850]  }
0x5d: {  	v4 =	vld [tilespmem:s14+$0x13050];
	(erf) = vpow2.f32 v5  }
0x5e: {  	v12 =	vld [tilespmem:s14+$0x6870]  }
0x5f: {  	v5 =	vadd.f32 v7, v6;
	v7 =	vld [tilespmem:s14+$0x13070]  }
0x60: {  	v9 =	vld [tilespmem:s14+$0x13060];
	v11 =	vpop (erf)  }
0x61: {  	v10 =	vld [tilespmem:s14+$0x6860];
	v6 =	vadd.f32 $1.000000000e+00, v11  }
0x62: {  	v4 =	vadd.f32 v4, v8  }
0x63: {  	v15 =	vld [tilespmem:s14+$0x6880];
	v11 =	vmul.f32 v5, v5  }
0x64: {  	v8 =	vld [tilespmem:s14+$0x13080];
	v14 =	vmul.f32 v4, v4;
	v13 =	vpop (erf);
	v7 =	vadd.f32 v7, v12  }
0x65: {  	v13 =	vadd.f32 $1.000000000e+00, v13;
	(erf) = vrcp.f32 v6;
	v11 =	vmul.f32 $7.135481390e-02, v11;
	v6 =	vpop (erf)  }
0x66: {  	v12 =	vmul.f32 v7, v7;
	v16 =	vadd.f32 $1.000000000e+00, v6;
	v6 =	vadd.f32 v9, v10;
	v9 =	vpop (erf)  }
0x67: {  	v17 =	vld [tilespmem:s14+$0x6890];
	v10 =	vmul.f32 $7.135481390e-02, v14;
	(erf) = vrcp.f32 v13;
	v9 =	vadd.f32 $1.000000000e+00, v9  }
0x68: {  	v11 =	vsub.f32 $-1.595769170e+00, v11;
	v14 =	vld [tilespmem:s14+$0x13090];
	v13 =	vmul.f32 v6, v6;
	(erf) = vrcp.f32 v16  }
0x69: {  	v8 =	vadd.f32 v8, v15;
	v12 =	vmul.f32 $7.135481390e-02, v12;
	(erf) = vrcp.f32 v9  }
0x6a: {  	v10 =	vsub.f32 $-1.595769170e+00, v10;
	v9 =	vmul.f32 v11, v5;
	v11 =	vmul.f32 $7.135481390e-02, v13  }
0x6b: {  	v19 =	vld [tilespmem:s14+$0x130B0];
	v16 =	vmul.f32 v8, v8;
	v12 =	vsub.f32 $-1.595769170e+00, v12  }
0x6c: {  	v10 =	vmul.f32 v10, v4;
	v13 =	vld [tilespmem:s14+$0x130A0];
	v15 =	vmul.f32 $1.442695020e+00, v9;
	v11 =	vsub.f32 $-1.595769170e+00, v11  }
0x6d: {  	v9 =	vadd.f32 v14, v17;
	v14 =	vld [tilespmem:s14+$0x68A0];
	v17 =	vmul.f32 $7.135481390e-02, v16;
	v22 =	vmul.f32 v12, v7  }
0x6e: {  	v21 =	vld [tilespmem:s14+$0x68B0];
	v10 =	vmul.f32 $1.442695020e+00, v10;
	v11 =	vmul.f32 v11, v6  }
0x6f: {  	v20 =	vld [tilespmem:s14+$0x130F0];
	v18 =	vmul.f32 v9, v9;
	(erf) = vpow2.f32 v15;
	v15 =	vsub.f32 $-1.595769170e+00, v17  }
0x70: {  	v16 =	vld [tilespmem:s14+$0x130C0];
	(erf) = vpow2.f32 v10;
	v11 =	vmul.f32 $1.442695020e+00, v11  }
0x71: {  	v17 =	vld [tilespmem:s14+$0x130D0];
	v24 =	vmul.f32 $1.442695020e+00, v22;
	v23 =	vmul.f32 $7.135481390e-02, v18  }
0x72: {  	v12 =	vpop (erf);
	v22 =	vld [tilespmem:s14+$0x68D0];
	v25 =	vmul.f32 v15, v8;
	v10 =	vadd.f32 v13, v14;
	(erf) = vpow2.f32 v11  }
0x73: {  	v15 =	vpop (erf);
	v26 =	vsub.f32 $-1.595769170e+00, v23;
	v11 =	vadd.f32 v19, v21;
	v19 =	vld [tilespmem:s14+$0x68C0]  }
0x74: {  	v18 =	vld [tilespmem:s14+$0x130E0];
	v23 =	vmul.f32 $1.442695020e+00, v25;
	v14 =	vpop (erf);
	v25 =	vmul.f32 v10, v10  }
0x75: {  	s9 =	simm.s32 @!p0 $0x2;
	s15 =	simm.s32 $0x400;
	v21 =	vld [tilespmem:s14+$0x68E0];
	v13 =	vpop (erf);
	v26 =	vmul.f32 v26, v9;
	v27 =	vmul.f32 v11, v11  }
.LBB2_3:
0x76: {  	p0 =	sne.s32 s15, $0xC400;
	v25 =	vmul.f32 $7.135481390e-02, v25;
	v28 =	vld [tilespmem:s14+$0x68F0];
	(erf) = vpow2.f32 v24  }
0x77: {  	v24 =	vmul.f32 $1.442695020e+00, v26;
	v26 =	vmul.f32 $7.135481390e-02, v27  }
0x78: {  	v25 =	vsub.f32 $-1.595769170e+00, v25;
	v19 =	vadd.f32 v16, v19;
	v27 =	vpop (erf);
	(erf) = vpow2.f32 v23  }
0x79: {  	v16 =	vsub.f32 $-1.595769170e+00, v26;
	v17 =	vadd.f32 v17, v22;
	v22 =	vpop (erf);
	(erf) = vpow2.f32 v24  }
0x7a: {  	v23 =	vmul.f32 v25, v10;
	v24 =	vmul.f32 v19, v19;
	v18 =	vadd.f32 v18, v21  }
0x7b: {  	v21 =	vmul.f32 v16, v11;
	v25 =	vmul.f32 v17, v17;
	v16 =	vadd.f32 v20, v28;
	v20 =	vpop (erf)  }
0x7c: {  	v24 =	vmul.f32 $7.135481390e-02, v24;
	v26 =	vmul.f32 v18, v18  }
0x7d: {  	v25 =	vmul.f32 $7.135481390e-02, v25;
	v28 =	vmul.f32 v16, v16  }
0x7e: {  	v23 =	vmul.f32 $1.442695020e+00, v23;
	v24 =	vsub.f32 $-1.595769170e+00, v24;
	v26 =	vmul.f32 $7.135481390e-02, v26  }
0x7f: {  	v21 =	vmul.f32 $1.442695020e+00, v21;
	v25 =	vsub.f32 $-1.595769170e+00, v25;
	v30 =	vmul.f32 $7.135481390e-02, v28;
	v29 =	vpop (erf)  }
0x80: {  	v24 =	vmul.f32 v24, v19;
	v31 =	vsub.f32 $-1.595769170e+00, v26;
	(erf) = vpow2.f32 v23  }
0x81: {  	v23 =	vmul.f32 v25, v17;
	v25 =	vsub.f32 $-1.595769170e+00, v30;
	v28 =	vpop (erf);
	(erf) = vpow2.f32 v21  }
0x82: {  	v21 =	vmul.f32 $1.442695020e+00, v24;
	v24 =	vmul.f32 v31, v18;
	v26 =	vpop (erf)  }
0x83: {  	v23 =	vmul.f32 $1.442695020e+00, v23;
	v25 =	vmul.f32 v25, v16  }
0x84: {  	v24 =	vmul.f32 $1.442695020e+00, v24;
	(erf) = vpow2.f32 v21  }
0x85: {  	v21 =	vmul.f32 $1.442695020e+00, v25;
	(erf) = vpow2.f32 v23  }
0x86: {  	v23 =	vadd.f32 $1.000000000e+00, v27;
	(erf) = vpow2.f32 v24  }
0x87: {  	v24 =	vadd.f32 $1.000000000e+00, v22;
	(erf) = vpow2.f32 v21  }
0x88: {  	v25 =	vadd.f32 $1.000000000e+00, v20;
	(erf) = vrcp.f32 v23  }
0x89: {  	v21 =	vadd.f32 $1.000000000e+00, v29;
	(erf) = vrcp.f32 v24;
	v22 =	vpop (erf)  }
0x8a: {  	v23 =	vadd.f32 $1.000000000e+00, v28;
	(erf) = vrcp.f32 v25;
	v20 =	vpop (erf)  }
0x8b: {  	v24 =	vadd.f32 $1.000000000e+00, v26;
	(erf) = vrcp.f32 v21  }
0x8c: {  	v25 =	vadd.f32 $1.000000000e+00, v22;
	(erf) = vrcp.f32 v23  }
0x8d: {  	v23 =	vadd.f32 $1.000000000e+00, v20;
	(erf) = vrcp.f32 v24;
	v22 =	vpop (erf)  }
0x8e: {  	s17 =	sshra.s32 s15, $0x2;
	v1 =	vmul.f32 v12, v1;
	v24 =	vadd.f32 $1.000000000e+00, v22;
	(erf) = vrcp.f32 v25;
	v21 =	vpop (erf)  }
0x8f: {  	v0 =	vmul.f32 v15, v0;
	v22 =	vld [tilespmem:s17+$0x13000];
	v15 =	vadd.f32 $1.000000000e+00, v21;
	(erf) = vrcp.f32 v23;
	v20 =	vpop (erf)  }
0x90: {  	v21 =	vld [tilespmem:s17+$0x13010];
	[tilespmem:s14+$0x6800] =	vst v1;
	v1 =	vmul.f32 v14, v3;
	v3 =	vadd.f32 $1.000000000e+00, v20;
	(erf) = vrcp.f32 v24;
	v12 =	vpop (erf)  }
0x91: {  	v14 =	vld [tilespmem:s17+$0x6800];
	[tilespmem:s14+$0x6810] =	vst v0;
	v0 =	vmul.f32 v13, v2;
	v2 =	vadd.f32 $1.000000000e+00, v12;
	v12 =	vpop (erf);
	(erf) = vrcp.f32 v15  }
0x92: {  	v13 =	vld [tilespmem:s17+$0x6810];
	[tilespmem:s14+$0x6820] =	vst v1;
	v12 =	vmul.f32 v12, v5;
	v5 =	vpop (erf);
	(erf) = vrcp.f32 v3  }
0x93: {  	v3 =	vld [tilespmem:s17+$0x13020];
	[tilespmem:s14+$0x6830] =	vst v0;
	v15 =	vmul.f32 v5, v4;
	v4 =	vpop (erf);
	(erf) = vrcp.f32 v2  }
0x94: {  	v2 =	vld [tilespmem:s17+$0x13030];
	[tilespmem:s14+$0x6840] =	vst v12;
	v4 =	vmul.f32 v4, v6;
	v1 =	vpop (erf)  }
0x95: {  	v5 =	vld [tilespmem:s17+$0x6820];
	[tilespmem:s14+$0x6850] =	vst v15;
	v6 =	vmul.f32 v1, v7;
	v0 =	vpop (erf)  }
0x96: {  	v1 =	vadd.f32 v22, v14;
	v7 =	vld [tilespmem:s17+$0x6830];
	[tilespmem:s14+$0x6860] =	vst v4;
	v4 =	vmul.f32 v0, v8;
	v8 =	vpop (erf)  }
0x97: {  	v0 =	vadd.f32 v21, v13;
	[tilespmem:s14+$0x6870] =	vst v6;
	v6 =	vmul.f32 v8, v9;
	v8 =	vpop (erf)  }
0x98: {  	v9 =	vmul.f32 v1, v1;
	[tilespmem:s14+$0x6880] =	vst v4;
	v4 =	vmul.f32 v8, v10;
	v8 =	vpop (erf)  }
0x99: {  	v10 =	vmul.f32 v0, v0;
	[tilespmem:s14+$0x6890] =	vst v6;
	v11 =	vmul.f32 v8, v11;
	v8 =	vpop (erf)  }
0x9a: {  	v9 =	vmul.f32 $7.135481390e-02, v9;
	v3 =	vadd.f32 v3, v5;
	[tilespmem:s14+$0x68A0] =	vst v4;
	v4 =	vmul.f32 v8, v19;
	v5 =	vpop (erf)  }
0x9b: {  	v8 =	vmul.f32 $7.135481390e-02, v10;
	v2 =	vadd.f32 v2, v7;
	[tilespmem:s14+$0x68B0] =	vst v11;
	v5 =	vmul.f32 v5, v17;
	v6 =	vpop (erf)  }
0x9c: {  	v7 =	vsub.f32 $-1.595769170e+00, v9;
	v9 =	vmul.f32 v3, v3;
	[tilespmem:s14+$0x68C0] =	vst v4;
	v4 =	vmul.f32 v6, v18;
	v6 =	vpop (erf)  }
0x9d: {  	v10 =	vmul.f32 v2, v2;
	[tilespmem:s14+$0x68D0] =	vst v5;
	v5 =	vmul.f32 v6, v16  }
0x9e: {  	v6 =	vmul.f32 v7, v1;
	v7 =	vmul.f32 $7.135481390e-02, v9;
	[tilespmem:s14+$0x68E0] =	vst v4  }
0x9f: {  	v4 =	vsub.f32 $-1.595769170e+00, v8;
	v8 =	vmul.f32 $7.135481390e-02, v10;
	[tilespmem:s14+$0x68F0] =	vst v5;
	s14 =	smov.u32 s17  }
0xa0: {  	v5 =	vmul.f32 $1.442695020e+00, v6;
	v6 =	vsub.f32 $-1.595769170e+00, v7  }
0xa1: {  	v4 =	vmul.f32 v4, v0;
	v7 =	vsub.f32 $-1.595769170e+00, v8  }
0xa2: {  	v6 =	vmul.f32 v6, v3;
	(erf) = vpow2.f32 v5  }
0xa3: {  	v4 =	vmul.f32 $1.442695020e+00, v4;
	v5 =	vmul.f32 v7, v2  }
0xa4: {  	v6 =	vmul.f32 $1.442695020e+00, v6  }
0xa5: {  	v5 =	vmul.f32 $1.442695020e+00, v5;
	v7 =	vld [tilespmem:s14+$0x13040];
	(erf) = vpow2.f32 v4  }
0xa6: {  	v4 =	vld [tilespmem:s14+$0x13050];
	(erf) = vpow2.f32 v6  }
0xa7: {  	v6 =	vld [tilespmem:s14+$0x6840];
	(erf) = vpow2.f32 v5  }
0xa8: {  	v8 =	vld [tilespmem:s14+$0x6850];
	_ =	sdelay $0x1  }
0xa9: {  	v9 =	vld [tilespmem:s14+$0x13060]  }
0xaa: {  	v10 =	vld [tilespmem:s14+$0x6860];
	v11 =	vpop (erf)  }
0xab: {  	v5 =	vadd.f32 v7, v6;
	v7 =	vld [tilespmem:s14+$0x13070]  }
0xac: {  	v16 =	vadd.f32 $1.000000000e+00, v11;
	v4 =	vadd.f32 v4, v8;
	v8 =	vld [tilespmem:s14+$0x13080]  }
0xad: {  	v11 =	vmul.f32 v5, v5;
	v12 =	vld [tilespmem:s14+$0x6870];
	v13 =	vpop (erf)  }
0xae: {  	v13 =	vadd.f32 $1.000000000e+00, v13;
	v14 =	vmul.f32 v4, v4;
	v15 =	vld [tilespmem:s14+$0x6880];
	(erf) = vrcp.f32 v16;
	v6 =	vpop (erf)  }
0xaf: {  	v16 =	vadd.f32 $1.000000000e+00, v6;
	v11 =	vmul.f32 $7.135481390e-02, v11;
	v6 =	vadd.f32 v9, v10;
	v9 =	vpop (erf)  }
0xb0: {  	v9 =	vadd.f32 $1.000000000e+00, v9;
	v10 =	vmul.f32 $7.135481390e-02, v14;
	v14 =	vld [tilespmem:s14+$0x13090];
	(erf) = vrcp.f32 v13  }
0xb1: {  	v11 =	vsub.f32 $-1.595769170e+00, v11;
	v13 =	vmul.f32 v6, v6;
	v17 =	vld [tilespmem:s14+$0x6890];
	(erf) = vrcp.f32 v16  }
0xb2: {  	v10 =	vsub.f32 $-1.595769170e+00, v10;
	v7 =	vadd.f32 v7, v12;
	(erf) = vrcp.f32 v9  }
0xb3: {  	v9 =	vmul.f32 v11, v5;
	v11 =	vmul.f32 $7.135481390e-02, v13;
	v8 =	vadd.f32 v8, v15  }
0xb4: {  	v10 =	vmul.f32 v10, v4;
	v22 =	vmul.f32 v7, v7;
	v13 =	vld [tilespmem:s14+$0x130A0]  }
0xb5: {  	v15 =	vmul.f32 $1.442695020e+00, v9;
	v11 =	vsub.f32 $-1.595769170e+00, v11;
	v16 =	vmul.f32 v8, v8;
	v19 =	vld [tilespmem:s14+$0x130B0]  }
0xb6: {  	v10 =	vmul.f32 $1.442695020e+00, v10;
	v18 =	vmul.f32 $7.135481390e-02, v22;
	v9 =	vadd.f32 v14, v17;
	v20 =	vld [tilespmem:s14+$0x68A0]  }
0xb7: {  	v11 =	vmul.f32 v11, v6;
	v25 =	vmul.f32 $7.135481390e-02, v16;
	v21 =	vld [tilespmem:s14+$0x68B0];
	v12 =	vpop (erf)  }
0xb8: {  	v18 =	vsub.f32 $-1.595769170e+00, v18;
	v22 =	vmul.f32 v9, v9;
	v16 =	vld [tilespmem:s14+$0x130C0];
	(erf) = vpow2.f32 v15  }
0xb9: {  	v11 =	vmul.f32 $1.442695020e+00, v11;
	v23 =	vsub.f32 $-1.595769170e+00, v25;
	v17 =	vld [tilespmem:s14+$0x130D0];
	v15 =	vpop (erf);
	(erf) = vpow2.f32 v10  }
.Ltmp2:
0xba: {  	v24 =	vmul.f32 v18, v7;
	v22 =	vmul.f32 $7.135481390e-02, v22;
	v18 =	vld [tilespmem:s14+$0x130E0];
	v14 =	vpop (erf);
	(pc) =	sbr.rel @p0 .LBB2_3-.Ltmp2, $4  }
0xbb: {  	v23 =	vmul.f32 v23, v8;
	v10 =	vadd.f32 v13, v20;
	v20 =	vld [tilespmem:s14+$0x130F0];
	v13 =	vpop (erf);
	(erf) = vpow2.f32 v11  }
0xbc: {  	v24 =	vmul.f32 $1.442695020e+00, v24;
	v26 =	vsub.f32 $-1.595769170e+00, v22;
	v11 =	vadd.f32 v19, v21;
	v19 =	vld [tilespmem:s14+$0x68C0]  }
0xbd: {  	v23 =	vmul.f32 $1.442695020e+00, v23;
	v25 =	vmul.f32 v10, v10;
	v22 =	vld [tilespmem:s14+$0x68D0]  }
0xbe: {  	s15 =	sadd.s32 $0x400, s15;
	v26 =	vmul.f32 v26, v9;
	v27 =	vmul.f32 v11, v11;
	v21 =	vld [tilespmem:s14+$0x68E0]  }
0xbf: {  	_ = 	snop  }
0xc0: {  	v25 =	vmul.f32 $7.135481390e-02, v25;
	v28 =	vld [tilespmem:s14+$0x68F0];
	(erf) = vpow2.f32 v24  }
0xc1: {  	v24 =	vmul.f32 $1.442695020e+00, v26;
	v26 =	vmul.f32 $7.135481390e-02, v27;
	v16 =	vadd.f32 v16, v19  }
0xc2: {  	(erf) = vpow2.f32 v23;
	v25 =	vsub.f32 $-1.595769170e+00, v25;
	v17 =	vadd.f32 v17, v22  }
0xc3: {  	v19 =	vsub.f32 $-1.595769170e+00, v26;
	(erf) = vpow2.f32 v24;
	v23 =	vmul.f32 v16, v16  }
0xc4: {  	v22 =	vmul.f32 v25, v10;
	v18 =	vadd.f32 v18, v21;
	v21 =	vmul.f32 v17, v17  }
0xc5: {  	v19 =	vmul.f32 v19, v11;
	v20 =	vadd.f32 v20, v28;
	v23 =	vmul.f32 $7.135481390e-02, v23  }
0xc6: {  	v24 =	vmul.f32 v18, v18;
	v21 =	vmul.f32 $7.135481390e-02, v21  }
0xc7: {  	v22 =	vmul.f32 $1.442695020e+00, v22;
	v25 =	vmul.f32 v20, v20;
	v23 =	vsub.f32 $-1.595769170e+00, v23  }
0xc8: {  	v19 =	vmul.f32 $1.442695020e+00, v19;
	v24 =	vmul.f32 $7.135481390e-02, v24;
	v21 =	vsub.f32 $-1.595769170e+00, v21  }
0xc9: {  	v25 =	vmul.f32 $7.135481390e-02, v25;
	v23 =	vmul.f32 v23, v16  }
0xca: {  	(erf) = vpow2.f32 v22;
	v24 =	vsub.f32 $-1.595769170e+00, v24;
	v21 =	vmul.f32 v21, v17  }
0xcb: {  	(erf) = vpow2.f32 v19;
	v22 =	vsub.f32 $-1.595769170e+00, v25;
	v19 =	vmul.f32 $1.442695020e+00, v23  }
0xcc: {  	v23 =	vmul.f32 v24, v18;
	v21 =	vmul.f32 $1.442695020e+00, v21  }
0xcd: {  	v22 =	vmul.f32 v22, v20  }
0xce: {  	v23 =	vmul.f32 $1.442695020e+00, v23  }
0xcf: {  	(erf) = vpow2.f32 v19;
	v22 =	vmul.f32 $1.442695020e+00, v22;
	v19 =	vpop (erf)  }
0xd0: {  	(erf) = vpow2.f32 v21;
	v21 =	vpop (erf);
	v19 =	vadd.f32 $1.000000000e+00, v19  }
0xd1: {  	v21 =	vadd.f32 $1.000000000e+00, v21  }
0xd2: {  	(erf) = vpow2.f32 v23;
	v23 =	vpop (erf)  }
0xd3: {  	(erf) = vpow2.f32 v22;
	v22 =	vpop (erf)  }
0xd4: {  	v23 =	vadd.f32 $1.000000000e+00, v23;
	(erf) = vrcp.f32 v19;
	v19 =	vpop (erf)  }
0xd5: {  	v22 =	vadd.f32 $1.000000000e+00, v22;
	(erf) = vrcp.f32 v21;
	v21 =	vpop (erf)  }
0xd6: {  	v21 =	vadd.f32 $1.000000000e+00, v21  }
0xd7: {  	v19 =	vadd.f32 $1.000000000e+00, v19;
	(erf) = vrcp.f32 v23  }
0xd8: {  	v23 =	vpop (erf);
	(erf) = vrcp.f32 v22  }
0xd9: {  	v22 =	vpop (erf);
	(erf) = vrcp.f32 v19  }
0xda: {  	v19 =	vadd.f32 $1.000000000e+00, v22;
	(erf) = vrcp.f32 v21;
	v21 =	vpop (erf)  }
0xdb: {  	v1 =	vmul.f32 v12, v1;
	v23 =	vadd.f32 $1.000000000e+00, v23;
	v12 =	vadd.f32 $1.000000000e+00, v21;
	_ =	sdelay $0x1  }
0xdc: {  	v0 =	vmul.f32 v15, v0;
	(erf) = vrcp.f32 v23;
	v21 =	vpop (erf)  }
0xdd: {  	[tilespmem:s14+$0x6800] =	vst v1;
	v1 =	vmul.f32 v14, v3;
	(erf) = vrcp.f32 v19;
	v19 =	vpop (erf)  }
0xde: {  	v15 =	vadd.f32 $1.000000000e+00, v21;
	v3 =	vadd.f32 $1.000000000e+00, v19;
	(erf) = vrcp.f32 v12;
	v12 =	vpop (erf)  }
0xdf: {  	[tilespmem:s14+$0x6810] =	vst v0;
	v0 =	vmul.f32 v13, v2;
	v2 =	vadd.f32 $1.000000000e+00, v12  }
0xe0: {  	v12 =	vpop (erf);
	(erf) = vrcp.f32 v15  }
0xe1: {  	[tilespmem:s14+$0x6820] =	vst v1;
	v1 =	vmul.f32 v12, v5;
	v5 =	vpop (erf);
	(erf) = vrcp.f32 v3  }
0xe2: {  	[tilespmem:s14+$0x6830] =	vst v0;
	v0 =	vmul.f32 v5, v4;
	v3 =	vpop (erf);
	(erf) = vrcp.f32 v2  }
0xe3: {  	[tilespmem:s14+$0x6840] =	vst v1;
	v1 =	vmul.f32 v3, v6;
	v2 =	vpop (erf)  }
0xe4: {  	[tilespmem:s14+$0x6850] =	vst v0;
	v0 =	vmul.f32 v2, v7;
	v2 =	vpop (erf)  }
0xe5: {  	[tilespmem:s14+$0x6860] =	vst v1;
	v1 =	vmul.f32 v2, v8;
	v2 =	vpop (erf)  }
0xe6: {  	[tilespmem:s14+$0x6870] =	vst v0;
	v0 =	vmul.f32 v2, v9;
	v2 =	vpop (erf)  }
0xe7: {  	[tilespmem:s14+$0x6880] =	vst v1;
	v1 =	vmul.f32 v2, v10;
	v2 =	vpop (erf)  }
0xe8: {  	[tilespmem:s14+$0x6890] =	vst v0;
	v0 =	vmul.f32 v2, v11;
	v2 =	vpop (erf)  }
0xe9: {  	[tilespmem:s14+$0x68A0] =	vst v1;
	v1 =	vmul.f32 v2, v16;
	v2 =	vpop (erf)  }
0xea: {  	[tilespmem:s14+$0x68B0] =	vst v0;
	v0 =	vmul.f32 v2, v17;
	v2 =	vpop (erf)  }
0xeb: {  	s5 =	sadd.s32 s7, s13;
	[tilespmem:s14+$0x68C0] =	vst v1;
	v1 =	vmul.f32 v2, v18;
	v2 =	vpop (erf)  }
0xec: {  	s5 =	smul.u32 $0x640, s5;
	[tilespmem:s14+$0x68D0] =	vst v0;
	v0 =	vmul.f32 v2, v20  }
0xed: {  	[tilespmem:s14+$0x68E0] =	vst v1  }
0xee: {  	s17 =	simm.s32 $0x0;
	s5 =	sadd.s32 s2, s5;
	[tilespmem:s14+$0x68F0] =	vst v0  }
0xef: {  	[hbm4b:s5+s17] =	stream.linear.scatter [tilespmem:s12], [sflag:$0x5], $0x3200, $0x38;
	[tilespmem:$0x16200] =	vst v63  }
0xf0: {  	_ =	swait.ge [sflag:s22], $0x1900  }
0xf1: {  	[sflag:s22] =	ssyncset.done $0x0  }
0xf2: {  	[sflag:s22] =	ssyncadd.s32 $0xFFFFE700  }
0xf3: {  	_ =	swait.ge [sflag:s22], $0x1900  }
0xf4: {  	[sflag:s22] =	ssyncset.done $0x0  }
0xf5: {  	s14 =	simm.s32 $0x0;
	[sflag:s22] =	ssyncadd.s32 $0xFFFFE700  }
0xf6: {  	v0 =	vld [tilespmem:s14+$0x13000]  }
0xf7: {  	v2 =	vld [tilespmem:s14+$0x13010]  }
0xf8: {  	v1 =	vld [tilespmem:s14+$0x9A00]  }
0xf9: {  	v3 =	vld [tilespmem:s14+$0x9A10]  }
0xfa: {  	v4 =	vld [tilespmem:s14+$0x13020]  }
0xfb: {  	v5 =	vld [tilespmem:s14+$0x13030]  }
0xfc: {  	v6 =	vld [tilespmem:s14+$0x9A20]  }
0xfd: {  	v7 =	vld [tilespmem:s14+$0x9A30];
	v1 =	vadd.f32 v0, v1;
	_ =	sdelay $0x1  }
0xfe: {  	v8 =	vmul.f32 v1, v1  }
0xff: {  	v0 =	vadd.f32 v2, v3  }
0x100: {  	v3 =	vadd.f32 v4, v6;
	v8 =	vmul.f32 $7.135481390e-02, v8  }
0x101: {  	v2 =	vadd.f32 v5, v7;
	v4 =	vmul.f32 v0, v0  }
0x102: {  	v6 =	vmul.f32 v3, v3;
	v5 =	vsub.f32 $-1.595769170e+00, v8  }
0x103: {  	v7 =	vmul.f32 v2, v2;
	v4 =	vmul.f32 $7.135481390e-02, v4  }
0x104: {  	v6 =	vmul.f32 $7.135481390e-02, v6;
	v5 =	vmul.f32 v5, v1  }
0x105: {  	v4 =	vsub.f32 $-1.595769170e+00, v4  }
0x106: {  	v7 =	vmul.f32 $7.135481390e-02, v7;
	v6 =	vsub.f32 $-1.595769170e+00, v6;
	v5 =	vmul.f32 $1.442695020e+00, v5  }
0x107: {  	v4 =	vmul.f32 v4, v0  }
0x108: {  	v7 =	vsub.f32 $-1.595769170e+00, v7;
	v6 =	vmul.f32 v6, v3;
	(erf) = vpow2.f32 v5  }
0x109: {  	v4 =	vmul.f32 $1.442695020e+00, v4  }
0x10a: {  	v6 =	vmul.f32 $1.442695020e+00, v6;
	v5 =	vmul.f32 v7, v2  }
0x10b: {  	v7 =	vld [tilespmem:s14+$0x13040];
	(erf) = vpow2.f32 v4  }
0x10c: {  	v5 =	vmul.f32 $1.442695020e+00, v5;
	(erf) = vpow2.f32 v6;
	v6 =	vld [tilespmem:s14+$0x9A40]  }
0x10d: {  	v8 =	vld [tilespmem:s14+$0x9A50]  }
0x10e: {  	v4 =	vld [tilespmem:s14+$0x13050];
	(erf) = vpow2.f32 v5  }
0x10f: {  	v9 =	vld [tilespmem:s14+$0x13060]  }
0x110: {  	v12 =	vld [tilespmem:s14+$0x9A70]  }
0x111: {  	v5 =	vadd.f32 v7, v6;
	v7 =	vld [tilespmem:s14+$0x13070];
	v11 =	vpop (erf)  }
0x112: {  	v10 =	vld [tilespmem:s14+$0x9A60];
	v6 =	vadd.f32 $1.000000000e+00, v11  }
0x113: {  	v4 =	vadd.f32 v4, v8  }
0x114: {  	v15 =	vld [tilespmem:s14+$0x9A80];
	v11 =	vmul.f32 v5, v5;
	v13 =	vpop (erf)  }
0x115: {  	v8 =	vld [tilespmem:s14+$0x13080];
	v14 =	vmul.f32 v4, v4;
	v13 =	vadd.f32 $1.000000000e+00, v13  }
0x116: {  	(erf) = vrcp.f32 v6;
	v11 =	vmul.f32 $7.135481390e-02, v11;
	v7 =	vadd.f32 v7, v12;
	v6 =	vpop (erf)  }
0x117: {  	(erf) = vrcp.f32 v13;
	v16 =	vadd.f32 $1.000000000e+00, v6;
	v6 =	vadd.f32 v9, v10;
	v9 =	vpop (erf)  }
0x118: {  	v17 =	vld [tilespmem:s14+$0x9A90];
	v12 =	vmul.f32 v7, v7;
	v10 =	vmul.f32 $7.135481390e-02, v14;
	v9 =	vadd.f32 $1.000000000e+00, v9  }
0x119: {  	v11 =	vsub.f32 $-1.595769170e+00, v11;
	v14 =	vld [tilespmem:s14+$0x13090];
	v13 =	vmul.f32 v6, v6;
	(erf) = vrcp.f32 v16  }
0x11a: {  	v8 =	vadd.f32 v8, v15;
	v12 =	vmul.f32 $7.135481390e-02, v12;
	(erf) = vrcp.f32 v9  }
0x11b: {  	v10 =	vsub.f32 $-1.595769170e+00, v10;
	v9 =	vmul.f32 v11, v5;
	v11 =	vmul.f32 $7.135481390e-02, v13  }
0x11c: {  	v19 =	vld [tilespmem:s14+$0x130B0];
	v16 =	vmul.f32 v8, v8;
	v12 =	vsub.f32 $-1.595769170e+00, v12  }
0x11d: {  	v10 =	vmul.f32 v10, v4;
	v13 =	vld [tilespmem:s14+$0x130A0];
	v15 =	vmul.f32 $1.442695020e+00, v9;
	v11 =	vsub.f32 $-1.595769170e+00, v11  }
0x11e: {  	v9 =	vadd.f32 v14, v17;
	v14 =	vld [tilespmem:s14+$0x9AA0];
	v17 =	vmul.f32 $7.135481390e-02, v16;
	v22 =	vmul.f32 v12, v7  }
0x11f: {  	v21 =	vld [tilespmem:s14+$0x9AB0];
	v10 =	vmul.f32 $1.442695020e+00, v10;
	v11 =	vmul.f32 v11, v6  }
0x120: {  	v20 =	vld [tilespmem:s14+$0x130F0];
	v18 =	vmul.f32 v9, v9;
	(erf) = vpow2.f32 v15;
	v15 =	vsub.f32 $-1.595769170e+00, v17  }
0x121: {  	v16 =	vld [tilespmem:s14+$0x130C0];
	(erf) = vpow2.f32 v10;
	v11 =	vmul.f32 $1.442695020e+00, v11  }
0x122: {  	v17 =	vld [tilespmem:s14+$0x130D0];
	v24 =	vmul.f32 $1.442695020e+00, v22;
	v23 =	vmul.f32 $7.135481390e-02, v18  }
0x123: {  	v12 =	vpop (erf);
	v22 =	vld [tilespmem:s14+$0x9AD0];
	v25 =	vmul.f32 v15, v8;
	v10 =	vadd.f32 v13, v14;
	(erf) = vpow2.f32 v11  }
0x124: {  	v15 =	vpop (erf);
	v26 =	vsub.f32 $-1.595769170e+00, v23;
	v11 =	vadd.f32 v19, v21;
	v19 =	vld [tilespmem:s14+$0x9AC0]  }
0x125: {  	v18 =	vld [tilespmem:s14+$0x130E0];
	v23 =	vmul.f32 $1.442695020e+00, v25;
	v14 =	vpop (erf);
	v27 =	vmul.f32 v10, v10  }
0x126: {  	s15 =	simm.s32 $0x400;
	v21 =	vld [tilespmem:s14+$0x9AE0];
	v13 =	vpop (erf);
	v25 =	vmul.f32 v26, v9;
	v26 =	vmul.f32 v11, v11  }
.LBB2_5:
0x127: {  	p0 =	sne.s32 s15, $0xC400;
	v29 =	vmul.f32 $7.135481390e-02, v27;
	v28 =	vld [tilespmem:s14+$0x9AF0];
	(erf) = vpow2.f32 v24  }
0x128: {  	v24 =	vmul.f32 $1.442695020e+00, v25;
	v25 =	vmul.f32 $7.135481390e-02, v26  }
0x129: {  	v26 =	vsub.f32 $-1.595769170e+00, v29;
	v19 =	vadd.f32 v16, v19;
	v27 =	vpop (erf);
	(erf) = vpow2.f32 v23  }
0x12a: {  	v16 =	vsub.f32 $-1.595769170e+00, v25;
	v17 =	vadd.f32 v17, v22;
	v22 =	vpop (erf);
	(erf) = vpow2.f32 v24  }
0x12b: {  	v23 =	vmul.f32 v26, v10;
	v24 =	vmul.f32 v19, v19;
	v18 =	vadd.f32 v18, v21  }
0x12c: {  	v21 =	vmul.f32 v16, v11;
	v25 =	vmul.f32 v17, v17;
	v16 =	vadd.f32 v20, v28;
	v20 =	vpop (erf)  }
0x12d: {  	v24 =	vmul.f32 $7.135481390e-02, v24;
	v26 =	vmul.f32 v18, v18  }
0x12e: {  	v25 =	vmul.f32 $7.135481390e-02, v25;
	v28 =	vmul.f32 v16, v16  }
0x12f: {  	v23 =	vmul.f32 $1.442695020e+00, v23;
	v24 =	vsub.f32 $-1.595769170e+00, v24;
	v26 =	vmul.f32 $7.135481390e-02, v26  }
0x130: {  	v21 =	vmul.f32 $1.442695020e+00, v21;
	v25 =	vsub.f32 $-1.595769170e+00, v25;
	v30 =	vmul.f32 $7.135481390e-02, v28;
	v29 =	vpop (erf)  }
0x131: {  	v24 =	vmul.f32 v24, v19;
	v31 =	vsub.f32 $-1.595769170e+00, v26;
	(erf) = vpow2.f32 v23  }
0x132: {  	v23 =	vmul.f32 v25, v17;
	v25 =	vsub.f32 $-1.595769170e+00, v30;
	v28 =	vpop (erf);
	(erf) = vpow2.f32 v21  }
0x133: {  	v21 =	vmul.f32 $1.442695020e+00, v24;
	v24 =	vmul.f32 v31, v18;
	v26 =	vpop (erf)  }
0x134: {  	v23 =	vmul.f32 $1.442695020e+00, v23;
	v25 =	vmul.f32 v25, v16  }
0x135: {  	v24 =	vmul.f32 $1.442695020e+00, v24;
	(erf) = vpow2.f32 v21  }
0x136: {  	v21 =	vmul.f32 $1.442695020e+00, v25;
	(erf) = vpow2.f32 v23  }
0x137: {  	v23 =	vadd.f32 $1.000000000e+00, v27;
	(erf) = vpow2.f32 v24  }
0x138: {  	v24 =	vadd.f32 $1.000000000e+00, v22;
	(erf) = vpow2.f32 v21  }
0x139: {  	v25 =	vadd.f32 $1.000000000e+00, v20;
	(erf) = vrcp.f32 v23  }
0x13a: {  	v21 =	vadd.f32 $1.000000000e+00, v29;
	(erf) = vrcp.f32 v24;
	v22 =	vpop (erf)  }
0x13b: {  	v23 =	vadd.f32 $1.000000000e+00, v28;
	(erf) = vrcp.f32 v25;
	v20 =	vpop (erf)  }
0x13c: {  	v24 =	vadd.f32 $1.000000000e+00, v26;
	(erf) = vrcp.f32 v21  }
0x13d: {  	v25 =	vadd.f32 $1.000000000e+00, v22;
	(erf) = vrcp.f32 v23  }
0x13e: {  	v23 =	vadd.f32 $1.000000000e+00, v20;
	(erf) = vrcp.f32 v24;
	v22 =	vpop (erf)  }
0x13f: {  	s17 =	sshra.s32 s15, $0x2;
	v1 =	vmul.f32 v12, v1;
	v24 =	vadd.f32 $1.000000000e+00, v22;
	(erf) = vrcp.f32 v25;
	v21 =	vpop (erf)  }
0x140: {  	v0 =	vmul.f32 v15, v0;
	v22 =	vld [tilespmem:s17+$0x13000];
	v15 =	vadd.f32 $1.000000000e+00, v21;
	(erf) = vrcp.f32 v23;
	v20 =	vpop (erf)  }
0x141: {  	v21 =	vld [tilespmem:s17+$0x13010];
	[tilespmem:s14+$0x9A00] =	vst v1;
	v1 =	vmul.f32 v14, v3;
	v3 =	vadd.f32 $1.000000000e+00, v20;
	(erf) = vrcp.f32 v24;
	v12 =	vpop (erf)  }
0x142: {  	v14 =	vld [tilespmem:s17+$0x9A00];
	[tilespmem:s14+$0x9A10] =	vst v0;
	v0 =	vmul.f32 v13, v2;
	v2 =	vadd.f32 $1.000000000e+00, v12;
	v12 =	vpop (erf);
	(erf) = vrcp.f32 v15  }
0x143: {  	v13 =	vld [tilespmem:s17+$0x9A10];
	[tilespmem:s14+$0x9A20] =	vst v1;
	v12 =	vmul.f32 v12, v5;
	v5 =	vpop (erf);
	(erf) = vrcp.f32 v3  }
0x144: {  	v3 =	vld [tilespmem:s17+$0x13020];
	[tilespmem:s14+$0x9A30] =	vst v0;
	v15 =	vmul.f32 v5, v4;
	v4 =	vpop (erf);
	(erf) = vrcp.f32 v2  }
0x145: {  	v2 =	vld [tilespmem:s17+$0x13030];
	[tilespmem:s14+$0x9A40] =	vst v12;
	v4 =	vmul.f32 v4, v6;
	v1 =	vpop (erf)  }
0x146: {  	v5 =	vld [tilespmem:s17+$0x9A20];
	[tilespmem:s14+$0x9A50] =	vst v15;
	v6 =	vmul.f32 v1, v7;
	v0 =	vpop (erf)  }
0x147: {  	v1 =	vadd.f32 v22, v14;
	v7 =	vld [tilespmem:s17+$0x9A30];
	[tilespmem:s14+$0x9A60] =	vst v4;
	v4 =	vmul.f32 v0, v8;
	v8 =	vpop (erf)  }
0x148: {  	v0 =	vadd.f32 v21, v13;
	[tilespmem:s14+$0x9A70] =	vst v6;
	v6 =	vmul.f32 v8, v9;
	v8 =	vpop (erf)  }
0x149: {  	v9 =	vmul.f32 v1, v1;
	[tilespmem:s14+$0x9A80] =	vst v4;
	v4 =	vmul.f32 v8, v10;
	v8 =	vpop (erf)  }
0x14a: {  	v10 =	vmul.f32 v0, v0;
	[tilespmem:s14+$0x9A90] =	vst v6;
	v11 =	vmul.f32 v8, v11;
	v8 =	vpop (erf)  }
0x14b: {  	v9 =	vmul.f32 $7.135481390e-02, v9;
	v3 =	vadd.f32 v3, v5;
	[tilespmem:s14+$0x9AA0] =	vst v4;
	v4 =	vmul.f32 v8, v19;
	v5 =	vpop (erf)  }
0x14c: {  	v8 =	vmul.f32 $7.135481390e-02, v10;
	v2 =	vadd.f32 v2, v7;
	[tilespmem:s14+$0x9AB0] =	vst v11;
	v5 =	vmul.f32 v5, v17;
	v6 =	vpop (erf)  }
0x14d: {  	v7 =	vsub.f32 $-1.595769170e+00, v9;
	v9 =	vmul.f32 v3, v3;
	[tilespmem:s14+$0x9AC0] =	vst v4;
	v4 =	vmul.f32 v6, v18;
	v6 =	vpop (erf)  }
0x14e: {  	v10 =	vmul.f32 v2, v2;
	[tilespmem:s14+$0x9AD0] =	vst v5;
	v5 =	vmul.f32 v6, v16  }
0x14f: {  	v6 =	vmul.f32 v7, v1;
	v7 =	vmul.f32 $7.135481390e-02, v9;
	[tilespmem:s14+$0x9AE0] =	vst v4  }
0x150: {  	v4 =	vsub.f32 $-1.595769170e+00, v8;
	v8 =	vmul.f32 $7.135481390e-02, v10;
	[tilespmem:s14+$0x9AF0] =	vst v5;
	s14 =	smov.u32 s17  }
0x151: {  	v5 =	vmul.f32 $1.442695020e+00, v6;
	v6 =	vsub.f32 $-1.595769170e+00, v7  }
0x152: {  	v4 =	vmul.f32 v4, v0;
	v7 =	vsub.f32 $-1.595769170e+00, v8  }
0x153: {  	v6 =	vmul.f32 v6, v3;
	(erf) = vpow2.f32 v5  }
0x154: {  	v4 =	vmul.f32 $1.442695020e+00, v4;
	v5 =	vmul.f32 v7, v2  }
0x155: {  	v6 =	vmul.f32 $1.442695020e+00, v6  }
0x156: {  	v5 =	vmul.f32 $1.442695020e+00, v5;
	v7 =	vld [tilespmem:s14+$0x13040];
	(erf) = vpow2.f32 v4  }
0x157: {  	v4 =	vld [tilespmem:s14+$0x13050];
	(erf) = vpow2.f32 v6  }
0x158: {  	v6 =	vld [tilespmem:s14+$0x9A40];
	(erf) = vpow2.f32 v5  }
0x159: {  	v8 =	vld [tilespmem:s14+$0x9A50];
	_ =	sdelay $0x1  }
0x15a: {  	v9 =	vld [tilespmem:s14+$0x13060]  }
0x15b: {  	v10 =	vld [tilespmem:s14+$0x9A60];
	v11 =	vpop (erf)  }
0x15c: {  	v5 =	vadd.f32 v7, v6;
	v7 =	vld [tilespmem:s14+$0x13070]  }
0x15d: {  	v16 =	vadd.f32 $1.000000000e+00, v11;
	v4 =	vadd.f32 v4, v8;
	v8 =	vld [tilespmem:s14+$0x13080]  }
0x15e: {  	v11 =	vmul.f32 v5, v5;
	v12 =	vld [tilespmem:s14+$0x9A70];
	v13 =	vpop (erf)  }
0x15f: {  	v13 =	vadd.f32 $1.000000000e+00, v13;
	v14 =	vmul.f32 v4, v4;
	v15 =	vld [tilespmem:s14+$0x9A80];
	(erf) = vrcp.f32 v16;
	v6 =	vpop (erf)  }
0x160: {  	v16 =	vadd.f32 $1.000000000e+00, v6;
	v11 =	vmul.f32 $7.135481390e-02, v11;
	v6 =	vadd.f32 v9, v10;
	v9 =	vpop (erf)  }
0x161: {  	v9 =	vadd.f32 $1.000000000e+00, v9;
	v10 =	vmul.f32 $7.135481390e-02, v14;
	v14 =	vld [tilespmem:s14+$0x13090];
	(erf) = vrcp.f32 v13  }
0x162: {  	v11 =	vsub.f32 $-1.595769170e+00, v11;
	v13 =	vmul.f32 v6, v6;
	v17 =	vld [tilespmem:s14+$0x9A90];
	(erf) = vrcp.f32 v16  }
0x163: {  	v10 =	vsub.f32 $-1.595769170e+00, v10;
	v7 =	vadd.f32 v7, v12;
	(erf) = vrcp.f32 v9  }
0x164: {  	v9 =	vmul.f32 v11, v5;
	v11 =	vmul.f32 $7.135481390e-02, v13;
	v8 =	vadd.f32 v8, v15  }
0x165: {  	v10 =	vmul.f32 v10, v4;
	v22 =	vmul.f32 v7, v7;
	v13 =	vld [tilespmem:s14+$0x130A0]  }
0x166: {  	v15 =	vmul.f32 $1.442695020e+00, v9;
	v11 =	vsub.f32 $-1.595769170e+00, v11;
	v16 =	vmul.f32 v8, v8;
	v19 =	vld [tilespmem:s14+$0x130B0]  }
0x167: {  	v10 =	vmul.f32 $1.442695020e+00, v10;
	v18 =	vmul.f32 $7.135481390e-02, v22;
	v9 =	vadd.f32 v14, v17;
	v20 =	vld [tilespmem:s14+$0x9AA0]  }
0x168: {  	v11 =	vmul.f32 v11, v6;
	v25 =	vmul.f32 $7.135481390e-02, v16;
	v21 =	vld [tilespmem:s14+$0x9AB0];
	v12 =	vpop (erf)  }
0x169: {  	v18 =	vsub.f32 $-1.595769170e+00, v18;
	v22 =	vmul.f32 v9, v9;
	v16 =	vld [tilespmem:s14+$0x130C0];
	(erf) = vpow2.f32 v15  }
0x16a: {  	v11 =	vmul.f32 $1.442695020e+00, v11;
	v23 =	vsub.f32 $-1.595769170e+00, v25;
	v17 =	vld [tilespmem:s14+$0x130D0];
	v15 =	vpop (erf);
	(erf) = vpow2.f32 v10  }
.Ltmp3:
0x16b: {  	v24 =	vmul.f32 v18, v7;
	v22 =	vmul.f32 $7.135481390e-02, v22;
	v18 =	vld [tilespmem:s14+$0x130E0];
	v14 =	vpop (erf);
	(pc) =	sbr.rel @p0 .LBB2_5-.Ltmp3, $4  }
0x16c: {  	v23 =	vmul.f32 v23, v8;
	v10 =	vadd.f32 v13, v20;
	v20 =	vld [tilespmem:s14+$0x130F0];
	v13 =	vpop (erf);
	(erf) = vpow2.f32 v11  }
0x16d: {  	v24 =	vmul.f32 $1.442695020e+00, v24;
	v25 =	vsub.f32 $-1.595769170e+00, v22;
	v11 =	vadd.f32 v19, v21;
	v19 =	vld [tilespmem:s14+$0x9AC0]  }
0x16e: {  	v23 =	vmul.f32 $1.442695020e+00, v23;
	v27 =	vmul.f32 v10, v10;
	v22 =	vld [tilespmem:s14+$0x9AD0]  }
0x16f: {  	s15 =	sadd.s32 $0x400, s15;
	v25 =	vmul.f32 v25, v9;
	v26 =	vmul.f32 v11, v11;
	v21 =	vld [tilespmem:s14+$0x9AE0]  }
0x170: {  	_ = 	snop  }
0x171: {  	v27 =	vmul.f32 $7.135481390e-02, v27;
	v28 =	vld [tilespmem:s14+$0x9AF0];
	(erf) = vpow2.f32 v24  }
0x172: {  	v24 =	vmul.f32 $1.442695020e+00, v25;
	v25 =	vmul.f32 $7.135481390e-02, v26;
	v16 =	vadd.f32 v16, v19  }
0x173: {  	(erf) = vpow2.f32 v23;
	v26 =	vsub.f32 $-1.595769170e+00, v27;
	v17 =	vadd.f32 v17, v22  }
0x174: {  	v19 =	vsub.f32 $-1.595769170e+00, v25;
	(erf) = vpow2.f32 v24;
	v23 =	vmul.f32 v16, v16  }
0x175: {  	v22 =	vmul.f32 v26, v10;
	v18 =	vadd.f32 v18, v21;
	v21 =	vmul.f32 v17, v17  }
0x176: {  	v19 =	vmul.f32 v19, v11;
	v20 =	vadd.f32 v20, v28;
	v23 =	vmul.f32 $7.135481390e-02, v23  }
0x177: {  	v24 =	vmul.f32 v18, v18;
	v21 =	vmul.f32 $7.135481390e-02, v21  }
0x178: {  	v22 =	vmul.f32 $1.442695020e+00, v22;
	v25 =	vmul.f32 v20, v20;
	v23 =	vsub.f32 $-1.595769170e+00, v23  }
0x179: {  	v19 =	vmul.f32 $1.442695020e+00, v19;
	v24 =	vmul.f32 $7.135481390e-02, v24;
	v21 =	vsub.f32 $-1.595769170e+00, v21  }
0x17a: {  	v25 =	vmul.f32 $7.135481390e-02, v25;
	v23 =	vmul.f32 v23, v16  }
0x17b: {  	(erf) = vpow2.f32 v22;
	v24 =	vsub.f32 $-1.595769170e+00, v24;
	v21 =	vmul.f32 v21, v17  }
0x17c: {  	(erf) = vpow2.f32 v19;
	v22 =	vsub.f32 $-1.595769170e+00, v25;
	v19 =	vmul.f32 $1.442695020e+00, v23  }
0x17d: {  	v23 =	vmul.f32 v24, v18;
	v21 =	vmul.f32 $1.442695020e+00, v21  }
0x17e: {  	v22 =	vmul.f32 v22, v20  }
0x17f: {  	v23 =	vmul.f32 $1.442695020e+00, v23  }
0x180: {  	(erf) = vpow2.f32 v19;
	v22 =	vmul.f32 $1.442695020e+00, v22;
	v19 =	vpop (erf)  }
0x181: {  	(erf) = vpow2.f32 v21;
	v21 =	vpop (erf);
	v19 =	vadd.f32 $1.000000000e+00, v19  }
0x182: {  	v21 =	vadd.f32 $1.000000000e+00, v21  }
0x183: {  	(erf) = vpow2.f32 v23;
	v23 =	vpop (erf)  }
0x184: {  	(erf) = vpow2.f32 v22;
	v22 =	vpop (erf)  }
0x185: {  	v23 =	vadd.f32 $1.000000000e+00, v23;
	(erf) = vrcp.f32 v19;
	v19 =	vpop (erf)  }
0x186: {  	v22 =	vadd.f32 $1.000000000e+00, v22;
	(erf) = vrcp.f32 v21;
	v21 =	vpop (erf)  }
0x187: {  	v21 =	vadd.f32 $1.000000000e+00, v21  }
0x188: {  	v19 =	vadd.f32 $1.000000000e+00, v19;
	(erf) = vrcp.f32 v23  }
0x189: {  	v23 =	vpop (erf);
	(erf) = vrcp.f32 v22  }
0x18a: {  	v22 =	vpop (erf);
	(erf) = vrcp.f32 v19  }
0x18b: {  	v19 =	vadd.f32 $1.000000000e+00, v22;
	(erf) = vrcp.f32 v21;
	v21 =	vpop (erf)  }
0x18c: {  	v1 =	vmul.f32 v12, v1;
	v23 =	vadd.f32 $1.000000000e+00, v23;
	v12 =	vadd.f32 $1.000000000e+00, v21;
	_ =	sdelay $0x1  }
0x18d: {  	v0 =	vmul.f32 v15, v0;
	(erf) = vrcp.f32 v23;
	v21 =	vpop (erf)  }
0x18e: {  	[tilespmem:s14+$0x9A00] =	vst v1;
	v1 =	vmul.f32 v14, v3;
	(erf) = vrcp.f32 v19;
	v19 =	vpop (erf)  }
0x18f: {  	v15 =	vadd.f32 $1.000000000e+00, v21;
	v3 =	vadd.f32 $1.000000000e+00, v19;
	(erf) = vrcp.f32 v12;
	v12 =	vpop (erf)  }
0x190: {  	[tilespmem:s14+$0x9A10] =	vst v0;
	v0 =	vmul.f32 v13, v2;
	v2 =	vadd.f32 $1.000000000e+00, v12  }
0x191: {  	v12 =	vpop (erf);
	(erf) = vrcp.f32 v15  }
0x192: {  	[tilespmem:s14+$0x9A20] =	vst v1;
	v1 =	vmul.f32 v12, v5;
	v5 =	vpop (erf);
	(erf) = vrcp.f32 v3  }
0x193: {  	[tilespmem:s14+$0x9A30] =	vst v0;
	v0 =	vmul.f32 v5, v4;
	v3 =	vpop (erf);
	(erf) = vrcp.f32 v2  }
0x194: {  	[tilespmem:s14+$0x9A40] =	vst v1;
	v1 =	vmul.f32 v3, v6;
	v2 =	vpop (erf)  }
0x195: {  	[tilespmem:s14+$0x9A50] =	vst v0;
	v0 =	vmul.f32 v2, v7;
	v2 =	vpop (erf)  }
0x196: {  	[tilespmem:s14+$0x9A60] =	vst v1;
	v1 =	vmul.f32 v2, v8;
	v2 =	vpop (erf)  }
0x197: {  	[tilespmem:s14+$0x9A70] =	vst v0;
	v0 =	vmul.f32 v2, v9;
	v2 =	vpop (erf)  }
0x198: {  	[tilespmem:s14+$0x9A80] =	vst v1;
	v1 =	vmul.f32 v2, v10;
	v2 =	vpop (erf)  }
0x199: {  	[tilespmem:s14+$0x9A90] =	vst v0;
	v0 =	vmul.f32 v2, v11;
	v2 =	vpop (erf)  }
0x19a: {  	[tilespmem:s14+$0x9AA0] =	vst v1;
	v1 =	vmul.f32 v2, v16;
	v2 =	vpop (erf)  }
0x19b: {  	s5 =	sadd.s32 s13, s7;
	[tilespmem:s14+$0x9AB0] =	vst v0;
	v0 =	vmul.f32 v2, v17;
	v2 =	vpop (erf)  }
0x19c: {  	s5 =	smul.u32 $0x640, s5;
	[tilespmem:s14+$0x9AC0] =	vst v1;
	v1 =	vmul.f32 v2, v18;
	v2 =	vpop (erf)  }
0x19d: {  	[tilespmem:s14+$0x9AD0] =	vst v0;
	v0 =	vmul.f32 v2, v20  }
0x19e: {  	s5 =	sadd.s32 s2, s5;
	[tilespmem:s14+$0x9AE0] =	vst v1  }
0x19f: {  	s17 =	simm.s32 $0x0;
	s5 =	sadd.s32 $0x640, s5;
	[tilespmem:s14+$0x9AF0] =	vst v0  }
0x1a0: {  	[hbm4b:s5+s17] =	stream.linear.scatter [tilespmem:s16], [sflag:$0x6], $0x3200, $0x38;
	[tilespmem:$0x16200] =	vst v63  }
0x1a1: {  	_ =	swait.ge [sflag:s23], $0x1900  }
0x1a2: {  	[sflag:s23] =	ssyncset.done $0x0  }
0x1a3: {  	[sflag:s23] =	ssyncadd.s32 $0xFFFFE700  }
0x1a4: {  	_ =	swait.ge [sflag:s23], $0x1900  }
0x1a5: {  	[sflag:s23] =	ssyncset.done $0x0  }
0x1a6: {  	s13 =	simm.s32 $0x0;
	[sflag:s23] =	ssyncadd.s32 $0xFFFFE700  }
0x1a7: {  	v0 =	vld [tilespmem:s13+$0x13000]  }
0x1a8: {  	v2 =	vld [tilespmem:s13+$0x13010]  }
0x1a9: {  	v1 =	vld [tilespmem:s13+$0xCC00]  }
0x1aa: {  	v3 =	vld [tilespmem:s13+$0xCC10]  }
0x1ab: {  	v4 =	vld [tilespmem:s13+$0x13020]  }
0x1ac: {  	v5 =	vld [tilespmem:s13+$0x13030]  }
0x1ad: {  	v6 =	vld [tilespmem:s13+$0xCC20]  }
0x1ae: {  	v7 =	vld [tilespmem:s13+$0xCC30];
	v1 =	vadd.f32 v0, v1;
	_ =	sdelay $0x1  }
0x1af: {  	v8 =	vmul.f32 v1, v1  }
0x1b0: {  	v0 =	vadd.f32 v2, v3  }
0x1b1: {  	v3 =	vadd.f32 v4, v6;
	v8 =	vmul.f32 $7.135481390e-02, v8  }
0x1b2: {  	v2 =	vadd.f32 v5, v7;
	v4 =	vmul.f32 v0, v0  }
0x1b3: {  	v6 =	vmul.f32 v3, v3;
	v5 =	vsub.f32 $-1.595769170e+00, v8  }
0x1b4: {  	v7 =	vmul.f32 v2, v2;
	v4 =	vmul.f32 $7.135481390e-02, v4  }
0x1b5: {  	v6 =	vmul.f32 $7.135481390e-02, v6;
	v5 =	vmul.f32 v5, v1  }
0x1b6: {  	v4 =	vsub.f32 $-1.595769170e+00, v4  }
0x1b7: {  	v7 =	vmul.f32 $7.135481390e-02, v7;
	v6 =	vsub.f32 $-1.595769170e+00, v6;
	v5 =	vmul.f32 $1.442695020e+00, v5  }
0x1b8: {  	v4 =	vmul.f32 v4, v0  }
0x1b9: {  	v7 =	vsub.f32 $-1.595769170e+00, v7;
	v6 =	vmul.f32 v6, v3;
	(erf) = vpow2.f32 v5  }
0x1ba: {  	v4 =	vmul.f32 $1.442695020e+00, v4  }
0x1bb: {  	v6 =	vmul.f32 $1.442695020e+00, v6;
	v5 =	vmul.f32 v7, v2  }
0x1bc: {  	v7 =	vld [tilespmem:s13+$0x13040];
	(erf) = vpow2.f32 v4  }
0x1bd: {  	v5 =	vmul.f32 $1.442695020e+00, v5;
	(erf) = vpow2.f32 v6;
	v6 =	vld [tilespmem:s13+$0xCC40]  }
0x1be: {  	v8 =	vld [tilespmem:s13+$0xCC50]  }
0x1bf: {  	v4 =	vld [tilespmem:s13+$0x13050];
	(erf) = vpow2.f32 v5  }
0x1c0: {  	v9 =	vld [tilespmem:s13+$0x13060]  }
0x1c1: {  	v12 =	vld [tilespmem:s13+$0xCC70]  }
0x1c2: {  	v5 =	vadd.f32 v7, v6;
	v7 =	vld [tilespmem:s13+$0x13070];
	v11 =	vpop (erf)  }
0x1c3: {  	v10 =	vld [tilespmem:s13+$0xCC60];
	v6 =	vadd.f32 $1.000000000e+00, v11  }
0x1c4: {  	v4 =	vadd.f32 v4, v8  }
0x1c5: {  	v15 =	vld [tilespmem:s13+$0xCC80];
	v11 =	vmul.f32 v5, v5;
	v13 =	vpop (erf)  }
0x1c6: {  	v8 =	vld [tilespmem:s13+$0x13080];
	v14 =	vmul.f32 v4, v4;
	v13 =	vadd.f32 $1.000000000e+00, v13  }
0x1c7: {  	(erf) = vrcp.f32 v6;
	v11 =	vmul.f32 $7.135481390e-02, v11;
	v7 =	vadd.f32 v7, v12;
	v6 =	vpop (erf)  }
0x1c8: {  	(erf) = vrcp.f32 v13;
	v16 =	vadd.f32 $1.000000000e+00, v6;
	v6 =	vadd.f32 v9, v10;
	v9 =	vpop (erf)  }
0x1c9: {  	v17 =	vld [tilespmem:s13+$0xCC90];
	v12 =	vmul.f32 v7, v7;
	v10 =	vmul.f32 $7.135481390e-02, v14;
	v9 =	vadd.f32 $1.000000000e+00, v9  }
0x1ca: {  	v11 =	vsub.f32 $-1.595769170e+00, v11;
	v14 =	vld [tilespmem:s13+$0x13090];
	v13 =	vmul.f32 v6, v6;
	(erf) = vrcp.f32 v16  }
0x1cb: {  	v8 =	vadd.f32 v8, v15;
	v12 =	vmul.f32 $7.135481390e-02, v12;
	(erf) = vrcp.f32 v9  }
0x1cc: {  	v10 =	vsub.f32 $-1.595769170e+00, v10;
	v9 =	vmul.f32 v11, v5;
	v11 =	vmul.f32 $7.135481390e-02, v13  }
0x1cd: {  	v19 =	vld [tilespmem:s13+$0x130B0];
	v16 =	vmul.f32 v8, v8;
	v12 =	vsub.f32 $-1.595769170e+00, v12  }
0x1ce: {  	v10 =	vmul.f32 v10, v4;
	v13 =	vld [tilespmem:s13+$0x130A0];
	v15 =	vmul.f32 $1.442695020e+00, v9;
	v11 =	vsub.f32 $-1.595769170e+00, v11  }
0x1cf: {  	v9 =	vadd.f32 v14, v17;
	v14 =	vld [tilespmem:s13+$0xCCA0];
	v17 =	vmul.f32 $7.135481390e-02, v16;
	v22 =	vmul.f32 v12, v7  }
0x1d0: {  	v21 =	vld [tilespmem:s13+$0xCCB0];
	v10 =	vmul.f32 $1.442695020e+00, v10;
	v11 =	vmul.f32 v11, v6  }
0x1d1: {  	v20 =	vld [tilespmem:s13+$0x130F0];
	v18 =	vmul.f32 v9, v9;
	(erf) = vpow2.f32 v15;
	v15 =	vsub.f32 $-1.595769170e+00, v17  }
0x1d2: {  	v16 =	vld [tilespmem:s13+$0x130C0];
	(erf) = vpow2.f32 v10;
	v11 =	vmul.f32 $1.442695020e+00, v11  }
0x1d3: {  	v17 =	vld [tilespmem:s13+$0x130D0];
	v24 =	vmul.f32 $1.442695020e+00, v22;
	v23 =	vmul.f32 $7.135481390e-02, v18  }
0x1d4: {  	v12 =	vpop (erf);
	v22 =	vld [tilespmem:s13+$0xCCD0];
	v25 =	vmul.f32 v15, v8;
	v10 =	vadd.f32 v13, v14;
	(erf) = vpow2.f32 v11  }
0x1d5: {  	v15 =	vpop (erf);
	v26 =	vsub.f32 $-1.595769170e+00, v23;
	v11 =	vadd.f32 v19, v21;
	v19 =	vld [tilespmem:s13+$0xCCC0]  }
0x1d6: {  	v18 =	vld [tilespmem:s13+$0x130E0];
	v23 =	vmul.f32 $1.442695020e+00, v25;
	v14 =	vpop (erf);
	v27 =	vmul.f32 v10, v10  }
0x1d7: {  	s14 =	simm.s32 $0x400;
	v21 =	vld [tilespmem:s13+$0xCCE0];
	v13 =	vpop (erf);
	v25 =	vmul.f32 v26, v9;
	v26 =	vmul.f32 v11, v11  }
.LBB2_7:
0x1d8: {  	p0 =	sne.s32 s14, $0xC400;
	v29 =	vmul.f32 $7.135481390e-02, v27;
	v28 =	vld [tilespmem:s13+$0xCCF0];
	(erf) = vpow2.f32 v24  }
0x1d9: {  	v24 =	vmul.f32 $1.442695020e+00, v25;
	v25 =	vmul.f32 $7.135481390e-02, v26  }
0x1da: {  	v26 =	vsub.f32 $-1.595769170e+00, v29;
	v19 =	vadd.f32 v16, v19;
	v27 =	vpop (erf);
	(erf) = vpow2.f32 v23  }
0x1db: {  	v16 =	vsub.f32 $-1.595769170e+00, v25;
	v17 =	vadd.f32 v17, v22;
	v22 =	vpop (erf);
	(erf) = vpow2.f32 v24  }
0x1dc: {  	v23 =	vmul.f32 v26, v10;
	v24 =	vmul.f32 v19, v19;
	v18 =	vadd.f32 v18, v21  }
0x1dd: {  	v21 =	vmul.f32 v16, v11;
	v25 =	vmul.f32 v17, v17;
	v16 =	vadd.f32 v20, v28;
	v20 =	vpop (erf)  }
0x1de: {  	v24 =	vmul.f32 $7.135481390e-02, v24;
	v26 =	vmul.f32 v18, v18  }
0x1df: {  	v25 =	vmul.f32 $7.135481390e-02, v25;
	v28 =	vmul.f32 v16, v16  }
0x1e0: {  	v23 =	vmul.f32 $1.442695020e+00, v23;
	v24 =	vsub.f32 $-1.595769170e+00, v24;
	v26 =	vmul.f32 $7.135481390e-02, v26  }
0x1e1: {  	v21 =	vmul.f32 $1.442695020e+00, v21;
	v25 =	vsub.f32 $-1.595769170e+00, v25;
	v30 =	vmul.f32 $7.135481390e-02, v28;
	v29 =	vpop (erf)  }
0x1e2: {  	v24 =	vmul.f32 v24, v19;
	v31 =	vsub.f32 $-1.595769170e+00, v26;
	(erf) = vpow2.f32 v23  }
0x1e3: {  	v23 =	vmul.f32 v25, v17;
	v25 =	vsub.f32 $-1.595769170e+00, v30;
	v28 =	vpop (erf);
	(erf) = vpow2.f32 v21  }
0x1e4: {  	v21 =	vmul.f32 $1.442695020e+00, v24;
	v24 =	vmul.f32 v31, v18;
	v26 =	vpop (erf)  }
0x1e5: {  	v23 =	vmul.f32 $1.442695020e+00, v23;
	v25 =	vmul.f32 v25, v16  }
0x1e6: {  	v24 =	vmul.f32 $1.442695020e+00, v24;
	(erf) = vpow2.f32 v21  }
0x1e7: {  	v21 =	vmul.f32 $1.442695020e+00, v25;
	(erf) = vpow2.f32 v23  }
0x1e8: {  	v23 =	vadd.f32 $1.000000000e+00, v27;
	(erf) = vpow2.f32 v24  }
0x1e9: {  	v24 =	vadd.f32 $1.000000000e+00, v22;
	(erf) = vpow2.f32 v21  }
0x1ea: {  	v25 =	vadd.f32 $1.000000000e+00, v20;
	(erf) = vrcp.f32 v23  }
0x1eb: {  	v21 =	vadd.f32 $1.000000000e+00, v29;
	(erf) = vrcp.f32 v24;
	v22 =	vpop (erf)  }
0x1ec: {  	v23 =	vadd.f32 $1.000000000e+00, v28;
	(erf) = vrcp.f32 v25;
	v20 =	vpop (erf)  }
0x1ed: {  	v24 =	vadd.f32 $1.000000000e+00, v26;
	(erf) = vrcp.f32 v21  }
0x1ee: {  	v25 =	vadd.f32 $1.000000000e+00, v22;
	(erf) = vrcp.f32 v23  }
0x1ef: {  	v23 =	vadd.f32 $1.000000000e+00, v20;
	(erf) = vrcp.f32 v24;
	v22 =	vpop (erf)  }
0x1f0: {  	s15 =	sshra.s32 s14, $0x2;
	v1 =	vmul.f32 v12, v1;
	v24 =	vadd.f32 $1.000000000e+00, v22;
	(erf) = vrcp.f32 v25;
	v21 =	vpop (erf)  }
0x1f1: {  	v0 =	vmul.f32 v15, v0;
	v22 =	vld [tilespmem:s15+$0x13000];
	v15 =	vadd.f32 $1.000000000e+00, v21;
	(erf) = vrcp.f32 v23;
	v20 =	vpop (erf)  }
0x1f2: {  	v21 =	vld [tilespmem:s15+$0x13010];
	[tilespmem:s13+$0xCC00] =	vst v1;
	v1 =	vmul.f32 v14, v3;
	v3 =	vadd.f32 $1.000000000e+00, v20;
	(erf) = vrcp.f32 v24;
	v12 =	vpop (erf)  }
0x1f3: {  	v14 =	vld [tilespmem:s15+$0xCC00];
	[tilespmem:s13+$0xCC10] =	vst v0;
	v0 =	vmul.f32 v13, v2;
	v2 =	vadd.f32 $1.000000000e+00, v12;
	v12 =	vpop (erf);
	(erf) = vrcp.f32 v15  }
0x1f4: {  	v13 =	vld [tilespmem:s15+$0xCC10];
	[tilespmem:s13+$0xCC20] =	vst v1;
	v12 =	vmul.f32 v12, v5;
	v5 =	vpop (erf);
	(erf) = vrcp.f32 v3  }
0x1f5: {  	v3 =	vld [tilespmem:s15+$0x13020];
	[tilespmem:s13+$0xCC30] =	vst v0;
	v15 =	vmul.f32 v5, v4;
	v4 =	vpop (erf);
	(erf) = vrcp.f32 v2  }
0x1f6: {  	v2 =	vld [tilespmem:s15+$0x13030];
	[tilespmem:s13+$0xCC40] =	vst v12;
	v4 =	vmul.f32 v4, v6;
	v1 =	vpop (erf)  }
0x1f7: {  	v5 =	vld [tilespmem:s15+$0xCC20];
	[tilespmem:s13+$0xCC50] =	vst v15;
	v6 =	vmul.f32 v1, v7;
	v0 =	vpop (erf)  }
0x1f8: {  	v1 =	vadd.f32 v22, v14;
	v7 =	vld [tilespmem:s15+$0xCC30];
	[tilespmem:s13+$0xCC60] =	vst v4;
	v4 =	vmul.f32 v0, v8;
	v8 =	vpop (erf)  }
0x1f9: {  	v0 =	vadd.f32 v21, v13;
	[tilespmem:s13+$0xCC70] =	vst v6;
	v6 =	vmul.f32 v8, v9;
	v8 =	vpop (erf)  }
0x1fa: {  	v9 =	vmul.f32 v1, v1;
	[tilespmem:s13+$0xCC80] =	vst v4;
	v4 =	vmul.f32 v8, v10;
	v8 =	vpop (erf)  }
0x1fb: {  	v10 =	vmul.f32 v0, v0;
	[tilespmem:s13+$0xCC90] =	vst v6;
	v11 =	vmul.f32 v8, v11;
	v8 =	vpop (erf)  }
0x1fc: {  	v9 =	vmul.f32 $7.135481390e-02, v9;
	v3 =	vadd.f32 v3, v5;
	[tilespmem:s13+$0xCCA0] =	vst v4;
	v4 =	vmul.f32 v8, v19;
	v5 =	vpop (erf)  }
0x1fd: {  	v8 =	vmul.f32 $7.135481390e-02, v10;
	v2 =	vadd.f32 v2, v7;
	[tilespmem:s13+$0xCCB0] =	vst v11;
	v5 =	vmul.f32 v5, v17;
	v6 =	vpop (erf)  }
0x1fe: {  	v7 =	vsub.f32 $-1.595769170e+00, v9;
	v9 =	vmul.f32 v3, v3;
	[tilespmem:s13+$0xCCC0] =	vst v4;
	v4 =	vmul.f32 v6, v18;
	v6 =	vpop (erf)  }
0x1ff: {  	v10 =	vmul.f32 v2, v2;
	[tilespmem:s13+$0xCCD0] =	vst v5;
	v5 =	vmul.f32 v6, v16  }
0x200: {  	v6 =	vmul.f32 v7, v1;
	v7 =	vmul.f32 $7.135481390e-02, v9;
	[tilespmem:s13+$0xCCE0] =	vst v4  }
0x201: {  	v4 =	vsub.f32 $-1.595769170e+00, v8;
	v8 =	vmul.f32 $7.135481390e-02, v10;
	[tilespmem:s13+$0xCCF0] =	vst v5;
	s13 =	smov.u32 s15  }
0x202: {  	v5 =	vmul.f32 $1.442695020e+00, v6;
	v6 =	vsub.f32 $-1.595769170e+00, v7  }
0x203: {  	v4 =	vmul.f32 v4, v0;
	v7 =	vsub.f32 $-1.595769170e+00, v8  }
0x204: {  	v6 =	vmul.f32 v6, v3;
	(erf) = vpow2.f32 v5  }
0x205: {  	v4 =	vmul.f32 $1.442695020e+00, v4;
	v5 =	vmul.f32 v7, v2  }
0x206: {  	v6 =	vmul.f32 $1.442695020e+00, v6  }
0x207: {  	v5 =	vmul.f32 $1.442695020e+00, v5;
	v7 =	vld [tilespmem:s13+$0x13040];
	(erf) = vpow2.f32 v4  }
0x208: {  	v4 =	vld [tilespmem:s13+$0x13050];
	(erf) = vpow2.f32 v6  }
0x209: {  	v6 =	vld [tilespmem:s13+$0xCC40];
	(erf) = vpow2.f32 v5  }
0x20a: {  	v8 =	vld [tilespmem:s13+$0xCC50];
	_ =	sdelay $0x1  }
0x20b: {  	v9 =	vld [tilespmem:s13+$0x13060]  }
0x20c: {  	v10 =	vld [tilespmem:s13+$0xCC60];
	v11 =	vpop (erf)  }
0x20d: {  	v5 =	vadd.f32 v7, v6;
	v7 =	vld [tilespmem:s13+$0x13070]  }
0x20e: {  	v16 =	vadd.f32 $1.000000000e+00, v11;
	v4 =	vadd.f32 v4, v8;
	v8 =	vld [tilespmem:s13+$0x13080]  }
0x20f: {  	v11 =	vmul.f32 v5, v5;
	v12 =	vld [tilespmem:s13+$0xCC70];
	v13 =	vpop (erf)  }
0x210: {  	v13 =	vadd.f32 $1.000000000e+00, v13;
	v14 =	vmul.f32 v4, v4;
	v15 =	vld [tilespmem:s13+$0xCC80];
	(erf) = vrcp.f32 v16;
	v6 =	vpop (erf)  }
0x211: {  	v16 =	vadd.f32 $1.000000000e+00, v6;
	v11 =	vmul.f32 $7.135481390e-02, v11;
	v6 =	vadd.f32 v9, v10;
	v9 =	vpop (erf)  }
0x212: {  	v9 =	vadd.f32 $1.000000000e+00, v9;
	v10 =	vmul.f32 $7.135481390e-02, v14;
	v14 =	vld [tilespmem:s13+$0x13090];
	(erf) = vrcp.f32 v13  }
0x213: {  	v11 =	vsub.f32 $-1.595769170e+00, v11;
	v13 =	vmul.f32 v6, v6;
	v17 =	vld [tilespmem:s13+$0xCC90];
	(erf) = vrcp.f32 v16  }
0x214: {  	v10 =	vsub.f32 $-1.595769170e+00, v10;
	v7 =	vadd.f32 v7, v12;
	(erf) = vrcp.f32 v9  }
0x215: {  	v9 =	vmul.f32 v11, v5;
	v11 =	vmul.f32 $7.135481390e-02, v13;
	v8 =	vadd.f32 v8, v15  }
0x216: {  	v10 =	vmul.f32 v10, v4;
	v22 =	vmul.f32 v7, v7;
	v13 =	vld [tilespmem:s13+$0x130A0]  }
0x217: {  	v15 =	vmul.f32 $1.442695020e+00, v9;
	v11 =	vsub.f32 $-1.595769170e+00, v11;
	v16 =	vmul.f32 v8, v8;
	v19 =	vld [tilespmem:s13+$0x130B0]  }
0x218: {  	v10 =	vmul.f32 $1.442695020e+00, v10;
	v18 =	vmul.f32 $7.135481390e-02, v22;
	v9 =	vadd.f32 v14, v17;
	v20 =	vld [tilespmem:s13+$0xCCA0]  }
0x219: {  	v11 =	vmul.f32 v11, v6;
	v25 =	vmul.f32 $7.135481390e-02, v16;
	v21 =	vld [tilespmem:s13+$0xCCB0];
	v12 =	vpop (erf)  }
0x21a: {  	v18 =	vsub.f32 $-1.595769170e+00, v18;
	v22 =	vmul.f32 v9, v9;
	v16 =	vld [tilespmem:s13+$0x130C0];
	(erf) = vpow2.f32 v15  }
0x21b: {  	v11 =	vmul.f32 $1.442695020e+00, v11;
	v23 =	vsub.f32 $-1.595769170e+00, v25;
	v17 =	vld [tilespmem:s13+$0x130D0];
	v15 =	vpop (erf);
	(erf) = vpow2.f32 v10  }
.Ltmp4:
0x21c: {  	v24 =	vmul.f32 v18, v7;
	v22 =	vmul.f32 $7.135481390e-02, v22;
	v18 =	vld [tilespmem:s13+$0x130E0];
	v14 =	vpop (erf);
	(pc) =	sbr.rel @p0 .LBB2_7-.Ltmp4, $4  }
0x21d: {  	v23 =	vmul.f32 v23, v8;
	v10 =	vadd.f32 v13, v20;
	v20 =	vld [tilespmem:s13+$0x130F0];
	v13 =	vpop (erf);
	(erf) = vpow2.f32 v11  }
0x21e: {  	v24 =	vmul.f32 $1.442695020e+00, v24;
	v25 =	vsub.f32 $-1.595769170e+00, v22;
	v11 =	vadd.f32 v19, v21;
	v19 =	vld [tilespmem:s13+$0xCCC0]  }
0x21f: {  	v23 =	vmul.f32 $1.442695020e+00, v23;
	v27 =	vmul.f32 v10, v10;
	v22 =	vld [tilespmem:s13+$0xCCD0]  }
0x220: {  	s14 =	sadd.s32 $0x400, s14;
	v25 =	vmul.f32 v25, v9;
	v26 =	vmul.f32 v11, v11;
	v21 =	vld [tilespmem:s13+$0xCCE0]  }
0x221: {  	_ = 	snop  }
0x222: {  	v27 =	vmul.f32 $7.135481390e-02, v27;
	v28 =	vld [tilespmem:s13+$0xCCF0];
	(erf) = vpow2.f32 v24  }
0x223: {  	v24 =	vmul.f32 $1.442695020e+00, v25;
	v25 =	vmul.f32 $7.135481390e-02, v26;
	v16 =	vadd.f32 v16, v19  }
0x224: {  	(erf) = vpow2.f32 v23;
	v26 =	vsub.f32 $-1.595769170e+00, v27;
	v17 =	vadd.f32 v17, v22  }
0x225: {  	v19 =	vsub.f32 $-1.595769170e+00, v25;
	(erf) = vpow2.f32 v24;
	v23 =	vmul.f32 v16, v16  }
0x226: {  	v22 =	vmul.f32 v26, v10;
	v18 =	vadd.f32 v18, v21;
	v21 =	vmul.f32 v17, v17  }
0x227: {  	v19 =	vmul.f32 v19, v11;
	v20 =	vadd.f32 v20, v28;
	v23 =	vmul.f32 $7.135481390e-02, v23  }
0x228: {  	v24 =	vmul.f32 v18, v18;
	v21 =	vmul.f32 $7.135481390e-02, v21  }
0x229: {  	v22 =	vmul.f32 $1.442695020e+00, v22;
	v25 =	vmul.f32 v20, v20;
	v23 =	vsub.f32 $-1.595769170e+00, v23  }
0x22a: {  	v19 =	vmul.f32 $1.442695020e+00, v19;
	v24 =	vmul.f32 $7.135481390e-02, v24;
	v21 =	vsub.f32 $-1.595769170e+00, v21  }
0x22b: {  	v25 =	vmul.f32 $7.135481390e-02, v25;
	v23 =	vmul.f32 v23, v16  }
0x22c: {  	(erf) = vpow2.f32 v22;
	v24 =	vsub.f32 $-1.595769170e+00, v24;
	v21 =	vmul.f32 v21, v17  }
0x22d: {  	(erf) = vpow2.f32 v19;
	v22 =	vsub.f32 $-1.595769170e+00, v25;
	v19 =	vmul.f32 $1.442695020e+00, v23  }
0x22e: {  	v23 =	vmul.f32 v24, v18;
	v21 =	vmul.f32 $1.442695020e+00, v21  }
0x22f: {  	v22 =	vmul.f32 v22, v20  }
0x230: {  	v23 =	vmul.f32 $1.442695020e+00, v23  }
0x231: {  	(erf) = vpow2.f32 v19;
	v22 =	vmul.f32 $1.442695020e+00, v22;
	v19 =	vpop (erf)  }
0x232: {  	(erf) = vpow2.f32 v21;
	v21 =	vpop (erf);
	v19 =	vadd.f32 $1.000000000e+00, v19  }
0x233: {  	v21 =	vadd.f32 $1.000000000e+00, v21  }
0x234: {  	(erf) = vpow2.f32 v23;
	v23 =	vpop (erf)  }
0x235: {  	(erf) = vpow2.f32 v22;
	v22 =	vpop (erf)  }
0x236: {  	v23 =	vadd.f32 $1.000000000e+00, v23;
	(erf) = vrcp.f32 v19;
	v19 =	vpop (erf)  }
0x237: {  	v22 =	vadd.f32 $1.000000000e+00, v22;
	(erf) = vrcp.f32 v21;
	v21 =	vpop (erf)  }
0x238: {  	v21 =	vadd.f32 $1.000000000e+00, v21  }
0x239: {  	v19 =	vadd.f32 $1.000000000e+00, v19;
	(erf) = vrcp.f32 v23  }
0x23a: {  	v23 =	vpop (erf);
	(erf) = vrcp.f32 v22  }
0x23b: {  	v22 =	vpop (erf);
	(erf) = vrcp.f32 v19  }
0x23c: {  	v19 =	vadd.f32 $1.000000000e+00, v22;
	(erf) = vrcp.f32 v21;
	v21 =	vpop (erf)  }
0x23d: {  	v1 =	vmul.f32 v12, v1;
	v23 =	vadd.f32 $1.000000000e+00, v23;
	v12 =	vadd.f32 $1.000000000e+00, v21;
	_ =	sdelay $0x1  }
0x23e: {  	v0 =	vmul.f32 v15, v0;
	(erf) = vrcp.f32 v23;
	v21 =	vpop (erf)  }
0x23f: {  	[tilespmem:s13+$0xCC00] =	vst v1;
	v1 =	vmul.f32 v14, v3;
	(erf) = vrcp.f32 v19;
	v19 =	vpop (erf)  }
0x240: {  	v15 =	vadd.f32 $1.000000000e+00, v21;
	v3 =	vadd.f32 $1.000000000e+00, v19;
	(erf) = vrcp.f32 v12;
	v12 =	vpop (erf)  }
0x241: {  	[tilespmem:s13+$0xCC10] =	vst v0;
	v0 =	vmul.f32 v13, v2;
	v2 =	vadd.f32 $1.000000000e+00, v12  }
0x242: {  	v12 =	vpop (erf);
	(erf) = vrcp.f32 v15  }
0x243: {  	[tilespmem:s13+$0xCC20] =	vst v1;
	v1 =	vmul.f32 v12, v5;
	v5 =	vpop (erf);
	(erf) = vrcp.f32 v3  }
0x244: {  	[tilespmem:s13+$0xCC30] =	vst v0;
	v0 =	vmul.f32 v5, v4;
	v3 =	vpop (erf);
	(erf) = vrcp.f32 v2  }
0x245: {  	[tilespmem:s13+$0xCC40] =	vst v1;
	v1 =	vmul.f32 v3, v6;
	v2 =	vpop (erf)  }
0x246: {  	[tilespmem:s13+$0xCC50] =	vst v0;
	v0 =	vmul.f32 v2, v7;
	v2 =	vpop (erf)  }
0x247: {  	[tilespmem:s13+$0xCC60] =	vst v1;
	v1 =	vmul.f32 v2, v8;
	v2 =	vpop (erf)  }
0x248: {  	[tilespmem:s13+$0xCC70] =	vst v0;
	v0 =	vmul.f32 v2, v9;
	v2 =	vpop (erf)  }
0x249: {  	[tilespmem:s13+$0xCC80] =	vst v1;
	v1 =	vmul.f32 v2, v10;
	v2 =	vpop (erf)  }
0x24a: {  	[tilespmem:s13+$0xCC90] =	vst v0;
	v0 =	vmul.f32 v2, v11;
	v2 =	vpop (erf)  }
0x24b: {  	[tilespmem:s13+$0xCCA0] =	vst v1;
	v1 =	vmul.f32 v2, v16;
	v2 =	vpop (erf)  }
0x24c: {  	[tilespmem:s13+$0xCCB0] =	vst v0;
	v0 =	vmul.f32 v2, v17;
	v2 =	vpop (erf)  }
0x24d: {  	s5 =	sadd.s32 s7, s9;
	[tilespmem:s13+$0xCCC0] =	vst v1;
	v1 =	vmul.f32 v2, v18;
	v2 =	vpop (erf)  }
0x24e: {  	s5 =	smul.u32 $0x640, s5;
	[tilespmem:s13+$0xCCD0] =	vst v0;
	v0 =	vmul.f32 v2, v20  }
0x24f: {  	[tilespmem:s13+$0xCCE0] =	vst v1  }
0x250: {  	p0 =	seq.s32 s1, $0x1F;
	s5 =	sadd.s32 s2, s5;
	[tilespmem:s13+$0xCCF0] =	vst v0  }
0x251: {  	[hbm4b:s5+s3] =	stream.linear.scatter [tilespmem:s24], [sflag:$0x7], $0x3200, $0x38;
	[tilespmem:$0x16200] =	vst v63  }
0x252: {  	s5 =	simm.s32 @!p0 $0x5  }
0x253: {  	s9 =	smul.u32 @!p0 $0xD00, s1;
	_ =	swait.ge @!p0 [sflag:s5], $0x3200  }
0x254: {  	[sflag:s5] =	ssyncset.done @!p0 $0x0  }
0x255: {  	[sflag:s5] =	ssyncadd.s32 @!p0 $0xFFFFCE00;
	s5 =	sshra.s32 @!p0 s9, $0x2  }
0x256: {  	s14 =	simm.s32 @!p0 $0x6800;
	s13 =	simm.s32 @!p0 $0x64;
	s9 =	sadd.s32 @!p0 $0x340, s5  }
0x257: {  	[tilespmem:s14], [sflag:$0x1] =	stream.indirect.gather @!p0 [hbm4b:s4+s13], $0x40, s9, s13, $0xb8;
	[tilespmem:$0x16200] =	vst v63  }
0x258: {  	s5 =	sadd.s32 @!p0 $0x3A8, s5;
	s9 =	simm.s32 @!p0 $0x8100  }
0x259: {  	[tilespmem:s9], [sflag:$0x1] =	stream.indirect.gather @!p0 [hbm4b:s4+s13], $0x40, s5, s13, $0xb8;
	[tilespmem:$0x16200] =	vst v63  }
0x25a: {  	_ =	swait.ge [sflag:s25], $0x1900  }
0x25b: {  	[sflag:s25] =	ssyncset.done $0x0  }
0x25c: {  	[sflag:s25] =	ssyncadd.s32 $0xFFFFE700  }
0x25d: {  	_ =	swait.ge [sflag:s25], $0x1900  }
0x25e: {  	[sflag:s25] =	ssyncset.done $0x0  }
0x25f: {  	s9 =	simm.s32 $0x0;
	[sflag:s25] =	ssyncadd.s32 $0xFFFFE700  }
0x260: {  	v0 =	vld [tilespmem:s9+$0x13000]  }
0x261: {  	v2 =	vld [tilespmem:s9+$0x13010]  }
0x262: {  	v1 =	vld [tilespmem:s9+$0xFE00]  }
0x263: {  	v3 =	vld [tilespmem:s9+$0xFE10]  }
0x264: {  	v4 =	vld [tilespmem:s9+$0x13020]  }
0x265: {  	v5 =	vld [tilespmem:s9+$0x13030]  }
0x266: {  	v6 =	vld [tilespmem:s9+$0xFE20]  }
0x267: {  	v7 =	vld [tilespmem:s9+$0xFE30];
	v1 =	vadd.f32 v0, v1;
	_ =	sdelay $0x1  }
0x268: {  	v8 =	vmul.f32 v1, v1  }
0x269: {  	v0 =	vadd.f32 v2, v3  }
0x26a: {  	v3 =	vadd.f32 v4, v6;
	v8 =	vmul.f32 $7.135481390e-02, v8  }
0x26b: {  	v2 =	vadd.f32 v5, v7;
	v4 =	vmul.f32 v0, v0  }
0x26c: {  	v6 =	vmul.f32 v3, v3;
	v5 =	vsub.f32 $-1.595769170e+00, v8  }
0x26d: {  	v7 =	vmul.f32 v2, v2;
	v4 =	vmul.f32 $7.135481390e-02, v4  }
0x26e: {  	v6 =	vmul.f32 $7.135481390e-02, v6;
	v5 =	vmul.f32 v5, v1  }
0x26f: {  	v4 =	vsub.f32 $-1.595769170e+00, v4  }
0x270: {  	v7 =	vmul.f32 $7.135481390e-02, v7;
	v6 =	vsub.f32 $-1.595769170e+00, v6;
	v5 =	vmul.f32 $1.442695020e+00, v5  }
0x271: {  	v4 =	vmul.f32 v4, v0  }
0x272: {  	v7 =	vsub.f32 $-1.595769170e+00, v7;
	v6 =	vmul.f32 v6, v3;
	(erf) = vpow2.f32 v5  }
0x273: {  	v4 =	vmul.f32 $1.442695020e+00, v4  }
0x274: {  	v6 =	vmul.f32 $1.442695020e+00, v6;
	v5 =	vmul.f32 v7, v2  }
0x275: {  	v7 =	vld [tilespmem:s9+$0x13040];
	(erf) = vpow2.f32 v4  }
0x276: {  	v5 =	vmul.f32 $1.442695020e+00, v5;
	(erf) = vpow2.f32 v6;
	v6 =	vld [tilespmem:s9+$0xFE40]  }
0x277: {  	v8 =	vld [tilespmem:s9+$0xFE50]  }
0x278: {  	v4 =	vld [tilespmem:s9+$0x13050];
	(erf) = vpow2.f32 v5  }
0x279: {  	v9 =	vld [tilespmem:s9+$0x13060]  }
0x27a: {  	v12 =	vld [tilespmem:s9+$0xFE70]  }
0x27b: {  	v5 =	vadd.f32 v7, v6;
	v7 =	vld [tilespmem:s9+$0x13070];
	v11 =	vpop (erf)  }
0x27c: {  	v10 =	vld [tilespmem:s9+$0xFE60];
	v6 =	vadd.f32 $1.000000000e+00, v11  }
0x27d: {  	v4 =	vadd.f32 v4, v8  }
0x27e: {  	v15 =	vld [tilespmem:s9+$0xFE80];
	v11 =	vmul.f32 v5, v5;
	v13 =	vpop (erf)  }
0x27f: {  	v8 =	vld [tilespmem:s9+$0x13080];
	v14 =	vmul.f32 v4, v4;
	v13 =	vadd.f32 $1.000000000e+00, v13  }
0x280: {  	(erf) = vrcp.f32 v6;
	v11 =	vmul.f32 $7.135481390e-02, v11;
	v7 =	vadd.f32 v7, v12;
	v6 =	vpop (erf)  }
0x281: {  	(erf) = vrcp.f32 v13;
	v16 =	vadd.f32 $1.000000000e+00, v6;
	v6 =	vadd.f32 v9, v10;
	v9 =	vpop (erf)  }
0x282: {  	v17 =	vld [tilespmem:s9+$0xFE90];
	v12 =	vmul.f32 v7, v7;
	v10 =	vmul.f32 $7.135481390e-02, v14;
	v9 =	vadd.f32 $1.000000000e+00, v9  }
0x283: {  	v11 =	vsub.f32 $-1.595769170e+00, v11;
	v14 =	vld [tilespmem:s9+$0x13090];
	v13 =	vmul.f32 v6, v6;
	(erf) = vrcp.f32 v16  }
0x284: {  	v8 =	vadd.f32 v8, v15;
	v12 =	vmul.f32 $7.135481390e-02, v12;
	(erf) = vrcp.f32 v9  }
0x285: {  	v10 =	vsub.f32 $-1.595769170e+00, v10;
	v9 =	vmul.f32 v11, v5;
	v11 =	vmul.f32 $7.135481390e-02, v13  }
0x286: {  	v19 =	vld [tilespmem:s9+$0x130B0];
	v16 =	vmul.f32 v8, v8;
	v12 =	vsub.f32 $-1.595769170e+00, v12  }
0x287: {  	v10 =	vmul.f32 v10, v4;
	v13 =	vld [tilespmem:s9+$0x130A0];
	v15 =	vmul.f32 $1.442695020e+00, v9;
	v11 =	vsub.f32 $-1.595769170e+00, v11  }
0x288: {  	v9 =	vadd.f32 v14, v17;
	v14 =	vld [tilespmem:s9+$0xFEA0];
	v17 =	vmul.f32 $7.135481390e-02, v16;
	v22 =	vmul.f32 v12, v7  }
0x289: {  	v21 =	vld [tilespmem:s9+$0xFEB0];
	v10 =	vmul.f32 $1.442695020e+00, v10;
	v11 =	vmul.f32 v11, v6  }
0x28a: {  	v20 =	vld [tilespmem:s9+$0x130F0];
	v18 =	vmul.f32 v9, v9;
	(erf) = vpow2.f32 v15;
	v15 =	vsub.f32 $-1.595769170e+00, v17  }
0x28b: {  	v16 =	vld [tilespmem:s9+$0x130C0];
	(erf) = vpow2.f32 v10;
	v11 =	vmul.f32 $1.442695020e+00, v11  }
0x28c: {  	v17 =	vld [tilespmem:s9+$0x130D0];
	v24 =	vmul.f32 $1.442695020e+00, v22;
	v23 =	vmul.f32 $7.135481390e-02, v18  }
0x28d: {  	v12 =	vpop (erf);
	v22 =	vld [tilespmem:s9+$0xFED0];
	v25 =	vmul.f32 v15, v8;
	v10 =	vadd.f32 v13, v14;
	(erf) = vpow2.f32 v11  }
0x28e: {  	v15 =	vpop (erf);
	v26 =	vsub.f32 $-1.595769170e+00, v23;
	v11 =	vadd.f32 v19, v21;
	v19 =	vld [tilespmem:s9+$0xFEC0]  }
0x28f: {  	v18 =	vld [tilespmem:s9+$0x130E0];
	v23 =	vmul.f32 $1.442695020e+00, v25;
	v14 =	vpop (erf);
	v27 =	vmul.f32 v10, v10  }
0x290: {  	s13 =	simm.s32 $0x400;
	v21 =	vld [tilespmem:s9+$0xFEE0];
	v13 =	vpop (erf);
	v25 =	vmul.f32 v26, v9;
	v26 =	vmul.f32 v11, v11  }
.LBB2_9:
0x291: {  	p1 =	sne.s32 s13, $0xC400;
	v29 =	vmul.f32 $7.135481390e-02, v27;
	v28 =	vld [tilespmem:s9+$0xFEF0];
	(erf) = vpow2.f32 v24  }
0x292: {  	v24 =	vmul.f32 $1.442695020e+00, v25;
	v25 =	vmul.f32 $7.135481390e-02, v26  }
0x293: {  	v26 =	vsub.f32 $-1.595769170e+00, v29;
	v19 =	vadd.f32 v16, v19;
	v27 =	vpop (erf);
	(erf) = vpow2.f32 v23  }
0x294: {  	v16 =	vsub.f32 $-1.595769170e+00, v25;
	v17 =	vadd.f32 v17, v22;
	v22 =	vpop (erf);
	(erf) = vpow2.f32 v24  }
0x295: {  	v23 =	vmul.f32 v26, v10;
	v24 =	vmul.f32 v19, v19;
	v18 =	vadd.f32 v18, v21  }
0x296: {  	v21 =	vmul.f32 v16, v11;
	v25 =	vmul.f32 v17, v17;
	v16 =	vadd.f32 v20, v28;
	v20 =	vpop (erf)  }
0x297: {  	v24 =	vmul.f32 $7.135481390e-02, v24;
	v26 =	vmul.f32 v18, v18  }
0x298: {  	v25 =	vmul.f32 $7.135481390e-02, v25;
	v28 =	vmul.f32 v16, v16  }
0x299: {  	v23 =	vmul.f32 $1.442695020e+00, v23;
	v24 =	vsub.f32 $-1.595769170e+00, v24;
	v26 =	vmul.f32 $7.135481390e-02, v26  }
0x29a: {  	v21 =	vmul.f32 $1.442695020e+00, v21;
	v25 =	vsub.f32 $-1.595769170e+00, v25;
	v30 =	vmul.f32 $7.135481390e-02, v28;
	v29 =	vpop (erf)  }
0x29b: {  	v24 =	vmul.f32 v24, v19;
	v31 =	vsub.f32 $-1.595769170e+00, v26;
	(erf) = vpow2.f32 v23  }
0x29c: {  	v23 =	vmul.f32 v25, v17;
	v25 =	vsub.f32 $-1.595769170e+00, v30;
	v28 =	vpop (erf);
	(erf) = vpow2.f32 v21  }
0x29d: {  	v21 =	vmul.f32 $1.442695020e+00, v24;
	v24 =	vmul.f32 v31, v18;
	v26 =	vpop (erf)  }
0x29e: {  	v23 =	vmul.f32 $1.442695020e+00, v23;
	v25 =	vmul.f32 v25, v16  }
0x29f: {  	v24 =	vmul.f32 $1.442695020e+00, v24;
	(erf) = vpow2.f32 v21  }
0x2a0: {  	v21 =	vmul.f32 $1.442695020e+00, v25;
	(erf) = vpow2.f32 v23  }
0x2a1: {  	v23 =	vadd.f32 $1.000000000e+00, v27;
	(erf) = vpow2.f32 v24  }
0x2a2: {  	v24 =	vadd.f32 $1.000000000e+00, v22;
	(erf) = vpow2.f32 v21  }
0x2a3: {  	v25 =	vadd.f32 $1.000000000e+00, v20;
	(erf) = vrcp.f32 v23  }
0x2a4: {  	v21 =	vadd.f32 $1.000000000e+00, v29;
	(erf) = vrcp.f32 v24;
	v22 =	vpop (erf)  }
0x2a5: {  	v23 =	vadd.f32 $1.000000000e+00, v28;
	(erf) = vrcp.f32 v25;
	v20 =	vpop (erf)  }
0x2a6: {  	v24 =	vadd.f32 $1.000000000e+00, v26;
	(erf) = vrcp.f32 v21  }
0x2a7: {  	v25 =	vadd.f32 $1.000000000e+00, v22;
	(erf) = vrcp.f32 v23  }
0x2a8: {  	v23 =	vadd.f32 $1.000000000e+00, v20;
	(erf) = vrcp.f32 v24;
	v22 =	vpop (erf)  }
0x2a9: {  	s14 =	sshra.s32 s13, $0x2;
	v1 =	vmul.f32 v12, v1;
	v24 =	vadd.f32 $1.000000000e+00, v22;
	(erf) = vrcp.f32 v25;
	v21 =	vpop (erf)  }
0x2aa: {  	v0 =	vmul.f32 v15, v0;
	v22 =	vld [tilespmem:s14+$0x13000];
	v15 =	vadd.f32 $1.000000000e+00, v21;
	(erf) = vrcp.f32 v23;
	v20 =	vpop (erf)  }
0x2ab: {  	v21 =	vld [tilespmem:s14+$0x13010];
	[tilespmem:s9+$0xFE00] =	vst v1;
	v1 =	vmul.f32 v14, v3;
	v3 =	vadd.f32 $1.000000000e+00, v20;
	(erf) = vrcp.f32 v24;
	v12 =	vpop (erf)  }
0x2ac: {  	v14 =	vld [tilespmem:s14+$0xFE00];
	[tilespmem:s9+$0xFE10] =	vst v0;
	v0 =	vmul.f32 v13, v2;
	v2 =	vadd.f32 $1.000000000e+00, v12;
	v12 =	vpop (erf);
	(erf) = vrcp.f32 v15  }
0x2ad: {  	v13 =	vld [tilespmem:s14+$0xFE10];
	[tilespmem:s9+$0xFE20] =	vst v1;
	v12 =	vmul.f32 v12, v5;
	v5 =	vpop (erf);
	(erf) = vrcp.f32 v3  }
0x2ae: {  	v3 =	vld [tilespmem:s14+$0x13020];
	[tilespmem:s9+$0xFE30] =	vst v0;
	v15 =	vmul.f32 v5, v4;
	v4 =	vpop (erf);
	(erf) = vrcp.f32 v2  }
0x2af: {  	v2 =	vld [tilespmem:s14+$0x13030];
	[tilespmem:s9+$0xFE40] =	vst v12;
	v4 =	vmul.f32 v4, v6;
	v1 =	vpop (erf)  }
0x2b0: {  	v5 =	vld [tilespmem:s14+$0xFE20];
	[tilespmem:s9+$0xFE50] =	vst v15;
	v6 =	vmul.f32 v1, v7;
	v0 =	vpop (erf)  }
0x2b1: {  	v1 =	vadd.f32 v22, v14;
	v7 =	vld [tilespmem:s14+$0xFE30];
	[tilespmem:s9+$0xFE60] =	vst v4;
	v4 =	vmul.f32 v0, v8;
	v8 =	vpop (erf)  }
0x2b2: {  	v0 =	vadd.f32 v21, v13;
	[tilespmem:s9+$0xFE70] =	vst v6;
	v6 =	vmul.f32 v8, v9;
	v8 =	vpop (erf)  }
0x2b3: {  	v9 =	vmul.f32 v1, v1;
	[tilespmem:s9+$0xFE80] =	vst v4;
	v4 =	vmul.f32 v8, v10;
	v8 =	vpop (erf)  }
0x2b4: {  	v10 =	vmul.f32 v0, v0;
	[tilespmem:s9+$0xFE90] =	vst v6;
	v11 =	vmul.f32 v8, v11;
	v8 =	vpop (erf)  }
0x2b5: {  	v9 =	vmul.f32 $7.135481390e-02, v9;
	v3 =	vadd.f32 v3, v5;
	[tilespmem:s9+$0xFEA0] =	vst v4;
	v4 =	vmul.f32 v8, v19;
	v5 =	vpop (erf)  }
0x2b6: {  	v8 =	vmul.f32 $7.135481390e-02, v10;
	v2 =	vadd.f32 v2, v7;
	[tilespmem:s9+$0xFEB0] =	vst v11;
	v5 =	vmul.f32 v5, v17;
	v6 =	vpop (erf)  }
0x2b7: {  	v7 =	vsub.f32 $-1.595769170e+00, v9;
	v9 =	vmul.f32 v3, v3;
	[tilespmem:s9+$0xFEC0] =	vst v4;
	v4 =	vmul.f32 v6, v18;
	v6 =	vpop (erf)  }
0x2b8: {  	v10 =	vmul.f32 v2, v2;
	[tilespmem:s9+$0xFED0] =	vst v5;
	v5 =	vmul.f32 v6, v16  }
0x2b9: {  	v6 =	vmul.f32 v7, v1;
	v7 =	vmul.f32 $7.135481390e-02, v9;
	[tilespmem:s9+$0xFEE0] =	vst v4  }
0x2ba: {  	v4 =	vsub.f32 $-1.595769170e+00, v8;
	v8 =	vmul.f32 $7.135481390e-02, v10;
	[tilespmem:s9+$0xFEF0] =	vst v5;
	s9 =	smov.u32 s14  }
0x2bb: {  	v5 =	vmul.f32 $1.442695020e+00, v6;
	v6 =	vsub.f32 $-1.595769170e+00, v7  }
0x2bc: {  	v4 =	vmul.f32 v4, v0;
	v7 =	vsub.f32 $-1.595769170e+00, v8  }
0x2bd: {  	v6 =	vmul.f32 v6, v3;
	(erf) = vpow2.f32 v5  }
0x2be: {  	v4 =	vmul.f32 $1.442695020e+00, v4;
	v5 =	vmul.f32 v7, v2  }
0x2bf: {  	v6 =	vmul.f32 $1.442695020e+00, v6  }
0x2c0: {  	v5 =	vmul.f32 $1.442695020e+00, v5;
	v7 =	vld [tilespmem:s9+$0x13040];
	(erf) = vpow2.f32 v4  }
0x2c1: {  	v4 =	vld [tilespmem:s9+$0x13050];
	(erf) = vpow2.f32 v6  }
0x2c2: {  	v6 =	vld [tilespmem:s9+$0xFE40];
	(erf) = vpow2.f32 v5  }
0x2c3: {  	v8 =	vld [tilespmem:s9+$0xFE50];
	_ =	sdelay $0x1  }
0x2c4: {  	v9 =	vld [tilespmem:s9+$0x13060]  }
0x2c5: {  	v10 =	vld [tilespmem:s9+$0xFE60];
	v11 =	vpop (erf)  }
0x2c6: {  	v5 =	vadd.f32 v7, v6;
	v7 =	vld [tilespmem:s9+$0x13070]  }
0x2c7: {  	v16 =	vadd.f32 $1.000000000e+00, v11;
	v4 =	vadd.f32 v4, v8;
	v8 =	vld [tilespmem:s9+$0x13080]  }
0x2c8: {  	v11 =	vmul.f32 v5, v5;
	v12 =	vld [tilespmem:s9+$0xFE70];
	v13 =	vpop (erf)  }
0x2c9: {  	v13 =	vadd.f32 $1.000000000e+00, v13;
	v14 =	vmul.f32 v4, v4;
	v15 =	vld [tilespmem:s9+$0xFE80];
	(erf) = vrcp.f32 v16;
	v6 =	vpop (erf)  }
0x2ca: {  	v16 =	vadd.f32 $1.000000000e+00, v6;
	v11 =	vmul.f32 $7.135481390e-02, v11;
	v6 =	vadd.f32 v9, v10;
	v9 =	vpop (erf)  }
0x2cb: {  	v9 =	vadd.f32 $1.000000000e+00, v9;
	v10 =	vmul.f32 $7.135481390e-02, v14;
	v14 =	vld [tilespmem:s9+$0x13090];
	(erf) = vrcp.f32 v13  }
0x2cc: {  	v11 =	vsub.f32 $-1.595769170e+00, v11;
	v13 =	vmul.f32 v6, v6;
	v17 =	vld [tilespmem:s9+$0xFE90];
	(erf) = vrcp.f32 v16  }
0x2cd: {  	v10 =	vsub.f32 $-1.595769170e+00, v10;
	v7 =	vadd.f32 v7, v12;
	(erf) = vrcp.f32 v9  }
0x2ce: {  	v9 =	vmul.f32 v11, v5;
	v11 =	vmul.f32 $7.135481390e-02, v13;
	v8 =	vadd.f32 v8, v15  }
0x2cf: {  	v10 =	vmul.f32 v10, v4;
	v22 =	vmul.f32 v7, v7;
	v13 =	vld [tilespmem:s9+$0x130A0]  }
0x2d0: {  	v15 =	vmul.f32 $1.442695020e+00, v9;
	v11 =	vsub.f32 $-1.595769170e+00, v11;
	v16 =	vmul.f32 v8, v8;
	v19 =	vld [tilespmem:s9+$0x130B0]  }
0x2d1: {  	v10 =	vmul.f32 $1.442695020e+00, v10;
	v18 =	vmul.f32 $7.135481390e-02, v22;
	v9 =	vadd.f32 v14, v17;
	v20 =	vld [tilespmem:s9+$0xFEA0]  }
0x2d2: {  	v11 =	vmul.f32 v11, v6;
	v25 =	vmul.f32 $7.135481390e-02, v16;
	v21 =	vld [tilespmem:s9+$0xFEB0];
	v12 =	vpop (erf)  }
0x2d3: {  	v18 =	vsub.f32 $-1.595769170e+00, v18;
	v22 =	vmul.f32 v9, v9;
	v16 =	vld [tilespmem:s9+$0x130C0];
	(erf) = vpow2.f32 v15  }
0x2d4: {  	v11 =	vmul.f32 $1.442695020e+00, v11;
	v23 =	vsub.f32 $-1.595769170e+00, v25;
	v17 =	vld [tilespmem:s9+$0x130D0];
	v15 =	vpop (erf);
	(erf) = vpow2.f32 v10  }
.Ltmp5:
0x2d5: {  	v24 =	vmul.f32 v18, v7;
	v22 =	vmul.f32 $7.135481390e-02, v22;
	v18 =	vld [tilespmem:s9+$0x130E0];
	v14 =	vpop (erf);
	(pc) =	sbr.rel @p1 .LBB2_9-.Ltmp5, $4  }
0x2d6: {  	v23 =	vmul.f32 v23, v8;
	v10 =	vadd.f32 v13, v20;
	v20 =	vld [tilespmem:s9+$0x130F0];
	v13 =	vpop (erf);
	(erf) = vpow2.f32 v11  }
0x2d7: {  	v24 =	vmul.f32 $1.442695020e+00, v24;
	v25 =	vsub.f32 $-1.595769170e+00, v22;
	v11 =	vadd.f32 v19, v21;
	v19 =	vld [tilespmem:s9+$0xFEC0]  }
0x2d8: {  	v23 =	vmul.f32 $1.442695020e+00, v23;
	v27 =	vmul.f32 v10, v10;
	v22 =	vld [tilespmem:s9+$0xFED0]  }
0x2d9: {  	s13 =	sadd.s32 $0x400, s13;
	v25 =	vmul.f32 v25, v9;
	v26 =	vmul.f32 v11, v11;
	v21 =	vld [tilespmem:s9+$0xFEE0]  }
0x2da: {  	v27 =	vmul.f32 $7.135481390e-02, v27;
	v28 =	vld [tilespmem:s9+$0xFEF0];
	(erf) = vpow2.f32 v24  }
0x2db: {  	v49 =	vmul.f32 $1.442695020e+00, v25;
	v50 =	vmul.f32 $7.135481390e-02, v26  }
0x2dc: {  	(erf) = vpow2.f32 v23;
	v51 =	vsub.f32 $-1.595769170e+00, v27;
	v16 =	vadd.f32 v16, v19  }
0x2dd: {  	v52 =	vsub.f32 $-1.595769170e+00, v50;
	v17 =	vadd.f32 v17, v22;
	(erf) = vpow2.f32 v49  }
0x2de: {  	v53 =	vmul.f32 v51, v10;
	v54 =	vmul.f32 v16, v16;
	v18 =	vadd.f32 v18, v21  }
0x2df: {  	v19 =	vmul.f32 v52, v11;
	v55 =	vmul.f32 v17, v17;
	v20 =	vadd.f32 v20, v28  }
0x2e0: {  	v23 =	vmul.f32 $7.135481390e-02, v54;
	v56 =	vmul.f32 v18, v18  }
0x2e1: {  	v21 =	vmul.f32 $7.135481390e-02, v55;
	v57 =	vmul.f32 v20, v20  }
0x2e2: {  	v22 =	vmul.f32 $1.442695020e+00, v53;
	v23 =	vsub.f32 $-1.595769170e+00, v23;
	v24 =	vmul.f32 $7.135481390e-02, v56  }
0x2e3: {  	v19 =	vmul.f32 $1.442695020e+00, v19;
	v21 =	vsub.f32 $-1.595769170e+00, v21;
	v25 =	vmul.f32 $7.135481390e-02, v57  }
0x2e4: {  	(erf) = vpow2.f32 v22;
	v23 =	vmul.f32 v23, v16;
	v24 =	vsub.f32 $-1.595769170e+00, v24  }
0x2e5: {  	(erf) = vpow2.f32 v19;
	v21 =	vmul.f32 v21, v17;
	v58 =	vsub.f32 $-1.595769170e+00, v25  }
0x2e6: {  	v59 =	vmul.f32 $1.442695020e+00, v23;
	v60 =	vmul.f32 v24, v18  }
0x2e7: {  	v21 =	vmul.f32 $1.442695020e+00, v21;
	v22 =	vmul.f32 v58, v20  }
0x2e8: {  	v23 =	vmul.f32 $1.442695020e+00, v60;
	(erf) = vpow2.f32 v59  }
0x2e9: {  	v61 =	vpop (erf);
	v22 =	vmul.f32 $1.442695020e+00, v22;
	(erf) = vpow2.f32 v21  }
0x2ea: {  	v62 =	vpop (erf);
	v19 =	vadd.f32 $1.000000000e+00, v61;
	(erf) = vpow2.f32 v23  }
0x2eb: {  	v63 =	vpop (erf);
	v21 =	vadd.f32 $1.000000000e+00, v62;
	(erf) = vpow2.f32 v22  }
0x2ec: {  	v24 =	vpop (erf);
	v23 =	vadd.f32 $1.000000000e+00, v63;
	(erf) = vrcp.f32 v19  }
0x2ed: {  	v25 =	vpop (erf);
	v22 =	vadd.f32 $1.000000000e+00, v24;
	(erf) = vrcp.f32 v21  }
0x2ee: {  	v26 =	vpop (erf);
	v19 =	vadd.f32 $1.000000000e+00, v25;
	(erf) = vrcp.f32 v23  }
0x2ef: {  	v27 =	vpop (erf);
	v21 =	vadd.f32 $1.000000000e+00, v26;
	(erf) = vrcp.f32 v22  }
0x2f0: {  	v28 =	vpop (erf);
	v23 =	vadd.f32 $1.000000000e+00, v27;
	(erf) = vrcp.f32 v19  }
0x2f1: {  	v29 =	vadd.f32 $1.000000000e+00, v28;
	(erf) = vrcp.f32 v21;
	v30 =	vpop (erf)  }
0x2f2: {  	v1 =	vmul.f32 v12, v1;
	v31 =	vadd.f32 $1.000000000e+00, v30;
	(erf) = vrcp.f32 v23;
	v32 =	vpop (erf)  }
0x2f3: {  	v0 =	vmul.f32 v15, v0;
	v33 =	vadd.f32 $1.000000000e+00, v32;
	(erf) = vrcp.f32 v29;
	v34 =	vpop (erf)  }
0x2f4: {  	v35 =	vmul.f32 v14, v3;
	[tilespmem:s9+$0xFE00] =	vst v1;
	v36 =	vadd.f32 $1.000000000e+00, v34;
	(erf) = vrcp.f32 v31;
	v37 =	vpop (erf)  }
0x2f5: {  	v38 =	vmul.f32 v13, v2;
	[tilespmem:s9+$0xFE10] =	vst v0;
	v39 =	vadd.f32 $1.000000000e+00, v37;
	v40 =	vpop (erf);
	(erf) = vrcp.f32 v33  }
0x2f6: {  	[tilespmem:s9+$0xFE20] =	vst v35;
	v41 =	vmul.f32 v40, v5;
	v42 =	vpop (erf);
	(erf) = vrcp.f32 v36  }
0x2f7: {  	[tilespmem:s9+$0xFE30] =	vst v38;
	v43 =	vmul.f32 v42, v4;
	v44 =	vpop (erf);
	(erf) = vrcp.f32 v39  }
0x2f8: {  	[tilespmem:s9+$0xFE40] =	vst v41;
	v45 =	vmul.f32 v44, v6;
	v46 =	vpop (erf)  }
0x2f9: {  	[tilespmem:s9+$0xFE50] =	vst v43;
	v47 =	vmul.f32 v46, v7;
	v48 =	vpop (erf)  }
0x2fa: {  	[tilespmem:s9+$0xFE60] =	vst v45;
	v49 =	vmul.f32 v48, v8;
	v50 =	vpop (erf)  }
0x2fb: {  	[tilespmem:s9+$0xFE70] =	vst v47;
	v51 =	vmul.f32 v50, v9;
	v52 =	vpop (erf)  }
0x2fc: {  	[tilespmem:s9+$0xFE80] =	vst v49;
	v53 =	vmul.f32 v52, v10;
	v54 =	vpop (erf)  }
0x2fd: {  	[tilespmem:s9+$0xFE90] =	vst v51;
	v55 =	vmul.f32 v54, v11;
	v56 =	vpop (erf)  }
0x2fe: {  	[tilespmem:s9+$0xFEA0] =	vst v53;
	v57 =	vmul.f32 v56, v16;
	v58 =	vpop (erf)  }
0x2ff: {  	[tilespmem:s9+$0xFEB0] =	vst v55;
	v59 =	vmul.f32 v58, v17;
	v60 =	vpop (erf)  }
.Ltmp6:
0x300: {  	s0 =	sadd.s32 s7, s0;
	[tilespmem:s9+$0xFEC0] =	vst v57;
	v61 =	vmul.f32 v60, v18;
	v62 =	vpop (erf);
	(pc) =	sbr.rel @p0 .LBB2_12-.Ltmp6, $4  }
0x301: {  	s0 =	smul.u32 $0x640, s0;
	[tilespmem:s9+$0xFED0] =	vst v59;
	v63 =	vmul.f32 v62, v20  }
0x302: {  	[tilespmem:s9+$0xFEE0] =	vst v61  }
0x303: {  	s0 =	sadd.s32 s2, s0;
	[tilespmem:s9+$0xFEF0] =	vst v63  }
0x304: {  	[hbm4b:s0+s3] =	stream.linear.scatter [tilespmem:s19], [sflag:$0x8], $0x3200, $0x38;
	[tilespmem:$0x16200] =	vst v63  }
0x305: {  	s0 =	smul.u32 $0xD00, s1  }
0x306: {  	_ =	swait.ge [sflag:s28], $0x3200  }
.Ltmp7:
0x307: {  	[sflag:s28] =	ssyncset.done $0x0;
	s0 =	sshra.s32 s0, $0x2;
	(pc) =	sbr.rel .LBB2_2-.Ltmp7, $4  }
0x308: {  	[sflag:s28] =	ssyncadd.s32 $0xFFFFCE00;
	s5 =	sadd.s32 $0x410, s0  }
0x309: {  	[tilespmem:s16], [sflag:$0x2] =	stream.indirect.gather [hbm4b:s4+s11], $0x40, s5, s11, $0xb8;
	[tilespmem:$0x16200] =	vst v63  }
0x30a: {  	s1 =	sadd.s32 $0x1, s1;
	s0 =	sadd.s32 $0x478, s0  }
0x30b: {  	[tilespmem:s18], [sflag:$0x2] =	stream.indirect.gather [hbm4b:s4+s11], $0x40, s0, s11, $0xb8;
	[tilespmem:$0x16200] =	vst v63  }
.LBB2_13:
0x30c: {  	_ =	sfence.sel $0x180000  }
0x30d: {  	[bflag:$0x0] =	sbarrier.arrive $0xFFFF  }
0x30e: {  	_ =	strace $0x90000047  }
0x30f: {  	s0 =	stileid.u32;
	[bflag:$0x2] =	sbarrier.arrive $0xFFFF  }
0x310: {  	p0 =	sne.s32 s0, $0x0;
	s0 =	rddreg [dreg:$0x2]  }
0x311: {  	s0 =	sadd.s32 @!p0 $0x100000, s0  }
0x312: {  	[sflag:s0] =	ssyncadd.tile.s32 @!p0 $0x1;
	_ =	shalt  }
.Lfunc_end2:
_tile_overlayer_lowered:
.L_overlay_start_2:
0x313: {  	(tag) =	ssettag $0x2  }
0x314: {  	s0 =	rddreg [dreg:$0x0];
	s2 =	stileid.u32  }
0x315: {  	s1 =	rddreg [dreg:$0x1];
	p0 =	sne.s32 s2, $0x0  }
0x316: {  	s3 =	rddreg [dreg:$0x2];
	[bflag:$0x3] =	sbarrier.arrive $0xFFFF;
	s2 =	simm.s32 @!p0 $0x1C09  }
0x317: {  	[timem:s3], [sflag:s2] =	dma.local @!p0 [hbm:s0], s1  }
0x318: {  	s0 =	simm.s32 @!p0 $0x9  }
0x319: {  	_ =	swait.ge @!p0 [sflag:s0], s1  }
0x31a: {  	s1 =	ssub.s32 @!p0 $0x0, s1;
	[sflag:s0] =	ssyncset.done @!p0 $0x0  }
0x31b: {  	[sflag:s0] =	ssyncadd.s32 @!p0 s1  }
0x31c: {  	[bflag:$0x3] =	sbarrier.arrive $0xFFFF  }
0x31d: {  	_ =	shalt  }

// kernel: sparse-core-data-format-call.cloned.1.call-start
scs
called_computation_lowered:
.L_overlay_start_0:
0x0: {  	s2 =	sld [smem:$0x3FD9]  }
0x1: {  	s3 =	sld [smem:$0x3FFE];
	_ =	sdelay $0x1  }
0x2: {  	s1 =	srdreg.scid  }
0x3: {  	s0 =	sand.u32 $0x1, s1  }
0x4: {  	s18 =	sshll.u32 s0, $0xA;
	s2 =	sadd.s32 s3, s2  }
0x5: {  	s2 =	sadd.s32 s2, s18  }
0x6: {  	[smem:$0x3FC5] =	sst s2  }
0x7: {  	_ = 	snop  }
0x8: {  	s2 =	sld [smem:$0x3FD0];
	(tm) =	ssettm $0x1  }
0x9: {  	s19 =	sld [smem:$0x3FFB];
	_ =	sdelay $0x3  }
0xa: {  	_ =	strace s19  }
0xb: {  	s3 =	sld [smem:$0x3FFC];
	_ =	sdelay $0x3  }
0xc: {  	_ =	strace s3  }
0xd: {  	s3 =	sld [smem:$0x3FFD];
	_ =	sdelay $0x3  }
0xe: {  	_ =	strace s3  }
0xf: {  	_ =	strace $0x8FFFFFFF  }
0x10: {  	s20 =	sld [smem:$0x3FDB];
	_ =	sdelay $0x1  }
0x11: {  	s4 =	simm.s32 $_scs_section_size  }
0x12: {  	s5 =	simm.s32 $_size__tile_overlayer_lowered;
	s6 =	simm.s32 $_tile_overlayer_lowered  }
0x13: {  	s23 =	simm.s32 $0x1BFF;
	s22 =	sshll.u32 s6, $0x1;
	s3 =	sadd.s32 s4, s20  }
0x14: {  	s7 =	simm.s32 $0x0;
	s21 =	sshll.u32 s5, $0x1;
	s5 =	sadd.s32 s22, s3  }
0x15: {  	[timem:s7], [sflag:s23] =	dma.local [hbm:s5], s21  }
0x16: {  	_ =	swait.ge [sflag:s23], s21  }
0x17: {  	s4 =	ssub.s32 $0x0, s21;
	[sflag:s23] =	ssyncset.done $0x0  }
0x18: {  	[sflag:s23] =	ssyncadd.s32 s4;
	_ =	sdelay $0x1  }
0x19: {  	s24 =	simm.s32 $0x1B8B  }
0x1a: {  	_ =	swait.ge [sflag:s24], $0x1  }
0x1b: {  	[sflag:s24] =	ssyncset.done $0x0  }
0x1c: {  	s26 =	simm.s32 $0x1B8E;
	s25 =	sld [smem:$0x3FFE];
	[sflag:s24] =	ssyncadd.s32 $0xFFFFFFFF  }
0x1d: {  	s27 =	simm.s32 $execute0_lowered;
	[smem:$0x3FD2] =	sst s26  }
0x1e: {  	s5 =	sshll.u32 s27, $0x1;
	_ =	strace $0x80000049;
	[dreg:$0x1] =	wrdreg $0xFFFFFFFF  }
0x1f: {  	s28 =	simm.s32 $_size_execute0_lowered;
	s3 =	sadd.s32 s3, s5;
	[dreg:$0x0] =	wrdreg $0x0  }
0x20: {  	s5 =	sshll.u32 s28, $0x1;
	[dreg:$0x2] =	wrdreg s3  }
0x21: {  	[dreg:$0x3] =	wrdreg s5  }
0x22: {  	[dreg:$0x4] =	wrdreg $0xC0  }
0x23: {  	_ =	task [dreg:s7], $0x5FFFF  }
0x24: {  	[dreg:$0x1] =	wrdreg $0xFFFFFFFF  }
0x25: {  	[dreg:$0x0] =	wrdreg $0x60  }
0x26: {  	[dreg:$0x2] =	wrdreg s25  }
0x27: {  	[dreg:$0x3] =	wrdreg s2  }
0x28: {  	[dreg:$0x4] =	wrdreg $0x9  }
0x29: {  	_ =	task.clear_ibuf [dreg:s7], $0x5FFFF;
	_ =	strace $0x90000049  }
0x2a: {  	s29 =	simm.s32 $0x9;
	_ =	strace $0x8000004B  }
0x2b: {  	_ =	swait.ge [sflag:s29], $0x1  }
0x2c: {  	[sflag:s29] =	ssyncadd.s32 $0xFFFFFFFF  }
0x2d: {  	_ =	strace $0x9000004B  }
0x2e: {  	_ =	sfence  }
0x2f: {  	s30 =	sld [smem:$0x0];
	_ =	sdelay $0x2  }
0x30: {  	s31 =	sshll.u32 s1, $0xD;
	s1 =	sshrl.u32 s1, $0x2  }
0x31: {  	s3 =	sand.u32 $0x4000, s31;
	s1 =	sadd.s32 s1, s30  }
0x32: {  	s0 =	sor.u32 s3, s0;
	s1 =	sshll.u32 s1, $0x11  }
0x33: {  	s0 =	sor.u32 s1, s0  }
0x34: {  	s0 =	sadd.s32 $0x8F2B, s0  }
0x35: {  	[sflag:s0] =	ssyncadd.remote.s32 $0x1  }
0x36: {  	_ =	sfence.sel $0xFFFF  }
0x37: {  	[dreg:$0x0] =	wrdreg $0xFFFFFFFF;
	(pc) =	sbr.abs _section_cstart, $3  }
0x38: {  	[dreg:$0x1] =	wrdreg $0xFFFFFFFF  }
0x39: {  	_ =	task.clear_ibuf [dreg:s7], $0x2FFFF;
	_ =	strace $0x9FFFFFFF  }
0x3a: {  	(tm) =	ssettm $0x7FFFFFFF  }
0x3b: {  	_ =	shalt  }
tec
execute0_lowered:
.L_overlay_start_1:
0x0: {  	(tag) =	ssettag $0x1  }
0x1: {  	s0 =	srdreg.scid  }
0x2: {  	s1 =	sshll.u32 s0, $0x4  }
0x3: {  	s0 =	stileid.u32;
	s1 =	sand.u32 $0x10, s1  }
0x4: {  	s1 =	sor.u32 s0, s1  }
0x5: {  	s6 =	rddreg [dreg:$0x0];
	s4 =	simm.s32 $0x1;
	s2 =	sshll.u32 s1, $0x7  }
0x6: {  	s7 =	simm.s32 $0x2;
	s12 =	simm.s32 $0x0;
	s1 =	ssub.s32 $0x1000, s2  }
0x7: {  	s8 =	simm.s32 $0x8000;
	s13 =	simm.s32 $0x0;
	s3 =	sand.u32 $0xF80, s1  }
0x8: {  	s9 =	simm.s32 $0x0;
	s5 =	sshrl.u32 s1, $0xC;
	p0 =	sne.s32 s3, $0x0  }
.Ltmp0:
0x9: {  	s1 =	rddreg [dreg:$0x2];
	s4 =	simm.s32 @!p0 $0x0;
	(pc) =	sbr.rel .LBB1_1-.Ltmp0, $4  }
0xa: {  	s11 =	simm.s32 $0x0;
	s3 =	rddreg [dreg:$0x1];
	s5 =	sadd.s32 s4, s5  }
0xb: {  	_ =	strace $0x8000004A;
	s4 =	simm.s32 $0x1;
	s5 =	smul.u32 $0xC8, s5  }
0xc: {  	s6 =	sadd.s32 $0xC00, s6;
	s10 =	smov.u32 s2;
	[sflag:s4] =	ssyncpa.u1 $0x0  }
0xd: {  	p0 =	por $0x0, $0x0;
	[sflag:s7] =	ssyncpa.u1 $0x0;
	s7 =	sor.u32 $0x1, s5  }
.LBB1_4:
0xe: {  	s16 =	sshll.u32 s13, $0x3;
	s17 =	sand.u32 $0x78, s13  }
0xf: {  	s30 =	sand.u32 $0x7E00, s13;
	s12 =	sshll.u32 s12, $0xF;
	s16 =	sand.u32 $0xC00, s16  }
0x10: {  	[tilespmem:s15+$0x810 ss:$0x81] =	vst.msk $0xffff, v2;
	s31 =	sand.u32 $0x7, s13;
	s16 =	sor.u32 s17, s16;
	s17 =	sadd.s32 s3, s30  }
0x11: {  	[tilespmem:s15+$0x1020 ss:$0x81] =	vst.msk $0xffff, v0;
	s13 =	sshll.u32 s31, $0x12;
	s12 =	sadd.s32 s12, s17;
	s16 =	sshrl.u32 s16, $0x3  }
0x12: {  	[tilespmem:s15+$0x0 ss:$0x81] =	vst.msk $0xffff, v1;
	s13 =	sor.u32 $0x400, s13;
	s12 =	sadd.s32 s16, s12  }
0x13: {  	[hbm4b:s12+s13] =	stream.strided.scatter [tilespmem:s14], [sflag:$0x2], $0x2000, s8, s13, $0x20;
	[tilespmem:$0x8080] =	vst v63  }
.LBB1_5:
0x14: {  	s14 =	sadd.s32 $0x1, s9  }
0x15: {  	s12 =	sadd.s32 $0x1000, s10;
	s16 =	smov.u32 s10;
	p2 =	sgt.s32 s14, $0xC7  }
0x16: {  	s16 =	smov.u32 @p2 s12  }
0x17: {  	s14 =	simm.s32 @p2 $0x0;
	p2 =	sgt.s32 s16, $0xFFF  }
0x18: {  	s16 =	smov.u32 @p2 s2;
	p2 =	sne.s32 s11, s7  }
.Ltmp1:
0x19: {  	p1 =	slt.u32 s11, $0x2;
	(pc) =	sbr.rel @!p2 .LBB1_6-.Ltmp1, $4  }
0x1a: {  	s15 =	simm.s32 @!p1 $0x2  }
0x1b: {  	s13 =	smov.u32 s10;
	p0 =	por !p0, !p0;
	_ =	swait.ge @!p1 [sflag:s15], $0x2000  }
0x1c: {  	s12 =	smov.u32 s9;
	[sflag:s15] =	ssyncset.done @!p1 $0x0;
	s9 =	smov.u32 s14  }
0x1d: {  	s11 =	sadd.s32 $0x1, s11;
	[sflag:s15] =	ssyncadd.s32 @!p1 $0xFFFFE000;
	s10 =	smov.u32 s16  }
.LBB1_1:
0x1e: {  	p1 =	sge.u32 s11, s5  }
0x1f: {  	s14 =	sand.u32 @!p1 $0x1FFFFFF, s9  }
0x20: {  	s15 =	smulhi.u32 @!p1 $0x147AE15, s14;
	_ =	sdelay $0x1  }
0x21: {  	s15 =	smul.u32 @!p1 $0xC8, s15  }
0x22: {  	s16 =	sxor.u32 @!p1 $0xFFFFFFFF, s11;
	s17 =	smul.u32 @!p1 $0xC80, s10  }
0x23: {  	s31 =	sadd.s32 $0xFFFFFFFF, s11;
	s16 =	sshll.u32 @!p1 s16, $0xD;
	s14 =	ssub.s32 @!p1 s14, s15  }
0x24: {  	s15 =	sand.u32 @!p1 $0x2000, s16;
	s16 =	sadd.s32 @!p1 s6, s17;
	s14 =	sshll.u32 @!p1 s14, $0x4  }
0x25: {  	s17 =	simm.s32 @!p1 $0x6400;
	s14 =	sadd.s32 @!p1 s14, s16;
	s16 =	simm.s32 @!p1 $0x40  }
0x26: {  	[tilespmem:s15], [sflag:$0x1] =	stream.strided.gather @!p1 [hbm4b:s14+s16], $0x2000, s17, s16, $0x38;
	[tilespmem:$0x8080] =	vst v63  }
0x27: {  	p1 =	sge.u32 s31, s5  }
.Ltmp2:
0x28: {  	_ = 	snop;
	(pc) =	sbr.rel @p1 .LBB1_5-.Ltmp2, $1  }
0x29: {  	_ =	sdelay $0x3  }
0x2a: {  	s14 =	simm.s32 $0x1  }
0x2b: {  	_ =	swait.ge [sflag:s4], $0x2000;
	s14 =	simm.s32 @!p0 $0x0  }
0x2c: {  	[sflag:s4] =	ssyncset.done $0x0;
	s15 =	sshll.u32 s14, $0xD  }
0x2d: {  	[sflag:s4] =	ssyncadd.s32 $0xFFFFE000;
	s18 =	sor.u32 $0x20, s15  }
0x2e: {  	s14 =	smul.u32 $0x8100, s14;
	v3 =	vld [tilespmem:s18+$0x10]  }
0x2f: {  	s30 =	sand.u32 $0x1, s11;
	v2 =	vld [tilespmem:s18+$0xFFFFFFF0]  }
0x30: {  	s15 =	smul.u32 $0x8100, s30;
	s14 =	sshrl.u32 s14, $0x2;
	v0 =	vld [tilespmem:s18+$0x0]  }
0x31: {  	v1 =	vld [tilespmem:s18+$0xFFFFFFE0];
	s16 =	sor.u32 $0x4000, s14  }
0x32: {  	s31 =	sshrl.u32 s15, $0x2;
	s15 =	sadd.s32 $0x0, s16  }
0x33: {  	s17 =	simm.s32 $0x4;
	s18 =	sadd.s32 $0x40, s18;
	s14 =	sor.u32 $0x4000, s31;
	[tilespmem:s15+$0x1830 ss:$0x81] =	vst.msk $0xffff, v3  }
.LBB1_3:
0x34: {  	v3 =	vld [tilespmem:s18+$0x10];
	p1 =	sne.s32 s17, $0x1FC;
	[tilespmem:s15+$0x810 ss:$0x81] =	vst.msk $0xffff, v2;
	s19 =	smov.u32 s17;
	s17 =	sadd.s32 $0x4, s17  }
.Ltmp3:
0x35: {  	v2 =	vld [tilespmem:s18+$0xFFFFFFF0];
	[tilespmem:s15+$0x1020 ss:$0x81] =	vst.msk $0xffff, v0;
	(pc) =	sbr.rel @p1 .LBB1_3-.Ltmp3, $4  }
0x36: {  	v0 =	vld [tilespmem:s18+$0x0];
	[tilespmem:s15+$0x0 ss:$0x81] =	vst.msk $0xffff, v1  }
0x37: {  	s15 =	sshra.s32 s19, $0x2;
	v1 =	vld [tilespmem:s18+$0xFFFFFFE0]  }
0x38: {  	s15 =	sadd.s32 s15, s16  }
0x39: {  	s18 =	sadd.s32 $0x40, s18;
	[tilespmem:s15+$0x1830 ss:$0x81] =	vst.msk $0xffff, v3  }
.Ltmp4:
0x3a: {  	_ = 	snop;
	(pc) =	sbr.rel .LBB1_4-.Ltmp4, $1  }
0x3b: {  	_ =	sdelay $0x3  }
.LBB1_6:
0x3c: {  	_ =	sfence.sel $0x180000  }
0x3d: {  	s2 =	simm.s32 $0x1;
	[bflag:$0x0] =	sbarrier.arrive $0xFFFF  }
0x3e: {  	s31 =	simm.s32 $0x2;
	[sflag:s2] =	ssyncpa.u1 $0x1  }
0x3f: {  	[sflag:s31] =	ssyncpa.u1 $0x1  }
0x40: {  	p0 =	sne.s32 s0, $0x0;
	_ =	strace $0x9000004A  }
0x41: {  	s0 =	sadd.s32 @!p0 $0x100000, s1;
	[bflag:$0x2] =	sbarrier.arrive $0xFFFF  }
0x42: {  	[sflag:s0] =	ssyncadd.tile.s32 @!p0 $0x1;
	_ =	shalt  }
.Lfunc_end1:
_tile_overlayer_lowered:
.L_overlay_start_2:
0x43: {  	(tag) =	ssettag $0x2  }
0x44: {  	s0 =	rddreg [dreg:$0x0];
	s2 =	stileid.u32  }
0x45: {  	s1 =	rddreg [dreg:$0x1];
	p0 =	sne.s32 s2, $0x0  }
0x46: {  	s3 =	rddreg [dreg:$0x2];
	[bflag:$0x3] =	sbarrier.arrive $0xFFFF;
	s2 =	simm.s32 @!p0 $0x1C01  }
0x47: {  	[timem:s3], [sflag:s2] =	dma.local @!p0 [hbm:s0], s1  }
0x48: {  	s0 =	simm.s32 @!p0 $0x1  }
0x49: {  	_ =	swait.ge @!p0 [sflag:s0], s1  }
0x4a: {  	s1 =	ssub.s32 @!p0 $0x0, s1;
	[sflag:s0] =	ssyncset.done @!p0 $0x0  }
0x4b: {  	[sflag:s0] =	ssyncadd.s32 @!p0 s1  }
0x4c: {  	[bflag:$0x3] =	sbarrier.arrive $0xFFFF  }
0x4d: {  	_ =	shalt  }

</sc_bundles>
